<compile_context>
chip_gen: v7x
topology: tpu7x:2x2x1
jax: 0.10.2.dev20260603
libtpu: 0.0.44.dev20260713+nightly
codegen_flags: <defaults>
</compile_context>

<pallas_src>
import functools

import jax
import jax.numpy as jnp
from jax import lax
from jax.experimental import pallas as pl
from jax.experimental.pallas import tpu as pltpu
from jax.experimental.pallas import tpu_sc as plsc

_K = 18
_NB = 1 << _K
_HIST = 4 * _NB
_N = 16 * 512 * 512
_NC, _NS = 2, 16
_NW = _NC * _NS
_CHUNK = _N // _NW
_W = 8192
_NWIN = _CHUNK // _W
_VPW = _W // 16
_ROWS = _W // 128
_FIRE = 16
_ZCHUNK = 4096
_TSLICE = _HIST // _NS


def _sc_hist_kernel(x_hbm, t_hbm, hist_hbm, max_hbm,
                    xv, tv, cidx, sidx, val, ones, zbuf, mbuf, hist_sh, sem):
    c = lax.axis_index("c")
    s = lax.axis_index("s")
    wid = c * _NS + s

    def _fill(i, _):
        ones[pl.ds(i * 16, 16)] = jnp.full((16,), 1.0, jnp.float32)
        return 0
    lax.fori_loop(0, 8, _fill, 0)

    def _zfill(i, _):
        zbuf[pl.ds(i * 16, 16)] = jnp.zeros((16,), jnp.float32)
        return 0
    lax.fori_loop(0, _ZCHUNK // 16, _zfill, 0)

    def _zcopy(j, _):
        pltpu.sync_copy(zbuf, hist_sh.at[pl.ds(s * _TSLICE + j * _ZCHUNK,
                                               _ZCHUNK)])
        return 0
    lax.fori_loop(0, _TSLICE // _ZCHUNK, _zcopy, 0)
    plsc.subcore_barrier()

    def _window(w, maxe):
        base = wid * _CHUNK + w * _W
        pltpu.sync_copy(x_hbm.at[pl.ds(base, _W)], xv)
        pltpu.sync_copy(t_hbm.at[pl.ds(base, _W)], tv)

        def _vreg(v, mx):
            row = v // 8
            col = (v % 8) * 16
            x = xv[pl.ds(v * 16, 16)]
            t = tv[pl.ds(v * 16, 16)]
            e = jnp.abs(x - t.astype(jnp.float32))
            b = lax.bitcast_convert_type(e, jnp.int32)
            bucket = lax.shift_right_logical(b, 31 - _K)
            ci = t * _NB + bucket
            cidx[row, pl.ds(col, 16)] = ci
            sidx[row, pl.ds(col, 16)] = ci + 2 * _NB
            val[row, pl.ds(col, 16)] = e
            return jnp.maximum(mx, e)

        maxe = lax.fori_loop(0, _VPW, _vreg, maxe)

        for g in range(_ROWS // _FIRE):
            handles = []
            for k in range(_FIRE):
                j = g * _FIRE + k
                handles.append(pltpu.async_copy(
                    ones, hist_sh.at[cidx.at[j]], sem, add=True))
                handles.append(pltpu.async_copy(
                    val.at[j], hist_sh.at[sidx.at[j]], sem, add=True))
            for h in handles:
                h.wait()
        return maxe

    maxe = lax.fori_loop(0, _NWIN, _window, jnp.zeros((16,), jnp.float32))
    mbuf[...] = maxe
    pltpu.sync_copy(mbuf, max_hbm.at[wid])

    plsc.subcore_barrier()
    pltpu.sync_copy(hist_sh.at[pl.ds(s * _TSLICE, _TSLICE)],
                    hist_hbm.at[c, pl.ds(s * _TSLICE, _TSLICE)])


_NG = 16


def _block_suffix(x, g128, g128t):
    within = jax.lax.dot_general(x, g128, (((1,), (0,)), ((), ())),
                                 preferred_element_type=jnp.float32)
    rows = jnp.sum(x, axis=1, keepdims=True)
    tail_i = jax.lax.dot_general(g128t, rows, (((1,), (0,)), ((), ())),
                                 preferred_element_type=jnp.float32)
    return within + tail_i, jnp.sum(rows)


def _tc_reduce_kernel(hist_ref, max_ref, out_ref):
    h = hist_ref[...]
    cn = h[0, 0] + h[1, 0]
    cp = h[0, 1] + h[1, 1]
    sn = h[0, 2] + h[1, 2]
    sp = h[0, 3] + h[1, 3]
    t_total = jnp.sum(cp)

    r128 = lax.broadcasted_iota(jnp.int32, (128, 128), 0)
    c128 = lax.broadcasted_iota(jnp.int32, (128, 128), 1)
    g128 = (r128 > c128).astype(jnp.float32)
    g128t = (r128 < c128).astype(jnp.float32)

    na_blocks, pa_blocks, cn_tot, cp_tot = [], [], [], []
    for g in range(_NG):
        sl = slice(g * 128, (g + 1) * 128)
        na_b, cn_t = _block_suffix(cn[sl], g128, g128t)
        pa_b, cp_t = _block_suffix(cp[sl], g128, g128t)
        na_blocks.append(na_b)
        pa_blocks.append(pa_b)
        cn_tot.append(cn_t)
        cp_tot.append(cp_t)

    total = jnp.float32(0.0)
    cn_tail = jnp.float32(0.0)
    cp_tail = jnp.float32(0.0)
    for g in range(_NG - 1, -1, -1):
        sl = slice(g * 128, (g + 1) * 128)
        na = na_blocks[g] + cn_tail
        pa = pa_blocks[g] + cp_tail
        dn = t_total + na
        contrib = (sp[sl] / dn
                   + sn[sl] * (t_total - pa - cp[sl]) / (dn * (dn + cn[sl])))
        total = total + jnp.sum(contrib)
        cn_tail = cn_tail + cn_tot[g]
        cp_tail = cp_tail + cp_tot[g]

    emax = jnp.max(max_ref[...])
    res = jnp.where(t_total > 0, total, emax)
    out_ref[...] = jnp.broadcast_to(res, (1, 1))


def kernel(inputs, targets):
    if inputs.ndim == 4 and inputs.shape[1] == 1:
        inputs = jnp.squeeze(inputs, axis=1)
    x_flat = inputs.reshape(-1)
    t_flat = targets.reshape(-1)

    mesh = plsc.VectorSubcoreMesh(core_axis_name="c", subcore_axis_name="s")
    sc = functools.partial(
        pl.kernel,
        mesh=mesh,
        out_type=(
            jax.ShapeDtypeStruct((_NC, _HIST), jnp.float32),
            jax.ShapeDtypeStruct((_NW, 16), jnp.float32),
        ),
        scratch_types=[
            pltpu.VMEM((_W,), jnp.float32),
            pltpu.VMEM((_W,), jnp.int32),
            pltpu.VMEM((_ROWS, 128), jnp.int32),
            pltpu.VMEM((_ROWS, 128), jnp.int32),
            pltpu.VMEM((_ROWS, 128), jnp.float32),
            pltpu.VMEM((128,), jnp.float32),
            pltpu.VMEM((_ZCHUNK,), jnp.float32),
            pltpu.VMEM((16,), jnp.float32),
            pltpu.VMEM_SHARED((_HIST,), jnp.float32),
            pltpu.SemaphoreType.DMA,
        ],
    )(_sc_hist_kernel)
    hist, maxes = sc(x_flat, t_flat)

    hist4 = hist.reshape(_NC, 4, 2048, 128)
    out = pl.pallas_call(
        _tc_reduce_kernel,
        out_shape=jax.ShapeDtypeStruct((1, 1), jnp.float32),
    )(hist4, maxes)
    return out[0, 0]

# --- scband reference (transcript-rebuilt; emitter-appended) ---
"""Pipeline reference for scband-lovasz-sigmoid-loss-2954937499799 (READ-ONLY COPY).

The authoritative reference and input builder live on the scoring server;
editing this copy changes nothing except your own understanding.
"""

import jax, jax.numpy as jnp
import numpy as np


def setup_inputs(seed: int = 0) -> dict:
    key = jax.random.key(seed)
    k1, k2 = jax.random.split(key)
    inputs = jax.random.normal(k1, (16, 1, 512, 512), dtype=jnp.float32)
    targets = jax.random.randint(k2, (16, 512, 512), 0, 2, dtype=jnp.int32)
    return {"inputs": inputs, "targets": targets}


def _lovasz_grad(gt_sorted):
    # gt_sorted: float32 [P], sorted by descending error
    gts = gt_sorted.sum()
    intersection = gts - jnp.cumsum(gt_sorted)
    union = gts + jnp.cumsum(1.0 - gt_sorted)
    jaccard = 1.0 - intersection / union
    # jaccard[1:] = jaccard[1:] - jaccard[:-1]
    jaccard = jnp.concatenate([jaccard[:1], jaccard[1:] - jaccard[:-1]], axis=0)
    return jaccard


def reference(inputs, targets):
    # inputs: (N, 1, H, W) logits; targets: (N, H, W) binary labels
    if inputs.ndim == 4 and inputs.shape[1] == 1:
        inputs = jnp.squeeze(inputs, axis=1)
    inputs_flat = inputs.reshape(-1)
    targets_flat = targets.reshape(-1).astype(jnp.float32)
    errors = jnp.abs(inputs_flat - targets_flat)
    # descending sort by errors; carry permutation to reorder targets
    perm = jnp.argsort(-errors)
    errors_sorted = errors[perm]
    targets_sorted = targets_flat[perm]
    grad = _lovasz_grad(targets_sorted)
    return jnp.dot(errors_sorted, grad)

if __name__ == "__main__":
    import jax
    _d = setup_inputs()
    print(jax.jit(kernel)(*tuple(_d.values())))

</pallas_src>

<mosaic_0001>
#map = affine_map<(d0, d1) -> (0)>
#map1 = affine_map<(d0, d1) -> (0, 0)>
module attributes {stable_mosaic.version = 14 : i64} {
  func.func @_sc_hist_kernel(%arg0: i32, %arg1: i32, %arg2: memref<4194304xf32, #tpu.memory_space<hbm>>, %arg3: memref<4194304xi32, #tpu.memory_space<hbm>>, %arg4: memref<2x1048576xf32, #tpu.memory_space<hbm>>, %arg5: memref<32x16xf32, #tpu.memory_space<hbm>>, %arg6: memref<8192xf32, #tpu.memory_space<vmem>>, %arg7: memref<8192xi32, #tpu.memory_space<vmem>>, %arg8: memref<64x128xi32, #tpu.memory_space<vmem>>, %arg9: memref<64x128xi32, #tpu.memory_space<vmem>>, %arg10: memref<64x128xf32, #tpu.memory_space<vmem>>, %arg11: memref<128xf32, #tpu.memory_space<vmem>>, %arg12: memref<4096xf32, #tpu.memory_space<vmem>>, %arg13: memref<16xf32, #tpu.memory_space<vmem>>, %arg14: memref<1048576xf32, #tpu.memory_space<vmem_shared>>, %arg15: memref<!tpu.dma_semaphore, #tpu.memory_space<semaphore_mem>>) attributes {dimension_semantics = [#tpu.dimension_semantics<core_parallel>, #tpu.dimension_semantics<subcore_parallel>], iteration_bounds = array<i64: 2, 16>, scalar_prefetch = 0 : i64, scratch_operands = 10 : i64, tpu.core_type = #tpu.core_type<sc_vector_subcore>, window_params = [{transform_indices = #map}, {transform_indices = #map}, {transform_indices = #map1}, {transform_indices = #map1}]} {
    %mul3A = arith.constant 16 : i32
    %mul3A_0 = arith.muli %arg0, %mul3A : i32
    %add3A = arith.addi %mul3A_0, %arg1 : i32
    %scan3A = arith.constant 0 : i32
    %scan3A_1 = arith.constant 0 : i32
    %scan3A_2 = arith.constant 8 : i32
    %scan3A_3 = arith.addi %scan3A_1, %scan3A_2 : i32
    %scan3A_4 = arith.constant 1 : i32
    %scan3A_5 = scf.for %scan3A_36 = %scan3A_1 to %scan3A_3 step %scan3A_4 iter_args(%scan3A_37 = %scan3A) -> (i32)  : i32 {
      %broadcast_in_dim3A_38 = arith.constant 1.000000e+00 : f32
      %broadcast_in_dim3A_39 = vector.broadcast %broadcast_in_dim3A_38 : f32 to vector<16xf32>
      %mul3A_40 = arith.constant 16 : i32
      %mul3A_41 = arith.muli %scan3A_36, %mul3A_40 : i32
      %swap3A_42 = arith.index_cast %mul3A_41 : i32 to index
      %swap3A_43 = tpu.vector_load %arg11[%swap3A_42] {strides = array<i32>} : memref<128xf32, #tpu.memory_space<vmem>>, vector<16xf32>,
      %swap3A_44 = vector.shape_cast %swap3A_43 : vector<16xf32> to vector<16xf32>
      %swap3A_45 = vector.shape_cast %broadcast_in_dim3A_39 : vector<16xf32> to vector<16xf32>
      tpu.vector_store %arg11[%swap3A_42], %swap3A_45 {strides = array<i32>} : memref<128xf32, #tpu.memory_space<vmem>>, vector<16xf32>,
      %scan3A_46 = arith.constant 0 : i32
      scf.yield %scan3A_46 : i32
    }
    %scan3A_6 = arith.constant 8 : i32
    %scan3A_7 = arith.constant 0 : i32
    %scan3A_8 = arith.constant 0 : i32
    %scan3A_9 = arith.constant 256 : i32
    %scan3A_10 = arith.addi %scan3A_8, %scan3A_9 : i32
    %scan3A_11 = arith.constant 1 : i32
    %scan3A_12 = scf.for %scan3A_36 = %scan3A_8 to %scan3A_10 step %scan3A_11 iter_args(%scan3A_37 = %scan3A_7) -> (i32)  : i32 {
      %broadcast_in_dim3A_38 = arith.constant 0.000000e+00 : f32
      %broadcast_in_dim3A_39 = vector.broadcast %broadcast_in_dim3A_38 : f32 to vector<16xf32>
      %mul3A_40 = arith.constant 16 : i32
      %mul3A_41 = arith.muli %scan3A_36, %mul3A_40 : i32
      %swap3A_42 = arith.index_cast %mul3A_41 : i32 to index
      %swap3A_43 = tpu.vector_load %arg12[%swap3A_42] {strides = array<i32>} : memref<4096xf32, #tpu.memory_space<vmem>>, vector<16xf32>,
      %swap3A_44 = vector.shape_cast %swap3A_43 : vector<16xf32> to vector<16xf32>
      %swap3A_45 = vector.shape_cast %broadcast_in_dim3A_39 : vector<16xf32> to vector<16xf32>
      tpu.vector_store %arg12[%swap3A_42], %swap3A_45 {strides = array<i32>} : memref<4096xf32, #tpu.memory_space<vmem>>, vector<16xf32>,
      %scan3A_46 = arith.constant 0 : i32
      scf.yield %scan3A_46 : i32
    }
    %scan3A_13 = arith.constant 256 : i32
    %scan3A_14 = arith.constant 0 : i32
    %scan3A_15 = arith.constant 0 : i32
    %scan3A_16 = arith.constant 16 : i32
    %scan3A_17 = arith.addi %scan3A_15, %scan3A_16 : i32
    %scan3A_18 = arith.constant 1 : i32
    %scan3A_19 = scf.for %scan3A_36 = %scan3A_15 to %scan3A_17 step %scan3A_18 iter_args(%scan3A_37 = %scan3A_14) -> (i32)  : i32 {
      %mul3A_38 = arith.constant 65536 : i32
      %mul3A_39 = arith.muli %arg1, %mul3A_38 : i32
      %mul3A_40 = arith.constant 4096 : i32
      %mul3A_41 = arith.muli %scan3A_36, %mul3A_40 : i32
      %add3A_42 = arith.addi %mul3A_39, %mul3A_41 : i32
      "tpu.region"() ({
        %run_scoped3A = tpu.sem_alloc : memref<!tpu.dma_semaphore, #tpu.memory_space<semaphore_mem>>
        %dma_start3A = tpu.memref_slice %arg14[%add3A_42] : memref<1048576xf32, #tpu.memory_space<vmem_shared>> -> memref<4096xf32, #tpu.memory_space<vmem_shared>>
        %dma_start3A_44 = tpu.memref_slice %arg14[%add3A_42] : memref<1048576xf32, #tpu.memory_space<vmem_shared>> -> memref<4096xf32, #tpu.memory_space<vmem_shared>>
        tpu.enqueue_dma source(%arg12 : memref<4096xf32, #tpu.memory_space<vmem>>) target(%dma_start3A_44 : memref<4096xf32, #tpu.memory_space<vmem_shared>>) target_semaphore(%run_scoped3A : memref<!tpu.dma_semaphore, #tpu.memory_space<semaphore_mem>>)
        %dma_wait3A = tpu.memref_slice %arg14[%add3A_42] : memref<1048576xf32, #tpu.memory_space<vmem_shared>> -> memref<4096xf32, #tpu.memory_space<vmem_shared>>
        %dma_wait3A_45 = tpu.memref_slice %arg14[%add3A_42] : memref<1048576xf32, #tpu.memory_space<vmem_shared>> -> memref<4096xf32, #tpu.memory_space<vmem_shared>>
        tpu.wait_dma2 semaphore(%run_scoped3A : memref<!tpu.dma_semaphore, #tpu.memory_space<semaphore_mem>>) src(%arg12 : memref<4096xf32, #tpu.memory_space<vmem>>) dst(%dma_wait3A_45 : memref<4096xf32, #tpu.memory_space<vmem_shared>>)
        tpu.yield
      }) : () -> ()
      %scan3A_43 = arith.constant 0 : i32
      scf.yield %scan3A_43 : i32
    }
    %scan3A_20 = arith.constant 16 : i32
    %barrier3A = arith.constant 0 : index
    tpu.barrier barrier_id(%barrier3A)
    %broadcast_in_dim3A = arith.constant 0.000000e+00 : f32
    %broadcast_in_dim3A_21 = vector.broadcast %broadcast_in_dim3A : f32 to vector<16xf32>
    %scan3A_22 = arith.constant 0 : i32
    %scan3A_23 = arith.constant 16 : i32
    %scan3A_24 = arith.addi %scan3A_22, %scan3A_23 : i32
    %scan3A_25 = arith.constant 1 : i32
    %scan3A_26 = scf.for %scan3A_36 = %scan3A_22 to %scan3A_24 step %scan3A_25 iter_args(%scan3A_37 = %broadcast_in_dim3A_21) -> (vector<16xf32>)  : i32 {
      %mul3A_38 = arith.constant 131072 : i32
      %mul3A_39 = arith.muli %add3A, %mul3A_38 : i32
      %mul3A_40 = arith.constant 8192 : i32
      %mul3A_41 = arith.muli %scan3A_36, %mul3A_40 : i32
      %add3A_42 = arith.addi %mul3A_39, %mul3A_41 : i32
      "tpu.region"() ({
        %run_scoped3A = tpu.sem_alloc : memref<!tpu.dma_semaphore, #tpu.memory_space<semaphore_mem>>
        %dma_start3A_2095 = tpu.memref_slice %arg2[%add3A_42] : memref<4194304xf32, #tpu.memory_space<hbm>> -> memref<8192xf32, #tpu.memory_space<hbm>>
        %dma_start3A_2096 = tpu.memref_slice %arg2[%add3A_42] : memref<4194304xf32, #tpu.memory_space<hbm>> -> memref<8192xf32, #tpu.memory_space<hbm>>
        tpu.enqueue_dma source(%dma_start3A_2096 : memref<8192xf32, #tpu.memory_space<hbm>>) target(%arg6 : memref<8192xf32, #tpu.memory_space<vmem>>) target_semaphore(%run_scoped3A : memref<!tpu.dma_semaphore, #tpu.memory_space<semaphore_mem>>)
        %dma_wait3A_2097 = tpu.memref_slice %arg2[%add3A_42] : memref<4194304xf32, #tpu.memory_space<hbm>> -> memref<8192xf32, #tpu.memory_space<hbm>>
        %dma_wait3A_2098 = tpu.memref_slice %arg2[%add3A_42] : memref<4194304xf32, #tpu.memory_space<hbm>> -> memref<8192xf32, #tpu.memory_space<hbm>>
        tpu.wait_dma2 semaphore(%run_scoped3A : memref<!tpu.dma_semaphore, #tpu.memory_space<semaphore_mem>>) src(%dma_wait3A_2098 : memref<8192xf32, #tpu.memory_space<hbm>>) dst(%arg6 : memref<8192xf32, #tpu.memory_space<vmem>>)
        tpu.yield
      }) : () -> ()
      "tpu.region"() ({
        %run_scoped3A = tpu.sem_alloc : memref<!tpu.dma_semaphore, #tpu.memory_space<semaphore_mem>>
        %dma_start3A_2095 = tpu.memref_slice %arg3[%add3A_42] : memref<4194304xi32, #tpu.memory_space<hbm>> -> memref<8192xi32, #tpu.memory_space<hbm>>
        %dma_start3A_2096 = tpu.memref_slice %arg3[%add3A_42] : memref<4194304xi32, #tpu.memory_space<hbm>> -> memref<8192xi32, #tpu.memory_space<hbm>>
        tpu.enqueue_dma source(%dma_start3A_2096 : memref<8192xi32, #tpu.memory_space<hbm>>) target(%arg7 : memref<8192xi32, #tpu.memory_space<vmem>>) target_semaphore(%run_scoped3A : memref<!tpu.dma_semaphore, #tpu.memory_space<semaphore_mem>>)
        %dma_wait3A_2097 = tpu.memref_slice %arg3[%add3A_42] : memref<4194304xi32, #tpu.memory_space<hbm>> -> memref<8192xi32, #tpu.memory_space<hbm>>
        %dma_wait3A_2098 = tpu.memref_slice %arg3[%add3A_42] : memref<4194304xi32, #tpu.memory_space<hbm>> -> memref<8192xi32, #tpu.memory_space<hbm>>
        tpu.wait_dma2 semaphore(%run_scoped3A : memref<!tpu.dma_semaphore, #tpu.memory_space<semaphore_mem>>) src(%dma_wait3A_2098 : memref<8192xi32, #tpu.memory_space<hbm>>) dst(%arg7 : memref<8192xi32, #tpu.memory_space<vmem>>)
        tpu.yield
      }) : () -> ()
      %scan3A_43 = arith.constant 0 : i32
      %scan3A_44 = arith.constant 512 : i32
      %scan3A_45 = arith.addi %scan3A_43, %scan3A_44 : i32
      %scan3A_46 = arith.constant 1 : i32
      %scan3A_47 = scf.for %scan3A_2095 = %scan3A_43 to %scan3A_45 step %scan3A_46 iter_args(%scan3A_2096 = %scan3A_37) -> (vector<16xf32>)  : i32 {
        %jit3A = arith.constant 8 : i32
        %div3A = arith.divsi %scan3A_2095, %jit3A : i32
        %sign3A = arith.constant 0 : i32
        %sign3A_2097 = arith.cmpi sgt, %scan3A_2095, %sign3A : i32
        %sign3A_2098 = arith.extui %sign3A_2097 : i1 to i32
        %sign3A_2099 = arith.constant 0 : i32
        %sign3A_2100 = arith.cmpi slt, %scan3A_2095, %sign3A_2099 : i32
        %sign3A_2101 = arith.extui %sign3A_2100 : i1 to i32
        %sign3A_2102 = arith.subi %sign3A_2098, %sign3A_2101 : i32
        %sign3A_2103 = arith.constant 0 : i32
        %sign3A_2104 = arith.cmpi sgt, %jit3A, %sign3A_2103 : i32
        %sign3A_2105 = arith.extui %sign3A_2104 : i1 to i32
        %sign3A_2106 = arith.constant 0 : i32
        %sign3A_2107 = arith.cmpi slt, %jit3A, %sign3A_2106 : i32
        %sign3A_2108 = arith.extui %sign3A_2107 : i1 to i32
        %sign3A_2109 = arith.subi %sign3A_2105, %sign3A_2108 : i32
        %ne3A = arith.cmpi ne, %sign3A_2102, %sign3A_2109 : i32
        %rem3A = arith.remsi %scan3A_2095, %jit3A : i32
        %ne3A_2110 = arith.constant 0 : i32
        %ne3A_2111 = arith.cmpi ne, %rem3A, %ne3A_2110 : i32
        %and3A = arith.andi %ne3A, %ne3A_2111 : i1
        %sub3A = arith.constant 1 : i32
        %sub3A_2112 = arith.subi %div3A, %sub3A : i32
        %select_n3A = arith.select %and3A, %sub3A_2112, %div3A : i32
        %jit3A_2113 = arith.constant 8 : i32
        %eq3A = arith.constant 0 : i32
        %eq3A_2114 = arith.cmpi eq, %jit3A_2113, %eq3A : i32
        %jit3A_2115 = arith.constant 1 : i32
        %select_n3A_2116 = arith.select %eq3A_2114, %jit3A_2115, %jit3A_2113 : i32
        %rem3A_2117 = arith.remsi %scan3A_2095, %select_n3A_2116 : i32
        %ne3A_2118 = arith.constant 0 : i32
        %ne3A_2119 = arith.cmpi ne, %rem3A_2117, %ne3A_2118 : i32
        %lt3A = arith.constant 0 : i32
        %lt3A_2120 = arith.cmpi slt, %rem3A_2117, %lt3A : i32
        %lt3A_2121 = arith.constant 0 : i32
        %lt3A_2122 = arith.cmpi slt, %select_n3A_2116, %lt3A_2121 : i32
        %ne3A_2123 = arith.xori %lt3A_2120, %lt3A_2122 : i1
        %and3A_2124 = arith.andi %ne3A_2123, %ne3A_2119 : i1
        %add3A_2125 = arith.addi %rem3A_2117, %select_n3A_2116 : i32
        %select_n3A_2126 = arith.select %and3A_2124, %add3A_2125, %rem3A_2117 : i32
        %mul3A_2127 = arith.constant 16 : i32
        %mul3A_2128 = arith.muli %select_n3A_2126, %mul3A_2127 : i32
        %mul3A_2129 = arith.constant 16 : i32
        %mul3A_2130 = arith.muli %scan3A_2095, %mul3A_2129 : i32
        %get3A = arith.index_cast %mul3A_2130 : i32 to index
        %get3A_2131 = tpu.vector_load %arg6[%get3A] {strides = array<i32>} : memref<8192xf32, #tpu.memory_space<vmem>>, vector<16xf32>,
        %get3A_2132 = vector.shape_cast %get3A_2131 : vector<16xf32> to vector<16xf32>
        %mul3A_2133 = arith.constant 16 : i32
        %mul3A_2134 = arith.muli %scan3A_2095, %mul3A_2133 : i32
        %get3A_2135 = arith.index_cast %mul3A_2134 : i32 to index
        %get3A_2136 = tpu.vector_load %arg7[%get3A_2135] {strides = array<i32>} : memref<8192xi32, #tpu.memory_space<vmem>>, vector<16xi32>,
        %get3A_2137 = vector.shape_cast %get3A_2136 : vector<16xi32> to vector<16xi32>
        %convert_element_type3A = arith.sitofp %get3A_2137 : vector<16xi32> to vector<16xf32>
        %sub3A_2138 = arith.subf %get3A_2132, %convert_element_type3A : vector<16xf32>
        %abs3A = math.absf %sub3A_2138 : vector<16xf32>
        %bitcast_convert_type3A = tpu.bitcast %abs3A : vector<16xf32> -> vector<16xi32>
        %shift_right_logical3A = arith.constant 13 : i32
        %shift_right_logical3A_2139 = vector.broadcast %shift_right_logical3A : i32 to vector<16xi32>
        %shift_right_logical3A_2140 = arith.shrui %bitcast_convert_type3A, %shift_right_logical3A_2139 : vector<16xi32>
        %mul3A_2141 = arith.constant 262144 : i32
        %mul3A_2142 = vector.broadcast %mul3A_2141 : i32 to vector<16xi32>
        %mul3A_2143 = arith.muli %get3A_2137, %mul3A_2142 : vector<16xi32>
        %add3A_2144 = arith.addi %mul3A_2143, %shift_right_logical3A_2140 : vector<16xi32>
        %swap3A_2145 = arith.index_cast %select_n3A : i32 to index
        %swap3A_2146 = arith.index_cast %mul3A_2128 : i32 to index
        %swap3A_2147 = tpu.vector_load %arg8[%swap3A_2145, %swap3A_2146] {strides = array<i32>} : memref<64x128xi32, #tpu.memory_space<vmem>>, vector<1x16xi32>,
        %swap3A_2148 = vector.shape_cast %swap3A_2147 : vector<1x16xi32> to vector<16xi32>
        %swap3A_2149 = vector.shape_cast %add3A_2144 : vector<16xi32> to vector<1x16xi32>
        tpu.vector_store %arg8[%swap3A_2145, %swap3A_2146], %swap3A_2149 {strides = array<i32>} : memref<64x128xi32, #tpu.memory_space<vmem>>, vector<1x16xi32>,
        %add3A_2150 = arith.constant 524288 : i32
        %add3A_2151 = vector.broadcast %add3A_2150 : i32 to vector<16xi32>
        %add3A_2152 = arith.addi %add3A_2144, %add3A_2151 : vector<16xi32>
        %swap3A_2153 = arith.index_cast %select_n3A : i32 to index
        %swap3A_2154 = arith.index_cast %mul3A_2128 : i32 to index
        %swap3A_2155 = tpu.vector_load %arg9[%swap3A_2153, %swap3A_2154] {strides = array<i32>} : memref<64x128xi32, #tpu.memory_space<vmem>>, vector<1x16xi32>,
        %swap3A_2156 = vector.shape_cast %swap3A_2155 : vector<1x16xi32> to vector<16xi32>
        %swap3A_2157 = vector.shape_cast %add3A_2152 : vector<16xi32> to vector<1x16xi32>
        tpu.vector_store %arg9[%swap3A_2153, %swap3A_2154], %swap3A_2157 {strides = array<i32>} : memref<64x128xi32, #tpu.memory_space<vmem>>, vector<1x16xi32>,
        %swap3A_2158 = arith.index_cast %select_n3A : i32 to index
        %swap3A_2159 = arith.index_cast %mul3A_2128 : i32 to index
        %swap3A_2160 = tpu.vector_load %arg10[%swap3A_2158, %swap3A_2159] {strides = array<i32>} : memref<64x128xf32, #tpu.memory_space<vmem>>, vector<1x16xf32>,
        %swap3A_2161 = vector.shape_cast %swap3A_2160 : vector<1x16xf32> to vector<16xf32>
        %swap3A_2162 = vector.shape_cast %abs3A : vector<16xf32> to vector<1x16xf32>
        tpu.vector_store %arg10[%swap3A_2158, %swap3A_2159], %swap3A_2162 {strides = array<i32>} : memref<64x128xf32, #tpu.memory_space<vmem>>, vector<1x16xf32>,
        %max3A = arith.maximumf %scan3A_2096, %abs3A : vector<16xf32>
        scf.yield %max3A : vector<16xf32>
      }
      %scan3A_48 = arith.constant 512 : i32
      %dma_start3A = arith.constant 0 : i32
      %dma_start3A_49 = arith.constant 0 : i32
      %dma_start3A_50 = tpu.memref_slice %arg8[%dma_start3A, %dma_start3A_49] : memref<64x128xi32, #tpu.memory_space<vmem>> -> memref<1x128xi32, #tpu.memory_space<vmem>>
      %dma_start3A_51 = tpu.memref_squeeze %dma_start3A_50 : memref<1x128xi32, #tpu.memory_space<vmem>> -> memref<128xi32, #tpu.memory_space<vmem>>
      %dma_start3A_52 = arith.constant 0 : i32
      %dma_start3A_53 = tpu.memref_slice %arg14[%dma_start3A_52] : memref<1048576xf32, #tpu.memory_space<vmem_shared>> -> memref<1048576xf32, #tpu.memory_space<vmem_shared>>
      tpu.enqueue_indirect_dma source(%arg11 : memref<128xf32, #tpu.memory_space<vmem>>) target(%dma_start3A_53 : memref<1048576xf32, #tpu.memory_space<vmem_shared>>) offsets(%dma_start3A_51 : memref<128xi32, #tpu.memory_space<vmem>>) semaphore(%arg15 : memref<!tpu.dma_semaphore, #tpu.memory_space<semaphore_mem>>) {add = true}
      %dma_start3A_54 = arith.constant 0 : i32
      %dma_start3A_55 = arith.constant 0 : i32
      %dma_start3A_56 = arith.constant 0 : i32
      %dma_start3A_57 = tpu.memref_slice %arg10[%dma_start3A_54, %dma_start3A_56] : memref<64x128xf32, #tpu.memory_space<vmem>> -> memref<1x128xf32, #tpu.memory_space<vmem>>
      %dma_start3A_58 = tpu.memref_squeeze %dma_start3A_57 : memref<1x128xf32, #tpu.memory_space<vmem>> -> memref<128xf32, #tpu.memory_space<vmem>>
      %dma_start3A_59 = arith.constant 0 : i32
      %dma_start3A_60 = tpu.memref_slice %arg9[%dma_start3A_55, %dma_start3A_59] : memref<64x128xi32, #tpu.memory_space<vmem>> -> memref<1x128xi32, #tpu.memory_space<vmem>>
      %dma_start3A_61 = tpu.memref_squeeze %dma_start3A_60 : memref<1x128xi32, #tpu.memory_space<vmem>> -> memref<128xi32, #tpu.memory_space<vmem>>
      %dma_start3A_62 = arith.constant 0 : i32
      %dma_start3A_63 = tpu.memref_slice %arg14[%dma_start3A_62] : memref<1048576xf32, #tpu.memory_space<vmem_shared>> -> memref<1048576xf32, #tpu.memory_space<vmem_shared>>
      tpu.enqueue_indirect_dma source(%dma_start3A_58 : memref<128xf32, #tpu.memory_space<vmem>>) target(%dma_start3A_63 : memref<1048576xf32, #tpu.memory_space<vmem_shared>>) offsets(%dma_start3A_61 : memref<128xi32, #tpu.memory_space<vmem>>) semaphore(%arg15 : memref<!tpu.dma_semaphore, #tpu.memory_space<semaphore_mem>>) {add = true}
      %dma_start3A_64 = arith.constant 1 : i32
      %dma_start3A_65 = arith.constant 0 : i32
      %dma_start3A_66 = tpu.memref_slice %arg8[%dma_start3A_64, %dma_start3A_65] : memref<64x128xi32, #tpu.memory_space<vmem>> -> memref<1x128xi32, #tpu.memory_space<vmem>>
      %dma_start3A_67 = tpu.memref_squeeze %dma_start3A_66 : memref<1x128xi32, #tpu.memory_space<vmem>> -> memref<128xi32, #tpu.memory_space<vmem>>
      %dma_start3A_68 = arith.constant 0 : i32
      %dma_start3A_69 = tpu.memref_slice %arg14[%dma_start3A_68] : memref<1048576xf32, #tpu.memory_space<vmem_shared>> -> memref<1048576xf32, #tpu.memory_space<vmem_shared>>
      tpu.enqueue_indirect_dma source(%arg11 : memref<128xf32, #tpu.memory_space<vmem>>) target(%dma_start3A_69 : memref<1048576xf32, #tpu.memory_space<vmem_shared>>) offsets(%dma_start3A_67 : memref<128xi32, #tpu.memory_space<vmem>>) semaphore(%arg15 : memref<!tpu.dma_semaphore, #tpu.memory_space<semaphore_mem>>) {add = true}
      %dma_start3A_70 = arith.constant 1 : i32
      %dma_start3A_71 = arith.constant 1 : i32
      %dma_start3A_72 = arith.constant 0 : i32
      %dma_start3A_73 = tpu.memref_slice %arg10[%dma_start3A_70, %dma_start3A_72] : memref<64x128xf32, #tpu.memory_space<vmem>> -> memref<1x128xf32, #tpu.memory_space<vmem>>
      %dma_start3A_74 = tpu.memref_squeeze %dma_start3A_73 : memref<1x128xf32, #tpu.memory_space<vmem>> -> memref<128xf32, #tpu.memory_space<vmem>>
      %dma_start3A_75 = arith.constant 0 : i32
      %dma_start3A_76 = tpu.memref_slice %arg9[%dma_start3A_71, %dma_start3A_75] : memref<64x128xi32, #tpu.memory_space<vmem>> -> memref<1x128xi32, #tpu.memory_space<vmem>>
      %dma_start3A_77 = tpu.memref_squeeze %dma_start3A_76 : memref<1x128xi32, #tpu.memory_space<vmem>> -> memref<128xi32, #tpu.memory_space<vmem>>
      %dma_start3A_78 = arith.constant 0 : i32
      %dma_start3A_79 = tpu.memref_slice %arg14[%dma_start3A_78] : memref<1048576xf32, #tpu.memory_space<vmem_shared>> -> memref<1048576xf32, #tpu.memory_space<vmem_shared>>
      tpu.enqueue_indirect_dma source(%dma_start3A_74 : memref<128xf32, #tpu.memory_space<vmem>>) target(%dma_start3A_79 : memref<1048576xf32, #tpu.memory_space<vmem_shared>>) offsets(%dma_start3A_77 : memref<128xi32, #tpu.memory_space<vmem>>) semaphore(%arg15 : memref<!tpu.dma_semaphore, #tpu.memory_space<semaphore_mem>>) {add = true}
      %dma_start3A_80 = arith.constant 2 : i32
      %dma_start3A_81 = arith.constant 0 : i32
      %dma_start3A_82 = tpu.memref_slice %arg8[%dma_start3A_80, %dma_start3A_81] : memref<64x128xi32, #tpu.memory_space<vmem>> -> memref<1x128xi32, #tpu.memory_space<vmem>>
      %dma_start3A_83 = tpu.memref_squeeze %dma_start3A_82 : memref<1x128xi32, #tpu.memory_space<vmem>> -> memref<128xi32, #tpu.memory_space<vmem>>
      %dma_start3A_84 = arith.constant 0 : i32
      %dma_start3A_85 = tpu.memref_slice %arg14[%dma_start3A_84] : memref<1048576xf32, #tpu.memory_space<vmem_shared>> -> memref<1048576xf32, #tpu.memory_space<vmem_shared>>
      tpu.enqueue_indirect_dma source(%arg11 : memref<128xf32, #tpu.memory_space<vmem>>) target(%dma_start3A_85 : memref<1048576xf32, #tpu.memory_space<vmem_shared>>) offsets(%dma_start3A_83 : memref<128xi32, #tpu.memory_space<vmem>>) semaphore(%arg15 : memref<!tpu.dma_semaphore, #tpu.memory_space<semaphore_mem>>) {add = true}
      %dma_start3A_86 = arith.constant 2 : i32
      %dma_start3A_87 = arith.constant 2 : i32
      %dma_start3A_88 = arith.constant 0 : i32
      %dma_start3A_89 = tpu.memref_slice %arg10[%dma_start3A_86, %dma_start3A_88] : memref<64x128xf32, #tpu.memory_space<vmem>> -> memref<1x128xf32, #tpu.memory_space<vmem>>
      %dma_start3A_90 = tpu.memref_squeeze %dma_start3A_89 : memref<1x128xf32, #tpu.memory_space<vmem>> -> memref<128xf32, #tpu.memory_space<vmem>>
      %dma_start3A_91 = arith.constant 0 : i32
      %dma_start3A_92 = tpu.memref_slice %arg9[%dma_start3A_87, %dma_start3A_91] : memref<64x128xi32, #tpu.memory_space<vmem>> -> memref<1x128xi32, #tpu.memory_space<vmem>>
      %dma_start3A_93 = tpu.memref_squeeze %dma_start3A_92 : memref<1x128xi32, #tpu.memory_space<vmem>> -> memref<128xi32, #tpu.memory_space<vmem>>
      %dma_start3A_94 = arith.constant 0 : i32
      %dma_start3A_95 = tpu.memref_slice %arg14[%dma_start3A_94] : memref<1048576xf32, #tpu.memory_space<vmem_shared>> -> memref<1048576xf32, #tpu.memory_space<vmem_shared>>
      tpu.enqueue_indirect_dma source(%dma_start3A_90 : memref<128xf32, #tpu.memory_space<vmem>>) target(%dma_start3A_95 : memref<1048576xf32, #tpu.memory_space<vmem_shared>>) offsets(%dma_start3A_93 : memref<128xi32, #tpu.memory_space<vmem>>) semaphore(%arg15 : memref<!tpu.dma_semaphore, #tpu.memory_space<semaphore_mem>>) {add = true}
      %dma_start3A_96 = arith.constant 3 : i32
      %dma_start3A_97 = arith.constant 0 : i32
      %dma_start3A_98 = tpu.memref_slice %arg8[%dma_start3A_96, %dma_start3A_97] : memref<64x128xi32, #tpu.memory_space<vmem>> -> memref<1x128xi32, #tpu.memory_space<vmem>>
      %dma_start3A_99 = tpu.memref_squeeze %dma_start3A_98 : memref<1x128xi32, #tpu.memory_space<vmem>> -> memref<128xi32, #tpu.memory_space<vmem>>
      %dma_start3A_100 = arith.constant 0 : i32
      %dma_start3A_101 = tpu.memref_slice %arg14[%dma_start3A_100] : memref<1048576xf32, #tpu.memory_space<vmem_shared>> -> memref<1048576xf32, #tpu.memory_space<vmem_shared>>
      tpu.enqueue_indirect_dma source(%arg11 : memref<128xf32, #tpu.memory_space<vmem>>) target(%dma_start3A_101 : memref<1048576xf32, #tpu.memory_space<vmem_shared>>) offsets(%dma_start3A_99 : memref<128xi32, #tpu.memory_space<vmem>>) semaphore(%arg15 : memref<!tpu.dma_semaphore, #tpu.memory_space<semaphore_mem>>) {add = true}
      %dma_start3A_102 = arith.constant 3 : i32
      %dma_start3A_103 = arith.constant 3 : i32
      %dma_start3A_104 = arith.constant 0 : i32
      %dma_start3A_105 = tpu.memref_slice %arg10[%dma_start3A_102, %dma_start3A_104] : memref<64x128xf32, #tpu.memory_space<vmem>> -> memref<1x128xf32, #tpu.memory_space<vmem>>
      %dma_start3A_106 = tpu.memref_squeeze %dma_start3A_105 : memref<1x128xf32, #tpu.memory_space<vmem>> -> memref<128xf32, #tpu.memory_space<vmem>>
      %dma_start3A_107 = arith.constant 0 : i32
      %dma_start3A_108 = tpu.memref_slice %arg9[%dma_start3A_103, %dma_start3A_107] : memref<64x128xi32, #tpu.memory_space<vmem>> -> memref<1x128xi32, #tpu.memory_space<vmem>>
      %dma_start3A_109 = tpu.memref_squeeze %dma_start3A_108 : memref<1x128xi32, #tpu.memory_space<vmem>> -> memref<128xi32, #tpu.memory_space<vmem>>
      %dma_start3A_110 = arith.constant 0 : i32
      %dma_start3A_111 = tpu.memref_slice %arg14[%dma_start3A_110] : memref<1048576xf32, #tpu.memory_space<vmem_shared>> -> memref<1048576xf32, #tpu.memory_space<vmem_shared>>
      tpu.enqueue_indirect_dma source(%dma_start3A_106 : memref<128xf32, #tpu.memory_space<vmem>>) target(%dma_start3A_111 : memref<1048576xf32, #tpu.memory_space<vmem_shared>>) offsets(%dma_start3A_109 : memref<128xi32, #tpu.memory_space<vmem>>) semaphore(%arg15 : memref<!tpu.dma_semaphore, #tpu.memory_space<semaphore_mem>>) {add = true}
      %dma_start3A_112 = arith.constant 4 : i32
      %dma_start3A_113 = arith.constant 0 : i32
      %dma_start3A_114 = tpu.memref_slice %arg8[%dma_start3A_112, %dma_start3A_113] : memref<64x128xi32, #tpu.memory_space<vmem>> -> memref<1x128xi32, #tpu.memory_space<vmem>>
      %dma_start3A_115 = tpu.memref_squeeze %dma_start3A_114 : memref<1x128xi32, #tpu.memory_space<vmem>> -> memref<128xi32, #tpu.memory_space<vmem>>
      %dma_start3A_116 = arith.constant 0 : i32
      %dma_start3A_117 = tpu.memref_slice %arg14[%dma_start3A_116] : memref<1048576xf32, #tpu.memory_space<vmem_shared>> -> memref<1048576xf32, #tpu.memory_space<vmem_shared>>
      tpu.enqueue_indirect_dma source(%arg11 : memref<128xf32, #tpu.memory_space<vmem>>) target(%dma_start3A_117 : memref<1048576xf32, #tpu.memory_space<vmem_shared>>) offsets(%dma_start3A_115 : memref<128xi32, #tpu.memory_space<vmem>>) semaphore(%arg15 : memref<!tpu.dma_semaphore, #tpu.memory_space<semaphore_mem>>) {add = true}
      %dma_start3A_118 = arith.constant 4 : i32
      %dma_start3A_119 = arith.constant 4 : i32
      %dma_start3A_120 = arith.constant 0 : i32
      %dma_start3A_121 = tpu.memref_slice %arg10[%dma_start3A_118, %dma_start3A_120] : memref<64x128xf32, #tpu.memory_space<vmem>> -> memref<1x128xf32, #tpu.memory_space<vmem>>
      %dma_start3A_122 = tpu.memref_squeeze %dma_start3A_121 : memref<1x128xf32, #tpu.memory_space<vmem>> -> memref<128xf32, #tpu.memory_space<vmem>>
      %dma_start3A_123 = arith.constant 0 : i32
      %dma_start3A_124 = tpu.memref_slice %arg9[%dma_start3A_119, %dma_start3A_123] : memref<64x128xi32, #tpu.memory_space<vmem>> -> memref<1x128xi32, #tpu.memory_space<vmem>>
      %dma_start3A_125 = tpu.memref_squeeze %dma_start3A_124 : memref<1x128xi32, #tpu.memory_space<vmem>> -> memref<128xi32, #tpu.memory_space<vmem>>
      %dma_start3A_126 = arith.constant 0 : i32
      %dma_start3A_127 = tpu.memref_slice %arg14[%dma_start3A_126] : memref<1048576xf32, #tpu.memory_space<vmem_shared>> -> memref<1048576xf32, #tpu.memory_space<vmem_shared>>
      tpu.enqueue_indirect_dma source(%dma_start3A_122 : memref<128xf32, #tpu.memory_space<vmem>>) target(%dma_start3A_127 : memref<1048576xf32, #tpu.memory_space<vmem_shared>>) offsets(%dma_start3A_125 : memref<128xi32, #tpu.memory_space<vmem>>) semaphore(%arg15 : memref<!tpu.dma_semaphore, #tpu.memory_space<semaphore_mem>>) {add = true}
      %dma_start3A_128 = arith.constant 5 : i32
      %dma_start3A_129 = arith.constant 0 : i32
      %dma_start3A_130 = tpu.memref_slice %arg8[%dma_start3A_128, %dma_start3A_129] : memref<64x128xi32, #tpu.memory_space<vmem>> -> memref<1x128xi32, #tpu.memory_space<vmem>>
      %dma_start3A_131 = tpu.memref_squeeze %dma_start3A_130 : memref<1x128xi32, #tpu.memory_space<vmem>> -> memref<128xi32, #tpu.memory_space<vmem>>
      %dma_start3A_132 = arith.constant 0 : i32
      %dma_start3A_133 = tpu.memref_slice %arg14[%dma_start3A_132] : memref<1048576xf32, #tpu.memory_space<vmem_shared>> -> memref<1048576xf32, #tpu.memory_space<vmem_shared>>
      tpu.enqueue_indirect_dma source(%arg11 : memref<128xf32, #tpu.memory_space<vmem>>) target(%dma_start3A_133 : memref<1048576xf32, #tpu.memory_space<vmem_shared>>) offsets(%dma_start3A_131 : memref<128xi32, #tpu.memory_space<vmem>>) semaphore(%arg15 : memref<!tpu.dma_semaphore, #tpu.memory_space<semaphore_mem>>) {add = true}
      %dma_start3A_134 = arith.constant 5 : i32
      %dma_start3A_135 = arith.constant 5 : i32
      %dma_start3A_136 = arith.constant 0 : i32
      %dma_start3A_137 = tpu.memref_slice %arg10[%dma_start3A_134, %dma_start3A_136] : memref<64x128xf32, #tpu.memory_space<vmem>> -> memref<1x128xf32, #tpu.memory_space<vmem>>
      %dma_start3A_138 = tpu.memref_squeeze %dma_start3A_137 : memref<1x128xf32, #tpu.memory_space<vmem>> -> memref<128xf32, #tpu.memory_space<vmem>>
      %dma_start3A_139 = arith.constant 0 : i32
      %dma_start3A_140 = tpu.memref_slice %arg9[%dma_start3A_135, %dma_start3A_139] : memref<64x128xi32, #tpu.memory_space<vmem>> -> memref<1x128xi32, #tpu.memory_space<vmem>>
      %dma_start3A_141 = tpu.memref_squeeze %dma_start3A_140 : memref<1x128xi32, #tpu.memory_space<vmem>> -> memref<128xi32, #tpu.memory_space<vmem>>
      %dma_start3A_142 = arith.constant 0 : i32
      %dma_start3A_143 = tpu.memref_slice %arg14[%dma_start3A_142] : memref<1048576xf32, #tpu.memory_space<vmem_shared>> -> memref<1048576xf32, #tpu.memory_space<vmem_shared>>
      tpu.enqueue_indirect_dma source(%dma_start3A_138 : memref<128xf32, #tpu.memory_space<vmem>>) target(%dma_start3A_143 : memref<1048576xf32, #tpu.memory_space<vmem_shared>>) offsets(%dma_start3A_141 : memref<128xi32, #tpu.memory_space<vmem>>) semaphore(%arg15 : memref<!tpu.dma_semaphore, #tpu.memory_space<semaphore_mem>>) {add = true}
      %dma_start3A_144 = arith.constant 6 : i32
      %dma_start3A_145 = arith.constant 0 : i32
      %dma_start3A_146 = tpu.memref_slice %arg8[%dma_start3A_144, %dma_start3A_145] : memref<64x128xi32, #tpu.memory_space<vmem>> -> memref<1x128xi32, #tpu.memory_space<vmem>>
      %dma_start3A_147 = tpu.memref_squeeze %dma_start3A_146 : memref<1x128xi32, #tpu.memory_space<vmem>> -> memref<128xi32, #tpu.memory_space<vmem>>
      %dma_start3A_148 = arith.constant 0 : i32
      %dma_start3A_149 = tpu.memref_slice %arg14[%dma_start3A_148] : memref<1048576xf32, #tpu.memory_space<vmem_shared>> -> memref<1048576xf32, #tpu.memory_space<vmem_shared>>
      tpu.enqueue_indirect_dma source(%arg11 : memref<128xf32, #tpu.memory_space<vmem>>) target(%dma_start3A_149 : memref<1048576xf32, #tpu.memory_space<vmem_shared>>) offsets(%dma_start3A_147 : memref<128xi32, #tpu.memory_space<vmem>>) semaphore(%arg15 : memref<!tpu.dma_semaphore, #tpu.memory_space<semaphore_mem>>) {add = true}
      %dma_start3A_150 = arith.constant 6 : i32
      %dma_start3A_151 = arith.constant 6 : i32
      %dma_start3A_152 = arith.constant 0 : i32
      %dma_start3A_153 = tpu.memref_slice %arg10[%dma_start3A_150, %dma_start3A_152] : memref<64x128xf32, #tpu.memory_space<vmem>> -> memref<1x128xf32, #tpu.memory_space<vmem>>
      %dma_start3A_154 = tpu.memref_squeeze %dma_start3A_153 : memref<1x128xf32, #tpu.memory_space<vmem>> -> memref<128xf32, #tpu.memory_space<vmem>>
      %dma_start3A_155 = arith.constant 0 : i32
      %dma_start3A_156 = tpu.memref_slice %arg9[%dma_start3A_151, %dma_start3A_155] : memref<64x128xi32, #tpu.memory_space<vmem>> -> memref<1x128xi32, #tpu.memory_space<vmem>>
      %dma_start3A_157 = tpu.memref_squeeze %dma_start3A_156 : memref<1x128xi32, #tpu.memory_space<vmem>> -> memref<128xi32, #tpu.memory_space<vmem>>
      %dma_start3A_158 = arith.constant 0 : i32
      %dma_start3A_159 = tpu.memref_slice %arg14[%dma_start3A_158] : memref<1048576xf32, #tpu.memory_space<vmem_shared>> -> memref<1048576xf32, #tpu.memory_space<vmem_shared>>
      tpu.enqueue_indirect_dma source(%dma_start3A_154 : memref<128xf32, #tpu.memory_space<vmem>>) target(%dma_start3A_159 : memref<1048576xf32, #tpu.memory_space<vmem_shared>>) offsets(%dma_start3A_157 : memref<128xi32, #tpu.memory_space<vmem>>) semaphore(%arg15 : memref<!tpu.dma_semaphore, #tpu.memory_space<semaphore_mem>>) {add = true}
      %dma_start3A_160 = arith.constant 7 : i32
      %dma_start3A_161 = arith.constant 0 : i32
      %dma_start3A_162 = tpu.memref_slice %arg8[%dma_start3A_160, %dma_start3A_161] : memref<64x128xi32, #tpu.memory_space<vmem>> -> memref<1x128xi32, #tpu.memory_space<vmem>>
      %dma_start3A_163 = tpu.memref_squeeze %dma_start3A_162 : memref<1x128xi32, #tpu.memory_space<vmem>> -> memref<128xi32, #tpu.memory_space<vmem>>
      %dma_start3A_164 = arith.constant 0 : i32
      %dma_start3A_165 = tpu.memref_slice %arg14[%dma_start3A_164] : memref<1048576xf32, #tpu.memory_space<vmem_shared>> -> memref<1048576xf32, #tpu.memory_space<vmem_shared>>
      tpu.enqueue_indirect_dma source(%arg11 : memref<128xf32, #tpu.memory_space<vmem>>) target(%dma_start3A_165 : memref<1048576xf32, #tpu.memory_space<vmem_shared>>) offsets(%dma_start3A_163 : memref<128xi32, #tpu.memory_space<vmem>>) semaphore(%arg15 : memref<!tpu.dma_semaphore, #tpu.memory_space<semaphore_mem>>) {add = true}
      %dma_start3A_166 = arith.constant 7 : i32
      %dma_start3A_167 = arith.constant 7 : i32
      %dma_start3A_168 = arith.constant 0 : i32
      %dma_start3A_169 = tpu.memref_slice %arg10[%dma_start3A_166, %dma_start3A_168] : memref<64x128xf32, #tpu.memory_space<vmem>> -> memref<1x128xf32, #tpu.memory_space<vmem>>
      %dma_start3A_170 = tpu.memref_squeeze %dma_start3A_169 : memref<1x128xf32, #tpu.memory_space<vmem>> -> memref<128xf32, #tpu.memory_space<vmem>>
      %dma_start3A_171 = arith.constant 0 : i32
      %dma_start3A_172 = tpu.memref_slice %arg9[%dma_start3A_167, %dma_start3A_171] : memref<64x128xi32, #tpu.memory_space<vmem>> -> memref<1x128xi32, #tpu.memory_space<vmem>>
      %dma_start3A_173 = tpu.memref_squeeze %dma_start3A_172 : memref<1x128xi32, #tpu.memory_space<vmem>> -> memref<128xi32, #tpu.memory_space<vmem>>
      %dma_start3A_174 = arith.constant 0 : i32
      %dma_start3A_175 = tpu.memref_slice %arg14[%dma_start3A_174] : memref<1048576xf32, #tpu.memory_space<vmem_shared>> -> memref<1048576xf32, #tpu.memory_space<vmem_shared>>
      tpu.enqueue_indirect_dma source(%dma_start3A_170 : memref<128xf32, #tpu.memory_space<vmem>>) target(%dma_start3A_175 : memref<1048576xf32, #tpu.memory_space<vmem_shared>>) offsets(%dma_start3A_173 : memref<128xi32, #tpu.memory_space<vmem>>) semaphore(%arg15 : memref<!tpu.dma_semaphore, #tpu.memory_space<semaphore_mem>>) {add = true}
      %dma_start3A_176 = arith.constant 8 : i32
      %dma_start3A_177 = arith.constant 0 : i32
      %dma_start3A_178 = tpu.memref_slice %arg8[%dma_start3A_176, %dma_start3A_177] : memref<64x128xi32, #tpu.memory_space<vmem>> -> memref<1x128xi32, #tpu.memory_space<vmem>>
      %dma_start3A_179 = tpu.memref_squeeze %dma_start3A_178 : memref<1x128xi32, #tpu.memory_space<vmem>> -> memref<128xi32, #tpu.memory_space<vmem>>
      %dma_start3A_180 = arith.constant 0 : i32
      %dma_start3A_181 = tpu.memref_slice %arg14[%dma_start3A_180] : memref<1048576xf32, #tpu.memory_space<vmem_shared>> -> memref<1048576xf32, #tpu.memory_space<vmem_shared>>
      tpu.enqueue_indirect_dma source(%arg11 : memref<128xf32, #tpu.memory_space<vmem>>) target(%dma_start3A_181 : memref<1048576xf32, #tpu.memory_space<vmem_shared>>) offsets(%dma_start3A_179 : memref<128xi32, #tpu.memory_space<vmem>>) semaphore(%arg15 : memref<!tpu.dma_semaphore, #tpu.memory_space<semaphore_mem>>) {add = true}
      %dma_start3A_182 = arith.constant 8 : i32
      %dma_start3A_183 = arith.constant 8 : i32
      %dma_start3A_184 = arith.constant 0 : i32
      %dma_start3A_185 = tpu.memref_slice %arg10[%dma_start3A_182, %dma_start3A_184] : memref<64x128xf32, #tpu.memory_space<vmem>> -> memref<1x128xf32, #tpu.memory_space<vmem>>
      %dma_start3A_186 = tpu.memref_squeeze %dma_start3A_185 : memref<1x128xf32, #tpu.memory_space<vmem>> -> memref<128xf32, #tpu.memory_space<vmem>>
      %dma_start3A_187 = arith.constant 0 : i32
      %dma_start3A_188 = tpu.memref_slice %arg9[%dma_start3A_183, %dma_start3A_187] : memref<64x128xi32, #tpu.memory_space<vmem>> -> memref<1x128xi32, #tpu.memory_space<vmem>>
      %dma_start3A_189 = tpu.memref_squeeze %dma_start3A_188 : memref<1x128xi32, #tpu.memory_space<vmem>> -> memref<128xi32, #tpu.memory_space<vmem>>
      %dma_start3A_190 = arith.constant 0 : i32
      %dma_start3A_191 = tpu.memref_slice %arg14[%dma_start3A_190] : memref<1048576xf32, #tpu.memory_space<vmem_shared>> -> memref<1048576xf32, #tpu.memory_space<vmem_shared>>
      tpu.enqueue_indirect_dma source(%dma_start3A_186 : memref<128xf32, #tpu.memory_space<vmem>>) target(%dma_start3A_191 : memref<1048576xf32, #tpu.memory_space<vmem_shared>>) offsets(%dma_start3A_189 : memref<128xi32, #tpu.memory_space<vmem>>) semaphore(%arg15 : memref<!tpu.dma_semaphore, #tpu.memory_space<semaphore_mem>>) {add = true}
      %dma_start3A_192 = arith.constant 9 : i32
      %dma_start3A_193 = arith.constant 0 : i32
      %dma_start3A_194 = tpu.memref_slice %arg8[%dma_start3A_192, %dma_start3A_193] : memref<64x128xi32, #tpu.memory_space<vmem>> -> memref<1x128xi32, #tpu.memory_space<vmem>>
      %dma_start3A_195 = tpu.memref_squeeze %dma_start3A_194 : memref<1x128xi32, #tpu.memory_space<vmem>> -> memref<128xi32, #tpu.memory_space<vmem>>
      %dma_start3A_196 = arith.constant 0 : i32
      %dma_start3A_197 = tpu.memref_slice %arg14[%dma_start3A_196] : memref<1048576xf32, #tpu.memory_space<vmem_shared>> -> memref<1048576xf32, #tpu.memory_space<vmem_shared>>
      tpu.enqueue_indirect_dma source(%arg11 : memref<128xf32, #tpu.memory_space<vmem>>) target(%dma_start3A_197 : memref<1048576xf32, #tpu.memory_space<vmem_shared>>) offsets(%dma_start3A_195 : memref<128xi32, #tpu.memory_space<vmem>>) semaphore(%arg15 : memref<!tpu.dma_semaphore, #tpu.memory_space<semaphore_mem>>) {add = true}
      %dma_start3A_198 = arith.constant 9 : i32
      %dma_start3A_199 = arith.constant 9 : i32
      %dma_start3A_200 = arith.constant 0 : i32
      %dma_start3A_201 = tpu.memref_slice %arg10[%dma_start3A_198, %dma_start3A_200] : memref<64x128xf32, #tpu.memory_space<vmem>> -> memref<1x128xf32, #tpu.memory_space<vmem>>
      %dma_start3A_202 = tpu.memref_squeeze %dma_start3A_201 : memref<1x128xf32, #tpu.memory_space<vmem>> -> memref<128xf32, #tpu.memory_space<vmem>>
      %dma_start3A_203 = arith.constant 0 : i32
      %dma_start3A_204 = tpu.memref_slice %arg9[%dma_start3A_199, %dma_start3A_203] : memref<64x128xi32, #tpu.memory_space<vmem>> -> memref<1x128xi32, #tpu.memory_space<vmem>>
      %dma_start3A_205 = tpu.memref_squeeze %dma_start3A_204 : memref<1x128xi32, #tpu.memory_space<vmem>> -> memref<128xi32, #tpu.memory_space<vmem>>
      %dma_start3A_206 = arith.constant 0 : i32
      %dma_start3A_207 = tpu.memref_slice %arg14[%dma_start3A_206] : memref<1048576xf32, #tpu.memory_space<vmem_shared>> -> memref<1048576xf32, #tpu.memory_space<vmem_shared>>
      tpu.enqueue_indirect_dma source(%dma_start3A_202 : memref<128xf32, #tpu.memory_space<vmem>>) target(%dma_start3A_207 : memref<1048576xf32, #tpu.memory_space<vmem_shared>>) offsets(%dma_start3A_205 : memref<128xi32, #tpu.memory_space<vmem>>) semaphore(%arg15 : memref<!tpu.dma_semaphore, #tpu.memory_space<semaphore_mem>>) {add = true}
      %dma_start3A_208 = arith.constant 10 : i32
      %dma_start3A_209 = arith.constant 0 : i32
      %dma_start3A_210 = tpu.memref_slice %arg8[%dma_start3A_208, %dma_start3A_209] : memref<64x128xi32, #tpu.memory_space<vmem>> -> memref<1x128xi32, #tpu.memory_space<vmem>>
      %dma_start3A_211 = tpu.memref_squeeze %dma_start3A_210 : memref<1x128xi32, #tpu.memory_space<vmem>> -> memref<128xi32, #tpu.memory_space<vmem>>
      %dma_start3A_212 = arith.constant 0 : i32
      %dma_start3A_213 = tpu.memref_slice %arg14[%dma_start3A_212] : memref<1048576xf32, #tpu.memory_space<vmem_shared>> -> memref<1048576xf32, #tpu.memory_space<vmem_shared>>
      tpu.enqueue_indirect_dma source(%arg11 : memref<128xf32, #tpu.memory_space<vmem>>) target(%dma_start3A_213 : memref<1048576xf32, #tpu.memory_space<vmem_shared>>) offsets(%dma_start3A_211 : memref<128xi32, #tpu.memory_space<vmem>>) semaphore(%arg15 : memref<!tpu.dma_semaphore, #tpu.memory_space<semaphore_mem>>) {add = true}
      %dma_start3A_214 = arith.constant 10 : i32
      %dma_start3A_215 = arith.constant 10 : i32
      %dma_start3A_216 = arith.constant 0 : i32
      %dma_start3A_217 = tpu.memref_slice %arg10[%dma_start3A_214, %dma_start3A_216] : memref<64x128xf32, #tpu.memory_space<vmem>> -> memref<1x128xf32, #tpu.memory_space<vmem>>
      %dma_start3A_218 = tpu.memref_squeeze %dma_start3A_217 : memref<1x128xf32, #tpu.memory_space<vmem>> -> memref<128xf32, #tpu.memory_space<vmem>>
      %dma_start3A_219 = arith.constant 0 : i32
      %dma_start3A_220 = tpu.memref_slice %arg9[%dma_start3A_215, %dma_start3A_219] : memref<64x128xi32, #tpu.memory_space<vmem>> -> memref<1x128xi32, #tpu.memory_space<vmem>>
      %dma_start3A_221 = tpu.memref_squeeze %dma_start3A_220 : memref<1x128xi32, #tpu.memory_space<vmem>> -> memref<128xi32, #tpu.memory_space<vmem>>
      %dma_start3A_222 = arith.constant 0 : i32
      %dma_start3A_223 = tpu.memref_slice %arg14[%dma_start3A_222] : memref<1048576xf32, #tpu.memory_space<vmem_shared>> -> memref<1048576xf32, #tpu.memory_space<vmem_shared>>
      tpu.enqueue_indirect_dma source(%dma_start3A_218 : memref<128xf32, #tpu.memory_space<vmem>>) target(%dma_start3A_223 : memref<1048576xf32, #tpu.memory_space<vmem_shared>>) offsets(%dma_start3A_221 : memref<128xi32, #tpu.memory_space<vmem>>) semaphore(%arg15 : memref<!tpu.dma_semaphore, #tpu.memory_space<semaphore_mem>>) {add = true}
      %dma_start3A_224 = arith.constant 11 : i32
      %dma_start3A_225 = arith.constant 0 : i32
      %dma_start3A_226 = tpu.memref_slice %arg8[%dma_start3A_224, %dma_start3A_225] : memref<64x128xi32, #tpu.memory_space<vmem>> -> memref<1x128xi32, #tpu.memory_space<vmem>>
      %dma_start3A_227 = tpu.memref_squeeze %dma_start3A_226 : memref<1x128xi32, #tpu.memory_space<vmem>> -> memref<128xi32, #tpu.memory_space<vmem>>
      %dma_start3A_228 = arith.constant 0 : i32
      %dma_start3A_229 = tpu.memref_slice %arg14[%dma_start3A_228] : memref<1048576xf32, #tpu.memory_space<vmem_shared>> -> memref<1048576xf32, #tpu.memory_space<vmem_shared>>
      tpu.enqueue_indirect_dma source(%arg11 : memref<128xf32, #tpu.memory_space<vmem>>) target(%dma_start3A_229 : memref<1048576xf32, #tpu.memory_space<vmem_shared>>) offsets(%dma_start3A_227 : memref<128xi32, #tpu.memory_space<vmem>>) semaphore(%arg15 : memref<!tpu.dma_semaphore, #tpu.memory_space<semaphore_mem>>) {add = true}
      %dma_start3A_230 = arith.constant 11 : i32
      %dma_start3A_231 = arith.constant 11 : i32
      %dma_start3A_232 = arith.constant 0 : i32
      %dma_start3A_233 = tpu.memref_slice %arg10[%dma_start3A_230, %dma_start3A_232] : memref<64x128xf32, #tpu.memory_space<vmem>> -> memref<1x128xf32, #tpu.memory_space<vmem>>
      %dma_start3A_234 = tpu.memref_squeeze %dma_start3A_233 : memref<1x128xf32, #tpu.memory_space<vmem>> -> memref<128xf32, #tpu.memory_space<vmem>>
      %dma_start3A_235 = arith.constant 0 : i32
      %dma_start3A_236 = tpu.memref_slice %arg9[%dma_start3A_231, %dma_start3A_235] : memref<64x128xi32, #tpu.memory_space<vmem>> -> memref<1x128xi32, #tpu.memory_space<vmem>>
      %dma_start3A_237 = tpu.memref_squeeze %dma_start3A_236 : memref<1x128xi32, #tpu.memory_space<vmem>> -> memref<128xi32, #tpu.memory_space<vmem>>
      %dma_start3A_238 = arith.constant 0 : i32
      %dma_start3A_239 = tpu.memref_slice %arg14[%dma_start3A_238] : memref<1048576xf32, #tpu.memory_space<vmem_shared>> -> memref<1048576xf32, #tpu.memory_space<vmem_shared>>
      tpu.enqueue_indirect_dma source(%dma_start3A_234 : memref<128xf32, #tpu.memory_space<vmem>>) target(%dma_start3A_239 : memref<1048576xf32, #tpu.memory_space<vmem_shared>>) offsets(%dma_start3A_237 : memref<128xi32, #tpu.memory_space<vmem>>) semaphore(%arg15 : memref<!tpu.dma_semaphore, #tpu.memory_space<semaphore_mem>>) {add = true}
      %dma_start3A_240 = arith.constant 12 : i32
      %dma_start3A_241 = arith.constant 0 : i32
      %dma_start3A_242 = tpu.memref_slice %arg8[%dma_start3A_240, %dma_start3A_241] : memref<64x128xi32, #tpu.memory_space<vmem>> -> memref<1x128xi32, #tpu.memory_space<vmem>>
      %dma_start3A_243 = tpu.memref_squeeze %dma_start3A_242 : memref<1x128xi32, #tpu.memory_space<vmem>> -> memref<128xi32, #tpu.memory_space<vmem>>
      %dma_start3A_244 = arith.constant 0 : i32
      %dma_start3A_245 = tpu.memref_slice %arg14[%dma_start3A_244] : memref<1048576xf32, #tpu.memory_space<vmem_shared>> -> memref<1048576xf32, #tpu.memory_space<vmem_shared>>
      tpu.enqueue_indirect_dma source(%arg11 : memref<128xf32, #tpu.memory_space<vmem>>) target(%dma_start3A_245 : memref<1048576xf32, #tpu.memory_space<vmem_shared>>) offsets(%dma_start3A_243 : memref<128xi32, #tpu.memory_space<vmem>>) semaphore(%arg15 : memref<!tpu.dma_semaphore, #tpu.memory_space<semaphore_mem>>) {add = true}
      %dma_start3A_246 = arith.constant 12 : i32
      %dma_start3A_247 = arith.constant 12 : i32
      %dma_start3A_248 = arith.constant 0 : i32
      %dma_start3A_249 = tpu.memref_slice %arg10[%dma_start3A_246, %dma_start3A_248] : memref<64x128xf32, #tpu.memory_space<vmem>> -> memref<1x128xf32, #tpu.memory_space<vmem>>
      %dma_start3A_250 = tpu.memref_squeeze %dma_start3A_249 : memref<1x128xf32, #tpu.memory_space<vmem>> -> memref<128xf32, #tpu.memory_space<vmem>>
      %dma_start3A_251 = arith.constant 0 : i32
      %dma_start3A_252 = tpu.memref_slice %arg9[%dma_start3A_247, %dma_start3A_251] : memref<64x128xi32, #tpu.memory_space<vmem>> -> memref<1x128xi32, #tpu.memory_space<vmem>>
      %dma_start3A_253 = tpu.memref_squeeze %dma_start3A_252 : memref<1x128xi32, #tpu.memory_space<vmem>> -> memref<128xi32, #tpu.memory_space<vmem>>
      %dma_start3A_254 = arith.constant 0 : i32
      %dma_start3A_255 = tpu.memref_slice %arg14[%dma_start3A_254] : memref<1048576xf32, #tpu.memory_space<vmem_shared>> -> memref<1048576xf32, #tpu.memory_space<vmem_shared>>
      tpu.enqueue_indirect_dma source(%dma_start3A_250 : memref<128xf32, #tpu.memory_space<vmem>>) target(%dma_start3A_255 : memref<1048576xf32, #tpu.memory_space<vmem_shared>>) offsets(%dma_start3A_253 : memref<128xi32, #tpu.memory_space<vmem>>) semaphore(%arg15 : memref<!tpu.dma_semaphore, #tpu.memory_space<semaphore_mem>>) {add = true}
      %dma_start3A_256 = arith.constant 13 : i32
      %dma_start3A_257 = arith.constant 0 : i32
      %dma_start3A_258 = tpu.memref_slice %arg8[%dma_start3A_256, %dma_start3A_257] : memref<64x128xi32, #tpu.memory_space<vmem>> -> memref<1x128xi32, #tpu.memory_space<vmem>>
      %dma_start3A_259 = tpu.memref_squeeze %dma_start3A_258 : memref<1x128xi32, #tpu.memory_space<vmem>> -> memref<128xi32, #tpu.memory_space<vmem>>
      %dma_start3A_260 = arith.constant 0 : i32
      %dma_start3A_261 = tpu.memref_slice %arg14[%dma_start3A_260] : memref<1048576xf32, #tpu.memory_space<vmem_shared>> -> memref<1048576xf32, #tpu.memory_space<vmem_shared>>
      tpu.enqueue_indirect_dma source(%arg11 : memref<128xf32, #tpu.memory_space<vmem>>) target(%dma_start3A_261 : memref<1048576xf32, #tpu.memory_space<vmem_shared>>) offsets(%dma_start3A_259 : memref<128xi32, #tpu.memory_space<vmem>>) semaphore(%arg15 : memref<!tpu.dma_semaphore, #tpu.memory_space<semaphore_mem>>) {add = true}
      %dma_start3A_262 = arith.constant 13 : i32
      %dma_start3A_263 = arith.constant 13 : i32
      %dma_start3A_264 = arith.constant 0 : i32
      %dma_start3A_265 = tpu.memref_slice %arg10[%dma_start3A_262, %dma_start3A_264] : memref<64x128xf32, #tpu.memory_space<vmem>> -> memref<1x128xf32, #tpu.memory_space<vmem>>
      %dma_start3A_266 = tpu.memref_squeeze %dma_start3A_265 : memref<1x128xf32, #tpu.memory_space<vmem>> -> memref<128xf32, #tpu.memory_space<vmem>>
      %dma_start3A_267 = arith.constant 0 : i32
      %dma_start3A_268 = tpu.memref_slice %arg9[%dma_start3A_263, %dma_start3A_267] : memref<64x128xi32, #tpu.memory_space<vmem>> -> memref<1x128xi32, #tpu.memory_space<vmem>>
      %dma_start3A_269 = tpu.memref_squeeze %dma_start3A_268 : memref<1x128xi32, #tpu.memory_space<vmem>> -> memref<128xi32, #tpu.memory_space<vmem>>
      %dma_start3A_270 = arith.constant 0 : i32
      %dma_start3A_271 = tpu.memref_slice %arg14[%dma_start3A_270] : memref<1048576xf32, #tpu.memory_space<vmem_shared>> -> memref<1048576xf32, #tpu.memory_space<vmem_shared>>
      tpu.enqueue_indirect_dma source(%dma_start3A_266 : memref<128xf32, #tpu.memory_space<vmem>>) target(%dma_start3A_271 : memref<1048576xf32, #tpu.memory_space<vmem_shared>>) offsets(%dma_start3A_269 : memref<128xi32, #tpu.memory_space<vmem>>) semaphore(%arg15 : memref<!tpu.dma_semaphore, #tpu.memory_space<semaphore_mem>>) {add = true}
      %dma_start3A_272 = arith.constant 14 : i32
      %dma_start3A_273 = arith.constant 0 : i32
      %dma_start3A_274 = tpu.memref_slice %arg8[%dma_start3A_272, %dma_start3A_273] : memref<64x128xi32, #tpu.memory_space<vmem>> -> memref<1x128xi32, #tpu.memory_space<vmem>>
      %dma_start3A_275 = tpu.memref_squeeze %dma_start3A_274 : memref<1x128xi32, #tpu.memory_space<vmem>> -> memref<128xi32, #tpu.memory_space<vmem>>
      %dma_start3A_276 = arith.constant 0 : i32
      %dma_start3A_277 = tpu.memref_slice %arg14[%dma_start3A_276] : memref<1048576xf32, #tpu.memory_space<vmem_shared>> -> memref<1048576xf32, #tpu.memory_space<vmem_shared>>
      tpu.enqueue_indirect_dma source(%arg11 : memref<128xf32, #tpu.memory_space<vmem>>) target(%dma_start3A_277 : memref<1048576xf32, #tpu.memory_space<vmem_shared>>) offsets(%dma_start3A_275 : memref<128xi32, #tpu.memory_space<vmem>>) semaphore(%arg15 : memref<!tpu.dma_semaphore, #tpu.memory_space<semaphore_mem>>) {add = true}
      %dma_start3A_278 = arith.constant 14 : i32
      %dma_start3A_279 = arith.constant 14 : i32
      %dma_start3A_280 = arith.constant 0 : i32
      %dma_start3A_281 = tpu.memref_slice %arg10[%dma_start3A_278, %dma_start3A_280] : memref<64x128xf32, #tpu.memory_space<vmem>> -> memref<1x128xf32, #tpu.memory_space<vmem>>
      %dma_start3A_282 = tpu.memref_squeeze %dma_start3A_281 : memref<1x128xf32, #tpu.memory_space<vmem>> -> memref<128xf32, #tpu.memory_space<vmem>>
      %dma_start3A_283 = arith.constant 0 : i32
      %dma_start3A_284 = tpu.memref_slice %arg9[%dma_start3A_279, %dma_start3A_283] : memref<64x128xi32, #tpu.memory_space<vmem>> -> memref<1x128xi32, #tpu.memory_space<vmem>>
      %dma_start3A_285 = tpu.memref_squeeze %dma_start3A_284 : memref<1x128xi32, #tpu.memory_space<vmem>> -> memref<128xi32, #tpu.memory_space<vmem>>
      %dma_start3A_286 = arith.constant 0 : i32
      %dma_start3A_287 = tpu.memref_slice %arg14[%dma_start3A_286] : memref<1048576xf32, #tpu.memory_space<vmem_shared>> -> memref<1048576xf32, #tpu.memory_space<vmem_shared>>
      tpu.enqueue_indirect_dma source(%dma_start3A_282 : memref<128xf32, #tpu.memory_space<vmem>>) target(%dma_start3A_287 : memref<1048576xf32, #tpu.memory_space<vmem_shared>>) offsets(%dma_start3A_285 : memref<128xi32, #tpu.memory_space<vmem>>) semaphore(%arg15 : memref<!tpu.dma_semaphore, #tpu.memory_space<semaphore_mem>>) {add = true}
      %dma_start3A_288 = arith.constant 15 : i32
      %dma_start3A_289 = arith.constant 0 : i32
      %dma_start3A_290 = tpu.memref_slice %arg8[%dma_start3A_288, %dma_start3A_289] : memref<64x128xi32, #tpu.memory_space<vmem>> -> memref<1x128xi32, #tpu.memory_space<vmem>>
      %dma_start3A_291 = tpu.memref_squeeze %dma_start3A_290 : memref<1x128xi32, #tpu.memory_space<vmem>> -> memref<128xi32, #tpu.memory_space<vmem>>
      %dma_start3A_292 = arith.constant 0 : i32
      %dma_start3A_293 = tpu.memref_slice %arg14[%dma_start3A_292] : memref<1048576xf32, #tpu.memory_space<vmem_shared>> -> memref<1048576xf32, #tpu.memory_space<vmem_shared>>
      tpu.enqueue_indirect_dma source(%arg11 : memref<128xf32, #tpu.memory_space<vmem>>) target(%dma_start3A_293 : memref<1048576xf32, #tpu.memory_space<vmem_shared>>) offsets(%dma_start3A_291 : memref<128xi32, #tpu.memory_space<vmem>>) semaphore(%arg15 : memref<!tpu.dma_semaphore, #tpu.memory_space<semaphore_mem>>) {add = true}
      %dma_start3A_294 = arith.constant 15 : i32
      %dma_start3A_295 = arith.constant 15 : i32
      %dma_start3A_296 = arith.constant 0 : i32
      %dma_start3A_297 = tpu.memref_slice %arg10[%dma_start3A_294, %dma_start3A_296] : memref<64x128xf32, #tpu.memory_space<vmem>> -> memref<1x128xf32, #tpu.memory_space<vmem>>
      %dma_start3A_298 = tpu.memref_squeeze %dma_start3A_297 : memref<1x128xf32, #tpu.memory_space<vmem>> -> memref<128xf32, #tpu.memory_space<vmem>>
      %dma_start3A_299 = arith.constant 0 : i32
      %dma_start3A_300 = tpu.memref_slice %arg9[%dma_start3A_295, %dma_start3A_299] : memref<64x128xi32, #tpu.memory_space<vmem>> -> memref<1x128xi32, #tpu.memory_space<vmem>>
      %dma_start3A_301 = tpu.memref_squeeze %dma_start3A_300 : memref<1x128xi32, #tpu.memory_space<vmem>> -> memref<128xi32, #tpu.memory_space<vmem>>
      %dma_start3A_302 = arith.constant 0 : i32
      %dma_start3A_303 = tpu.memref_slice %arg14[%dma_start3A_302] : memref<1048576xf32, #tpu.memory_space<vmem_shared>> -> memref<1048576xf32, #tpu.memory_space<vmem_shared>>
      tpu.enqueue_indirect_dma source(%dma_start3A_298 : memref<128xf32, #tpu.memory_space<vmem>>) target(%dma_start3A_303 : memref<1048576xf32, #tpu.memory_space<vmem_shared>>) offsets(%dma_start3A_301 : memref<128xi32, #tpu.memory_space<vmem>>) semaphore(%arg15 : memref<!tpu.dma_semaphore, #tpu.memory_space<semaphore_mem>>) {add = true}
      %dma_wait3A = arith.constant 0 : i32
      %dma_wait3A_304 = arith.constant 0 : i32
      %dma_wait3A_305 = tpu.memref_slice %arg8[%dma_wait3A, %dma_wait3A_304] : memref<64x128xi32, #tpu.memory_space<vmem>> -> memref<1x128xi32, #tpu.memory_space<vmem>>
      %dma_wait3A_306 = tpu.memref_squeeze %dma_wait3A_305 : memref<1x128xi32, #tpu.memory_space<vmem>> -> memref<128xi32, #tpu.memory_space<vmem>>
      %dma_wait3A_307 = arith.constant 0 : i32
      %dma_wait3A_308 = tpu.memref_slice %arg14[%dma_wait3A_307] : memref<1048576xf32, #tpu.memory_space<vmem_shared>> -> memref<1048576xf32, #tpu.memory_space<vmem_shared>>
      tpu.wait_indirect_dma semaphore(%arg15 : memref<!tpu.dma_semaphore, #tpu.memory_space<semaphore_mem>>) src(%arg11 : memref<128xf32, #tpu.memory_space<vmem>>) dst(%dma_wait3A_308 : memref<1048576xf32, #tpu.memory_space<vmem_shared>>)
      %dma_wait3A_309 = arith.constant 0 : i32
      %dma_wait3A_310 = arith.constant 0 : i32
      %dma_wait3A_311 = arith.constant 0 : i32
      %dma_wait3A_312 = tpu.memref_slice %arg10[%dma_wait3A_309, %dma_wait3A_311] : memref<64x128xf32, #tpu.memory_space<vmem>> -> memref<1x128xf32, #tpu.memory_space<vmem>>
      %dma_wait3A_313 = tpu.memref_squeeze %dma_wait3A_312 : memref<1x128xf32, #tpu.memory_space<vmem>> -> memref<128xf32, #tpu.memory_space<vmem>>
      %dma_wait3A_314 = arith.constant 0 : i32
      %dma_wait3A_315 = tpu.memref_slice %arg9[%dma_wait3A_310, %dma_wait3A_314] : memref<64x128xi32, #tpu.memory_space<vmem>> -> memref<1x128xi32, #tpu.memory_space<vmem>>
      %dma_wait3A_316 = tpu.memref_squeeze %dma_wait3A_315 : memref<1x128xi32, #tpu.memory_space<vmem>> -> memref<128xi32, #tpu.memory_space<vmem>>
      %dma_wait3A_317 = arith.constant 0 : i32
      %dma_wait3A_318 = tpu.memref_slice %arg14[%dma_wait3A_317] : memref<1048576xf32, #tpu.memory_space<vmem_shared>> -> memref<1048576xf32, #tpu.memory_space<vmem_shared>>
      tpu.wait_indirect_dma semaphore(%arg15 : memref<!tpu.dma_semaphore, #tpu.memory_space<semaphore_mem>>) src(%dma_wait3A_313 : memref<128xf32, #tpu.memory_space<vmem>>) dst(%dma_wait3A_318 : memref<1048576xf32, #tpu.memory_space<vmem_shared>>)
      %dma_wait3A_319 = arith.constant 1 : i32
      %dma_wait3A_320 = arith.constant 0 : i32
      %dma_wait3A_321 = tpu.memref_slice %arg8[%dma_wait3A_319, %dma_wait3A_320] : memref<64x128xi32, #tpu.memory_space<vmem>> -> memref<1x128xi32, #tpu.memory_space<vmem>>
      %dma_wait3A_322 = tpu.memref_squeeze %dma_wait3A_321 : memref<1x128xi32, #tpu.memory_space<vmem>> -> memref<128xi32, #tpu.memory_space<vmem>>
      %dma_wait3A_323 = arith.constant 0 : i32
      %dma_wait3A_324 = tpu.memref_slice %arg14[%dma_wait3A_323] : memref<1048576xf32, #tpu.memory_space<vmem_shared>> -> memref<1048576xf32, #tpu.memory_space<vmem_shared>>
      tpu.wait_indirect_dma semaphore(%arg15 : memref<!tpu.dma_semaphore, #tpu.memory_space<semaphore_mem>>) src(%arg11 : memref<128xf32, #tpu.memory_space<vmem>>) dst(%dma_wait3A_324 : memref<1048576xf32, #tpu.memory_space<vmem_shared>>)
      %dma_wait3A_325 = arith.constant 1 : i32
      %dma_wait3A_326 = arith.constant 1 : i32
      %dma_wait3A_327 = arith.constant 0 : i32
      %dma_wait3A_328 = tpu.memref_slice %arg10[%dma_wait3A_325, %dma_wait3A_327] : memref<64x128xf32, #tpu.memory_space<vmem>> -> memref<1x128xf32, #tpu.memory_space<vmem>>
      %dma_wait3A_329 = tpu.memref_squeeze %dma_wait3A_328 : memref<1x128xf32, #tpu.memory_space<vmem>> -> memref<128xf32, #tpu.memory_space<vmem>>
      %dma_wait3A_330 = arith.constant 0 : i32
      %dma_wait3A_331 = tpu.memref_slice %arg9[%dma_wait3A_326, %dma_wait3A_330] : memref<64x128xi32, #tpu.memory_space<vmem>> -> memref<1x128xi32, #tpu.memory_space<vmem>>
      %dma_wait3A_332 = tpu.memref_squeeze %dma_wait3A_331 : memref<1x128xi32, #tpu.memory_space<vmem>> -> memref<128xi32, #tpu.memory_space<vmem>>
      %dma_wait3A_333 = arith.constant 0 : i32
      %dma_wait3A_334 = tpu.memref_slice %arg14[%dma_wait3A_333] : memref<1048576xf32, #tpu.memory_space<vmem_shared>> -> memref<1048576xf32, #tpu.memory_space<vmem_shared>>
      tpu.wait_indirect_dma semaphore(%arg15 : memref<!tpu.dma_semaphore, #tpu.memory_space<semaphore_mem>>) src(%dma_wait3A_329 : memref<128xf32, #tpu.memory_space<vmem>>) dst(%dma_wait3A_334 : memref<1048576xf32, #tpu.memory_space<vmem_shared>>)
      %dma_wait3A_335 = arith.constant 2 : i32
      %dma_wait3A_336 = arith.constant 0 : i32
      %dma_wait3A_337 = tpu.memref_slice %arg8[%dma_wait3A_335, %dma_wait3A_336] : memref<64x128xi32, #tpu.memory_space<vmem>> -> memref<1x128xi32, #tpu.memory_space<vmem>>
      %dma_wait3A_338 = tpu.memref_squeeze %dma_wait3A_337 : memref<1x128xi32, #tpu.memory_space<vmem>> -> memref<128xi32, #tpu.memory_space<vmem>>
      %dma_wait3A_339 = arith.constant 0 : i32
      %dma_wait3A_340 = tpu.memref_slice %arg14[%dma_wait3A_339] : memref<1048576xf32, #tpu.memory_space<vmem_shared>> -> memref<1048576xf32, #tpu.memory_space<vmem_shared>>
      tpu.wait_indirect_dma semaphore(%arg15 : memref<!tpu.dma_semaphore, #tpu.memory_space<semaphore_mem>>) src(%arg11 : memref<128xf32, #tpu.memory_space<vmem>>) dst(%dma_wait3A_340 : memref<1048576xf32, #tpu.memory_space<vmem_shared>>)
      %dma_wait3A_341 = arith.constant 2 : i32
      %dma_wait3A_342 = arith.constant 2 : i32
      %dma_wait3A_343 = arith.constant 0 : i32
      %dma_wait3A_344 = tpu.memref_slice %arg10[%dma_wait3A_341, %dma_wait3A_343] : memref<64x128xf32, #tpu.memory_space<vmem>> -> memref<1x128xf32, #tpu.memory_space<vmem>>
      %dma_wait3A_345 = tpu.memref_squeeze %dma_wait3A_344 : memref<1x128xf32, #tpu.memory_space<vmem>> -> memref<128xf32, #tpu.memory_space<vmem>>
      %dma_wait3A_346 = arith.constant 0 : i32
      %dma_wait3A_347 = tpu.memref_slice %arg9[%dma_wait3A_342, %dma_wait3A_346] : memref<64x128xi32, #tpu.memory_space<vmem>> -> memref<1x128xi32, #tpu.memory_space<vmem>>
      %dma_wait3A_348 = tpu.memref_squeeze %dma_wait3A_347 : memref<1x128xi32, #tpu.memory_space<vmem>> -> memref<128xi32, #tpu.memory_space<vmem>>
      %dma_wait3A_349 = arith.constant 0 : i32
      %dma_wait3A_350 = tpu.memref_slice %arg14[%dma_wait3A_349] : memref<1048576xf32, #tpu.memory_space<vmem_shared>> -> memref<1048576xf32, #tpu.memory_space<vmem_shared>>
      tpu.wait_indirect_dma semaphore(%arg15 : memref<!tpu.dma_semaphore, #tpu.memory_space<semaphore_mem>>) src(%dma_wait3A_345 : memref<128xf32, #tpu.memory_space<vmem>>) dst(%dma_wait3A_350 : memref<1048576xf32, #tpu.memory_space<vmem_shared>>)
      %dma_wait3A_351 = arith.constant 3 : i32
      %dma_wait3A_352 = arith.constant 0 : i32
      %dma_wait3A_353 = tpu.memref_slice %arg8[%dma_wait3A_351, %dma_wait3A_352] : memref<64x128xi32, #tpu.memory_space<vmem>> -> memref<1x128xi32, #tpu.memory_space<vmem>>
      %dma_wait3A_354 = tpu.memref_squeeze %dma_wait3A_353 : memref<1x128xi32, #tpu.memory_space<vmem>> -> memref<128xi32, #tpu.memory_space<vmem>>
      %dma_wait3A_355 = arith.constant 0 : i32
      %dma_wait3A_356 = tpu.memref_slice %arg14[%dma_wait3A_355] : memref<1048576xf32, #tpu.memory_space<vmem_shared>> -> memref<1048576xf32, #tpu.memory_space<vmem_shared>>
      tpu.wait_indirect_dma semaphore(%arg15 : memref<!tpu.dma_semaphore, #tpu.memory_space<semaphore_mem>>) src(%arg11 : memref<128xf32, #tpu.memory_space<vmem>>) dst(%dma_wait3A_356 : memref<1048576xf32, #tpu.memory_space<vmem_shared>>)
      %dma_wait3A_357 = arith.constant 3 : i32
      %dma_wait3A_358 = arith.constant 3 : i32
      %dma_wait3A_359 = arith.constant 0 : i32
      %dma_wait3A_360 = tpu.memref_slice %arg10[%dma_wait3A_357, %dma_wait3A_359] : memref<64x128xf32, #tpu.memory_space<vmem>> -> memref<1x128xf32, #tpu.memory_space<vmem>>
      %dma_wait3A_361 = tpu.memref_squeeze %dma_wait3A_360 : memref<1x128xf32, #tpu.memory_space<vmem>> -> memref<128xf32, #tpu.memory_space<vmem>>
      %dma_wait3A_362 = arith.constant 0 : i32
      %dma_wait3A_363 = tpu.memref_slice %arg9[%dma_wait3A_358, %dma_wait3A_362] : memref<64x128xi32, #tpu.memory_space<vmem>> -> memref<1x128xi32, #tpu.memory_space<vmem>>
      %dma_wait3A_364 = tpu.memref_squeeze %dma_wait3A_363 : memref<1x128xi32, #tpu.memory_space<vmem>> -> memref<128xi32, #tpu.memory_space<vmem>>
      %dma_wait3A_365 = arith.constant 0 : i32
      %dma_wait3A_366 = tpu.memref_slice %arg14[%dma_wait3A_365] : memref<1048576xf32, #tpu.memory_space<vmem_shared>> -> memref<1048576xf32, #tpu.memory_space<vmem_shared>>
      tpu.wait_indirect_dma semaphore(%arg15 : memref<!tpu.dma_semaphore, #tpu.memory_space<semaphore_mem>>) src(%dma_wait3A_361 : memref<128xf32, #tpu.memory_space<vmem>>) dst(%dma_wait3A_366 : memref<1048576xf32, #tpu.memory_space<vmem_shared>>)
      %dma_wait3A_367 = arith.constant 4 : i32
      %dma_wait3A_368 = arith.constant 0 : i32
      %dma_wait3A_369 = tpu.memref_slice %arg8[%dma_wait3A_367, %dma_wait3A_368] : memref<64x128xi32, #tpu.memory_space<vmem>> -> memref<1x128xi32, #tpu.memory_space<vmem>>
      %dma_wait3A_370 = tpu.memref_squeeze %dma_wait3A_369 : memref<1x128xi32, #tpu.memory_space<vmem>> -> memref<128xi32, #tpu.memory_space<vmem>>
      %dma_wait3A_371 = arith.constant 0 : i32
      %dma_wait3A_372 = tpu.memref_slice %arg14[%dma_wait3A_371] : memref<1048576xf32, #tpu.memory_space<vmem_shared>> -> memref<1048576xf32, #tpu.memory_space<vmem_shared>>
      tpu.wait_indirect_dma semaphore(%arg15 : memref<!tpu.dma_semaphore, #tpu.memory_space<semaphore_mem>>) src(%arg11 : memref<128xf32, #tpu.memory_space<vmem>>) dst(%dma_wait3A_372 : memref<1048576xf32, #tpu.memory_space<vmem_shared>>)
      %dma_wait3A_373 = arith.constant 4 : i32
      %dma_wait3A_374 = arith.constant 4 : i32
      %dma_wait3A_375 = arith.constant 0 : i32
      %dma_wait3A_376 = tpu.memref_slice %arg10[%dma_wait3A_373, %dma_wait3A_375] : memref<64x128xf32, #tpu.memory_space<vmem>> -> memref<1x128xf32, #tpu.memory_space<vmem>>
      %dma_wait3A_377 = tpu.memref_squeeze %dma_wait3A_376 : memref<1x128xf32, #tpu.memory_space<vmem>> -> memref<128xf32, #tpu.memory_space<vmem>>
      %dma_wait3A_378 = arith.constant 0 : i32
      %dma_wait3A_379 = tpu.memref_slice %arg9[%dma_wait3A_374, %dma_wait3A_378] : memref<64x128xi32, #tpu.memory_space<vmem>> -> memref<1x128xi32, #tpu.memory_space<vmem>>
      %dma_wait3A_380 = tpu.memref_squeeze %dma_wait3A_379 : memref<1x128xi32, #tpu.memory_space<vmem>> -> memref<128xi32, #tpu.memory_space<vmem>>
      %dma_wait3A_381 = arith.constant 0 : i32
      %dma_wait3A_382 = tpu.memref_slice %arg14[%dma_wait3A_381] : memref<1048576xf32, #tpu.memory_space<vmem_shared>> -> memref<1048576xf32, #tpu.memory_space<vmem_shared>>
      tpu.wait_indirect_dma semaphore(%arg15 : memref<!tpu.dma_semaphore, #tpu.memory_space<semaphore_mem>>) src(%dma_wait3A_377 : memref<128xf32, #tpu.memory_space<vmem>>) dst(%dma_wait3A_382 : memref<1048576xf32, #tpu.memory_space<vmem_shared>>)
      %dma_wait3A_383 = arith.constant 5 : i32
      %dma_wait3A_384 = arith.constant 0 : i32
      %dma_wait3A_385 = tpu.memref_slice %arg8[%dma_wait3A_383, %dma_wait3A_384] : memref<64x128xi32, #tpu.memory_space<vmem>> -> memref<1x128xi32, #tpu.memory_space<vmem>>
      %dma_wait3A_386 = tpu.memref_squeeze %dma_wait3A_385 : memref<1x128xi32, #tpu.memory_space<vmem>> -> memref<128xi32, #tpu.memory_space<vmem>>
      %dma_wait3A_387 = arith.constant 0 : i32
      %dma_wait3A_388 = tpu.memref_slice %arg14[%dma_wait3A_387] : memref<1048576xf32, #tpu.memory_space<vmem_shared>> -> memref<1048576xf32, #tpu.memory_space<vmem_shared>>
      tpu.wait_indirect_dma semaphore(%arg15 : memref<!tpu.dma_semaphore, #tpu.memory_space<semaphore_mem>>) src(%arg11 : memref<128xf32, #tpu.memory_space<vmem>>) dst(%dma_wait3A_388 : memref<1048576xf32, #tpu.memory_space<vmem_shared>>)
      %dma_wait3A_389 = arith.constant 5 : i32
      %dma_wait3A_390 = arith.constant 5 : i32
      %dma_wait3A_391 = arith.constant 0 : i32
      %dma_wait3A_392 = tpu.memref_slice %arg10[%dma_wait3A_389, %dma_wait3A_391] : memref<64x128xf32, #tpu.memory_space<vmem>> -> memref<1x128xf32, #tpu.memory_space<vmem>>
      %dma_wait3A_393 = tpu.memref_squeeze %dma_wait3A_392 : memref<1x128xf32, #tpu.memory_space<vmem>> -> memref<128xf32, #tpu.memory_space<vmem>>
      %dma_wait3A_394 = arith.constant 0 : i32
      %dma_wait3A_395 = tpu.memref_slice %arg9[%dma_wait3A_390, %dma_wait3A_394] : memref<64x128xi32, #tpu.memory_space<vmem>> -> memref<1x128xi32, #tpu.memory_space<vmem>>
      %dma_wait3A_396 = tpu.memref_squeeze %dma_wait3A_395 : memref<1x128xi32, #tpu.memory_space<vmem>> -> memref<128xi32, #tpu.memory_space<vmem>>
      %dma_wait3A_397 = arith.constant 0 : i32
      %dma_wait3A_398 = tpu.memref_slice %arg14[%dma_wait3A_397] : memref<1048576xf32, #tpu.memory_space<vmem_shared>> -> memref<1048576xf32, #tpu.memory_space<vmem_shared>>
      tpu.wait_indirect_dma semaphore(%arg15 : memref<!tpu.dma_semaphore, #tpu.memory_space<semaphore_mem>>) src(%dma_wait3A_393 : memref<128xf32, #tpu.memory_space<vmem>>) dst(%dma_wait3A_398 : memref<1048576xf32, #tpu.memory_space<vmem_shared>>)
      %dma_wait3A_399 = arith.constant 6 : i32
      %dma_wait3A_400 = arith.constant 0 : i32
      %dma_wait3A_401 = tpu.memref_slice %arg8[%dma_wait3A_399, %dma_wait3A_400] : memref<64x128xi32, #tpu.memory_space<vmem>> -> memref<1x128xi32, #tpu.memory_space<vmem>>
      %dma_wait3A_402 = tpu.memref_squeeze %dma_wait3A_401 : memref<1x128xi32, #tpu.memory_space<vmem>> -> memref<128xi32, #tpu.memory_space<vmem>>
      %dma_wait3A_403 = arith.constant 0 : i32
      %dma_wait3A_404 = tpu.memref_slice %arg14[%dma_wait3A_403] : memref<1048576xf32, #tpu.memory_space<vmem_shared>> -> memref<1048576xf32, #tpu.memory_space<vmem_shared>>
      tpu.wait_indirect_dma semaphore(%arg15 : memref<!tpu.dma_semaphore, #tpu.memory_space<semaphore_mem>>) src(%arg11 : memref<128xf32, #tpu.memory_space<vmem>>) dst(%dma_wait3A_404 : memref<1048576xf32, #tpu.memory_space<vmem_shared>>)
      %dma_wait3A_405 = arith.constant 6 : i32
      %dma_wait3A_406 = arith.constant 6 : i32
      %dma_wait3A_407 = arith.constant 0 : i32
      %dma_wait3A_408 = tpu.memref_slice %arg10[%dma_wait3A_405, %dma_wait3A_407] : memref<64x128xf32, #tpu.memory_space<vmem>> -> memref<1x128xf32, #tpu.memory_space<vmem>>
      %dma_wait3A_409 = tpu.memref_squeeze %dma_wait3A_408 : memref<1x128xf32, #tpu.memory_space<vmem>> -> memref<128xf32, #tpu.memory_space<vmem>>
      %dma_wait3A_410 = arith.constant 0 : i32
      %dma_wait3A_411 = tpu.memref_slice %arg9[%dma_wait3A_406, %dma_wait3A_410] : memref<64x128xi32, #tpu.memory_space<vmem>> -> memref<1x128xi32, #tpu.memory_space<vmem>>
      %dma_wait3A_412 = tpu.memref_squeeze %dma_wait3A_411 : memref<1x128xi32, #tpu.memory_space<vmem>> -> memref<128xi32, #tpu.memory_space<vmem>>
      %dma_wait3A_413 = arith.constant 0 : i32
      %dma_wait3A_414 = tpu.memref_slice %arg14[%dma_wait3A_413] : memref<1048576xf32, #tpu.memory_space<vmem_shared>> -> memref<1048576xf32, #tpu.memory_space<vmem_shared>>
      tpu.wait_indirect_dma semaphore(%arg15 : memref<!tpu.dma_semaphore, #tpu.memory_space<semaphore_mem>>) src(%dma_wait3A_409 : memref<128xf32, #tpu.memory_space<vmem>>) dst(%dma_wait3A_414 : memref<1048576xf32, #tpu.memory_space<vmem_shared>>)
      %dma_wait3A_415 = arith.constant 7 : i32
      %dma_wait3A_416 = arith.constant 0 : i32
      %dma_wait3A_417 = tpu.memref_slice %arg8[%dma_wait3A_415, %dma_wait3A_416] : memref<64x128xi32, #tpu.memory_space<vmem>> -> memref<1x128xi32, #tpu.memory_space<vmem>>
      %dma_wait3A_418 = tpu.memref_squeeze %dma_wait3A_417 : memref<1x128xi32, #tpu.memory_space<vmem>> -> memref<128xi32, #tpu.memory_space<vmem>>
      %dma_wait3A_419 = arith.constant 0 : i32
      %dma_wait3A_420 = tpu.memref_slice %arg14[%dma_wait3A_419] : memref<1048576xf32, #tpu.memory_space<vmem_shared>> -> memref<1048576xf32, #tpu.memory_space<vmem_shared>>
      tpu.wait_indirect_dma semaphore(%arg15 : memref<!tpu.dma_semaphore, #tpu.memory_space<semaphore_mem>>) src(%arg11 : memref<128xf32, #tpu.memory_space<vmem>>) dst(%dma_wait3A_420 : memref<1048576xf32, #tpu.memory_space<vmem_shared>>)
      %dma_wait3A_421 = arith.constant 7 : i32
      %dma_wait3A_422 = arith.constant 7 : i32
      %dma_wait3A_423 = arith.constant 0 : i32
      %dma_wait3A_424 = tpu.memref_slice %arg10[%dma_wait3A_421, %dma_wait3A_423] : memref<64x128xf32, #tpu.memory_space<vmem>> -> memref<1x128xf32, #tpu.memory_space<vmem>>
      %dma_wait3A_425 = tpu.memref_squeeze %dma_wait3A_424 : memref<1x128xf32, #tpu.memory_space<vmem>> -> memref<128xf32, #tpu.memory_space<vmem>>
      %dma_wait3A_426 = arith.constant 0 : i32
      %dma_wait3A_427 = tpu.memref_slice %arg9[%dma_wait3A_422, %dma_wait3A_426] : memref<64x128xi32, #tpu.memory_space<vmem>> -> memref<1x128xi32, #tpu.memory_space<vmem>>
      %dma_wait3A_428 = tpu.memref_squeeze %dma_wait3A_427 : memref<1x128xi32, #tpu.memory_space<vmem>> -> memref<128xi32, #tpu.memory_space<vmem>>
      %dma_wait3A_429 = arith.constant 0 : i32
      %dma_wait3A_430 = tpu.memref_slice %arg14[%dma_wait3A_429] : memref<1048576xf32, #tpu.memory_space<vmem_shared>> -> memref<1048576xf32, #tpu.memory_space<vmem_shared>>
      tpu.wait_indirect_dma semaphore(%arg15 : memref<!tpu.dma_semaphore, #tpu.memory_space<semaphore_mem>>) src(%dma_wait3A_425 : memref<128xf32, #tpu.memory_space<vmem>>) dst(%dma_wait3A_430 : memref<1048576xf32, #tpu.memory_space<vmem_shared>>)
      %dma_wait3A_431 = arith.constant 8 : i32
      %dma_wait3A_432 = arith.constant 0 : i32
      %dma_wait3A_433 = tpu.memref_slice %arg8[%dma_wait3A_431, %dma_wait3A_432] : memref<64x128xi32, #tpu.memory_space<vmem>> -> memref<1x128xi32, #tpu.memory_space<vmem>>
      %dma_wait3A_434 = tpu.memref_squeeze %dma_wait3A_433 : memref<1x128xi32, #tpu.memory_space<vmem>> -> memref<128xi32, #tpu.memory_space<vmem>>
      %dma_wait3A_435 = arith.constant 0 : i32
      %dma_wait3A_436 = tpu.memref_slice %arg14[%dma_wait3A_435] : memref<1048576xf32, #tpu.memory_space<vmem_shared>> -> memref<1048576xf32, #tpu.memory_space<vmem_shared>>
      tpu.wait_indirect_dma semaphore(%arg15 : memref<!tpu.dma_semaphore, #tpu.memory_space<semaphore_mem>>) src(%arg11 : memref<128xf32, #tpu.memory_space<vmem>>) dst(%dma_wait3A_436 : memref<1048576xf32, #tpu.memory_space<vmem_shared>>)
      %dma_wait3A_437 = arith.constant 8 : i32
      %dma_wait3A_438 = arith.constant 8 : i32
      %dma_wait3A_439 = arith.constant 0 : i32
      %dma_wait3A_440 = tpu.memref_slice %arg10[%dma_wait3A_437, %dma_wait3A_439] : memref<64x128xf32, #tpu.memory_space<vmem>> -> memref<1x128xf32, #tpu.memory_space<vmem>>
      %dma_wait3A_441 = tpu.memref_squeeze %dma_wait3A_440 : memref<1x128xf32, #tpu.memory_space<vmem>> -> memref<128xf32, #tpu.memory_space<vmem>>
      %dma_wait3A_442 = arith.constant 0 : i32
      %dma_wait3A_443 = tpu.memref_slice %arg9[%dma_wait3A_438, %dma_wait3A_442] : memref<64x128xi32, #tpu.memory_space<vmem>> -> memref<1x128xi32, #tpu.memory_space<vmem>>
      %dma_wait3A_444 = tpu.memref_squeeze %dma_wait3A_443 : memref<1x128xi32, #tpu.memory_space<vmem>> -> memref<128xi32, #tpu.memory_space<vmem>>
      %dma_wait3A_445 = arith.constant 0 : i32
      %dma_wait3A_446 = tpu.memref_slice %arg14[%dma_wait3A_445] : memref<1048576xf32, #tpu.memory_space<vmem_shared>> -> memref<1048576xf32, #tpu.memory_space<vmem_shared>>
      tpu.wait_indirect_dma semaphore(%arg15 : memref<!tpu.dma_semaphore, #tpu.memory_space<semaphore_mem>>) src(%dma_wait3A_441 : memref<128xf32, #tpu.memory_space<vmem>>) dst(%dma_wait3A_446 : memref<1048576xf32, #tpu.memory_space<vmem_shared>>)
      %dma_wait3A_447 = arith.constant 9 : i32
      %dma_wait3A_448 = arith.constant 0 : i32
      %dma_wait3A_449 = tpu.memref_slice %arg8[%dma_wait3A_447, %dma_wait3A_448] : memref<64x128xi32, #tpu.memory_space<vmem>> -> memref<1x128xi32, #tpu.memory_space<vmem>>
      %dma_wait3A_450 = tpu.memref_squeeze %dma_wait3A_449 : memref<1x128xi32, #tpu.memory_space<vmem>> -> memref<128xi32, #tpu.memory_space<vmem>>
      %dma_wait3A_451 = arith.constant 0 : i32
      %dma_wait3A_452 = tpu.memref_slice %arg14[%dma_wait3A_451] : memref<1048576xf32, #tpu.memory_space<vmem_shared>> -> memref<1048576xf32, #tpu.memory_space<vmem_shared>>
      tpu.wait_indirect_dma semaphore(%arg15 : memref<!tpu.dma_semaphore, #tpu.memory_space<semaphore_mem>>) src(%arg11 : memref<128xf32, #tpu.memory_space<vmem>>) dst(%dma_wait3A_452 : memref<1048576xf32, #tpu.memory_space<vmem_shared>>)
      %dma_wait3A_453 = arith.constant 9 : i32
      %dma_wait3A_454 = arith.constant 9 : i32
      %dma_wait3A_455 = arith.constant 0 : i32
      %dma_wait3A_456 = tpu.memref_slice %arg10[%dma_wait3A_453, %dma_wait3A_455] : memref<64x128xf32, #tpu.memory_space<vmem>> -> memref<1x128xf32, #tpu.memory_space<vmem>>
      %dma_wait3A_457 = tpu.memref_squeeze %dma_wait3A_456 : memref<1x128xf32, #tpu.memory_space<vmem>> -> memref<128xf32, #tpu.memory_space<vmem>>
      %dma_wait3A_458 = arith.constant 0 : i32
      %dma_wait3A_459 = tpu.memref_slice %arg9[%dma_wait3A_454, %dma_wait3A_458] : memref<64x128xi32, #tpu.memory_space<vmem>> -> memref<1x128xi32, #tpu.memory_space<vmem>>
      %dma_wait3A_460 = tpu.memref_squeeze %dma_wait3A_459 : memref<1x128xi32, #tpu.memory_space<vmem>> -> memref<128xi32, #tpu.memory_space<vmem>>
      %dma_wait3A_461 = arith.constant 0 : i32
      %dma_wait3A_462 = tpu.memref_slice %arg14[%dma_wait3A_461] : memref<1048576xf32, #tpu.memory_space<vmem_shared>> -> memref<1048576xf32, #tpu.memory_space<vmem_shared>>
      tpu.wait_indirect_dma semaphore(%arg15 : memref<!tpu.dma_semaphore, #tpu.memory_space<semaphore_mem>>) src(%dma_wait3A_457 : memref<128xf32, #tpu.memory_space<vmem>>) dst(%dma_wait3A_462 : memref<1048576xf32, #tpu.memory_space<vmem_shared>>)
      %dma_wait3A_463 = arith.constant 10 : i32
      %dma_wait3A_464 = arith.constant 0 : i32
      %dma_wait3A_465 = tpu.memref_slice %arg8[%dma_wait3A_463, %dma_wait3A_464] : memref<64x128xi32, #tpu.memory_space<vmem>> -> memref<1x128xi32, #tpu.memory_space<vmem>>
      %dma_wait3A_466 = tpu.memref_squeeze %dma_wait3A_465 : memref<1x128xi32, #tpu.memory_space<vmem>> -> memref<128xi32, #tpu.memory_space<vmem>>
      %dma_wait3A_467 = arith.constant 0 : i32
      %dma_wait3A_468 = tpu.memref_slice %arg14[%dma_wait3A_467] : memref<1048576xf32, #tpu.memory_space<vmem_shared>> -> memref<1048576xf32, #tpu.memory_space<vmem_shared>>
      tpu.wait_indirect_dma semaphore(%arg15 : memref<!tpu.dma_semaphore, #tpu.memory_space<semaphore_mem>>) src(%arg11 : memref<128xf32, #tpu.memory_space<vmem>>) dst(%dma_wait3A_468 : memref<1048576xf32, #tpu.memory_space<vmem_shared>>)
      %dma_wait3A_469 = arith.constant 10 : i32
      %dma_wait3A_470 = arith.constant 10 : i32
      %dma_wait3A_471 = arith.constant 0 : i32
      %dma_wait3A_472 = tpu.memref_slice %arg10[%dma_wait3A_469, %dma_wait3A_471] : memref<64x128xf32, #tpu.memory_space<vmem>> -> memref<1x128xf32, #tpu.memory_space<vmem>>
      %dma_wait3A_473 = tpu.memref_squeeze %dma_wait3A_472 : memref<1x128xf32, #tpu.memory_space<vmem>> -> memref<128xf32, #tpu.memory_space<vmem>>
      %dma_wait3A_474 = arith.constant 0 : i32
      %dma_wait3A_475 = tpu.memref_slice %arg9[%dma_wait3A_470, %dma_wait3A_474] : memref<64x128xi32, #tpu.memory_space<vmem>> -> memref<1x128xi32, #tpu.memory_space<vmem>>
      %dma_wait3A_476 = tpu.memref_squeeze %dma_wait3A_475 : memref<1x128xi32, #tpu.memory_space<vmem>> -> memref<128xi32, #tpu.memory_space<vmem>>
      %dma_wait3A_477 = arith.constant 0 : i32
      %dma_wait3A_478 = tpu.memref_slice %arg14[%dma_wait3A_477] : memref<1048576xf32, #tpu.memory_space<vmem_shared>> -> memref<1048576xf32, #tpu.memory_space<vmem_shared>>
      tpu.wait_indirect_dma semaphore(%arg15 : memref<!tpu.dma_semaphore, #tpu.memory_space<semaphore_mem>>) src(%dma_wait3A_473 : memref<128xf32, #tpu.memory_space<vmem>>) dst(%dma_wait3A_478 : memref<1048576xf32, #tpu.memory_space<vmem_shared>>)
      %dma_wait3A_479 = arith.constant 11 : i32
      %dma_wait3A_480 = arith.constant 0 : i32
      %dma_wait3A_481 = tpu.memref_slice %arg8[%dma_wait3A_479, %dma_wait3A_480] : memref<64x128xi32, #tpu.memory_space<vmem>> -> memref<1x128xi32, #tpu.memory_space<vmem>>
      %dma_wait3A_482 = tpu.memref_squeeze %dma_wait3A_481 : memref<1x128xi32, #tpu.memory_space<vmem>> -> memref<128xi32, #tpu.memory_space<vmem>>
      %dma_wait3A_483 = arith.constant 0 : i32
      %dma_wait3A_484 = tpu.memref_slice %arg14[%dma_wait3A_483] : memref<1048576xf32, #tpu.memory_space<vmem_shared>> -> memref<1048576xf32, #tpu.memory_space<vmem_shared>>
      tpu.wait_indirect_dma semaphore(%arg15 : memref<!tpu.dma_semaphore, #tpu.memory_space<semaphore_mem>>) src(%arg11 : memref<128xf32, #tpu.memory_space<vmem>>) dst(%dma_wait3A_484 : memref<1048576xf32, #tpu.memory_space<vmem_shared>>)
      %dma_wait3A_485 = arith.constant 11 : i32
      %dma_wait3A_486 = arith.constant 11 : i32
      %dma_wait3A_487 = arith.constant 0 : i32
      %dma_wait3A_488 = tpu.memref_slice %arg10[%dma_wait3A_485, %dma_wait3A_487] : memref<64x128xf32, #tpu.memory_space<vmem>> -> memref<1x128xf32, #tpu.memory_space<vmem>>
      %dma_wait3A_489 = tpu.memref_squeeze %dma_wait3A_488 : memref<1x128xf32, #tpu.memory_space<vmem>> -> memref<128xf32, #tpu.memory_space<vmem>>
      %dma_wait3A_490 = arith.constant 0 : i32
      %dma_wait3A_491 = tpu.memref_slice %arg9[%dma_wait3A_486, %dma_wait3A_490] : memref<64x128xi32, #tpu.memory_space<vmem>> -> memref<1x128xi32, #tpu.memory_space<vmem>>
      %dma_wait3A_492 = tpu.memref_squeeze %dma_wait3A_491 : memref<1x128xi32, #tpu.memory_space<vmem>> -> memref<128xi32, #tpu.memory_space<vmem>>
      %dma_wait3A_493 = arith.constant 0 : i32
      %dma_wait3A_494 = tpu.memref_slice %arg14[%dma_wait3A_493] : memref<1048576xf32, #tpu.memory_space<vmem_shared>> -> memref<1048576xf32, #tpu.memory_space<vmem_shared>>
      tpu.wait_indirect_dma semaphore(%arg15 : memref<!tpu.dma_semaphore, #tpu.memory_space<semaphore_mem>>) src(%dma_wait3A_489 : memref<128xf32, #tpu.memory_space<vmem>>) dst(%dma_wait3A_494 : memref<1048576xf32, #tpu.memory_space<vmem_shared>>)
      %dma_wait3A_495 = arith.constant 12 : i32
      %dma_wait3A_496 = arith.constant 0 : i32
      %dma_wait3A_497 = tpu.memref_slice %arg8[%dma_wait3A_495, %dma_wait3A_496] : memref<64x128xi32, #tpu.memory_space<vmem>> -> memref<1x128xi32, #tpu.memory_space<vmem>>
      %dma_wait3A_498 = tpu.memref_squeeze %dma_wait3A_497 : memref<1x128xi32, #tpu.memory_space<vmem>> -> memref<128xi32, #tpu.memory_space<vmem>>
      %dma_wait3A_499 = arith.constant 0 : i32
      %dma_wait3A_500 = tpu.memref_slice %arg14[%dma_wait3A_499] : memref<1048576xf32, #tpu.memory_space<vmem_shared>> -> memref<1048576xf32, #tpu.memory_space<vmem_shared>>
      tpu.wait_indirect_dma semaphore(%arg15 : memref<!tpu.dma_semaphore, #tpu.memory_space<semaphore_mem>>) src(%arg11 : memref<128xf32, #tpu.memory_space<vmem>>) dst(%dma_wait3A_500 : memref<1048576xf32, #tpu.memory_space<vmem_shared>>)
      %dma_wait3A_501 = arith.constant 12 : i32
      %dma_wait3A_502 = arith.constant 12 : i32
      %dma_wait3A_503 = arith.constant 0 : i32
      %dma_wait3A_504 = tpu.memref_slice %arg10[%dma_wait3A_501, %dma_wait3A_503] : memref<64x128xf32, #tpu.memory_space<vmem>> -> memref<1x128xf32, #tpu.memory_space<vmem>>
      %dma_wait3A_505 = tpu.memref_squeeze %dma_wait3A_504 : memref<1x128xf32, #tpu.memory_space<vmem>> -> memref<128xf32, #tpu.memory_space<vmem>>
      %dma_wait3A_506 = arith.constant 0 : i32
      %dma_wait3A_507 = tpu.memref_slice %arg9[%dma_wait3A_502, %dma_wait3A_506] : memref<64x128xi32, #tpu.memory_space<vmem>> -> memref<1x128xi32, #tpu.memory_space<vmem>>
      %dma_wait3A_508 = tpu.memref_squeeze %dma_wait3A_507 : memref<1x128xi32, #tpu.memory_space<vmem>> -> memref<128xi32, #tpu.memory_space<vmem>>
      %dma_wait3A_509 = arith.constant 0 : i32
      %dma_wait3A_510 = tpu.memref_slice %arg14[%dma_wait3A_509] : memref<1048576xf32, #tpu.memory_space<vmem_shared>> -> memref<1048576xf32, #tpu.memory_space<vmem_shared>>
      tpu.wait_indirect_dma semaphore(%arg15 : memref<!tpu.dma_semaphore, #tpu.memory_space<semaphore_mem>>) src(%dma_wait3A_505 : memref<128xf32, #tpu.memory_space<vmem>>) dst(%dma_wait3A_510 : memref<1048576xf32, #tpu.memory_space<vmem_shared>>)
      %dma_wait3A_511 = arith.constant 13 : i32
      %dma_wait3A_512 = arith.constant 0 : i32
      %dma_wait3A_513 = tpu.memref_slice %arg8[%dma_wait3A_511, %dma_wait3A_512] : memref<64x128xi32, #tpu.memory_space<vmem>> -> memref<1x128xi32, #tpu.memory_space<vmem>>
      %dma_wait3A_514 = tpu.memref_squeeze %dma_wait3A_513 : memref<1x128xi32, #tpu.memory_space<vmem>> -> memref<128xi32, #tpu.memory_space<vmem>>
      %dma_wait3A_515 = arith.constant 0 : i32
      %dma_wait3A_516 = tpu.memref_slice %arg14[%dma_wait3A_515] : memref<1048576xf32, #tpu.memory_space<vmem_shared>> -> memref<1048576xf32, #tpu.memory_space<vmem_shared>>
      tpu.wait_indirect_dma semaphore(%arg15 : memref<!tpu.dma_semaphore, #tpu.memory_space<semaphore_mem>>) src(%arg11 : memref<128xf32, #tpu.memory_space<vmem>>) dst(%dma_wait3A_516 : memref<1048576xf32, #tpu.memory_space<vmem_shared>>)
      %dma_wait3A_517 = arith.constant 13 : i32
      %dma_wait3A_518 = arith.constant 13 : i32
      %dma_wait3A_519 = arith.constant 0 : i32
      %dma_wait3A_520 = tpu.memref_slice %arg10[%dma_wait3A_517, %dma_wait3A_519] : memref<64x128xf32, #tpu.memory_space<vmem>> -> memref<1x128xf32, #tpu.memory_space<vmem>>
      %dma_wait3A_521 = tpu.memref_squeeze %dma_wait3A_520 : memref<1x128xf32, #tpu.memory_space<vmem>> -> memref<128xf32, #tpu.memory_space<vmem>>
      %dma_wait3A_522 = arith.constant 0 : i32
      %dma_wait3A_523 = tpu.memref_slice %arg9[%dma_wait3A_518, %dma_wait3A_522] : memref<64x128xi32, #tpu.memory_space<vmem>> -> memref<1x128xi32, #tpu.memory_space<vmem>>
      %dma_wait3A_524 = tpu.memref_squeeze %dma_wait3A_523 : memref<1x128xi32, #tpu.memory_space<vmem>> -> memref<128xi32, #tpu.memory_space<vmem>>
      %dma_wait3A_525 = arith.constant 0 : i32
      %dma_wait3A_526 = tpu.memref_slice %arg14[%dma_wait3A_525] : memref<1048576xf32, #tpu.memory_space<vmem_shared>> -> memref<1048576xf32, #tpu.memory_space<vmem_shared>>
      tpu.wait_indirect_dma semaphore(%arg15 : memref<!tpu.dma_semaphore, #tpu.memory_space<semaphore_mem>>) src(%dma_wait3A_521 : memref<128xf32, #tpu.memory_space<vmem>>) dst(%dma_wait3A_526 : memref<1048576xf32, #tpu.memory_space<vmem_shared>>)
      %dma_wait3A_527 = arith.constant 14 : i32
      %dma_wait3A_528 = arith.constant 0 : i32
      %dma_wait3A_529 = tpu.memref_slice %arg8[%dma_wait3A_527, %dma_wait3A_528] : memref<64x128xi32, #tpu.memory_space<vmem>> -> memref<1x128xi32, #tpu.memory_space<vmem>>
      %dma_wait3A_530 = tpu.memref_squeeze %dma_wait3A_529 : memref<1x128xi32, #tpu.memory_space<vmem>> -> memref<128xi32, #tpu.memory_space<vmem>>
      %dma_wait3A_531 = arith.constant 0 : i32
      %dma_wait3A_532 = tpu.memref_slice %arg14[%dma_wait3A_531] : memref<1048576xf32, #tpu.memory_space<vmem_shared>> -> memref<1048576xf32, #tpu.memory_space<vmem_shared>>
      tpu.wait_indirect_dma semaphore(%arg15 : memref<!tpu.dma_semaphore, #tpu.memory_space<semaphore_mem>>) src(%arg11 : memref<128xf32, #tpu.memory_space<vmem>>) dst(%dma_wait3A_532 : memref<1048576xf32, #tpu.memory_space<vmem_shared>>)
      %dma_wait3A_533 = arith.constant 14 : i32
      %dma_wait3A_534 = arith.constant 14 : i32
      %dma_wait3A_535 = arith.constant 0 : i32
      %dma_wait3A_536 = tpu.memref_slice %arg10[%dma_wait3A_533, %dma_wait3A_535] : memref<64x128xf32, #tpu.memory_space<vmem>> -> memref<1x128xf32, #tpu.memory_space<vmem>>
      %dma_wait3A_537 = tpu.memref_squeeze %dma_wait3A_536 : memref<1x128xf32, #tpu.memory_space<vmem>> -> memref<128xf32, #tpu.memory_space<vmem>>
      %dma_wait3A_538 = arith.constant 0 : i32
      %dma_wait3A_539 = tpu.memref_slice %arg9[%dma_wait3A_534, %dma_wait3A_538] : memref<64x128xi32, #tpu.memory_space<vmem>> -> memref<1x128xi32, #tpu.memory_space<vmem>>
      %dma_wait3A_540 = tpu.memref_squeeze %dma_wait3A_539 : memref<1x128xi32, #tpu.memory_space<vmem>> -> memref<128xi32, #tpu.memory_space<vmem>>
      %dma_wait3A_541 = arith.constant 0 : i32
      %dma_wait3A_542 = tpu.memref_slice %arg14[%dma_wait3A_541] : memref<1048576xf32, #tpu.memory_space<vmem_shared>> -> memref<1048576xf32, #tpu.memory_space<vmem_shared>>
      tpu.wait_indirect_dma semaphore(%arg15 : memref<!tpu.dma_semaphore, #tpu.memory_space<semaphore_mem>>) src(%dma_wait3A_537 : memref<128xf32, #tpu.memory_space<vmem>>) dst(%dma_wait3A_542 : memref<1048576xf32, #tpu.memory_space<vmem_shared>>)
      %dma_wait3A_543 = arith.constant 15 : i32
      %dma_wait3A_544 = arith.constant 0 : i32
      %dma_wait3A_545 = tpu.memref_slice %arg8[%dma_wait3A_543, %dma_wait3A_544] : memref<64x128xi32, #tpu.memory_space<vmem>> -> memref<1x128xi32, #tpu.memory_space<vmem>>
      %dma_wait3A_546 = tpu.memref_squeeze %dma_wait3A_545 : memref<1x128xi32, #tpu.memory_space<vmem>> -> memref<128xi32, #tpu.memory_space<vmem>>
      %dma_wait3A_547 = arith.constant 0 : i32
      %dma_wait3A_548 = tpu.memref_slice %arg14[%dma_wait3A_547] : memref<1048576xf32, #tpu.memory_space<vmem_shared>> -> memref<1048576xf32, #tpu.memory_space<vmem_shared>>
      tpu.wait_indirect_dma semaphore(%arg15 : memref<!tpu.dma_semaphore, #tpu.memory_space<semaphore_mem>>) src(%arg11 : memref<128xf32, #tpu.memory_space<vmem>>) dst(%dma_wait3A_548 : memref<1048576xf32, #tpu.memory_space<vmem_shared>>)
      %dma_wait3A_549 = arith.constant 15 : i32
      %dma_wait3A_550 = arith.constant 15 : i32
      %dma_wait3A_551 = arith.constant 0 : i32
      %dma_wait3A_552 = tpu.memref_slice %arg10[%dma_wait3A_549, %dma_wait3A_551] : memref<64x128xf32, #tpu.memory_space<vmem>> -> memref<1x128xf32, #tpu.memory_space<vmem>>
      %dma_wait3A_553 = tpu.memref_squeeze %dma_wait3A_552 : memref<1x128xf32, #tpu.memory_space<vmem>> -> memref<128xf32, #tpu.memory_space<vmem>>
      %dma_wait3A_554 = arith.constant 0 : i32
      %dma_wait3A_555 = tpu.memref_slice %arg9[%dma_wait3A_550, %dma_wait3A_554] : memref<64x128xi32, #tpu.memory_space<vmem>> -> memref<1x128xi32, #tpu.memory_space<vmem>>
      %dma_wait3A_556 = tpu.memref_squeeze %dma_wait3A_555 : memref<1x128xi32, #tpu.memory_space<vmem>> -> memref<128xi32, #tpu.memory_space<vmem>>
      %dma_wait3A_557 = arith.constant 0 : i32
      %dma_wait3A_558 = tpu.memref_slice %arg14[%dma_wait3A_557] : memref<1048576xf32, #tpu.memory_space<vmem_shared>> -> memref<1048576xf32, #tpu.memory_space<vmem_shared>>
      tpu.wait_indirect_dma semaphore(%arg15 : memref<!tpu.dma_semaphore, #tpu.memory_space<semaphore_mem>>) src(%dma_wait3A_553 : memref<128xf32, #tpu.memory_space<vmem>>) dst(%dma_wait3A_558 : memref<1048576xf32, #tpu.memory_space<vmem_shared>>)
      %dma_start3A_559 = arith.constant 16 : i32
      %dma_start3A_560 = arith.constant 0 : i32
      %dma_start3A_561 = tpu.memref_slice %arg8[%dma_start3A_559, %dma_start3A_560] : memref<64x128xi32, #tpu.memory_space<vmem>> -> memref<1x128xi32, #tpu.memory_space<vmem>>
      %dma_start3A_562 = tpu.memref_squeeze %dma_start3A_561 : memref<1x128xi32, #tpu.memory_space<vmem>> -> memref<128xi32, #tpu.memory_space<vmem>>
      %dma_start3A_563 = arith.constant 0 : i32
      %dma_start3A_564 = tpu.memref_slice %arg14[%dma_start3A_563] : memref<1048576xf32, #tpu.memory_space<vmem_shared>> -> memref<1048576xf32, #tpu.memory_space<vmem_shared>>
      tpu.enqueue_indirect_dma source(%arg11 : memref<128xf32, #tpu.memory_space<vmem>>) target(%dma_start3A_564 : memref<1048576xf32, #tpu.memory_space<vmem_shared>>) offsets(%dma_start3A_562 : memref<128xi32, #tpu.memory_space<vmem>>) semaphore(%arg15 : memref<!tpu.dma_semaphore, #tpu.memory_space<semaphore_mem>>) {add = true}
      %dma_start3A_565 = arith.constant 16 : i32
      %dma_start3A_566 = arith.constant 16 : i32
      %dma_start3A_567 = arith.constant 0 : i32
      %dma_start3A_568 = tpu.memref_slice %arg10[%dma_start3A_565, %dma_start3A_567] : memref<64x128xf32, #tpu.memory_space<vmem>> -> memref<1x128xf32, #tpu.memory_space<vmem>>
      %dma_start3A_569 = tpu.memref_squeeze %dma_start3A_568 : memref<1x128xf32, #tpu.memory_space<vmem>> -> memref<128xf32, #tpu.memory_space<vmem>>
      %dma_start3A_570 = arith.constant 0 : i32
      %dma_start3A_571 = tpu.memref_slice %arg9[%dma_start3A_566, %dma_start3A_570] : memref<64x128xi32, #tpu.memory_space<vmem>> -> memref<1x128xi32, #tpu.memory_space<vmem>>
      %dma_start3A_572 = tpu.memref_squeeze %dma_start3A_571 : memref<1x128xi32, #tpu.memory_space<vmem>> -> memref<128xi32, #tpu.memory_space<vmem>>
      %dma_start3A_573 = arith.constant 0 : i32
      %dma_start3A_574 = tpu.memref_slice %arg14[%dma_start3A_573] : memref<1048576xf32, #tpu.memory_space<vmem_shared>> -> memref<1048576xf32, #tpu.memory_space<vmem_shared>>
      tpu.enqueue_indirect_dma source(%dma_start3A_569 : memref<128xf32, #tpu.memory_space<vmem>>) target(%dma_start3A_574 : memref<1048576xf32, #tpu.memory_space<vmem_shared>>) offsets(%dma_start3A_572 : memref<128xi32, #tpu.memory_space<vmem>>) semaphore(%arg15 : memref<!tpu.dma_semaphore, #tpu.memory_space<semaphore_mem>>) {add = true}
      %dma_start3A_575 = arith.constant 17 : i32
      %dma_start3A_576 = arith.constant 0 : i32
      %dma_start3A_577 = tpu.memref_slice %arg8[%dma_start3A_575, %dma_start3A_576] : memref<64x128xi32, #tpu.memory_space<vmem>> -> memref<1x128xi32, #tpu.memory_space<vmem>>
      %dma_start3A_578 = tpu.memref_squeeze %dma_start3A_577 : memref<1x128xi32, #tpu.memory_space<vmem>> -> memref<128xi32, #tpu.memory_space<vmem>>
      %dma_start3A_579 = arith.constant 0 : i32
      %dma_start3A_580 = tpu.memref_slice %arg14[%dma_start3A_579] : memref<1048576xf32, #tpu.memory_space<vmem_shared>> -> memref<1048576xf32, #tpu.memory_space<vmem_shared>>
      tpu.enqueue_indirect_dma source(%arg11 : memref<128xf32, #tpu.memory_space<vmem>>) target(%dma_start3A_580 : memref<1048576xf32, #tpu.memory_space<vmem_shared>>) offsets(%dma_start3A_578 : memref<128xi32, #tpu.memory_space<vmem>>) semaphore(%arg15 : memref<!tpu.dma_semaphore, #tpu.memory_space<semaphore_mem>>) {add = true}
      %dma_start3A_581 = arith.constant 17 : i32
      %dma_start3A_582 = arith.constant 17 : i32
      %dma_start3A_583 = arith.constant 0 : i32
      %dma_start3A_584 = tpu.memref_slice %arg10[%dma_start3A_581, %dma_start3A_583] : memref<64x128xf32, #tpu.memory_space<vmem>> -> memref<1x128xf32, #tpu.memory_space<vmem>>
      %dma_start3A_585 = tpu.memref_squeeze %dma_start3A_584 : memref<1x128xf32, #tpu.memory_space<vmem>> -> memref<128xf32, #tpu.memory_space<vmem>>
      %dma_start3A_586 = arith.constant 0 : i32
      %dma_start3A_587 = tpu.memref_slice %arg9[%dma_start3A_582, %dma_start3A_586] : memref<64x128xi32, #tpu.memory_space<vmem>> -> memref<1x128xi32, #tpu.memory_space<vmem>>
      %dma_start3A_588 = tpu.memref_squeeze %dma_start3A_587 : memref<1x128xi32, #tpu.memory_space<vmem>> -> memref<128xi32, #tpu.memory_space<vmem>>
      %dma_start3A_589 = arith.constant 0 : i32
      %dma_start3A_590 = tpu.memref_slice %arg14[%dma_start3A_589] : memref<1048576xf32, #tpu.memory_space<vmem_shared>> -> memref<1048576xf32, #tpu.memory_space<vmem_shared>>
      tpu.enqueue_indirect_dma source(%dma_start3A_585 : memref<128xf32, #tpu.memory_space<vmem>>) target(%dma_start3A_590 : memref<1048576xf32, #tpu.memory_space<vmem_shared>>) offsets(%dma_start3A_588 : memref<128xi32, #tpu.memory_space<vmem>>) semaphore(%arg15 : memref<!tpu.dma_semaphore, #tpu.memory_space<semaphore_mem>>) {add = true}
      %dma_start3A_591 = arith.constant 18 : i32
      %dma_start3A_592 = arith.constant 0 : i32
      %dma_start3A_593 = tpu.memref_slice %arg8[%dma_start3A_591, %dma_start3A_592] : memref<64x128xi32, #tpu.memory_space<vmem>> -> memref<1x128xi32, #tpu.memory_space<vmem>>
      %dma_start3A_594 = tpu.memref_squeeze %dma_start3A_593 : memref<1x128xi32, #tpu.memory_space<vmem>> -> memref<128xi32, #tpu.memory_space<vmem>>
      %dma_start3A_595 = arith.constant 0 : i32
      %dma_start3A_596 = tpu.memref_slice %arg14[%dma_start3A_595] : memref<1048576xf32, #tpu.memory_space<vmem_shared>> -> memref<1048576xf32, #tpu.memory_space<vmem_shared>>
      tpu.enqueue_indirect_dma source(%arg11 : memref<128xf32, #tpu.memory_space<vmem>>) target(%dma_start3A_596 : memref<1048576xf32, #tpu.memory_space<vmem_shared>>) offsets(%dma_start3A_594 : memref<128xi32, #tpu.memory_space<vmem>>) semaphore(%arg15 : memref<!tpu.dma_semaphore, #tpu.memory_space<semaphore_mem>>) {add = true}
      %dma_start3A_597 = arith.constant 18 : i32
      %dma_start3A_598 = arith.constant 18 : i32
      %dma_start3A_599 = arith.constant 0 : i32
      %dma_start3A_600 = tpu.memref_slice %arg10[%dma_start3A_597, %dma_start3A_599] : memref<64x128xf32, #tpu.memory_space<vmem>> -> memref<1x128xf32, #tpu.memory_space<vmem>>
      %dma_start3A_601 = tpu.memref_squeeze %dma_start3A_600 : memref<1x128xf32, #tpu.memory_space<vmem>> -> memref<128xf32, #tpu.memory_space<vmem>>
      %dma_start3A_602 = arith.constant 0 : i32
      %dma_start3A_603 = tpu.memref_slice %arg9[%dma_start3A_598, %dma_start3A_602] : memref<64x128xi32, #tpu.memory_space<vmem>> -> memref<1x128xi32, #tpu.memory_space<vmem>>
      %dma_start3A_604 = tpu.memref_squeeze %dma_start3A_603 : memref<1x128xi32, #tpu.memory_space<vmem>> -> memref<128xi32, #tpu.memory_space<vmem>>
      %dma_start3A_605 = arith.constant 0 : i32
      %dma_start3A_606 = tpu.memref_slice %arg14[%dma_start3A_605] : memref<1048576xf32, #tpu.memory_space<vmem_shared>> -> memref<1048576xf32, #tpu.memory_space<vmem_shared>>
      tpu.enqueue_indirect_dma source(%dma_start3A_601 : memref<128xf32, #tpu.memory_space<vmem>>) target(%dma_start3A_606 : memref<1048576xf32, #tpu.memory_space<vmem_shared>>) offsets(%dma_start3A_604 : memref<128xi32, #tpu.memory_space<vmem>>) semaphore(%arg15 : memref<!tpu.dma_semaphore, #tpu.memory_space<semaphore_mem>>) {add = true}
      %dma_start3A_607 = arith.constant 19 : i32
      %dma_start3A_608 = arith.constant 0 : i32
      %dma_start3A_609 = tpu.memref_slice %arg8[%dma_start3A_607, %dma_start3A_608] : memref<64x128xi32, #tpu.memory_space<vmem>> -> memref<1x128xi32, #tpu.memory_space<vmem>>
      %dma_start3A_610 = tpu.memref_squeeze %dma_start3A_609 : memref<1x128xi32, #tpu.memory_space<vmem>> -> memref<128xi32, #tpu.memory_space<vmem>>
      %dma_start3A_611 = arith.constant 0 : i32
      %dma_start3A_612 = tpu.memref_slice %arg14[%dma_start3A_611] : memref<1048576xf32, #tpu.memory_space<vmem_shared>> -> memref<1048576xf32, #tpu.memory_space<vmem_shared>>
      tpu.enqueue_indirect_dma source(%arg11 : memref<128xf32, #tpu.memory_space<vmem>>) target(%dma_start3A_612 : memref<1048576xf32, #tpu.memory_space<vmem_shared>>) offsets(%dma_start3A_610 : memref<128xi32, #tpu.memory_space<vmem>>) semaphore(%arg15 : memref<!tpu.dma_semaphore, #tpu.memory_space<semaphore_mem>>) {add = true}
      %dma_start3A_613 = arith.constant 19 : i32
      %dma_start3A_614 = arith.constant 19 : i32
      %dma_start3A_615 = arith.constant 0 : i32
      %dma_start3A_616 = tpu.memref_slice %arg10[%dma_start3A_613, %dma_start3A_615] : memref<64x128xf32, #tpu.memory_space<vmem>> -> memref<1x128xf32, #tpu.memory_space<vmem>>
      %dma_start3A_617 = tpu.memref_squeeze %dma_start3A_616 : memref<1x128xf32, #tpu.memory_space<vmem>> -> memref<128xf32, #tpu.memory_space<vmem>>
      %dma_start3A_618 = arith.constant 0 : i32
      %dma_start3A_619 = tpu.memref_slice %arg9[%dma_start3A_614, %dma_start3A_618] : memref<64x128xi32, #tpu.memory_space<vmem>> -> memref<1x128xi32, #tpu.memory_space<vmem>>
      %dma_start3A_620 = tpu.memref_squeeze %dma_start3A_619 : memref<1x128xi32, #tpu.memory_space<vmem>> -> memref<128xi32, #tpu.memory_space<vmem>>
      %dma_start3A_621 = arith.constant 0 : i32
      %dma_start3A_622 = tpu.memref_slice %arg14[%dma_start3A_621] : memref<1048576xf32, #tpu.memory_space<vmem_shared>> -> memref<1048576xf32, #tpu.memory_space<vmem_shared>>
      tpu.enqueue_indirect_dma source(%dma_start3A_617 : memref<128xf32, #tpu.memory_space<vmem>>) target(%dma_start3A_622 : memref<1048576xf32, #tpu.memory_space<vmem_shared>>) offsets(%dma_start3A_620 : memref<128xi32, #tpu.memory_space<vmem>>) semaphore(%arg15 : memref<!tpu.dma_semaphore, #tpu.memory_space<semaphore_mem>>) {add = true}
      %dma_start3A_623 = arith.constant 20 : i32
      %dma_start3A_624 = arith.constant 0 : i32
      %dma_start3A_625 = tpu.memref_slice %arg8[%dma_start3A_623, %dma_start3A_624] : memref<64x128xi32, #tpu.memory_space<vmem>> -> memref<1x128xi32, #tpu.memory_space<vmem>>
      %dma_start3A_626 = tpu.memref_squeeze %dma_start3A_625 : memref<1x128xi32, #tpu.memory_space<vmem>> -> memref<128xi32, #tpu.memory_space<vmem>>
      %dma_start3A_627 = arith.constant 0 : i32
      %dma_start3A_628 = tpu.memref_slice %arg14[%dma_start3A_627] : memref<1048576xf32, #tpu.memory_space<vmem_shared>> -> memref<1048576xf32, #tpu.memory_space<vmem_shared>>
      tpu.enqueue_indirect_dma source(%arg11 : memref<128xf32, #tpu.memory_space<vmem>>) target(%dma_start3A_628 : memref<1048576xf32, #tpu.memory_space<vmem_shared>>) offsets(%dma_start3A_626 : memref<128xi32, #tpu.memory_space<vmem>>) semaphore(%arg15 : memref<!tpu.dma_semaphore, #tpu.memory_space<semaphore_mem>>) {add = true}
      %dma_start3A_629 = arith.constant 20 : i32
      %dma_start3A_630 = arith.constant 20 : i32
      %dma_start3A_631 = arith.constant 0 : i32
      %dma_start3A_632 = tpu.memref_slice %arg10[%dma_start3A_629, %dma_start3A_631] : memref<64x128xf32, #tpu.memory_space<vmem>> -> memref<1x128xf32, #tpu.memory_space<vmem>>
      %dma_start3A_633 = tpu.memref_squeeze %dma_start3A_632 : memref<1x128xf32, #tpu.memory_space<vmem>> -> memref<128xf32, #tpu.memory_space<vmem>>
      %dma_start3A_634 = arith.constant 0 : i32
      %dma_start3A_635 = tpu.memref_slice %arg9[%dma_start3A_630, %dma_start3A_634] : memref<64x128xi32, #tpu.memory_space<vmem>> -> memref<1x128xi32, #tpu.memory_space<vmem>>
      %dma_start3A_636 = tpu.memref_squeeze %dma_start3A_635 : memref<1x128xi32, #tpu.memory_space<vmem>> -> memref<128xi32, #tpu.memory_space<vmem>>
      %dma_start3A_637 = arith.constant 0 : i32
      %dma_start3A_638 = tpu.memref_slice %arg14[%dma_start3A_637] : memref<1048576xf32, #tpu.memory_space<vmem_shared>> -> memref<1048576xf32, #tpu.memory_space<vmem_shared>>
      tpu.enqueue_indirect_dma source(%dma_start3A_633 : memref<128xf32, #tpu.memory_space<vmem>>) target(%dma_start3A_638 : memref<1048576xf32, #tpu.memory_space<vmem_shared>>) offsets(%dma_start3A_636 : memref<128xi32, #tpu.memory_space<vmem>>) semaphore(%arg15 : memref<!tpu.dma_semaphore, #tpu.memory_space<semaphore_mem>>) {add = true}
      %dma_start3A_639 = arith.constant 21 : i32
      %dma_start3A_640 = arith.constant 0 : i32
      %dma_start3A_641 = tpu.memref_slice %arg8[%dma_start3A_639, %dma_start3A_640] : memref<64x128xi32, #tpu.memory_space<vmem>> -> memref<1x128xi32, #tpu.memory_space<vmem>>
      %dma_start3A_642 = tpu.memref_squeeze %dma_start3A_641 : memref<1x128xi32, #tpu.memory_space<vmem>> -> memref<128xi32, #tpu.memory_space<vmem>>
      %dma_start3A_643 = arith.constant 0 : i32
      %dma_start3A_644 = tpu.memref_slice %arg14[%dma_start3A_643] : memref<1048576xf32, #tpu.memory_space<vmem_shared>> -> memref<1048576xf32, #tpu.memory_space<vmem_shared>>
      tpu.enqueue_indirect_dma source(%arg11 : memref<128xf32, #tpu.memory_space<vmem>>) target(%dma_start3A_644 : memref<1048576xf32, #tpu.memory_space<vmem_shared>>) offsets(%dma_start3A_642 : memref<128xi32, #tpu.memory_space<vmem>>) semaphore(%arg15 : memref<!tpu.dma_semaphore, #tpu.memory_space<semaphore_mem>>) {add = true}
      %dma_start3A_645 = arith.constant 21 : i32
      %dma_start3A_646 = arith.constant 21 : i32
      %dma_start3A_647 = arith.constant 0 : i32
      %dma_start3A_648 = tpu.memref_slice %arg10[%dma_start3A_645, %dma_start3A_647] : memref<64x128xf32, #tpu.memory_space<vmem>> -> memref<1x128xf32, #tpu.memory_space<vmem>>
      %dma_start3A_649 = tpu.memref_squeeze %dma_start3A_648 : memref<1x128xf32, #tpu.memory_space<vmem>> -> memref<128xf32, #tpu.memory_space<vmem>>
      %dma_start3A_650 = arith.constant 0 : i32
      %dma_start3A_651 = tpu.memref_slice %arg9[%dma_start3A_646, %dma_start3A_650] : memref<64x128xi32, #tpu.memory_space<vmem>> -> memref<1x128xi32, #tpu.memory_space<vmem>>
      %dma_start3A_652 = tpu.memref_squeeze %dma_start3A_651 : memref<1x128xi32, #tpu.memory_space<vmem>> -> memref<128xi32, #tpu.memory_space<vmem>>
      %dma_start3A_653 = arith.constant 0 : i32
      %dma_start3A_654 = tpu.memref_slice %arg14[%dma_start3A_653] : memref<1048576xf32, #tpu.memory_space<vmem_shared>> -> memref<1048576xf32, #tpu.memory_space<vmem_shared>>
      tpu.enqueue_indirect_dma source(%dma_start3A_649 : memref<128xf32, #tpu.memory_space<vmem>>) target(%dma_start3A_654 : memref<1048576xf32, #tpu.memory_space<vmem_shared>>) offsets(%dma_start3A_652 : memref<128xi32, #tpu.memory_space<vmem>>) semaphore(%arg15 : memref<!tpu.dma_semaphore, #tpu.memory_space<semaphore_mem>>) {add = true}
      %dma_start3A_655 = arith.constant 22 : i32
      %dma_start3A_656 = arith.constant 0 : i32
      %dma_start3A_657 = tpu.memref_slice %arg8[%dma_start3A_655, %dma_start3A_656] : memref<64x128xi32, #tpu.memory_space<vmem>> -> memref<1x128xi32, #tpu.memory_space<vmem>>
      %dma_start3A_658 = tpu.memref_squeeze %dma_start3A_657 : memref<1x128xi32, #tpu.memory_space<vmem>> -> memref<128xi32, #tpu.memory_space<vmem>>
      %dma_start3A_659 = arith.constant 0 : i32
      %dma_start3A_660 = tpu.memref_slice %arg14[%dma_start3A_659] : memref<1048576xf32, #tpu.memory_space<vmem_shared>> -> memref<1048576xf32, #tpu.memory_space<vmem_shared>>
      tpu.enqueue_indirect_dma source(%arg11 : memref<128xf32, #tpu.memory_space<vmem>>) target(%dma_start3A_660 : memref<1048576xf32, #tpu.memory_space<vmem_shared>>) offsets(%dma_start3A_658 : memref<128xi32, #tpu.memory_space<vmem>>) semaphore(%arg15 : memref<!tpu.dma_semaphore, #tpu.memory_space<semaphore_mem>>) {add = true}
      %dma_start3A_661 = arith.constant 22 : i32
      %dma_start3A_662 = arith.constant 22 : i32
      %dma_start3A_663 = arith.constant 0 : i32
      %dma_start3A_664 = tpu.memref_slice %arg10[%dma_start3A_661, %dma_start3A_663] : memref<64x128xf32, #tpu.memory_space<vmem>> -> memref<1x128xf32, #tpu.memory_space<vmem>>
      %dma_start3A_665 = tpu.memref_squeeze %dma_start3A_664 : memref<1x128xf32, #tpu.memory_space<vmem>> -> memref<128xf32, #tpu.memory_space<vmem>>
      %dma_start3A_666 = arith.constant 0 : i32
      %dma_start3A_667 = tpu.memref_slice %arg9[%dma_start3A_662, %dma_start3A_666] : memref<64x128xi32, #tpu.memory_space<vmem>> -> memref<1x128xi32, #tpu.memory_space<vmem>>
      %dma_start3A_668 = tpu.memref_squeeze %dma_start3A_667 : memref<1x128xi32, #tpu.memory_space<vmem>> -> memref<128xi32, #tpu.memory_space<vmem>>
      %dma_start3A_669 = arith.constant 0 : i32
      %dma_start3A_670 = tpu.memref_slice %arg14[%dma_start3A_669] : memref<1048576xf32, #tpu.memory_space<vmem_shared>> -> memref<1048576xf32, #tpu.memory_space<vmem_shared>>
      tpu.enqueue_indirect_dma source(%dma_start3A_665 : memref<128xf32, #tpu.memory_space<vmem>>) target(%dma_start3A_670 : memref<1048576xf32, #tpu.memory_space<vmem_shared>>) offsets(%dma_start3A_668 : memref<128xi32, #tpu.memory_space<vmem>>) semaphore(%arg15 : memref<!tpu.dma_semaphore, #tpu.memory_space<semaphore_mem>>) {add = true}
      %dma_start3A_671 = arith.constant 23 : i32
      %dma_start3A_672 = arith.constant 0 : i32
      %dma_start3A_673 = tpu.memref_slice %arg8[%dma_start3A_671, %dma_start3A_672] : memref<64x128xi32, #tpu.memory_space<vmem>> -> memref<1x128xi32, #tpu.memory_space<vmem>>
      %dma_start3A_674 = tpu.memref_squeeze %dma_start3A_673 : memref<1x128xi32, #tpu.memory_space<vmem>> -> memref<128xi32, #tpu.memory_space<vmem>>
      %dma_start3A_675 = arith.constant 0 : i32
      %dma_start3A_676 = tpu.memref_slice %arg14[%dma_start3A_675] : memref<1048576xf32, #tpu.memory_space<vmem_shared>> -> memref<1048576xf32, #tpu.memory_space<vmem_shared>>
      tpu.enqueue_indirect_dma source(%arg11 : memref<128xf32, #tpu.memory_space<vmem>>) target(%dma_start3A_676 : memref<1048576xf32, #tpu.memory_space<vmem_shared>>) offsets(%dma_start3A_674 : memref<128xi32, #tpu.memory_space<vmem>>) semaphore(%arg15 : memref<!tpu.dma_semaphore, #tpu.memory_space<semaphore_mem>>) {add = true}
      %dma_start3A_677 = arith.constant 23 : i32
      %dma_start3A_678 = arith.constant 23 : i32
      %dma_start3A_679 = arith.constant 0 : i32
      %dma_start3A_680 = tpu.memref_slice %arg10[%dma_start3A_677, %dma_start3A_679] : memref<64x128xf32, #tpu.memory_space<vmem>> -> memref<1x128xf32, #tpu.memory_space<vmem>>
      %dma_start3A_681 = tpu.memref_squeeze %dma_start3A_680 : memref<1x128xf32, #tpu.memory_space<vmem>> -> memref<128xf32, #tpu.memory_space<vmem>>
      %dma_start3A_682 = arith.constant 0 : i32
      %dma_start3A_683 = tpu.memref_slice %arg9[%dma_start3A_678, %dma_start3A_682] : memref<64x128xi32, #tpu.memory_space<vmem>> -> memref<1x128xi32, #tpu.memory_space<vmem>>
      %dma_start3A_684 = tpu.memref_squeeze %dma_start3A_683 : memref<1x128xi32, #tpu.memory_space<vmem>> -> memref<128xi32, #tpu.memory_space<vmem>>
      %dma_start3A_685 = arith.constant 0 : i32
      %dma_start3A_686 = tpu.memref_slice %arg14[%dma_start3A_685] : memref<1048576xf32, #tpu.memory_space<vmem_shared>> -> memref<1048576xf32, #tpu.memory_space<vmem_shared>>
      tpu.enqueue_indirect_dma source(%dma_start3A_681 : memref<128xf32, #tpu.memory_space<vmem>>) target(%dma_start3A_686 : memref<1048576xf32, #tpu.memory_space<vmem_shared>>) offsets(%dma_start3A_684 : memref<128xi32, #tpu.memory_space<vmem>>) semaphore(%arg15 : memref<!tpu.dma_semaphore, #tpu.memory_space<semaphore_mem>>) {add = true}
      %dma_start3A_687 = arith.constant 24 : i32
      %dma_start3A_688 = arith.constant 0 : i32
      %dma_start3A_689 = tpu.memref_slice %arg8[%dma_start3A_687, %dma_start3A_688] : memref<64x128xi32, #tpu.memory_space<vmem>> -> memref<1x128xi32, #tpu.memory_space<vmem>>
      %dma_start3A_690 = tpu.memref_squeeze %dma_start3A_689 : memref<1x128xi32, #tpu.memory_space<vmem>> -> memref<128xi32, #tpu.memory_space<vmem>>
      %dma_start3A_691 = arith.constant 0 : i32
      %dma_start3A_692 = tpu.memref_slice %arg14[%dma_start3A_691] : memref<1048576xf32, #tpu.memory_space<vmem_shared>> -> memref<1048576xf32, #tpu.memory_space<vmem_shared>>
      tpu.enqueue_indirect_dma source(%arg11 : memref<128xf32, #tpu.memory_space<vmem>>) target(%dma_start3A_692 : memref<1048576xf32, #tpu.memory_space<vmem_shared>>) offsets(%dma_start3A_690 : memref<128xi32, #tpu.memory_space<vmem>>) semaphore(%arg15 : memref<!tpu.dma_semaphore, #tpu.memory_space<semaphore_mem>>) {add = true}
      %dma_start3A_693 = arith.constant 24 : i32
      %dma_start3A_694 = arith.constant 24 : i32
      %dma_start3A_695 = arith.constant 0 : i32
      %dma_start3A_696 = tpu.memref_slice %arg10[%dma_start3A_693, %dma_start3A_695] : memref<64x128xf32, #tpu.memory_space<vmem>> -> memref<1x128xf32, #tpu.memory_space<vmem>>
      %dma_start3A_697 = tpu.memref_squeeze %dma_start3A_696 : memref<1x128xf32, #tpu.memory_space<vmem>> -> memref<128xf32, #tpu.memory_space<vmem>>
      %dma_start3A_698 = arith.constant 0 : i32
      %dma_start3A_699 = tpu.memref_slice %arg9[%dma_start3A_694, %dma_start3A_698] : memref<64x128xi32, #tpu.memory_space<vmem>> -> memref<1x128xi32, #tpu.memory_space<vmem>>
      %dma_start3A_700 = tpu.memref_squeeze %dma_start3A_699 : memref<1x128xi32, #tpu.memory_space<vmem>> -> memref<128xi32, #tpu.memory_space<vmem>>
      %dma_start3A_701 = arith.constant 0 : i32
      %dma_start3A_702 = tpu.memref_slice %arg14[%dma_start3A_701] : memref<1048576xf32, #tpu.memory_space<vmem_shared>> -> memref<1048576xf32, #tpu.memory_space<vmem_shared>>
      tpu.enqueue_indirect_dma source(%dma_start3A_697 : memref<128xf32, #tpu.memory_space<vmem>>) target(%dma_start3A_702 : memref<1048576xf32, #tpu.memory_space<vmem_shared>>) offsets(%dma_start3A_700 : memref<128xi32, #tpu.memory_space<vmem>>) semaphore(%arg15 : memref<!tpu.dma_semaphore, #tpu.memory_space<semaphore_mem>>) {add = true}
      %dma_start3A_703 = arith.constant 25 : i32
      %dma_start3A_704 = arith.constant 0 : i32
      %dma_start3A_705 = tpu.memref_slice %arg8[%dma_start3A_703, %dma_start3A_704] : memref<64x128xi32, #tpu.memory_space<vmem>> -> memref<1x128xi32, #tpu.memory_space<vmem>>
      %dma_start3A_706 = tpu.memref_squeeze %dma_start3A_705 : memref<1x128xi32, #tpu.memory_space<vmem>> -> memref<128xi32, #tpu.memory_space<vmem>>
      %dma_start3A_707 = arith.constant 0 : i32
      %dma_start3A_708 = tpu.memref_slice %arg14[%dma_start3A_707] : memref<1048576xf32, #tpu.memory_space<vmem_shared>> -> memref<1048576xf32, #tpu.memory_space<vmem_shared>>
      tpu.enqueue_indirect_dma source(%arg11 : memref<128xf32, #tpu.memory_space<vmem>>) target(%dma_start3A_708 : memref<1048576xf32, #tpu.memory_space<vmem_shared>>) offsets(%dma_start3A_706 : memref<128xi32, #tpu.memory_space<vmem>>) semaphore(%arg15 : memref<!tpu.dma_semaphore, #tpu.memory_space<semaphore_mem>>) {add = true}
      %dma_start3A_709 = arith.constant 25 : i32
      %dma_start3A_710 = arith.constant 25 : i32
      %dma_start3A_711 = arith.constant 0 : i32
      %dma_start3A_712 = tpu.memref_slice %arg10[%dma_start3A_709, %dma_start3A_711] : memref<64x128xf32, #tpu.memory_space<vmem>> -> memref<1x128xf32, #tpu.memory_space<vmem>>
      %dma_start3A_713 = tpu.memref_squeeze %dma_start3A_712 : memref<1x128xf32, #tpu.memory_space<vmem>> -> memref<128xf32, #tpu.memory_space<vmem>>
      %dma_start3A_714 = arith.constant 0 : i32
      %dma_start3A_715 = tpu.memref_slice %arg9[%dma_start3A_710, %dma_start3A_714] : memref<64x128xi32, #tpu.memory_space<vmem>> -> memref<1x128xi32, #tpu.memory_space<vmem>>
      %dma_start3A_716 = tpu.memref_squeeze %dma_start3A_715 : memref<1x128xi32, #tpu.memory_space<vmem>> -> memref<128xi32, #tpu.memory_space<vmem>>
      %dma_start3A_717 = arith.constant 0 : i32
      %dma_start3A_718 = tpu.memref_slice %arg14[%dma_start3A_717] : memref<1048576xf32, #tpu.memory_space<vmem_shared>> -> memref<1048576xf32, #tpu.memory_space<vmem_shared>>
      tpu.enqueue_indirect_dma source(%dma_start3A_713 : memref<128xf32, #tpu.memory_space<vmem>>) target(%dma_start3A_718 : memref<1048576xf32, #tpu.memory_space<vmem_shared>>) offsets(%dma_start3A_716 : memref<128xi32, #tpu.memory_space<vmem>>) semaphore(%arg15 : memref<!tpu.dma_semaphore, #tpu.memory_space<semaphore_mem>>) {add = true}
      %dma_start3A_719 = arith.constant 26 : i32
      %dma_start3A_720 = arith.constant 0 : i32
      %dma_start3A_721 = tpu.memref_slice %arg8[%dma_start3A_719, %dma_start3A_720] : memref<64x128xi32, #tpu.memory_space<vmem>> -> memref<1x128xi32, #tpu.memory_space<vmem>>
      %dma_start3A_722 = tpu.memref_squeeze %dma_start3A_721 : memref<1x128xi32, #tpu.memory_space<vmem>> -> memref<128xi32, #tpu.memory_space<vmem>>
      %dma_start3A_723 = arith.constant 0 : i32
      %dma_start3A_724 = tpu.memref_slice %arg14[%dma_start3A_723] : memref<1048576xf32, #tpu.memory_space<vmem_shared>> -> memref<1048576xf32, #tpu.memory_space<vmem_shared>>
      tpu.enqueue_indirect_dma source(%arg11 : memref<128xf32, #tpu.memory_space<vmem>>) target(%dma_start3A_724 : memref<1048576xf32, #tpu.memory_space<vmem_shared>>) offsets(%dma_start3A_722 : memref<128xi32, #tpu.memory_space<vmem>>) semaphore(%arg15 : memref<!tpu.dma_semaphore, #tpu.memory_space<semaphore_mem>>) {add = true}
      %dma_start3A_725 = arith.constant 26 : i32
      %dma_start3A_726 = arith.constant 26 : i32
      %dma_start3A_727 = arith.constant 0 : i32
      %dma_start3A_728 = tpu.memref_slice %arg10[%dma_start3A_725, %dma_start3A_727] : memref<64x128xf32, #tpu.memory_space<vmem>> -> memref<1x128xf32, #tpu.memory_space<vmem>>
      %dma_start3A_729 = tpu.memref_squeeze %dma_start3A_728 : memref<1x128xf32, #tpu.memory_space<vmem>> -> memref<128xf32, #tpu.memory_space<vmem>>
      %dma_start3A_730 = arith.constant 0 : i32
      %dma_start3A_731 = tpu.memref_slice %arg9[%dma_start3A_726, %dma_start3A_730] : memref<64x128xi32, #tpu.memory_space<vmem>> -> memref<1x128xi32, #tpu.memory_space<vmem>>
      %dma_start3A_732 = tpu.memref_squeeze %dma_start3A_731 : memref<1x128xi32, #tpu.memory_space<vmem>> -> memref<128xi32, #tpu.memory_space<vmem>>
      %dma_start3A_733 = arith.constant 0 : i32
      %dma_start3A_734 = tpu.memref_slice %arg14[%dma_start3A_733] : memref<1048576xf32, #tpu.memory_space<vmem_shared>> -> memref<1048576xf32, #tpu.memory_space<vmem_shared>>
      tpu.enqueue_indirect_dma source(%dma_start3A_729 : memref<128xf32, #tpu.memory_space<vmem>>) target(%dma_start3A_734 : memref<1048576xf32, #tpu.memory_space<vmem_shared>>) offsets(%dma_start3A_732 : memref<128xi32, #tpu.memory_space<vmem>>) semaphore(%arg15 : memref<!tpu.dma_semaphore, #tpu.memory_space<semaphore_mem>>) {add = true}
      %dma_start3A_735 = arith.constant 27 : i32
      %dma_start3A_736 = arith.constant 0 : i32
      %dma_start3A_737 = tpu.memref_slice %arg8[%dma_start3A_735, %dma_start3A_736] : memref<64x128xi32, #tpu.memory_space<vmem>> -> memref<1x128xi32, #tpu.memory_space<vmem>>
      %dma_start3A_738 = tpu.memref_squeeze %dma_start3A_737 : memref<1x128xi32, #tpu.memory_space<vmem>> -> memref<128xi32, #tpu.memory_space<vmem>>
      %dma_start3A_739 = arith.constant 0 : i32
      %dma_start3A_740 = tpu.memref_slice %arg14[%dma_start3A_739] : memref<1048576xf32, #tpu.memory_space<vmem_shared>> -> memref<1048576xf32, #tpu.memory_space<vmem_shared>>
      tpu.enqueue_indirect_dma source(%arg11 : memref<128xf32, #tpu.memory_space<vmem>>) target(%dma_start3A_740 : memref<1048576xf32, #tpu.memory_space<vmem_shared>>) offsets(%dma_start3A_738 : memref<128xi32, #tpu.memory_space<vmem>>) semaphore(%arg15 : memref<!tpu.dma_semaphore, #tpu.memory_space<semaphore_mem>>) {add = true}
      %dma_start3A_741 = arith.constant 27 : i32
      %dma_start3A_742 = arith.constant 27 : i32
      %dma_start3A_743 = arith.constant 0 : i32
      %dma_start3A_744 = tpu.memref_slice %arg10[%dma_start3A_741, %dma_start3A_743] : memref<64x128xf32, #tpu.memory_space<vmem>> -> memref<1x128xf32, #tpu.memory_space<vmem>>
      %dma_start3A_745 = tpu.memref_squeeze %dma_start3A_744 : memref<1x128xf32, #tpu.memory_space<vmem>> -> memref<128xf32, #tpu.memory_space<vmem>>
      %dma_start3A_746 = arith.constant 0 : i32
      %dma_start3A_747 = tpu.memref_slice %arg9[%dma_start3A_742, %dma_start3A_746] : memref<64x128xi32, #tpu.memory_space<vmem>> -> memref<1x128xi32, #tpu.memory_space<vmem>>
      %dma_start3A_748 = tpu.memref_squeeze %dma_start3A_747 : memref<1x128xi32, #tpu.memory_space<vmem>> -> memref<128xi32, #tpu.memory_space<vmem>>
      %dma_start3A_749 = arith.constant 0 : i32
      %dma_start3A_750 = tpu.memref_slice %arg14[%dma_start3A_749] : memref<1048576xf32, #tpu.memory_space<vmem_shared>> -> memref<1048576xf32, #tpu.memory_space<vmem_shared>>
      tpu.enqueue_indirect_dma source(%dma_start3A_745 : memref<128xf32, #tpu.memory_space<vmem>>) target(%dma_start3A_750 : memref<1048576xf32, #tpu.memory_space<vmem_shared>>) offsets(%dma_start3A_748 : memref<128xi32, #tpu.memory_space<vmem>>) semaphore(%arg15 : memref<!tpu.dma_semaphore, #tpu.memory_space<semaphore_mem>>) {add = true}
      %dma_start3A_751 = arith.constant 28 : i32
      %dma_start3A_752 = arith.constant 0 : i32
      %dma_start3A_753 = tpu.memref_slice %arg8[%dma_start3A_751, %dma_start3A_752] : memref<64x128xi32, #tpu.memory_space<vmem>> -> memref<1x128xi32, #tpu.memory_space<vmem>>
      %dma_start3A_754 = tpu.memref_squeeze %dma_start3A_753 : memref<1x128xi32, #tpu.memory_space<vmem>> -> memref<128xi32, #tpu.memory_space<vmem>>
      %dma_start3A_755 = arith.constant 0 : i32
      %dma_start3A_756 = tpu.memref_slice %arg14[%dma_start3A_755] : memref<1048576xf32, #tpu.memory_space<vmem_shared>> -> memref<1048576xf32, #tpu.memory_space<vmem_shared>>
      tpu.enqueue_indirect_dma source(%arg11 : memref<128xf32, #tpu.memory_space<vmem>>) target(%dma_start3A_756 : memref<1048576xf32, #tpu.memory_space<vmem_shared>>) offsets(%dma_start3A_754 : memref<128xi32, #tpu.memory_space<vmem>>) semaphore(%arg15 : memref<!tpu.dma_semaphore, #tpu.memory_space<semaphore_mem>>) {add = true}
      %dma_start3A_757 = arith.constant 28 : i32
      %dma_start3A_758 = arith.constant 28 : i32
      %dma_start3A_759 = arith.constant 0 : i32
      %dma_start3A_760 = tpu.memref_slice %arg10[%dma_start3A_757, %dma_start3A_759] : memref<64x128xf32, #tpu.memory_space<vmem>> -> memref<1x128xf32, #tpu.memory_space<vmem>>
      %dma_start3A_761 = tpu.memref_squeeze %dma_start3A_760 : memref<1x128xf32, #tpu.memory_space<vmem>> -> memref<128xf32, #tpu.memory_space<vmem>>
      %dma_start3A_762 = arith.constant 0 : i32
      %dma_start3A_763 = tpu.memref_slice %arg9[%dma_start3A_758, %dma_start3A_762] : memref<64x128xi32, #tpu.memory_space<vmem>> -> memref<1x128xi32, #tpu.memory_space<vmem>>
      %dma_start3A_764 = tpu.memref_squeeze %dma_start3A_763 : memref<1x128xi32, #tpu.memory_space<vmem>> -> memref<128xi32, #tpu.memory_space<vmem>>
      %dma_start3A_765 = arith.constant 0 : i32
      %dma_start3A_766 = tpu.memref_slice %arg14[%dma_start3A_765] : memref<1048576xf32, #tpu.memory_space<vmem_shared>> -> memref<1048576xf32, #tpu.memory_space<vmem_shared>>
      tpu.enqueue_indirect_dma source(%dma_start3A_761 : memref<128xf32, #tpu.memory_space<vmem>>) target(%dma_start3A_766 : memref<1048576xf32, #tpu.memory_space<vmem_shared>>) offsets(%dma_start3A_764 : memref<128xi32, #tpu.memory_space<vmem>>) semaphore(%arg15 : memref<!tpu.dma_semaphore, #tpu.memory_space<semaphore_mem>>) {add = true}
      %dma_start3A_767 = arith.constant 29 : i32
      %dma_start3A_768 = arith.constant 0 : i32
      %dma_start3A_769 = tpu.memref_slice %arg8[%dma_start3A_767, %dma_start3A_768] : memref<64x128xi32, #tpu.memory_space<vmem>> -> memref<1x128xi32, #tpu.memory_space<vmem>>
      %dma_start3A_770 = tpu.memref_squeeze %dma_start3A_769 : memref<1x128xi32, #tpu.memory_space<vmem>> -> memref<128xi32, #tpu.memory_space<vmem>>
      %dma_start3A_771 = arith.constant 0 : i32
      %dma_start3A_772 = tpu.memref_slice %arg14[%dma_start3A_771] : memref<1048576xf32, #tpu.memory_space<vmem_shared>> -> memref<1048576xf32, #tpu.memory_space<vmem_shared>>
      tpu.enqueue_indirect_dma source(%arg11 : memref<128xf32, #tpu.memory_space<vmem>>) target(%dma_start3A_772 : memref<1048576xf32, #tpu.memory_space<vmem_shared>>) offsets(%dma_start3A_770 : memref<128xi32, #tpu.memory_space<vmem>>) semaphore(%arg15 : memref<!tpu.dma_semaphore, #tpu.memory_space<semaphore_mem>>) {add = true}
      %dma_start3A_773 = arith.constant 29 : i32
      %dma_start3A_774 = arith.constant 29 : i32
      %dma_start3A_775 = arith.constant 0 : i32
      %dma_start3A_776 = tpu.memref_slice %arg10[%dma_start3A_773, %dma_start3A_775] : memref<64x128xf32, #tpu.memory_space<vmem>> -> memref<1x128xf32, #tpu.memory_space<vmem>>
      %dma_start3A_777 = tpu.memref_squeeze %dma_start3A_776 : memref<1x128xf32, #tpu.memory_space<vmem>> -> memref<128xf32, #tpu.memory_space<vmem>>
      %dma_start3A_778 = arith.constant 0 : i32
      %dma_start3A_779 = tpu.memref_slice %arg9[%dma_start3A_774, %dma_start3A_778] : memref<64x128xi32, #tpu.memory_space<vmem>> -> memref<1x128xi32, #tpu.memory_space<vmem>>
      %dma_start3A_780 = tpu.memref_squeeze %dma_start3A_779 : memref<1x128xi32, #tpu.memory_space<vmem>> -> memref<128xi32, #tpu.memory_space<vmem>>
      %dma_start3A_781 = arith.constant 0 : i32
      %dma_start3A_782 = tpu.memref_slice %arg14[%dma_start3A_781] : memref<1048576xf32, #tpu.memory_space<vmem_shared>> -> memref<1048576xf32, #tpu.memory_space<vmem_shared>>
      tpu.enqueue_indirect_dma source(%dma_start3A_777 : memref<128xf32, #tpu.memory_space<vmem>>) target(%dma_start3A_782 : memref<1048576xf32, #tpu.memory_space<vmem_shared>>) offsets(%dma_start3A_780 : memref<128xi32, #tpu.memory_space<vmem>>) semaphore(%arg15 : memref<!tpu.dma_semaphore, #tpu.memory_space<semaphore_mem>>) {add = true}
      %dma_start3A_783 = arith.constant 30 : i32
      %dma_start3A_784 = arith.constant 0 : i32
      %dma_start3A_785 = tpu.memref_slice %arg8[%dma_start3A_783, %dma_start3A_784] : memref<64x128xi32, #tpu.memory_space<vmem>> -> memref<1x128xi32, #tpu.memory_space<vmem>>
      %dma_start3A_786 = tpu.memref_squeeze %dma_start3A_785 : memref<1x128xi32, #tpu.memory_space<vmem>> -> memref<128xi32, #tpu.memory_space<vmem>>
      %dma_start3A_787 = arith.constant 0 : i32
      %dma_start3A_788 = tpu.memref_slice %arg14[%dma_start3A_787] : memref<1048576xf32, #tpu.memory_space<vmem_shared>> -> memref<1048576xf32, #tpu.memory_space<vmem_shared>>
      tpu.enqueue_indirect_dma source(%arg11 : memref<128xf32, #tpu.memory_space<vmem>>) target(%dma_start3A_788 : memref<1048576xf32, #tpu.memory_space<vmem_shared>>) offsets(%dma_start3A_786 : memref<128xi32, #tpu.memory_space<vmem>>) semaphore(%arg15 : memref<!tpu.dma_semaphore, #tpu.memory_space<semaphore_mem>>) {add = true}
      %dma_start3A_789 = arith.constant 30 : i32
      %dma_start3A_790 = arith.constant 30 : i32
      %dma_start3A_791 = arith.constant 0 : i32
      %dma_start3A_792 = tpu.memref_slice %arg10[%dma_start3A_789, %dma_start3A_791] : memref<64x128xf32, #tpu.memory_space<vmem>> -> memref<1x128xf32, #tpu.memory_space<vmem>>
      %dma_start3A_793 = tpu.memref_squeeze %dma_start3A_792 : memref<1x128xf32, #tpu.memory_space<vmem>> -> memref<128xf32, #tpu.memory_space<vmem>>
      %dma_start3A_794 = arith.constant 0 : i32
      %dma_start3A_795 = tpu.memref_slice %arg9[%dma_start3A_790, %dma_start3A_794] : memref<64x128xi32, #tpu.memory_space<vmem>> -> memref<1x128xi32, #tpu.memory_space<vmem>>
      %dma_start3A_796 = tpu.memref_squeeze %dma_start3A_795 : memref<1x128xi32, #tpu.memory_space<vmem>> -> memref<128xi32, #tpu.memory_space<vmem>>
      %dma_start3A_797 = arith.constant 0 : i32
      %dma_start3A_798 = tpu.memref_slice %arg14[%dma_start3A_797] : memref<1048576xf32, #tpu.memory_space<vmem_shared>> -> memref<1048576xf32, #tpu.memory_space<vmem_shared>>
      tpu.enqueue_indirect_dma source(%dma_start3A_793 : memref<128xf32, #tpu.memory_space<vmem>>) target(%dma_start3A_798 : memref<1048576xf32, #tpu.memory_space<vmem_shared>>) offsets(%dma_start3A_796 : memref<128xi32, #tpu.memory_space<vmem>>) semaphore(%arg15 : memref<!tpu.dma_semaphore, #tpu.memory_space<semaphore_mem>>) {add = true}
      %dma_start3A_799 = arith.constant 31 : i32
      %dma_start3A_800 = arith.constant 0 : i32
      %dma_start3A_801 = tpu.memref_slice %arg8[%dma_start3A_799, %dma_start3A_800] : memref<64x128xi32, #tpu.memory_space<vmem>> -> memref<1x128xi32, #tpu.memory_space<vmem>>
      %dma_start3A_802 = tpu.memref_squeeze %dma_start3A_801 : memref<1x128xi32, #tpu.memory_space<vmem>> -> memref<128xi32, #tpu.memory_space<vmem>>
      %dma_start3A_803 = arith.constant 0 : i32
      %dma_start3A_804 = tpu.memref_slice %arg14[%dma_start3A_803] : memref<1048576xf32, #tpu.memory_space<vmem_shared>> -> memref<1048576xf32, #tpu.memory_space<vmem_shared>>
      tpu.enqueue_indirect_dma source(%arg11 : memref<128xf32, #tpu.memory_space<vmem>>) target(%dma_start3A_804 : memref<1048576xf32, #tpu.memory_space<vmem_shared>>) offsets(%dma_start3A_802 : memref<128xi32, #tpu.memory_space<vmem>>) semaphore(%arg15 : memref<!tpu.dma_semaphore, #tpu.memory_space<semaphore_mem>>) {add = true}
      %dma_start3A_805 = arith.constant 31 : i32
      %dma_start3A_806 = arith.constant 31 : i32
      %dma_start3A_807 = arith.constant 0 : i32
      %dma_start3A_808 = tpu.memref_slice %arg10[%dma_start3A_805, %dma_start3A_807] : memref<64x128xf32, #tpu.memory_space<vmem>> -> memref<1x128xf32, #tpu.memory_space<vmem>>
      %dma_start3A_809 = tpu.memref_squeeze %dma_start3A_808 : memref<1x128xf32, #tpu.memory_space<vmem>> -> memref<128xf32, #tpu.memory_space<vmem>>
      %dma_start3A_810 = arith.constant 0 : i32
      %dma_start3A_811 = tpu.memref_slice %arg9[%dma_start3A_806, %dma_start3A_810] : memref<64x128xi32, #tpu.memory_space<vmem>> -> memref<1x128xi32, #tpu.memory_space<vmem>>
      %dma_start3A_812 = tpu.memref_squeeze %dma_start3A_811 : memref<1x128xi32, #tpu.memory_space<vmem>> -> memref<128xi32, #tpu.memory_space<vmem>>
      %dma_start3A_813 = arith.constant 0 : i32
      %dma_start3A_814 = tpu.memref_slice %arg14[%dma_start3A_813] : memref<1048576xf32, #tpu.memory_space<vmem_shared>> -> memref<1048576xf32, #tpu.memory_space<vmem_shared>>
      tpu.enqueue_indirect_dma source(%dma_start3A_809 : memref<128xf32, #tpu.memory_space<vmem>>) target(%dma_start3A_814 : memref<1048576xf32, #tpu.memory_space<vmem_shared>>) offsets(%dma_start3A_812 : memref<128xi32, #tpu.memory_space<vmem>>) semaphore(%arg15 : memref<!tpu.dma_semaphore, #tpu.memory_space<semaphore_mem>>) {add = true}
      %dma_wait3A_815 = arith.constant 16 : i32
      %dma_wait3A_816 = arith.constant 0 : i32
      %dma_wait3A_817 = tpu.memref_slice %arg8[%dma_wait3A_815, %dma_wait3A_816] : memref<64x128xi32, #tpu.memory_space<vmem>> -> memref<1x128xi32, #tpu.memory_space<vmem>>
      %dma_wait3A_818 = tpu.memref_squeeze %dma_wait3A_817 : memref<1x128xi32, #tpu.memory_space<vmem>> -> memref<128xi32, #tpu.memory_space<vmem>>
      %dma_wait3A_819 = arith.constant 0 : i32
      %dma_wait3A_820 = tpu.memref_slice %arg14[%dma_wait3A_819] : memref<1048576xf32, #tpu.memory_space<vmem_shared>> -> memref<1048576xf32, #tpu.memory_space<vmem_shared>>
      tpu.wait_indirect_dma semaphore(%arg15 : memref<!tpu.dma_semaphore, #tpu.memory_space<semaphore_mem>>) src(%arg11 : memref<128xf32, #tpu.memory_space<vmem>>) dst(%dma_wait3A_820 : memref<1048576xf32, #tpu.memory_space<vmem_shared>>)
      %dma_wait3A_821 = arith.constant 16 : i32
      %dma_wait3A_822 = arith.constant 16 : i32
      %dma_wait3A_823 = arith.constant 0 : i32
      %dma_wait3A_824 = tpu.memref_slice %arg10[%dma_wait3A_821, %dma_wait3A_823] : memref<64x128xf32, #tpu.memory_space<vmem>> -> memref<1x128xf32, #tpu.memory_space<vmem>>
      %dma_wait3A_825 = tpu.memref_squeeze %dma_wait3A_824 : memref<1x128xf32, #tpu.memory_space<vmem>> -> memref<128xf32, #tpu.memory_space<vmem>>
      %dma_wait3A_826 = arith.constant 0 : i32
      %dma_wait3A_827 = tpu.memref_slice %arg9[%dma_wait3A_822, %dma_wait3A_826] : memref<64x128xi32, #tpu.memory_space<vmem>> -> memref<1x128xi32, #tpu.memory_space<vmem>>
      %dma_wait3A_828 = tpu.memref_squeeze %dma_wait3A_827 : memref<1x128xi32, #tpu.memory_space<vmem>> -> memref<128xi32, #tpu.memory_space<vmem>>
      %dma_wait3A_829 = arith.constant 0 : i32
      %dma_wait3A_830 = tpu.memref_slice %arg14[%dma_wait3A_829] : memref<1048576xf32, #tpu.memory_space<vmem_shared>> -> memref<1048576xf32, #tpu.memory_space<vmem_shared>>
      tpu.wait_indirect_dma semaphore(%arg15 : memref<!tpu.dma_semaphore, #tpu.memory_space<semaphore_mem>>) src(%dma_wait3A_825 : memref<128xf32, #tpu.memory_space<vmem>>) dst(%dma_wait3A_830 : memref<1048576xf32, #tpu.memory_space<vmem_shared>>)
      %dma_wait3A_831 = arith.constant 17 : i32
      %dma_wait3A_832 = arith.constant 0 : i32
      %dma_wait3A_833 = tpu.memref_slice %arg8[%dma_wait3A_831, %dma_wait3A_832] : memref<64x128xi32, #tpu.memory_space<vmem>> -> memref<1x128xi32, #tpu.memory_space<vmem>>
      %dma_wait3A_834 = tpu.memref_squeeze %dma_wait3A_833 : memref<1x128xi32, #tpu.memory_space<vmem>> -> memref<128xi32, #tpu.memory_space<vmem>>
      %dma_wait3A_835 = arith.constant 0 : i32
      %dma_wait3A_836 = tpu.memref_slice %arg14[%dma_wait3A_835] : memref<1048576xf32, #tpu.memory_space<vmem_shared>> -> memref<1048576xf32, #tpu.memory_space<vmem_shared>>
      tpu.wait_indirect_dma semaphore(%arg15 : memref<!tpu.dma_semaphore, #tpu.memory_space<semaphore_mem>>) src(%arg11 : memref<128xf32, #tpu.memory_space<vmem>>) dst(%dma_wait3A_836 : memref<1048576xf32, #tpu.memory_space<vmem_shared>>)
      %dma_wait3A_837 = arith.constant 17 : i32
      %dma_wait3A_838 = arith.constant 17 : i32
      %dma_wait3A_839 = arith.constant 0 : i32
      %dma_wait3A_840 = tpu.memref_slice %arg10[%dma_wait3A_837, %dma_wait3A_839] : memref<64x128xf32, #tpu.memory_space<vmem>> -> memref<1x128xf32, #tpu.memory_space<vmem>>
      %dma_wait3A_841 = tpu.memref_squeeze %dma_wait3A_840 : memref<1x128xf32, #tpu.memory_space<vmem>> -> memref<128xf32, #tpu.memory_space<vmem>>
      %dma_wait3A_842 = arith.constant 0 : i32
      %dma_wait3A_843 = tpu.memref_slice %arg9[%dma_wait3A_838, %dma_wait3A_842] : memref<64x128xi32, #tpu.memory_space<vmem>> -> memref<1x128xi32, #tpu.memory_space<vmem>>
      %dma_wait3A_844 = tpu.memref_squeeze %dma_wait3A_843 : memref<1x128xi32, #tpu.memory_space<vmem>> -> memref<128xi32, #tpu.memory_space<vmem>>
      %dma_wait3A_845 = arith.constant 0 : i32
      %dma_wait3A_846 = tpu.memref_slice %arg14[%dma_wait3A_845] : memref<1048576xf32, #tpu.memory_space<vmem_shared>> -> memref<1048576xf32, #tpu.memory_space<vmem_shared>>
      tpu.wait_indirect_dma semaphore(%arg15 : memref<!tpu.dma_semaphore, #tpu.memory_space<semaphore_mem>>) src(%dma_wait3A_841 : memref<128xf32, #tpu.memory_space<vmem>>) dst(%dma_wait3A_846 : memref<1048576xf32, #tpu.memory_space<vmem_shared>>)
      %dma_wait3A_847 = arith.constant 18 : i32
      %dma_wait3A_848 = arith.constant 0 : i32
      %dma_wait3A_849 = tpu.memref_slice %arg8[%dma_wait3A_847, %dma_wait3A_848] : memref<64x128xi32, #tpu.memory_space<vmem>> -> memref<1x128xi32, #tpu.memory_space<vmem>>
      %dma_wait3A_850 = tpu.memref_squeeze %dma_wait3A_849 : memref<1x128xi32, #tpu.memory_space<vmem>> -> memref<128xi32, #tpu.memory_space<vmem>>
      %dma_wait3A_851 = arith.constant 0 : i32
      %dma_wait3A_852 = tpu.memref_slice %arg14[%dma_wait3A_851] : memref<1048576xf32, #tpu.memory_space<vmem_shared>> -> memref<1048576xf32, #tpu.memory_space<vmem_shared>>
      tpu.wait_indirect_dma semaphore(%arg15 : memref<!tpu.dma_semaphore, #tpu.memory_space<semaphore_mem>>) src(%arg11 : memref<128xf32, #tpu.memory_space<vmem>>) dst(%dma_wait3A_852 : memref<1048576xf32, #tpu.memory_space<vmem_shared>>)
      %dma_wait3A_853 = arith.constant 18 : i32
      %dma_wait3A_854 = arith.constant 18 : i32
      %dma_wait3A_855 = arith.constant 0 : i32
      %dma_wait3A_856 = tpu.memref_slice %arg10[%dma_wait3A_853, %dma_wait3A_855] : memref<64x128xf32, #tpu.memory_space<vmem>> -> memref<1x128xf32, #tpu.memory_space<vmem>>
      %dma_wait3A_857 = tpu.memref_squeeze %dma_wait3A_856 : memref<1x128xf32, #tpu.memory_space<vmem>> -> memref<128xf32, #tpu.memory_space<vmem>>
      %dma_wait3A_858 = arith.constant 0 : i32
      %dma_wait3A_859 = tpu.memref_slice %arg9[%dma_wait3A_854, %dma_wait3A_858] : memref<64x128xi32, #tpu.memory_space<vmem>> -> memref<1x128xi32, #tpu.memory_space<vmem>>
      %dma_wait3A_860 = tpu.memref_squeeze %dma_wait3A_859 : memref<1x128xi32, #tpu.memory_space<vmem>> -> memref<128xi32, #tpu.memory_space<vmem>>
      %dma_wait3A_861 = arith.constant 0 : i32
      %dma_wait3A_862 = tpu.memref_slice %arg14[%dma_wait3A_861] : memref<1048576xf32, #tpu.memory_space<vmem_shared>> -> memref<1048576xf32, #tpu.memory_space<vmem_shared>>
      tpu.wait_indirect_dma semaphore(%arg15 : memref<!tpu.dma_semaphore, #tpu.memory_space<semaphore_mem>>) src(%dma_wait3A_857 : memref<128xf32, #tpu.memory_space<vmem>>) dst(%dma_wait3A_862 : memref<1048576xf32, #tpu.memory_space<vmem_shared>>)
      %dma_wait3A_863 = arith.constant 19 : i32
      %dma_wait3A_864 = arith.constant 0 : i32
      %dma_wait3A_865 = tpu.memref_slice %arg8[%dma_wait3A_863, %dma_wait3A_864] : memref<64x128xi32, #tpu.memory_space<vmem>> -> memref<1x128xi32, #tpu.memory_space<vmem>>
      %dma_wait3A_866 = tpu.memref_squeeze %dma_wait3A_865 : memref<1x128xi32, #tpu.memory_space<vmem>> -> memref<128xi32, #tpu.memory_space<vmem>>
      %dma_wait3A_867 = arith.constant 0 : i32
      %dma_wait3A_868 = tpu.memref_slice %arg14[%dma_wait3A_867] : memref<1048576xf32, #tpu.memory_space<vmem_shared>> -> memref<1048576xf32, #tpu.memory_space<vmem_shared>>
      tpu.wait_indirect_dma semaphore(%arg15 : memref<!tpu.dma_semaphore, #tpu.memory_space<semaphore_mem>>) src(%arg11 : memref<128xf32, #tpu.memory_space<vmem>>) dst(%dma_wait3A_868 : memref<1048576xf32, #tpu.memory_space<vmem_shared>>)
      %dma_wait3A_869 = arith.constant 19 : i32
      %dma_wait3A_870 = arith.constant 19 : i32
      %dma_wait3A_871 = arith.constant 0 : i32
      %dma_wait3A_872 = tpu.memref_slice %arg10[%dma_wait3A_869, %dma_wait3A_871] : memref<64x128xf32, #tpu.memory_space<vmem>> -> memref<1x128xf32, #tpu.memory_space<vmem>>
      %dma_wait3A_873 = tpu.memref_squeeze %dma_wait3A_872 : memref<1x128xf32, #tpu.memory_space<vmem>> -> memref<128xf32, #tpu.memory_space<vmem>>
      %dma_wait3A_874 = arith.constant 0 : i32
      %dma_wait3A_875 = tpu.memref_slice %arg9[%dma_wait3A_870, %dma_wait3A_874] : memref<64x128xi32, #tpu.memory_space<vmem>> -> memref<1x128xi32, #tpu.memory_space<vmem>>
      %dma_wait3A_876 = tpu.memref_squeeze %dma_wait3A_875 : memref<1x128xi32, #tpu.memory_space<vmem>> -> memref<128xi32, #tpu.memory_space<vmem>>
      %dma_wait3A_877 = arith.constant 0 : i32
      %dma_wait3A_878 = tpu.memref_slice %arg14[%dma_wait3A_877] : memref<1048576xf32, #tpu.memory_space<vmem_shared>> -> memref<1048576xf32, #tpu.memory_space<vmem_shared>>
      tpu.wait_indirect_dma semaphore(%arg15 : memref<!tpu.dma_semaphore, #tpu.memory_space<semaphore_mem>>) src(%dma_wait3A_873 : memref<128xf32, #tpu.memory_space<vmem>>) dst(%dma_wait3A_878 : memref<1048576xf32, #tpu.memory_space<vmem_shared>>)
      %dma_wait3A_879 = arith.constant 20 : i32
      %dma_wait3A_880 = arith.constant 0 : i32
      %dma_wait3A_881 = tpu.memref_slice %arg8[%dma_wait3A_879, %dma_wait3A_880] : memref<64x128xi32, #tpu.memory_space<vmem>> -> memref<1x128xi32, #tpu.memory_space<vmem>>
      %dma_wait3A_882 = tpu.memref_squeeze %dma_wait3A_881 : memref<1x128xi32, #tpu.memory_space<vmem>> -> memref<128xi32, #tpu.memory_space<vmem>>
      %dma_wait3A_883 = arith.constant 0 : i32
      %dma_wait3A_884 = tpu.memref_slice %arg14[%dma_wait3A_883] : memref<1048576xf32, #tpu.memory_space<vmem_shared>> -> memref<1048576xf32, #tpu.memory_space<vmem_shared>>
      tpu.wait_indirect_dma semaphore(%arg15 : memref<!tpu.dma_semaphore, #tpu.memory_space<semaphore_mem>>) src(%arg11 : memref<128xf32, #tpu.memory_space<vmem>>) dst(%dma_wait3A_884 : memref<1048576xf32, #tpu.memory_space<vmem_shared>>)
      %dma_wait3A_885 = arith.constant 20 : i32
      %dma_wait3A_886 = arith.constant 20 : i32
      %dma_wait3A_887 = arith.constant 0 : i32
      %dma_wait3A_888 = tpu.memref_slice %arg10[%dma_wait3A_885, %dma_wait3A_887] : memref<64x128xf32, #tpu.memory_space<vmem>> -> memref<1x128xf32, #tpu.memory_space<vmem>>
      %dma_wait3A_889 = tpu.memref_squeeze %dma_wait3A_888 : memref<1x128xf32, #tpu.memory_space<vmem>> -> memref<128xf32, #tpu.memory_space<vmem>>
      %dma_wait3A_890 = arith.constant 0 : i32
      %dma_wait3A_891 = tpu.memref_slice %arg9[%dma_wait3A_886, %dma_wait3A_890] : memref<64x128xi32, #tpu.memory_space<vmem>> -> memref<1x128xi32, #tpu.memory_space<vmem>>
      %dma_wait3A_892 = tpu.memref_squeeze %dma_wait3A_891 : memref<1x128xi32, #tpu.memory_space<vmem>> -> memref<128xi32, #tpu.memory_space<vmem>>
      %dma_wait3A_893 = arith.constant 0 : i32
      %dma_wait3A_894 = tpu.memref_slice %arg14[%dma_wait3A_893] : memref<1048576xf32, #tpu.memory_space<vmem_shared>> -> memref<1048576xf32, #tpu.memory_space<vmem_shared>>
      tpu.wait_indirect_dma semaphore(%arg15 : memref<!tpu.dma_semaphore, #tpu.memory_space<semaphore_mem>>) src(%dma_wait3A_889 : memref<128xf32, #tpu.memory_space<vmem>>) dst(%dma_wait3A_894 : memref<1048576xf32, #tpu.memory_space<vmem_shared>>)
      %dma_wait3A_895 = arith.constant 21 : i32
      %dma_wait3A_896 = arith.constant 0 : i32
      %dma_wait3A_897 = tpu.memref_slice %arg8[%dma_wait3A_895, %dma_wait3A_896] : memref<64x128xi32, #tpu.memory_space<vmem>> -> memref<1x128xi32, #tpu.memory_space<vmem>>
      %dma_wait3A_898 = tpu.memref_squeeze %dma_wait3A_897 : memref<1x128xi32, #tpu.memory_space<vmem>> -> memref<128xi32, #tpu.memory_space<vmem>>
      %dma_wait3A_899 = arith.constant 0 : i32
      %dma_wait3A_900 = tpu.memref_slice %arg14[%dma_wait3A_899] : memref<1048576xf32, #tpu.memory_space<vmem_shared>> -> memref<1048576xf32, #tpu.memory_space<vmem_shared>>
      tpu.wait_indirect_dma semaphore(%arg15 : memref<!tpu.dma_semaphore, #tpu.memory_space<semaphore_mem>>) src(%arg11 : memref<128xf32, #tpu.memory_space<vmem>>) dst(%dma_wait3A_900 : memref<1048576xf32, #tpu.memory_space<vmem_shared>>)
      %dma_wait3A_901 = arith.constant 21 : i32
      %dma_wait3A_902 = arith.constant 21 : i32
      %dma_wait3A_903 = arith.constant 0 : i32
      %dma_wait3A_904 = tpu.memref_slice %arg10[%dma_wait3A_901, %dma_wait3A_903] : memref<64x128xf32, #tpu.memory_space<vmem>> -> memref<1x128xf32, #tpu.memory_space<vmem>>
      %dma_wait3A_905 = tpu.memref_squeeze %dma_wait3A_904 : memref<1x128xf32, #tpu.memory_space<vmem>> -> memref<128xf32, #tpu.memory_space<vmem>>
      %dma_wait3A_906 = arith.constant 0 : i32
      %dma_wait3A_907 = tpu.memref_slice %arg9[%dma_wait3A_902, %dma_wait3A_906] : memref<64x128xi32, #tpu.memory_space<vmem>> -> memref<1x128xi32, #tpu.memory_space<vmem>>
      %dma_wait3A_908 = tpu.memref_squeeze %dma_wait3A_907 : memref<1x128xi32, #tpu.memory_space<vmem>> -> memref<128xi32, #tpu.memory_space<vmem>>
      %dma_wait3A_909 = arith.constant 0 : i32
      %dma_wait3A_910 = tpu.memref_slice %arg14[%dma_wait3A_909] : memref<1048576xf32, #tpu.memory_space<vmem_shared>> -> memref<1048576xf32, #tpu.memory_space<vmem_shared>>
      tpu.wait_indirect_dma semaphore(%arg15 : memref<!tpu.dma_semaphore, #tpu.memory_space<semaphore_mem>>) src(%dma_wait3A_905 : memref<128xf32, #tpu.memory_space<vmem>>) dst(%dma_wait3A_910 : memref<1048576xf32, #tpu.memory_space<vmem_shared>>)
      %dma_wait3A_911 = arith.constant 22 : i32
      %dma_wait3A_912 = arith.constant 0 : i32
      %dma_wait3A_913 = tpu.memref_slice %arg8[%dma_wait3A_911, %dma_wait3A_912] : memref<64x128xi32, #tpu.memory_space<vmem>> -> memref<1x128xi32, #tpu.memory_space<vmem>>
      %dma_wait3A_914 = tpu.memref_squeeze %dma_wait3A_913 : memref<1x128xi32, #tpu.memory_space<vmem>> -> memref<128xi32, #tpu.memory_space<vmem>>
      %dma_wait3A_915 = arith.constant 0 : i32
      %dma_wait3A_916 = tpu.memref_slice %arg14[%dma_wait3A_915] : memref<1048576xf32, #tpu.memory_space<vmem_shared>> -> memref<1048576xf32, #tpu.memory_space<vmem_shared>>
      tpu.wait_indirect_dma semaphore(%arg15 : memref<!tpu.dma_semaphore, #tpu.memory_space<semaphore_mem>>) src(%arg11 : memref<128xf32, #tpu.memory_space<vmem>>) dst(%dma_wait3A_916 : memref<1048576xf32, #tpu.memory_space<vmem_shared>>)
      %dma_wait3A_917 = arith.constant 22 : i32
      %dma_wait3A_918 = arith.constant 22 : i32
      %dma_wait3A_919 = arith.constant 0 : i32
      %dma_wait3A_920 = tpu.memref_slice %arg10[%dma_wait3A_917, %dma_wait3A_919] : memref<64x128xf32, #tpu.memory_space<vmem>> -> memref<1x128xf32, #tpu.memory_space<vmem>>
      %dma_wait3A_921 = tpu.memref_squeeze %dma_wait3A_920 : memref<1x128xf32, #tpu.memory_space<vmem>> -> memref<128xf32, #tpu.memory_space<vmem>>
      %dma_wait3A_922 = arith.constant 0 : i32
      %dma_wait3A_923 = tpu.memref_slice %arg9[%dma_wait3A_918, %dma_wait3A_922] : memref<64x128xi32, #tpu.memory_space<vmem>> -> memref<1x128xi32, #tpu.memory_space<vmem>>
      %dma_wait3A_924 = tpu.memref_squeeze %dma_wait3A_923 : memref<1x128xi32, #tpu.memory_space<vmem>> -> memref<128xi32, #tpu.memory_space<vmem>>
      %dma_wait3A_925 = arith.constant 0 : i32
      %dma_wait3A_926 = tpu.memref_slice %arg14[%dma_wait3A_925] : memref<1048576xf32, #tpu.memory_space<vmem_shared>> -> memref<1048576xf32, #tpu.memory_space<vmem_shared>>
      tpu.wait_indirect_dma semaphore(%arg15 : memref<!tpu.dma_semaphore, #tpu.memory_space<semaphore_mem>>) src(%dma_wait3A_921 : memref<128xf32, #tpu.memory_space<vmem>>) dst(%dma_wait3A_926 : memref<1048576xf32, #tpu.memory_space<vmem_shared>>)
      %dma_wait3A_927 = arith.constant 23 : i32
      %dma_wait3A_928 = arith.constant 0 : i32
      %dma_wait3A_929 = tpu.memref_slice %arg8[%dma_wait3A_927, %dma_wait3A_928] : memref<64x128xi32, #tpu.memory_space<vmem>> -> memref<1x128xi32, #tpu.memory_space<vmem>>
      %dma_wait3A_930 = tpu.memref_squeeze %dma_wait3A_929 : memref<1x128xi32, #tpu.memory_space<vmem>> -> memref<128xi32, #tpu.memory_space<vmem>>
      %dma_wait3A_931 = arith.constant 0 : i32
      %dma_wait3A_932 = tpu.memref_slice %arg14[%dma_wait3A_931] : memref<1048576xf32, #tpu.memory_space<vmem_shared>> -> memref<1048576xf32, #tpu.memory_space<vmem_shared>>
      tpu.wait_indirect_dma semaphore(%arg15 : memref<!tpu.dma_semaphore, #tpu.memory_space<semaphore_mem>>) src(%arg11 : memref<128xf32, #tpu.memory_space<vmem>>) dst(%dma_wait3A_932 : memref<1048576xf32, #tpu.memory_space<vmem_shared>>)
      %dma_wait3A_933 = arith.constant 23 : i32
      %dma_wait3A_934 = arith.constant 23 : i32
      %dma_wait3A_935 = arith.constant 0 : i32
      %dma_wait3A_936 = tpu.memref_slice %arg10[%dma_wait3A_933, %dma_wait3A_935] : memref<64x128xf32, #tpu.memory_space<vmem>> -> memref<1x128xf32, #tpu.memory_space<vmem>>
      %dma_wait3A_937 = tpu.memref_squeeze %dma_wait3A_936 : memref<1x128xf32, #tpu.memory_space<vmem>> -> memref<128xf32, #tpu.memory_space<vmem>>
      %dma_wait3A_938 = arith.constant 0 : i32
      %dma_wait3A_939 = tpu.memref_slice %arg9[%dma_wait3A_934, %dma_wait3A_938] : memref<64x128xi32, #tpu.memory_space<vmem>> -> memref<1x128xi32, #tpu.memory_space<vmem>>
      %dma_wait3A_940 = tpu.memref_squeeze %dma_wait3A_939 : memref<1x128xi32, #tpu.memory_space<vmem>> -> memref<128xi32, #tpu.memory_space<vmem>>
      %dma_wait3A_941 = arith.constant 0 : i32
      %dma_wait3A_942 = tpu.memref_slice %arg14[%dma_wait3A_941] : memref<1048576xf32, #tpu.memory_space<vmem_shared>> -> memref<1048576xf32, #tpu.memory_space<vmem_shared>>
      tpu.wait_indirect_dma semaphore(%arg15 : memref<!tpu.dma_semaphore, #tpu.memory_space<semaphore_mem>>) src(%dma_wait3A_937 : memref<128xf32, #tpu.memory_space<vmem>>) dst(%dma_wait3A_942 : memref<1048576xf32, #tpu.memory_space<vmem_shared>>)
      %dma_wait3A_943 = arith.constant 24 : i32
      %dma_wait3A_944 = arith.constant 0 : i32
      %dma_wait3A_945 = tpu.memref_slice %arg8[%dma_wait3A_943, %dma_wait3A_944] : memref<64x128xi32, #tpu.memory_space<vmem>> -> memref<1x128xi32, #tpu.memory_space<vmem>>
      %dma_wait3A_946 = tpu.memref_squeeze %dma_wait3A_945 : memref<1x128xi32, #tpu.memory_space<vmem>> -> memref<128xi32, #tpu.memory_space<vmem>>
      %dma_wait3A_947 = arith.constant 0 : i32
      %dma_wait3A_948 = tpu.memref_slice %arg14[%dma_wait3A_947] : memref<1048576xf32, #tpu.memory_space<vmem_shared>> -> memref<1048576xf32, #tpu.memory_space<vmem_shared>>
      tpu.wait_indirect_dma semaphore(%arg15 : memref<!tpu.dma_semaphore, #tpu.memory_space<semaphore_mem>>) src(%arg11 : memref<128xf32, #tpu.memory_space<vmem>>) dst(%dma_wait3A_948 : memref<1048576xf32, #tpu.memory_space<vmem_shared>>)
      %dma_wait3A_949 = arith.constant 24 : i32
      %dma_wait3A_950 = arith.constant 24 : i32
      %dma_wait3A_951 = arith.constant 0 : i32
      %dma_wait3A_952 = tpu.memref_slice %arg10[%dma_wait3A_949, %dma_wait3A_951] : memref<64x128xf32, #tpu.memory_space<vmem>> -> memref<1x128xf32, #tpu.memory_space<vmem>>
      %dma_wait3A_953 = tpu.memref_squeeze %dma_wait3A_952 : memref<1x128xf32, #tpu.memory_space<vmem>> -> memref<128xf32, #tpu.memory_space<vmem>>
      %dma_wait3A_954 = arith.constant 0 : i32
      %dma_wait3A_955 = tpu.memref_slice %arg9[%dma_wait3A_950, %dma_wait3A_954] : memref<64x128xi32, #tpu.memory_space<vmem>> -> memref<1x128xi32, #tpu.memory_space<vmem>>
      %dma_wait3A_956 = tpu.memref_squeeze %dma_wait3A_955 : memref<1x128xi32, #tpu.memory_space<vmem>> -> memref<128xi32, #tpu.memory_space<vmem>>
      %dma_wait3A_957 = arith.constant 0 : i32
      %dma_wait3A_958 = tpu.memref_slice %arg14[%dma_wait3A_957] : memref<1048576xf32, #tpu.memory_space<vmem_shared>> -> memref<1048576xf32, #tpu.memory_space<vmem_shared>>
      tpu.wait_indirect_dma semaphore(%arg15 : memref<!tpu.dma_semaphore, #tpu.memory_space<semaphore_mem>>) src(%dma_wait3A_953 : memref<128xf32, #tpu.memory_space<vmem>>) dst(%dma_wait3A_958 : memref<1048576xf32, #tpu.memory_space<vmem_shared>>)
      %dma_wait3A_959 = arith.constant 25 : i32
      %dma_wait3A_960 = arith.constant 0 : i32
      %dma_wait3A_961 = tpu.memref_slice %arg8[%dma_wait3A_959, %dma_wait3A_960] : memref<64x128xi32, #tpu.memory_space<vmem>> -> memref<1x128xi32, #tpu.memory_space<vmem>>
      %dma_wait3A_962 = tpu.memref_squeeze %dma_wait3A_961 : memref<1x128xi32, #tpu.memory_space<vmem>> -> memref<128xi32, #tpu.memory_space<vmem>>
      %dma_wait3A_963 = arith.constant 0 : i32
      %dma_wait3A_964 = tpu.memref_slice %arg14[%dma_wait3A_963] : memref<1048576xf32, #tpu.memory_space<vmem_shared>> -> memref<1048576xf32, #tpu.memory_space<vmem_shared>>
      tpu.wait_indirect_dma semaphore(%arg15 : memref<!tpu.dma_semaphore, #tpu.memory_space<semaphore_mem>>) src(%arg11 : memref<128xf32, #tpu.memory_space<vmem>>) dst(%dma_wait3A_964 : memref<1048576xf32, #tpu.memory_space<vmem_shared>>)
      %dma_wait3A_965 = arith.constant 25 : i32
      %dma_wait3A_966 = arith.constant 25 : i32
      %dma_wait3A_967 = arith.constant 0 : i32
      %dma_wait3A_968 = tpu.memref_slice %arg10[%dma_wait3A_965, %dma_wait3A_967] : memref<64x128xf32, #tpu.memory_space<vmem>> -> memref<1x128xf32, #tpu.memory_space<vmem>>
      %dma_wait3A_969 = tpu.memref_squeeze %dma_wait3A_968 : memref<1x128xf32, #tpu.memory_space<vmem>> -> memref<128xf32, #tpu.memory_space<vmem>>
      %dma_wait3A_970 = arith.constant 0 : i32
      %dma_wait3A_971 = tpu.memref_slice %arg9[%dma_wait3A_966, %dma_wait3A_970] : memref<64x128xi32, #tpu.memory_space<vmem>> -> memref<1x128xi32, #tpu.memory_space<vmem>>
      %dma_wait3A_972 = tpu.memref_squeeze %dma_wait3A_971 : memref<1x128xi32, #tpu.memory_space<vmem>> -> memref<128xi32, #tpu.memory_space<vmem>>
      %dma_wait3A_973 = arith.constant 0 : i32
      %dma_wait3A_974 = tpu.memref_slice %arg14[%dma_wait3A_973] : memref<1048576xf32, #tpu.memory_space<vmem_shared>> -> memref<1048576xf32, #tpu.memory_space<vmem_shared>>
      tpu.wait_indirect_dma semaphore(%arg15 : memref<!tpu.dma_semaphore, #tpu.memory_space<semaphore_mem>>) src(%dma_wait3A_969 : memref<128xf32, #tpu.memory_space<vmem>>) dst(%dma_wait3A_974 : memref<1048576xf32, #tpu.memory_space<vmem_shared>>)
      %dma_wait3A_975 = arith.constant 26 : i32
      %dma_wait3A_976 = arith.constant 0 : i32
      %dma_wait3A_977 = tpu.memref_slice %arg8[%dma_wait3A_975, %dma_wait3A_976] : memref<64x128xi32, #tpu.memory_space<vmem>> -> memref<1x128xi32, #tpu.memory_space<vmem>>
      %dma_wait3A_978 = tpu.memref_squeeze %dma_wait3A_977 : memref<1x128xi32, #tpu.memory_space<vmem>> -> memref<128xi32, #tpu.memory_space<vmem>>
      %dma_wait3A_979 = arith.constant 0 : i32
      %dma_wait3A_980 = tpu.memref_slice %arg14[%dma_wait3A_979] : memref<1048576xf32, #tpu.memory_space<vmem_shared>> -> memref<1048576xf32, #tpu.memory_space<vmem_shared>>
      tpu.wait_indirect_dma semaphore(%arg15 : memref<!tpu.dma_semaphore, #tpu.memory_space<semaphore_mem>>) src(%arg11 : memref<128xf32, #tpu.memory_space<vmem>>) dst(%dma_wait3A_980 : memref<1048576xf32, #tpu.memory_space<vmem_shared>>)
      %dma_wait3A_981 = arith.constant 26 : i32
      %dma_wait3A_982 = arith.constant 26 : i32
      %dma_wait3A_983 = arith.constant 0 : i32
      %dma_wait3A_984 = tpu.memref_slice %arg10[%dma_wait3A_981, %dma_wait3A_983] : memref<64x128xf32, #tpu.memory_space<vmem>> -> memref<1x128xf32, #tpu.memory_space<vmem>>
      %dma_wait3A_985 = tpu.memref_squeeze %dma_wait3A_984 : memref<1x128xf32, #tpu.memory_space<vmem>> -> memref<128xf32, #tpu.memory_space<vmem>>
      %dma_wait3A_986 = arith.constant 0 : i32
      %dma_wait3A_987 = tpu.memref_slice %arg9[%dma_wait3A_982, %dma_wait3A_986] : memref<64x128xi32, #tpu.memory_space<vmem>> -> memref<1x128xi32, #tpu.memory_space<vmem>>
      %dma_wait3A_988 = tpu.memref_squeeze %dma_wait3A_987 : memref<1x128xi32, #tpu.memory_space<vmem>> -> memref<128xi32, #tpu.memory_space<vmem>>
      %dma_wait3A_989 = arith.constant 0 : i32
      %dma_wait3A_990 = tpu.memref_slice %arg14[%dma_wait3A_989] : memref<1048576xf32, #tpu.memory_space<vmem_shared>> -> memref<1048576xf32, #tpu.memory_space<vmem_shared>>
      tpu.wait_indirect_dma semaphore(%arg15 : memref<!tpu.dma_semaphore, #tpu.memory_space<semaphore_mem>>) src(%dma_wait3A_985 : memref<128xf32, #tpu.memory_space<vmem>>) dst(%dma_wait3A_990 : memref<1048576xf32, #tpu.memory_space<vmem_shared>>)
      %dma_wait3A_991 = arith.constant 27 : i32
      %dma_wait3A_992 = arith.constant 0 : i32
      %dma_wait3A_993 = tpu.memref_slice %arg8[%dma_wait3A_991, %dma_wait3A_992] : memref<64x128xi32, #tpu.memory_space<vmem>> -> memref<1x128xi32, #tpu.memory_space<vmem>>
      %dma_wait3A_994 = tpu.memref_squeeze %dma_wait3A_993 : memref<1x128xi32, #tpu.memory_space<vmem>> -> memref<128xi32, #tpu.memory_space<vmem>>
      %dma_wait3A_995 = arith.constant 0 : i32
      %dma_wait3A_996 = tpu.memref_slice %arg14[%dma_wait3A_995] : memref<1048576xf32, #tpu.memory_space<vmem_shared>> -> memref<1048576xf32, #tpu.memory_space<vmem_shared>>
      tpu.wait_indirect_dma semaphore(%arg15 : memref<!tpu.dma_semaphore, #tpu.memory_space<semaphore_mem>>) src(%arg11 : memref<128xf32, #tpu.memory_space<vmem>>) dst(%dma_wait3A_996 : memref<1048576xf32, #tpu.memory_space<vmem_shared>>)
      %dma_wait3A_997 = arith.constant 27 : i32
      %dma_wait3A_998 = arith.constant 27 : i32
      %dma_wait3A_999 = arith.constant 0 : i32
      %dma_wait3A_1000 = tpu.memref_slice %arg10[%dma_wait3A_997, %dma_wait3A_999] : memref<64x128xf32, #tpu.memory_space<vmem>> -> memref<1x128xf32, #tpu.memory_space<vmem>>
      %dma_wait3A_1001 = tpu.memref_squeeze %dma_wait3A_1000 : memref<1x128xf32, #tpu.memory_space<vmem>> -> memref<128xf32, #tpu.memory_space<vmem>>
      %dma_wait3A_1002 = arith.constant 0 : i32
      %dma_wait3A_1003 = tpu.memref_slice %arg9[%dma_wait3A_998, %dma_wait3A_1002] : memref<64x128xi32, #tpu.memory_space<vmem>> -> memref<1x128xi32, #tpu.memory_space<vmem>>
      %dma_wait3A_1004 = tpu.memref_squeeze %dma_wait3A_1003 : memref<1x128xi32, #tpu.memory_space<vmem>> -> memref<128xi32, #tpu.memory_space<vmem>>
      %dma_wait3A_1005 = arith.constant 0 : i32
      %dma_wait3A_1006 = tpu.memref_slice %arg14[%dma_wait3A_1005] : memref<1048576xf32, #tpu.memory_space<vmem_shared>> -> memref<1048576xf32, #tpu.memory_space<vmem_shared>>
      tpu.wait_indirect_dma semaphore(%arg15 : memref<!tpu.dma_semaphore, #tpu.memory_space<semaphore_mem>>) src(%dma_wait3A_1001 : memref<128xf32, #tpu.memory_space<vmem>>) dst(%dma_wait3A_1006 : memref<1048576xf32, #tpu.memory_space<vmem_shared>>)
      %dma_wait3A_1007 = arith.constant 28 : i32
      %dma_wait3A_1008 = arith.constant 0 : i32
      %dma_wait3A_1009 = tpu.memref_slice %arg8[%dma_wait3A_1007, %dma_wait3A_1008] : memref<64x128xi32, #tpu.memory_space<vmem>> -> memref<1x128xi32, #tpu.memory_space<vmem>>
      %dma_wait3A_1010 = tpu.memref_squeeze %dma_wait3A_1009 : memref<1x128xi32, #tpu.memory_space<vmem>> -> memref<128xi32, #tpu.memory_space<vmem>>
      %dma_wait3A_1011 = arith.constant 0 : i32
      %dma_wait3A_1012 = tpu.memref_slice %arg14[%dma_wait3A_1011] : memref<1048576xf32, #tpu.memory_space<vmem_shared>> -> memref<1048576xf32, #tpu.memory_space<vmem_shared>>
      tpu.wait_indirect_dma semaphore(%arg15 : memref<!tpu.dma_semaphore, #tpu.memory_space<semaphore_mem>>) src(%arg11 : memref<128xf32, #tpu.memory_space<vmem>>) dst(%dma_wait3A_1012 : memref<1048576xf32, #tpu.memory_space<vmem_shared>>)
      %dma_wait3A_1013 = arith.constant 28 : i32
      %dma_wait3A_1014 = arith.constant 28 : i32
      %dma_wait3A_1015 = arith.constant 0 : i32
      %dma_wait3A_1016 = tpu.memref_slice %arg10[%dma_wait3A_1013, %dma_wait3A_1015] : memref<64x128xf32, #tpu.memory_space<vmem>> -> memref<1x128xf32, #tpu.memory_space<vmem>>
      %dma_wait3A_1017 = tpu.memref_squeeze %dma_wait3A_1016 : memref<1x128xf32, #tpu.memory_space<vmem>> -> memref<128xf32, #tpu.memory_space<vmem>>
      %dma_wait3A_1018 = arith.constant 0 : i32
      %dma_wait3A_1019 = tpu.memref_slice %arg9[%dma_wait3A_1014, %dma_wait3A_1018] : memref<64x128xi32, #tpu.memory_space<vmem>> -> memref<1x128xi32, #tpu.memory_space<vmem>>
      %dma_wait3A_1020 = tpu.memref_squeeze %dma_wait3A_1019 : memref<1x128xi32, #tpu.memory_space<vmem>> -> memref<128xi32, #tpu.memory_space<vmem>>
      %dma_wait3A_1021 = arith.constant 0 : i32
      %dma_wait3A_1022 = tpu.memref_slice %arg14[%dma_wait3A_1021] : memref<1048576xf32, #tpu.memory_space<vmem_shared>> -> memref<1048576xf32, #tpu.memory_space<vmem_shared>>
      tpu.wait_indirect_dma semaphore(%arg15 : memref<!tpu.dma_semaphore, #tpu.memory_space<semaphore_mem>>) src(%dma_wait3A_1017 : memref<128xf32, #tpu.memory_space<vmem>>) dst(%dma_wait3A_1022 : memref<1048576xf32, #tpu.memory_space<vmem_shared>>)
      %dma_wait3A_1023 = arith.constant 29 : i32
      %dma_wait3A_1024 = arith.constant 0 : i32
      %dma_wait3A_1025 = tpu.memref_slice %arg8[%dma_wait3A_1023, %dma_wait3A_1024] : memref<64x128xi32, #tpu.memory_space<vmem>> -> memref<1x128xi32, #tpu.memory_space<vmem>>
      %dma_wait3A_1026 = tpu.memref_squeeze %dma_wait3A_1025 : memref<1x128xi32, #tpu.memory_space<vmem>> -> memref<128xi32, #tpu.memory_space<vmem>>
      %dma_wait3A_1027 = arith.constant 0 : i32
      %dma_wait3A_1028 = tpu.memref_slice %arg14[%dma_wait3A_1027] : memref<1048576xf32, #tpu.memory_space<vmem_shared>> -> memref<1048576xf32, #tpu.memory_space<vmem_shared>>
      tpu.wait_indirect_dma semaphore(%arg15 : memref<!tpu.dma_semaphore, #tpu.memory_space<semaphore_mem>>) src(%arg11 : memref<128xf32, #tpu.memory_space<vmem>>) dst(%dma_wait3A_1028 : memref<1048576xf32, #tpu.memory_space<vmem_shared>>)
      %dma_wait3A_1029 = arith.constant 29 : i32
      %dma_wait3A_1030 = arith.constant 29 : i32
      %dma_wait3A_1031 = arith.constant 0 : i32
      %dma_wait3A_1032 = tpu.memref_slice %arg10[%dma_wait3A_1029, %dma_wait3A_1031] : memref<64x128xf32, #tpu.memory_space<vmem>> -> memref<1x128xf32, #tpu.memory_space<vmem>>
      %dma_wait3A_1033 = tpu.memref_squeeze %dma_wait3A_1032 : memref<1x128xf32, #tpu.memory_space<vmem>> -> memref<128xf32, #tpu.memory_space<vmem>>
      %dma_wait3A_1034 = arith.constant 0 : i32
      %dma_wait3A_1035 = tpu.memref_slice %arg9[%dma_wait3A_1030, %dma_wait3A_1034] : memref<64x128xi32, #tpu.memory_space<vmem>> -> memref<1x128xi32, #tpu.memory_space<vmem>>
      %dma_wait3A_1036 = tpu.memref_squeeze %dma_wait3A_1035 : memref<1x128xi32, #tpu.memory_space<vmem>> -> memref<128xi32, #tpu.memory_space<vmem>>
      %dma_wait3A_1037 = arith.constant 0 : i32
      %dma_wait3A_1038 = tpu.memref_slice %arg14[%dma_wait3A_1037] : memref<1048576xf32, #tpu.memory_space<vmem_shared>> -> memref<1048576xf32, #tpu.memory_space<vmem_shared>>
      tpu.wait_indirect_dma semaphore(%arg15 : memref<!tpu.dma_semaphore, #tpu.memory_space<semaphore_mem>>) src(%dma_wait3A_1033 : memref<128xf32, #tpu.memory_space<vmem>>) dst(%dma_wait3A_1038 : memref<1048576xf32, #tpu.memory_space<vmem_shared>>)
      %dma_wait3A_1039 = arith.constant 30 : i32
      %dma_wait3A_1040 = arith.constant 0 : i32
      %dma_wait3A_1041 = tpu.memref_slice %arg8[%dma_wait3A_1039, %dma_wait3A_1040] : memref<64x128xi32, #tpu.memory_space<vmem>> -> memref<1x128xi32, #tpu.memory_space<vmem>>
      %dma_wait3A_1042 = tpu.memref_squeeze %dma_wait3A_1041 : memref<1x128xi32, #tpu.memory_space<vmem>> -> memref<128xi32, #tpu.memory_space<vmem>>
      %dma_wait3A_1043 = arith.constant 0 : i32
      %dma_wait3A_1044 = tpu.memref_slice %arg14[%dma_wait3A_1043] : memref<1048576xf32, #tpu.memory_space<vmem_shared>> -> memref<1048576xf32, #tpu.memory_space<vmem_shared>>
      tpu.wait_indirect_dma semaphore(%arg15 : memref<!tpu.dma_semaphore, #tpu.memory_space<semaphore_mem>>) src(%arg11 : memref<128xf32, #tpu.memory_space<vmem>>) dst(%dma_wait3A_1044 : memref<1048576xf32, #tpu.memory_space<vmem_shared>>)
      %dma_wait3A_1045 = arith.constant 30 : i32
      %dma_wait3A_1046 = arith.constant 30 : i32
      %dma_wait3A_1047 = arith.constant 0 : i32
      %dma_wait3A_1048 = tpu.memref_slice %arg10[%dma_wait3A_1045, %dma_wait3A_1047] : memref<64x128xf32, #tpu.memory_space<vmem>> -> memref<1x128xf32, #tpu.memory_space<vmem>>
      %dma_wait3A_1049 = tpu.memref_squeeze %dma_wait3A_1048 : memref<1x128xf32, #tpu.memory_space<vmem>> -> memref<128xf32, #tpu.memory_space<vmem>>
      %dma_wait3A_1050 = arith.constant 0 : i32
      %dma_wait3A_1051 = tpu.memref_slice %arg9[%dma_wait3A_1046, %dma_wait3A_1050] : memref<64x128xi32, #tpu.memory_space<vmem>> -> memref<1x128xi32, #tpu.memory_space<vmem>>
      %dma_wait3A_1052 = tpu.memref_squeeze %dma_wait3A_1051 : memref<1x128xi32, #tpu.memory_space<vmem>> -> memref<128xi32, #tpu.memory_space<vmem>>
      %dma_wait3A_1053 = arith.constant 0 : i32
      %dma_wait3A_1054 = tpu.memref_slice %arg14[%dma_wait3A_1053] : memref<1048576xf32, #tpu.memory_space<vmem_shared>> -> memref<1048576xf32, #tpu.memory_space<vmem_shared>>
      tpu.wait_indirect_dma semaphore(%arg15 : memref<!tpu.dma_semaphore, #tpu.memory_space<semaphore_mem>>) src(%dma_wait3A_1049 : memref<128xf32, #tpu.memory_space<vmem>>) dst(%dma_wait3A_1054 : memref<1048576xf32, #tpu.memory_space<vmem_shared>>)
      %dma_wait3A_1055 = arith.constant 31 : i32
      %dma_wait3A_1056 = arith.constant 0 : i32
      %dma_wait3A_1057 = tpu.memref_slice %arg8[%dma_wait3A_1055, %dma_wait3A_1056] : memref<64x128xi32, #tpu.memory_space<vmem>> -> memref<1x128xi32, #tpu.memory_space<vmem>>
      %dma_wait3A_1058 = tpu.memref_squeeze %dma_wait3A_1057 : memref<1x128xi32, #tpu.memory_space<vmem>> -> memref<128xi32, #tpu.memory_space<vmem>>
      %dma_wait3A_1059 = arith.constant 0 : i32
      %dma_wait3A_1060 = tpu.memref_slice %arg14[%dma_wait3A_1059] : memref<1048576xf32, #tpu.memory_space<vmem_shared>> -> memref<1048576xf32, #tpu.memory_space<vmem_shared>>
      tpu.wait_indirect_dma semaphore(%arg15 : memref<!tpu.dma_semaphore, #tpu.memory_space<semaphore_mem>>) src(%arg11 : memref<128xf32, #tpu.memory_space<vmem>>) dst(%dma_wait3A_1060 : memref<1048576xf32, #tpu.memory_space<vmem_shared>>)
      %dma_wait3A_1061 = arith.constant 31 : i32
      %dma_wait3A_1062 = arith.constant 31 : i32
      %dma_wait3A_1063 = arith.constant 0 : i32
      %dma_wait3A_1064 = tpu.memref_slice %arg10[%dma_wait3A_1061, %dma_wait3A_1063] : memref<64x128xf32, #tpu.memory_space<vmem>> -> memref<1x128xf32, #tpu.memory_space<vmem>>
      %dma_wait3A_1065 = tpu.memref_squeeze %dma_wait3A_1064 : memref<1x128xf32, #tpu.memory_space<vmem>> -> memref<128xf32, #tpu.memory_space<vmem>>
      %dma_wait3A_1066 = arith.constant 0 : i32
      %dma_wait3A_1067 = tpu.memref_slice %arg9[%dma_wait3A_1062, %dma_wait3A_1066] : memref<64x128xi32, #tpu.memory_space<vmem>> -> memref<1x128xi32, #tpu.memory_space<vmem>>
      %dma_wait3A_1068 = tpu.memref_squeeze %dma_wait3A_1067 : memref<1x128xi32, #tpu.memory_space<vmem>> -> memref<128xi32, #tpu.memory_space<vmem>>
      %dma_wait3A_1069 = arith.constant 0 : i32
      %dma_wait3A_1070 = tpu.memref_slice %arg14[%dma_wait3A_1069] : memref<1048576xf32, #tpu.memory_space<vmem_shared>> -> memref<1048576xf32, #tpu.memory_space<vmem_shared>>
      tpu.wait_indirect_dma semaphore(%arg15 : memref<!tpu.dma_semaphore, #tpu.memory_space<semaphore_mem>>) src(%dma_wait3A_1065 : memref<128xf32, #tpu.memory_space<vmem>>) dst(%dma_wait3A_1070 : memref<1048576xf32, #tpu.memory_space<vmem_shared>>)
      %dma_start3A_1071 = arith.constant 32 : i32
      %dma_start3A_1072 = arith.constant 0 : i32
      %dma_start3A_1073 = tpu.memref_slice %arg8[%dma_start3A_1071, %dma_start3A_1072] : memref<64x128xi32, #tpu.memory_space<vmem>> -> memref<1x128xi32, #tpu.memory_space<vmem>>
      %dma_start3A_1074 = tpu.memref_squeeze %dma_start3A_1073 : memref<1x128xi32, #tpu.memory_space<vmem>> -> memref<128xi32, #tpu.memory_space<vmem>>
      %dma_start3A_1075 = arith.constant 0 : i32
      %dma_start3A_1076 = tpu.memref_slice %arg14[%dma_start3A_1075] : memref<1048576xf32, #tpu.memory_space<vmem_shared>> -> memref<1048576xf32, #tpu.memory_space<vmem_shared>>
      tpu.enqueue_indirect_dma source(%arg11 : memref<128xf32, #tpu.memory_space<vmem>>) target(%dma_start3A_1076 : memref<1048576xf32, #tpu.memory_space<vmem_shared>>) offsets(%dma_start3A_1074 : memref<128xi32, #tpu.memory_space<vmem>>) semaphore(%arg15 : memref<!tpu.dma_semaphore, #tpu.memory_space<semaphore_mem>>) {add = true}
      %dma_start3A_1077 = arith.constant 32 : i32
      %dma_start3A_1078 = arith.constant 32 : i32
      %dma_start3A_1079 = arith.constant 0 : i32
      %dma_start3A_1080 = tpu.memref_slice %arg10[%dma_start3A_1077, %dma_start3A_1079] : memref<64x128xf32, #tpu.memory_space<vmem>> -> memref<1x128xf32, #tpu.memory_space<vmem>>
      %dma_start3A_1081 = tpu.memref_squeeze %dma_start3A_1080 : memref<1x128xf32, #tpu.memory_space<vmem>> -> memref<128xf32, #tpu.memory_space<vmem>>
      %dma_start3A_1082 = arith.constant 0 : i32
      %dma_start3A_1083 = tpu.memref_slice %arg9[%dma_start3A_1078, %dma_start3A_1082] : memref<64x128xi32, #tpu.memory_space<vmem>> -> memref<1x128xi32, #tpu.memory_space<vmem>>
      %dma_start3A_1084 = tpu.memref_squeeze %dma_start3A_1083 : memref<1x128xi32, #tpu.memory_space<vmem>> -> memref<128xi32, #tpu.memory_space<vmem>>
      %dma_start3A_1085 = arith.constant 0 : i32
      %dma_start3A_1086 = tpu.memref_slice %arg14[%dma_start3A_1085] : memref<1048576xf32, #tpu.memory_space<vmem_shared>> -> memref<1048576xf32, #tpu.memory_space<vmem_shared>>
      tpu.enqueue_indirect_dma source(%dma_start3A_1081 : memref<128xf32, #tpu.memory_space<vmem>>) target(%dma_start3A_1086 : memref<1048576xf32, #tpu.memory_space<vmem_shared>>) offsets(%dma_start3A_1084 : memref<128xi32, #tpu.memory_space<vmem>>) semaphore(%arg15 : memref<!tpu.dma_semaphore, #tpu.memory_space<semaphore_mem>>) {add = true}
      %dma_start3A_1087 = arith.constant 33 : i32
      %dma_start3A_1088 = arith.constant 0 : i32
      %dma_start3A_1089 = tpu.memref_slice %arg8[%dma_start3A_1087, %dma_start3A_1088] : memref<64x128xi32, #tpu.memory_space<vmem>> -> memref<1x128xi32, #tpu.memory_space<vmem>>
      %dma_start3A_1090 = tpu.memref_squeeze %dma_start3A_1089 : memref<1x128xi32, #tpu.memory_space<vmem>> -> memref<128xi32, #tpu.memory_space<vmem>>
      %dma_start3A_1091 = arith.constant 0 : i32
      %dma_start3A_1092 = tpu.memref_slice %arg14[%dma_start3A_1091] : memref<1048576xf32, #tpu.memory_space<vmem_shared>> -> memref<1048576xf32, #tpu.memory_space<vmem_shared>>
      tpu.enqueue_indirect_dma source(%arg11 : memref<128xf32, #tpu.memory_space<vmem>>) target(%dma_start3A_1092 : memref<1048576xf32, #tpu.memory_space<vmem_shared>>) offsets(%dma_start3A_1090 : memref<128xi32, #tpu.memory_space<vmem>>) semaphore(%arg15 : memref<!tpu.dma_semaphore, #tpu.memory_space<semaphore_mem>>) {add = true}
      %dma_start3A_1093 = arith.constant 33 : i32
      %dma_start3A_1094 = arith.constant 33 : i32
      %dma_start3A_1095 = arith.constant 0 : i32
      %dma_start3A_1096 = tpu.memref_slice %arg10[%dma_start3A_1093, %dma_start3A_1095] : memref<64x128xf32, #tpu.memory_space<vmem>> -> memref<1x128xf32, #tpu.memory_space<vmem>>
      %dma_start3A_1097 = tpu.memref_squeeze %dma_start3A_1096 : memref<1x128xf32, #tpu.memory_space<vmem>> -> memref<128xf32, #tpu.memory_space<vmem>>
      %dma_start3A_1098 = arith.constant 0 : i32
      %dma_start3A_1099 = tpu.memref_slice %arg9[%dma_start3A_1094, %dma_start3A_1098] : memref<64x128xi32, #tpu.memory_space<vmem>> -> memref<1x128xi32, #tpu.memory_space<vmem>>
      %dma_start3A_1100 = tpu.memref_squeeze %dma_start3A_1099 : memref<1x128xi32, #tpu.memory_space<vmem>> -> memref<128xi32, #tpu.memory_space<vmem>>
      %dma_start3A_1101 = arith.constant 0 : i32
      %dma_start3A_1102 = tpu.memref_slice %arg14[%dma_start3A_1101] : memref<1048576xf32, #tpu.memory_space<vmem_shared>> -> memref<1048576xf32, #tpu.memory_space<vmem_shared>>
      tpu.enqueue_indirect_dma source(%dma_start3A_1097 : memref<128xf32, #tpu.memory_space<vmem>>) target(%dma_start3A_1102 : memref<1048576xf32, #tpu.memory_space<vmem_shared>>) offsets(%dma_start3A_1100 : memref<128xi32, #tpu.memory_space<vmem>>) semaphore(%arg15 : memref<!tpu.dma_semaphore, #tpu.memory_space<semaphore_mem>>) {add = true}
      %dma_start3A_1103 = arith.constant 34 : i32
      %dma_start3A_1104 = arith.constant 0 : i32
      %dma_start3A_1105 = tpu.memref_slice %arg8[%dma_start3A_1103, %dma_start3A_1104] : memref<64x128xi32, #tpu.memory_space<vmem>> -> memref<1x128xi32, #tpu.memory_space<vmem>>
      %dma_start3A_1106 = tpu.memref_squeeze %dma_start3A_1105 : memref<1x128xi32, #tpu.memory_space<vmem>> -> memref<128xi32, #tpu.memory_space<vmem>>
      %dma_start3A_1107 = arith.constant 0 : i32
      %dma_start3A_1108 = tpu.memref_slice %arg14[%dma_start3A_1107] : memref<1048576xf32, #tpu.memory_space<vmem_shared>> -> memref<1048576xf32, #tpu.memory_space<vmem_shared>>
      tpu.enqueue_indirect_dma source(%arg11 : memref<128xf32, #tpu.memory_space<vmem>>) target(%dma_start3A_1108 : memref<1048576xf32, #tpu.memory_space<vmem_shared>>) offsets(%dma_start3A_1106 : memref<128xi32, #tpu.memory_space<vmem>>) semaphore(%arg15 : memref<!tpu.dma_semaphore, #tpu.memory_space<semaphore_mem>>) {add = true}
      %dma_start3A_1109 = arith.constant 34 : i32
      %dma_start3A_1110 = arith.constant 34 : i32
      %dma_start3A_1111 = arith.constant 0 : i32
      %dma_start3A_1112 = tpu.memref_slice %arg10[%dma_start3A_1109, %dma_start3A_1111] : memref<64x128xf32, #tpu.memory_space<vmem>> -> memref<1x128xf32, #tpu.memory_space<vmem>>
      %dma_start3A_1113 = tpu.memref_squeeze %dma_start3A_1112 : memref<1x128xf32, #tpu.memory_space<vmem>> -> memref<128xf32, #tpu.memory_space<vmem>>
      %dma_start3A_1114 = arith.constant 0 : i32
      %dma_start3A_1115 = tpu.memref_slice %arg9[%dma_start3A_1110, %dma_start3A_1114] : memref<64x128xi32, #tpu.memory_space<vmem>> -> memref<1x128xi32, #tpu.memory_space<vmem>>
      %dma_start3A_1116 = tpu.memref_squeeze %dma_start3A_1115 : memref<1x128xi32, #tpu.memory_space<vmem>> -> memref<128xi32, #tpu.memory_space<vmem>>
      %dma_start3A_1117 = arith.constant 0 : i32
      %dma_start3A_1118 = tpu.memref_slice %arg14[%dma_start3A_1117] : memref<1048576xf32, #tpu.memory_space<vmem_shared>> -> memref<1048576xf32, #tpu.memory_space<vmem_shared>>
      tpu.enqueue_indirect_dma source(%dma_start3A_1113 : memref<128xf32, #tpu.memory_space<vmem>>) target(%dma_start3A_1118 : memref<1048576xf32, #tpu.memory_space<vmem_shared>>) offsets(%dma_start3A_1116 : memref<128xi32, #tpu.memory_space<vmem>>) semaphore(%arg15 : memref<!tpu.dma_semaphore, #tpu.memory_space<semaphore_mem>>) {add = true}
      %dma_start3A_1119 = arith.constant 35 : i32
      %dma_start3A_1120 = arith.constant 0 : i32
      %dma_start3A_1121 = tpu.memref_slice %arg8[%dma_start3A_1119, %dma_start3A_1120] : memref<64x128xi32, #tpu.memory_space<vmem>> -> memref<1x128xi32, #tpu.memory_space<vmem>>
      %dma_start3A_1122 = tpu.memref_squeeze %dma_start3A_1121 : memref<1x128xi32, #tpu.memory_space<vmem>> -> memref<128xi32, #tpu.memory_space<vmem>>
      %dma_start3A_1123 = arith.constant 0 : i32
      %dma_start3A_1124 = tpu.memref_slice %arg14[%dma_start3A_1123] : memref<1048576xf32, #tpu.memory_space<vmem_shared>> -> memref<1048576xf32, #tpu.memory_space<vmem_shared>>
      tpu.enqueue_indirect_dma source(%arg11 : memref<128xf32, #tpu.memory_space<vmem>>) target(%dma_start3A_1124 : memref<1048576xf32, #tpu.memory_space<vmem_shared>>) offsets(%dma_start3A_1122 : memref<128xi32, #tpu.memory_space<vmem>>) semaphore(%arg15 : memref<!tpu.dma_semaphore, #tpu.memory_space<semaphore_mem>>) {add = true}
      %dma_start3A_1125 = arith.constant 35 : i32
      %dma_start3A_1126 = arith.constant 35 : i32
      %dma_start3A_1127 = arith.constant 0 : i32
      %dma_start3A_1128 = tpu.memref_slice %arg10[%dma_start3A_1125, %dma_start3A_1127] : memref<64x128xf32, #tpu.memory_space<vmem>> -> memref<1x128xf32, #tpu.memory_space<vmem>>
      %dma_start3A_1129 = tpu.memref_squeeze %dma_start3A_1128 : memref<1x128xf32, #tpu.memory_space<vmem>> -> memref<128xf32, #tpu.memory_space<vmem>>
      %dma_start3A_1130 = arith.constant 0 : i32
      %dma_start3A_1131 = tpu.memref_slice %arg9[%dma_start3A_1126, %dma_start3A_1130] : memref<64x128xi32, #tpu.memory_space<vmem>> -> memref<1x128xi32, #tpu.memory_space<vmem>>
      %dma_start3A_1132 = tpu.memref_squeeze %dma_start3A_1131 : memref<1x128xi32, #tpu.memory_space<vmem>> -> memref<128xi32, #tpu.memory_space<vmem>>
      %dma_start3A_1133 = arith.constant 0 : i32
      %dma_start3A_1134 = tpu.memref_slice %arg14[%dma_start3A_1133] : memref<1048576xf32, #tpu.memory_space<vmem_shared>> -> memref<1048576xf32, #tpu.memory_space<vmem_shared>>
      tpu.enqueue_indirect_dma source(%dma_start3A_1129 : memref<128xf32, #tpu.memory_space<vmem>>) target(%dma_start3A_1134 : memref<1048576xf32, #tpu.memory_space<vmem_shared>>) offsets(%dma_start3A_1132 : memref<128xi32, #tpu.memory_space<vmem>>) semaphore(%arg15 : memref<!tpu.dma_semaphore, #tpu.memory_space<semaphore_mem>>) {add = true}
      %dma_start3A_1135 = arith.constant 36 : i32
      %dma_start3A_1136 = arith.constant 0 : i32
      %dma_start3A_1137 = tpu.memref_slice %arg8[%dma_start3A_1135, %dma_start3A_1136] : memref<64x128xi32, #tpu.memory_space<vmem>> -> memref<1x128xi32, #tpu.memory_space<vmem>>
      %dma_start3A_1138 = tpu.memref_squeeze %dma_start3A_1137 : memref<1x128xi32, #tpu.memory_space<vmem>> -> memref<128xi32, #tpu.memory_space<vmem>>
      %dma_start3A_1139 = arith.constant 0 : i32
      %dma_start3A_1140 = tpu.memref_slice %arg14[%dma_start3A_1139] : memref<1048576xf32, #tpu.memory_space<vmem_shared>> -> memref<1048576xf32, #tpu.memory_space<vmem_shared>>
      tpu.enqueue_indirect_dma source(%arg11 : memref<128xf32, #tpu.memory_space<vmem>>) target(%dma_start3A_1140 : memref<1048576xf32, #tpu.memory_space<vmem_shared>>) offsets(%dma_start3A_1138 : memref<128xi32, #tpu.memory_space<vmem>>) semaphore(%arg15 : memref<!tpu.dma_semaphore, #tpu.memory_space<semaphore_mem>>) {add = true}
      %dma_start3A_1141 = arith.constant 36 : i32
      %dma_start3A_1142 = arith.constant 36 : i32
      %dma_start3A_1143 = arith.constant 0 : i32
      %dma_start3A_1144 = tpu.memref_slice %arg10[%dma_start3A_1141, %dma_start3A_1143] : memref<64x128xf32, #tpu.memory_space<vmem>> -> memref<1x128xf32, #tpu.memory_space<vmem>>
      %dma_start3A_1145 = tpu.memref_squeeze %dma_start3A_1144 : memref<1x128xf32, #tpu.memory_space<vmem>> -> memref<128xf32, #tpu.memory_space<vmem>>
      %dma_start3A_1146 = arith.constant 0 : i32
      %dma_start3A_1147 = tpu.memref_slice %arg9[%dma_start3A_1142, %dma_start3A_1146] : memref<64x128xi32, #tpu.memory_space<vmem>> -> memref<1x128xi32, #tpu.memory_space<vmem>>
      %dma_start3A_1148 = tpu.memref_squeeze %dma_start3A_1147 : memref<1x128xi32, #tpu.memory_space<vmem>> -> memref<128xi32, #tpu.memory_space<vmem>>
      %dma_start3A_1149 = arith.constant 0 : i32
      %dma_start3A_1150 = tpu.memref_slice %arg14[%dma_start3A_1149] : memref<1048576xf32, #tpu.memory_space<vmem_shared>> -> memref<1048576xf32, #tpu.memory_space<vmem_shared>>
      tpu.enqueue_indirect_dma source(%dma_start3A_1145 : memref<128xf32, #tpu.memory_space<vmem>>) target(%dma_start3A_1150 : memref<1048576xf32, #tpu.memory_space<vmem_shared>>) offsets(%dma_start3A_1148 : memref<128xi32, #tpu.memory_space<vmem>>) semaphore(%arg15 : memref<!tpu.dma_semaphore, #tpu.memory_space<semaphore_mem>>) {add = true}
      %dma_start3A_1151 = arith.constant 37 : i32
      %dma_start3A_1152 = arith.constant 0 : i32
      %dma_start3A_1153 = tpu.memref_slice %arg8[%dma_start3A_1151, %dma_start3A_1152] : memref<64x128xi32, #tpu.memory_space<vmem>> -> memref<1x128xi32, #tpu.memory_space<vmem>>
      %dma_start3A_1154 = tpu.memref_squeeze %dma_start3A_1153 : memref<1x128xi32, #tpu.memory_space<vmem>> -> memref<128xi32, #tpu.memory_space<vmem>>
      %dma_start3A_1155 = arith.constant 0 : i32
      %dma_start3A_1156 = tpu.memref_slice %arg14[%dma_start3A_1155] : memref<1048576xf32, #tpu.memory_space<vmem_shared>> -> memref<1048576xf32, #tpu.memory_space<vmem_shared>>
      tpu.enqueue_indirect_dma source(%arg11 : memref<128xf32, #tpu.memory_space<vmem>>) target(%dma_start3A_1156 : memref<1048576xf32, #tpu.memory_space<vmem_shared>>) offsets(%dma_start3A_1154 : memref<128xi32, #tpu.memory_space<vmem>>) semaphore(%arg15 : memref<!tpu.dma_semaphore, #tpu.memory_space<semaphore_mem>>) {add = true}
      %dma_start3A_1157 = arith.constant 37 : i32
      %dma_start3A_1158 = arith.constant 37 : i32
      %dma_start3A_1159 = arith.constant 0 : i32
      %dma_start3A_1160 = tpu.memref_slice %arg10[%dma_start3A_1157, %dma_start3A_1159] : memref<64x128xf32, #tpu.memory_space<vmem>> -> memref<1x128xf32, #tpu.memory_space<vmem>>
      %dma_start3A_1161 = tpu.memref_squeeze %dma_start3A_1160 : memref<1x128xf32, #tpu.memory_space<vmem>> -> memref<128xf32, #tpu.memory_space<vmem>>
      %dma_start3A_1162 = arith.constant 0 : i32
      %dma_start3A_1163 = tpu.memref_slice %arg9[%dma_start3A_1158, %dma_start3A_1162] : memref<64x128xi32, #tpu.memory_space<vmem>> -> memref<1x128xi32, #tpu.memory_space<vmem>>
      %dma_start3A_1164 = tpu.memref_squeeze %dma_start3A_1163 : memref<1x128xi32, #tpu.memory_space<vmem>> -> memref<128xi32, #tpu.memory_space<vmem>>
      %dma_start3A_1165 = arith.constant 0 : i32
      %dma_start3A_1166 = tpu.memref_slice %arg14[%dma_start3A_1165] : memref<1048576xf32, #tpu.memory_space<vmem_shared>> -> memref<1048576xf32, #tpu.memory_space<vmem_shared>>
      tpu.enqueue_indirect_dma source(%dma_start3A_1161 : memref<128xf32, #tpu.memory_space<vmem>>) target(%dma_start3A_1166 : memref<1048576xf32, #tpu.memory_space<vmem_shared>>) offsets(%dma_start3A_1164 : memref<128xi32, #tpu.memory_space<vmem>>) semaphore(%arg15 : memref<!tpu.dma_semaphore, #tpu.memory_space<semaphore_mem>>) {add = true}
      %dma_start3A_1167 = arith.constant 38 : i32
      %dma_start3A_1168 = arith.constant 0 : i32
      %dma_start3A_1169 = tpu.memref_slice %arg8[%dma_start3A_1167, %dma_start3A_1168] : memref<64x128xi32, #tpu.memory_space<vmem>> -> memref<1x128xi32, #tpu.memory_space<vmem>>
      %dma_start3A_1170 = tpu.memref_squeeze %dma_start3A_1169 : memref<1x128xi32, #tpu.memory_space<vmem>> -> memref<128xi32, #tpu.memory_space<vmem>>
      %dma_start3A_1171 = arith.constant 0 : i32
      %dma_start3A_1172 = tpu.memref_slice %arg14[%dma_start3A_1171] : memref<1048576xf32, #tpu.memory_space<vmem_shared>> -> memref<1048576xf32, #tpu.memory_space<vmem_shared>>
      tpu.enqueue_indirect_dma source(%arg11 : memref<128xf32, #tpu.memory_space<vmem>>) target(%dma_start3A_1172 : memref<1048576xf32, #tpu.memory_space<vmem_shared>>) offsets(%dma_start3A_1170 : memref<128xi32, #tpu.memory_space<vmem>>) semaphore(%arg15 : memref<!tpu.dma_semaphore, #tpu.memory_space<semaphore_mem>>) {add = true}
      %dma_start3A_1173 = arith.constant 38 : i32
      %dma_start3A_1174 = arith.constant 38 : i32
      %dma_start3A_1175 = arith.constant 0 : i32
      %dma_start3A_1176 = tpu.memref_slice %arg10[%dma_start3A_1173, %dma_start3A_1175] : memref<64x128xf32, #tpu.memory_space<vmem>> -> memref<1x128xf32, #tpu.memory_space<vmem>>
      %dma_start3A_1177 = tpu.memref_squeeze %dma_start3A_1176 : memref<1x128xf32, #tpu.memory_space<vmem>> -> memref<128xf32, #tpu.memory_space<vmem>>
      %dma_start3A_1178 = arith.constant 0 : i32
      %dma_start3A_1179 = tpu.memref_slice %arg9[%dma_start3A_1174, %dma_start3A_1178] : memref<64x128xi32, #tpu.memory_space<vmem>> -> memref<1x128xi32, #tpu.memory_space<vmem>>
      %dma_start3A_1180 = tpu.memref_squeeze %dma_start3A_1179 : memref<1x128xi32, #tpu.memory_space<vmem>> -> memref<128xi32, #tpu.memory_space<vmem>>
      %dma_start3A_1181 = arith.constant 0 : i32
      %dma_start3A_1182 = tpu.memref_slice %arg14[%dma_start3A_1181] : memref<1048576xf32, #tpu.memory_space<vmem_shared>> -> memref<1048576xf32, #tpu.memory_space<vmem_shared>>
      tpu.enqueue_indirect_dma source(%dma_start3A_1177 : memref<128xf32, #tpu.memory_space<vmem>>) target(%dma_start3A_1182 : memref<1048576xf32, #tpu.memory_space<vmem_shared>>) offsets(%dma_start3A_1180 : memref<128xi32, #tpu.memory_space<vmem>>) semaphore(%arg15 : memref<!tpu.dma_semaphore, #tpu.memory_space<semaphore_mem>>) {add = true}
      %dma_start3A_1183 = arith.constant 39 : i32
      %dma_start3A_1184 = arith.constant 0 : i32
      %dma_start3A_1185 = tpu.memref_slice %arg8[%dma_start3A_1183, %dma_start3A_1184] : memref<64x128xi32, #tpu.memory_space<vmem>> -> memref<1x128xi32, #tpu.memory_space<vmem>>
      %dma_start3A_1186 = tpu.memref_squeeze %dma_start3A_1185 : memref<1x128xi32, #tpu.memory_space<vmem>> -> memref<128xi32, #tpu.memory_space<vmem>>
      %dma_start3A_1187 = arith.constant 0 : i32
      %dma_start3A_1188 = tpu.memref_slice %arg14[%dma_start3A_1187] : memref<1048576xf32, #tpu.memory_space<vmem_shared>> -> memref<1048576xf32, #tpu.memory_space<vmem_shared>>
      tpu.enqueue_indirect_dma source(%arg11 : memref<128xf32, #tpu.memory_space<vmem>>) target(%dma_start3A_1188 : memref<1048576xf32, #tpu.memory_space<vmem_shared>>) offsets(%dma_start3A_1186 : memref<128xi32, #tpu.memory_space<vmem>>) semaphore(%arg15 : memref<!tpu.dma_semaphore, #tpu.memory_space<semaphore_mem>>) {add = true}
      %dma_start3A_1189 = arith.constant 39 : i32
      %dma_start3A_1190 = arith.constant 39 : i32
      %dma_start3A_1191 = arith.constant 0 : i32
      %dma_start3A_1192 = tpu.memref_slice %arg10[%dma_start3A_1189, %dma_start3A_1191] : memref<64x128xf32, #tpu.memory_space<vmem>> -> memref<1x128xf32, #tpu.memory_space<vmem>>
      %dma_start3A_1193 = tpu.memref_squeeze %dma_start3A_1192 : memref<1x128xf32, #tpu.memory_space<vmem>> -> memref<128xf32, #tpu.memory_space<vmem>>
      %dma_start3A_1194 = arith.constant 0 : i32
      %dma_start3A_1195 = tpu.memref_slice %arg9[%dma_start3A_1190, %dma_start3A_1194] : memref<64x128xi32, #tpu.memory_space<vmem>> -> memref<1x128xi32, #tpu.memory_space<vmem>>
      %dma_start3A_1196 = tpu.memref_squeeze %dma_start3A_1195 : memref<1x128xi32, #tpu.memory_space<vmem>> -> memref<128xi32, #tpu.memory_space<vmem>>
      %dma_start3A_1197 = arith.constant 0 : i32
      %dma_start3A_1198 = tpu.memref_slice %arg14[%dma_start3A_1197] : memref<1048576xf32, #tpu.memory_space<vmem_shared>> -> memref<1048576xf32, #tpu.memory_space<vmem_shared>>
      tpu.enqueue_indirect_dma source(%dma_start3A_1193 : memref<128xf32, #tpu.memory_space<vmem>>) target(%dma_start3A_1198 : memref<1048576xf32, #tpu.memory_space<vmem_shared>>) offsets(%dma_start3A_1196 : memref<128xi32, #tpu.memory_space<vmem>>) semaphore(%arg15 : memref<!tpu.dma_semaphore, #tpu.memory_space<semaphore_mem>>) {add = true}
      %dma_start3A_1199 = arith.constant 40 : i32
      %dma_start3A_1200 = arith.constant 0 : i32
      %dma_start3A_1201 = tpu.memref_slice %arg8[%dma_start3A_1199, %dma_start3A_1200] : memref<64x128xi32, #tpu.memory_space<vmem>> -> memref<1x128xi32, #tpu.memory_space<vmem>>
      %dma_start3A_1202 = tpu.memref_squeeze %dma_start3A_1201 : memref<1x128xi32, #tpu.memory_space<vmem>> -> memref<128xi32, #tpu.memory_space<vmem>>
      %dma_start3A_1203 = arith.constant 0 : i32
      %dma_start3A_1204 = tpu.memref_slice %arg14[%dma_start3A_1203] : memref<1048576xf32, #tpu.memory_space<vmem_shared>> -> memref<1048576xf32, #tpu.memory_space<vmem_shared>>
      tpu.enqueue_indirect_dma source(%arg11 : memref<128xf32, #tpu.memory_space<vmem>>) target(%dma_start3A_1204 : memref<1048576xf32, #tpu.memory_space<vmem_shared>>) offsets(%dma_start3A_1202 : memref<128xi32, #tpu.memory_space<vmem>>) semaphore(%arg15 : memref<!tpu.dma_semaphore, #tpu.memory_space<semaphore_mem>>) {add = true}
      %dma_start3A_1205 = arith.constant 40 : i32
      %dma_start3A_1206 = arith.constant 40 : i32
      %dma_start3A_1207 = arith.constant 0 : i32
      %dma_start3A_1208 = tpu.memref_slice %arg10[%dma_start3A_1205, %dma_start3A_1207] : memref<64x128xf32, #tpu.memory_space<vmem>> -> memref<1x128xf32, #tpu.memory_space<vmem>>
      %dma_start3A_1209 = tpu.memref_squeeze %dma_start3A_1208 : memref<1x128xf32, #tpu.memory_space<vmem>> -> memref<128xf32, #tpu.memory_space<vmem>>
      %dma_start3A_1210 = arith.constant 0 : i32
      %dma_start3A_1211 = tpu.memref_slice %arg9[%dma_start3A_1206, %dma_start3A_1210] : memref<64x128xi32, #tpu.memory_space<vmem>> -> memref<1x128xi32, #tpu.memory_space<vmem>>
      %dma_start3A_1212 = tpu.memref_squeeze %dma_start3A_1211 : memref<1x128xi32, #tpu.memory_space<vmem>> -> memref<128xi32, #tpu.memory_space<vmem>>
      %dma_start3A_1213 = arith.constant 0 : i32
      %dma_start3A_1214 = tpu.memref_slice %arg14[%dma_start3A_1213] : memref<1048576xf32, #tpu.memory_space<vmem_shared>> -> memref<1048576xf32, #tpu.memory_space<vmem_shared>>
      tpu.enqueue_indirect_dma source(%dma_start3A_1209 : memref<128xf32, #tpu.memory_space<vmem>>) target(%dma_start3A_1214 : memref<1048576xf32, #tpu.memory_space<vmem_shared>>) offsets(%dma_start3A_1212 : memref<128xi32, #tpu.memory_space<vmem>>) semaphore(%arg15 : memref<!tpu.dma_semaphore, #tpu.memory_space<semaphore_mem>>) {add = true}
      %dma_start3A_1215 = arith.constant 41 : i32
      %dma_start3A_1216 = arith.constant 0 : i32
      %dma_start3A_1217 = tpu.memref_slice %arg8[%dma_start3A_1215, %dma_start3A_1216] : memref<64x128xi32, #tpu.memory_space<vmem>> -> memref<1x128xi32, #tpu.memory_space<vmem>>
      %dma_start3A_1218 = tpu.memref_squeeze %dma_start3A_1217 : memref<1x128xi32, #tpu.memory_space<vmem>> -> memref<128xi32, #tpu.memory_space<vmem>>
      %dma_start3A_1219 = arith.constant 0 : i32
      %dma_start3A_1220 = tpu.memref_slice %arg14[%dma_start3A_1219] : memref<1048576xf32, #tpu.memory_space<vmem_shared>> -> memref<1048576xf32, #tpu.memory_space<vmem_shared>>
      tpu.enqueue_indirect_dma source(%arg11 : memref<128xf32, #tpu.memory_space<vmem>>) target(%dma_start3A_1220 : memref<1048576xf32, #tpu.memory_space<vmem_shared>>) offsets(%dma_start3A_1218 : memref<128xi32, #tpu.memory_space<vmem>>) semaphore(%arg15 : memref<!tpu.dma_semaphore, #tpu.memory_space<semaphore_mem>>) {add = true}
      %dma_start3A_1221 = arith.constant 41 : i32
      %dma_start3A_1222 = arith.constant 41 : i32
      %dma_start3A_1223 = arith.constant 0 : i32
      %dma_start3A_1224 = tpu.memref_slice %arg10[%dma_start3A_1221, %dma_start3A_1223] : memref<64x128xf32, #tpu.memory_space<vmem>> -> memref<1x128xf32, #tpu.memory_space<vmem>>
      %dma_start3A_1225 = tpu.memref_squeeze %dma_start3A_1224 : memref<1x128xf32, #tpu.memory_space<vmem>> -> memref<128xf32, #tpu.memory_space<vmem>>
      %dma_start3A_1226 = arith.constant 0 : i32
      %dma_start3A_1227 = tpu.memref_slice %arg9[%dma_start3A_1222, %dma_start3A_1226] : memref<64x128xi32, #tpu.memory_space<vmem>> -> memref<1x128xi32, #tpu.memory_space<vmem>>
      %dma_start3A_1228 = tpu.memref_squeeze %dma_start3A_1227 : memref<1x128xi32, #tpu.memory_space<vmem>> -> memref<128xi32, #tpu.memory_space<vmem>>
      %dma_start3A_1229 = arith.constant 0 : i32
      %dma_start3A_1230 = tpu.memref_slice %arg14[%dma_start3A_1229] : memref<1048576xf32, #tpu.memory_space<vmem_shared>> -> memref<1048576xf32, #tpu.memory_space<vmem_shared>>
      tpu.enqueue_indirect_dma source(%dma_start3A_1225 : memref<128xf32, #tpu.memory_space<vmem>>) target(%dma_start3A_1230 : memref<1048576xf32, #tpu.memory_space<vmem_shared>>) offsets(%dma_start3A_1228 : memref<128xi32, #tpu.memory_space<vmem>>) semaphore(%arg15 : memref<!tpu.dma_semaphore, #tpu.memory_space<semaphore_mem>>) {add = true}
      %dma_start3A_1231 = arith.constant 42 : i32
      %dma_start3A_1232 = arith.constant 0 : i32
      %dma_start3A_1233 = tpu.memref_slice %arg8[%dma_start3A_1231, %dma_start3A_1232] : memref<64x128xi32, #tpu.memory_space<vmem>> -> memref<1x128xi32, #tpu.memory_space<vmem>>
      %dma_start3A_1234 = tpu.memref_squeeze %dma_start3A_1233 : memref<1x128xi32, #tpu.memory_space<vmem>> -> memref<128xi32, #tpu.memory_space<vmem>>
      %dma_start3A_1235 = arith.constant 0 : i32
      %dma_start3A_1236 = tpu.memref_slice %arg14[%dma_start3A_1235] : memref<1048576xf32, #tpu.memory_space<vmem_shared>> -> memref<1048576xf32, #tpu.memory_space<vmem_shared>>
      tpu.enqueue_indirect_dma source(%arg11 : memref<128xf32, #tpu.memory_space<vmem>>) target(%dma_start3A_1236 : memref<1048576xf32, #tpu.memory_space<vmem_shared>>) offsets(%dma_start3A_1234 : memref<128xi32, #tpu.memory_space<vmem>>) semaphore(%arg15 : memref<!tpu.dma_semaphore, #tpu.memory_space<semaphore_mem>>) {add = true}
      %dma_start3A_1237 = arith.constant 42 : i32
      %dma_start3A_1238 = arith.constant 42 : i32
      %dma_start3A_1239 = arith.constant 0 : i32
      %dma_start3A_1240 = tpu.memref_slice %arg10[%dma_start3A_1237, %dma_start3A_1239] : memref<64x128xf32, #tpu.memory_space<vmem>> -> memref<1x128xf32, #tpu.memory_space<vmem>>
      %dma_start3A_1241 = tpu.memref_squeeze %dma_start3A_1240 : memref<1x128xf32, #tpu.memory_space<vmem>> -> memref<128xf32, #tpu.memory_space<vmem>>
      %dma_start3A_1242 = arith.constant 0 : i32
      %dma_start3A_1243 = tpu.memref_slice %arg9[%dma_start3A_1238, %dma_start3A_1242] : memref<64x128xi32, #tpu.memory_space<vmem>> -> memref<1x128xi32, #tpu.memory_space<vmem>>
      %dma_start3A_1244 = tpu.memref_squeeze %dma_start3A_1243 : memref<1x128xi32, #tpu.memory_space<vmem>> -> memref<128xi32, #tpu.memory_space<vmem>>
      %dma_start3A_1245 = arith.constant 0 : i32
      %dma_start3A_1246 = tpu.memref_slice %arg14[%dma_start3A_1245] : memref<1048576xf32, #tpu.memory_space<vmem_shared>> -> memref<1048576xf32, #tpu.memory_space<vmem_shared>>
      tpu.enqueue_indirect_dma source(%dma_start3A_1241 : memref<128xf32, #tpu.memory_space<vmem>>) target(%dma_start3A_1246 : memref<1048576xf32, #tpu.memory_space<vmem_shared>>) offsets(%dma_start3A_1244 : memref<128xi32, #tpu.memory_space<vmem>>) semaphore(%arg15 : memref<!tpu.dma_semaphore, #tpu.memory_space<semaphore_mem>>) {add = true}
      %dma_start3A_1247 = arith.constant 43 : i32
      %dma_start3A_1248 = arith.constant 0 : i32
      %dma_start3A_1249 = tpu.memref_slice %arg8[%dma_start3A_1247, %dma_start3A_1248] : memref<64x128xi32, #tpu.memory_space<vmem>> -> memref<1x128xi32, #tpu.memory_space<vmem>>
      %dma_start3A_1250 = tpu.memref_squeeze %dma_start3A_1249 : memref<1x128xi32, #tpu.memory_space<vmem>> -> memref<128xi32, #tpu.memory_space<vmem>>
      %dma_start3A_1251 = arith.constant 0 : i32
      %dma_start3A_1252 = tpu.memref_slice %arg14[%dma_start3A_1251] : memref<1048576xf32, #tpu.memory_space<vmem_shared>> -> memref<1048576xf32, #tpu.memory_space<vmem_shared>>
      tpu.enqueue_indirect_dma source(%arg11 : memref<128xf32, #tpu.memory_space<vmem>>) target(%dma_start3A_1252 : memref<1048576xf32, #tpu.memory_space<vmem_shared>>) offsets(%dma_start3A_1250 : memref<128xi32, #tpu.memory_space<vmem>>) semaphore(%arg15 : memref<!tpu.dma_semaphore, #tpu.memory_space<semaphore_mem>>) {add = true}
      %dma_start3A_1253 = arith.constant 43 : i32
      %dma_start3A_1254 = arith.constant 43 : i32
      %dma_start3A_1255 = arith.constant 0 : i32
      %dma_start3A_1256 = tpu.memref_slice %arg10[%dma_start3A_1253, %dma_start3A_1255] : memref<64x128xf32, #tpu.memory_space<vmem>> -> memref<1x128xf32, #tpu.memory_space<vmem>>
      %dma_start3A_1257 = tpu.memref_squeeze %dma_start3A_1256 : memref<1x128xf32, #tpu.memory_space<vmem>> -> memref<128xf32, #tpu.memory_space<vmem>>
      %dma_start3A_1258 = arith.constant 0 : i32
      %dma_start3A_1259 = tpu.memref_slice %arg9[%dma_start3A_1254, %dma_start3A_1258] : memref<64x128xi32, #tpu.memory_space<vmem>> -> memref<1x128xi32, #tpu.memory_space<vmem>>
      %dma_start3A_1260 = tpu.memref_squeeze %dma_start3A_1259 : memref<1x128xi32, #tpu.memory_space<vmem>> -> memref<128xi32, #tpu.memory_space<vmem>>
      %dma_start3A_1261 = arith.constant 0 : i32
      %dma_start3A_1262 = tpu.memref_slice %arg14[%dma_start3A_1261] : memref<1048576xf32, #tpu.memory_space<vmem_shared>> -> memref<1048576xf32, #tpu.memory_space<vmem_shared>>
      tpu.enqueue_indirect_dma source(%dma_start3A_1257 : memref<128xf32, #tpu.memory_space<vmem>>) target(%dma_start3A_1262 : memref<1048576xf32, #tpu.memory_space<vmem_shared>>) offsets(%dma_start3A_1260 : memref<128xi32, #tpu.memory_space<vmem>>) semaphore(%arg15 : memref<!tpu.dma_semaphore, #tpu.memory_space<semaphore_mem>>) {add = true}
      %dma_start3A_1263 = arith.constant 44 : i32
      %dma_start3A_1264 = arith.constant 0 : i32
      %dma_start3A_1265 = tpu.memref_slice %arg8[%dma_start3A_1263, %dma_start3A_1264] : memref<64x128xi32, #tpu.memory_space<vmem>> -> memref<1x128xi32, #tpu.memory_space<vmem>>
      %dma_start3A_1266 = tpu.memref_squeeze %dma_start3A_1265 : memref<1x128xi32, #tpu.memory_space<vmem>> -> memref<128xi32, #tpu.memory_space<vmem>>
      %dma_start3A_1267 = arith.constant 0 : i32
      %dma_start3A_1268 = tpu.memref_slice %arg14[%dma_start3A_1267] : memref<1048576xf32, #tpu.memory_space<vmem_shared>> -> memref<1048576xf32, #tpu.memory_space<vmem_shared>>
      tpu.enqueue_indirect_dma source(%arg11 : memref<128xf32, #tpu.memory_space<vmem>>) target(%dma_start3A_1268 : memref<1048576xf32, #tpu.memory_space<vmem_shared>>) offsets(%dma_start3A_1266 : memref<128xi32, #tpu.memory_space<vmem>>) semaphore(%arg15 : memref<!tpu.dma_semaphore, #tpu.memory_space<semaphore_mem>>) {add = true}
      %dma_start3A_1269 = arith.constant 44 : i32
      %dma_start3A_1270 = arith.constant 44 : i32
      %dma_start3A_1271 = arith.constant 0 : i32
      %dma_start3A_1272 = tpu.memref_slice %arg10[%dma_start3A_1269, %dma_start3A_1271] : memref<64x128xf32, #tpu.memory_space<vmem>> -> memref<1x128xf32, #tpu.memory_space<vmem>>
      %dma_start3A_1273 = tpu.memref_squeeze %dma_start3A_1272 : memref<1x128xf32, #tpu.memory_space<vmem>> -> memref<128xf32, #tpu.memory_space<vmem>>
      %dma_start3A_1274 = arith.constant 0 : i32
      %dma_start3A_1275 = tpu.memref_slice %arg9[%dma_start3A_1270, %dma_start3A_1274] : memref<64x128xi32, #tpu.memory_space<vmem>> -> memref<1x128xi32, #tpu.memory_space<vmem>>
      %dma_start3A_1276 = tpu.memref_squeeze %dma_start3A_1275 : memref<1x128xi32, #tpu.memory_space<vmem>> -> memref<128xi32, #tpu.memory_space<vmem>>
      %dma_start3A_1277 = arith.constant 0 : i32
      %dma_start3A_1278 = tpu.memref_slice %arg14[%dma_start3A_1277] : memref<1048576xf32, #tpu.memory_space<vmem_shared>> -> memref<1048576xf32, #tpu.memory_space<vmem_shared>>
      tpu.enqueue_indirect_dma source(%dma_start3A_1273 : memref<128xf32, #tpu.memory_space<vmem>>) target(%dma_start3A_1278 : memref<1048576xf32, #tpu.memory_space<vmem_shared>>) offsets(%dma_start3A_1276 : memref<128xi32, #tpu.memory_space<vmem>>) semaphore(%arg15 : memref<!tpu.dma_semaphore, #tpu.memory_space<semaphore_mem>>) {add = true}
      %dma_start3A_1279 = arith.constant 45 : i32
      %dma_start3A_1280 = arith.constant 0 : i32
      %dma_start3A_1281 = tpu.memref_slice %arg8[%dma_start3A_1279, %dma_start3A_1280] : memref<64x128xi32, #tpu.memory_space<vmem>> -> memref<1x128xi32, #tpu.memory_space<vmem>>
      %dma_start3A_1282 = tpu.memref_squeeze %dma_start3A_1281 : memref<1x128xi32, #tpu.memory_space<vmem>> -> memref<128xi32, #tpu.memory_space<vmem>>
      %dma_start3A_1283 = arith.constant 0 : i32
      %dma_start3A_1284 = tpu.memref_slice %arg14[%dma_start3A_1283] : memref<1048576xf32, #tpu.memory_space<vmem_shared>> -> memref<1048576xf32, #tpu.memory_space<vmem_shared>>
      tpu.enqueue_indirect_dma source(%arg11 : memref<128xf32, #tpu.memory_space<vmem>>) target(%dma_start3A_1284 : memref<1048576xf32, #tpu.memory_space<vmem_shared>>) offsets(%dma_start3A_1282 : memref<128xi32, #tpu.memory_space<vmem>>) semaphore(%arg15 : memref<!tpu.dma_semaphore, #tpu.memory_space<semaphore_mem>>) {add = true}
      %dma_start3A_1285 = arith.constant 45 : i32
      %dma_start3A_1286 = arith.constant 45 : i32
      %dma_start3A_1287 = arith.constant 0 : i32
      %dma_start3A_1288 = tpu.memref_slice %arg10[%dma_start3A_1285, %dma_start3A_1287] : memref<64x128xf32, #tpu.memory_space<vmem>> -> memref<1x128xf32, #tpu.memory_space<vmem>>
      %dma_start3A_1289 = tpu.memref_squeeze %dma_start3A_1288 : memref<1x128xf32, #tpu.memory_space<vmem>> -> memref<128xf32, #tpu.memory_space<vmem>>
      %dma_start3A_1290 = arith.constant 0 : i32
      %dma_start3A_1291 = tpu.memref_slice %arg9[%dma_start3A_1286, %dma_start3A_1290] : memref<64x128xi32, #tpu.memory_space<vmem>> -> memref<1x128xi32, #tpu.memory_space<vmem>>
      %dma_start3A_1292 = tpu.memref_squeeze %dma_start3A_1291 : memref<1x128xi32, #tpu.memory_space<vmem>> -> memref<128xi32, #tpu.memory_space<vmem>>
      %dma_start3A_1293 = arith.constant 0 : i32
      %dma_start3A_1294 = tpu.memref_slice %arg14[%dma_start3A_1293] : memref<1048576xf32, #tpu.memory_space<vmem_shared>> -> memref<1048576xf32, #tpu.memory_space<vmem_shared>>
      tpu.enqueue_indirect_dma source(%dma_start3A_1289 : memref<128xf32, #tpu.memory_space<vmem>>) target(%dma_start3A_1294 : memref<1048576xf32, #tpu.memory_space<vmem_shared>>) offsets(%dma_start3A_1292 : memref<128xi32, #tpu.memory_space<vmem>>) semaphore(%arg15 : memref<!tpu.dma_semaphore, #tpu.memory_space<semaphore_mem>>) {add = true}
      %dma_start3A_1295 = arith.constant 46 : i32
      %dma_start3A_1296 = arith.constant 0 : i32
      %dma_start3A_1297 = tpu.memref_slice %arg8[%dma_start3A_1295, %dma_start3A_1296] : memref<64x128xi32, #tpu.memory_space<vmem>> -> memref<1x128xi32, #tpu.memory_space<vmem>>
      %dma_start3A_1298 = tpu.memref_squeeze %dma_start3A_1297 : memref<1x128xi32, #tpu.memory_space<vmem>> -> memref<128xi32, #tpu.memory_space<vmem>>
      %dma_start3A_1299 = arith.constant 0 : i32
      %dma_start3A_1300 = tpu.memref_slice %arg14[%dma_start3A_1299] : memref<1048576xf32, #tpu.memory_space<vmem_shared>> -> memref<1048576xf32, #tpu.memory_space<vmem_shared>>
      tpu.enqueue_indirect_dma source(%arg11 : memref<128xf32, #tpu.memory_space<vmem>>) target(%dma_start3A_1300 : memref<1048576xf32, #tpu.memory_space<vmem_shared>>) offsets(%dma_start3A_1298 : memref<128xi32, #tpu.memory_space<vmem>>) semaphore(%arg15 : memref<!tpu.dma_semaphore, #tpu.memory_space<semaphore_mem>>) {add = true}
      %dma_start3A_1301 = arith.constant 46 : i32
      %dma_start3A_1302 = arith.constant 46 : i32
      %dma_start3A_1303 = arith.constant 0 : i32
      %dma_start3A_1304 = tpu.memref_slice %arg10[%dma_start3A_1301, %dma_start3A_1303] : memref<64x128xf32, #tpu.memory_space<vmem>> -> memref<1x128xf32, #tpu.memory_space<vmem>>
      %dma_start3A_1305 = tpu.memref_squeeze %dma_start3A_1304 : memref<1x128xf32, #tpu.memory_space<vmem>> -> memref<128xf32, #tpu.memory_space<vmem>>
      %dma_start3A_1306 = arith.constant 0 : i32
      %dma_start3A_1307 = tpu.memref_slice %arg9[%dma_start3A_1302, %dma_start3A_1306] : memref<64x128xi32, #tpu.memory_space<vmem>> -> memref<1x128xi32, #tpu.memory_space<vmem>>
      %dma_start3A_1308 = tpu.memref_squeeze %dma_start3A_1307 : memref<1x128xi32, #tpu.memory_space<vmem>> -> memref<128xi32, #tpu.memory_space<vmem>>
      %dma_start3A_1309 = arith.constant 0 : i32
      %dma_start3A_1310 = tpu.memref_slice %arg14[%dma_start3A_1309] : memref<1048576xf32, #tpu.memory_space<vmem_shared>> -> memref<1048576xf32, #tpu.memory_space<vmem_shared>>
      tpu.enqueue_indirect_dma source(%dma_start3A_1305 : memref<128xf32, #tpu.memory_space<vmem>>) target(%dma_start3A_1310 : memref<1048576xf32, #tpu.memory_space<vmem_shared>>) offsets(%dma_start3A_1308 : memref<128xi32, #tpu.memory_space<vmem>>) semaphore(%arg15 : memref<!tpu.dma_semaphore, #tpu.memory_space<semaphore_mem>>) {add = true}
      %dma_start3A_1311 = arith.constant 47 : i32
      %dma_start3A_1312 = arith.constant 0 : i32
      %dma_start3A_1313 = tpu.memref_slice %arg8[%dma_start3A_1311, %dma_start3A_1312] : memref<64x128xi32, #tpu.memory_space<vmem>> -> memref<1x128xi32, #tpu.memory_space<vmem>>
      %dma_start3A_1314 = tpu.memref_squeeze %dma_start3A_1313 : memref<1x128xi32, #tpu.memory_space<vmem>> -> memref<128xi32, #tpu.memory_space<vmem>>
      %dma_start3A_1315 = arith.constant 0 : i32
      %dma_start3A_1316 = tpu.memref_slice %arg14[%dma_start3A_1315] : memref<1048576xf32, #tpu.memory_space<vmem_shared>> -> memref<1048576xf32, #tpu.memory_space<vmem_shared>>
      tpu.enqueue_indirect_dma source(%arg11 : memref<128xf32, #tpu.memory_space<vmem>>) target(%dma_start3A_1316 : memref<1048576xf32, #tpu.memory_space<vmem_shared>>) offsets(%dma_start3A_1314 : memref<128xi32, #tpu.memory_space<vmem>>) semaphore(%arg15 : memref<!tpu.dma_semaphore, #tpu.memory_space<semaphore_mem>>) {add = true}
      %dma_start3A_1317 = arith.constant 47 : i32
      %dma_start3A_1318 = arith.constant 47 : i32
      %dma_start3A_1319 = arith.constant 0 : i32
      %dma_start3A_1320 = tpu.memref_slice %arg10[%dma_start3A_1317, %dma_start3A_1319] : memref<64x128xf32, #tpu.memory_space<vmem>> -> memref<1x128xf32, #tpu.memory_space<vmem>>
      %dma_start3A_1321 = tpu.memref_squeeze %dma_start3A_1320 : memref<1x128xf32, #tpu.memory_space<vmem>> -> memref<128xf32, #tpu.memory_space<vmem>>
      %dma_start3A_1322 = arith.constant 0 : i32
      %dma_start3A_1323 = tpu.memref_slice %arg9[%dma_start3A_1318, %dma_start3A_1322] : memref<64x128xi32, #tpu.memory_space<vmem>> -> memref<1x128xi32, #tpu.memory_space<vmem>>
      %dma_start3A_1324 = tpu.memref_squeeze %dma_start3A_1323 : memref<1x128xi32, #tpu.memory_space<vmem>> -> memref<128xi32, #tpu.memory_space<vmem>>
      %dma_start3A_1325 = arith.constant 0 : i32
      %dma_start3A_1326 = tpu.memref_slice %arg14[%dma_start3A_1325] : memref<1048576xf32, #tpu.memory_space<vmem_shared>> -> memref<1048576xf32, #tpu.memory_space<vmem_shared>>
      tpu.enqueue_indirect_dma source(%dma_start3A_1321 : memref<128xf32, #tpu.memory_space<vmem>>) target(%dma_start3A_1326 : memref<1048576xf32, #tpu.memory_space<vmem_shared>>) offsets(%dma_start3A_1324 : memref<128xi32, #tpu.memory_space<vmem>>) semaphore(%arg15 : memref<!tpu.dma_semaphore, #tpu.memory_space<semaphore_mem>>) {add = true}
      %dma_wait3A_1327 = arith.constant 32 : i32
      %dma_wait3A_1328 = arith.constant 0 : i32
      %dma_wait3A_1329 = tpu.memref_slice %arg8[%dma_wait3A_1327, %dma_wait3A_1328] : memref<64x128xi32, #tpu.memory_space<vmem>> -> memref<1x128xi32, #tpu.memory_space<vmem>>
      %dma_wait3A_1330 = tpu.memref_squeeze %dma_wait3A_1329 : memref<1x128xi32, #tpu.memory_space<vmem>> -> memref<128xi32, #tpu.memory_space<vmem>>
      %dma_wait3A_1331 = arith.constant 0 : i32
      %dma_wait3A_1332 = tpu.memref_slice %arg14[%dma_wait3A_1331] : memref<1048576xf32, #tpu.memory_space<vmem_shared>> -> memref<1048576xf32, #tpu.memory_space<vmem_shared>>
      tpu.wait_indirect_dma semaphore(%arg15 : memref<!tpu.dma_semaphore, #tpu.memory_space<semaphore_mem>>) src(%arg11 : memref<128xf32, #tpu.memory_space<vmem>>) dst(%dma_wait3A_1332 : memref<1048576xf32, #tpu.memory_space<vmem_shared>>)
      %dma_wait3A_1333 = arith.constant 32 : i32
      %dma_wait3A_1334 = arith.constant 32 : i32
      %dma_wait3A_1335 = arith.constant 0 : i32
      %dma_wait3A_1336 = tpu.memref_slice %arg10[%dma_wait3A_1333, %dma_wait3A_1335] : memref<64x128xf32, #tpu.memory_space<vmem>> -> memref<1x128xf32, #tpu.memory_space<vmem>>
      %dma_wait3A_1337 = tpu.memref_squeeze %dma_wait3A_1336 : memref<1x128xf32, #tpu.memory_space<vmem>> -> memref<128xf32, #tpu.memory_space<vmem>>
      %dma_wait3A_1338 = arith.constant 0 : i32
      %dma_wait3A_1339 = tpu.memref_slice %arg9[%dma_wait3A_1334, %dma_wait3A_1338] : memref<64x128xi32, #tpu.memory_space<vmem>> -> memref<1x128xi32, #tpu.memory_space<vmem>>
      %dma_wait3A_1340 = tpu.memref_squeeze %dma_wait3A_1339 : memref<1x128xi32, #tpu.memory_space<vmem>> -> memref<128xi32, #tpu.memory_space<vmem>>
      %dma_wait3A_1341 = arith.constant 0 : i32
      %dma_wait3A_1342 = tpu.memref_slice %arg14[%dma_wait3A_1341] : memref<1048576xf32, #tpu.memory_space<vmem_shared>> -> memref<1048576xf32, #tpu.memory_space<vmem_shared>>
      tpu.wait_indirect_dma semaphore(%arg15 : memref<!tpu.dma_semaphore, #tpu.memory_space<semaphore_mem>>) src(%dma_wait3A_1337 : memref<128xf32, #tpu.memory_space<vmem>>) dst(%dma_wait3A_1342 : memref<1048576xf32, #tpu.memory_space<vmem_shared>>)
      %dma_wait3A_1343 = arith.constant 33 : i32
      %dma_wait3A_1344 = arith.constant 0 : i32
      %dma_wait3A_1345 = tpu.memref_slice %arg8[%dma_wait3A_1343, %dma_wait3A_1344] : memref<64x128xi32, #tpu.memory_space<vmem>> -> memref<1x128xi32, #tpu.memory_space<vmem>>
      %dma_wait3A_1346 = tpu.memref_squeeze %dma_wait3A_1345 : memref<1x128xi32, #tpu.memory_space<vmem>> -> memref<128xi32, #tpu.memory_space<vmem>>
      %dma_wait3A_1347 = arith.constant 0 : i32
      %dma_wait3A_1348 = tpu.memref_slice %arg14[%dma_wait3A_1347] : memref<1048576xf32, #tpu.memory_space<vmem_shared>> -> memref<1048576xf32, #tpu.memory_space<vmem_shared>>
      tpu.wait_indirect_dma semaphore(%arg15 : memref<!tpu.dma_semaphore, #tpu.memory_space<semaphore_mem>>) src(%arg11 : memref<128xf32, #tpu.memory_space<vmem>>) dst(%dma_wait3A_1348 : memref<1048576xf32, #tpu.memory_space<vmem_shared>>)
      %dma_wait3A_1349 = arith.constant 33 : i32
      %dma_wait3A_1350 = arith.constant 33 : i32
      %dma_wait3A_1351 = arith.constant 0 : i32
      %dma_wait3A_1352 = tpu.memref_slice %arg10[%dma_wait3A_1349, %dma_wait3A_1351] : memref<64x128xf32, #tpu.memory_space<vmem>> -> memref<1x128xf32, #tpu.memory_space<vmem>>
      %dma_wait3A_1353 = tpu.memref_squeeze %dma_wait3A_1352 : memref<1x128xf32, #tpu.memory_space<vmem>> -> memref<128xf32, #tpu.memory_space<vmem>>
      %dma_wait3A_1354 = arith.constant 0 : i32
      %dma_wait3A_1355 = tpu.memref_slice %arg9[%dma_wait3A_1350, %dma_wait3A_1354] : memref<64x128xi32, #tpu.memory_space<vmem>> -> memref<1x128xi32, #tpu.memory_space<vmem>>
      %dma_wait3A_1356 = tpu.memref_squeeze %dma_wait3A_1355 : memref<1x128xi32, #tpu.memory_space<vmem>> -> memref<128xi32, #tpu.memory_space<vmem>>
      %dma_wait3A_1357 = arith.constant 0 : i32
      %dma_wait3A_1358 = tpu.memref_slice %arg14[%dma_wait3A_1357] : memref<1048576xf32, #tpu.memory_space<vmem_shared>> -> memref<1048576xf32, #tpu.memory_space<vmem_shared>>
      tpu.wait_indirect_dma semaphore(%arg15 : memref<!tpu.dma_semaphore, #tpu.memory_space<semaphore_mem>>) src(%dma_wait3A_1353 : memref<128xf32, #tpu.memory_space<vmem>>) dst(%dma_wait3A_1358 : memref<1048576xf32, #tpu.memory_space<vmem_shared>>)
      %dma_wait3A_1359 = arith.constant 34 : i32
      %dma_wait3A_1360 = arith.constant 0 : i32
      %dma_wait3A_1361 = tpu.memref_slice %arg8[%dma_wait3A_1359, %dma_wait3A_1360] : memref<64x128xi32, #tpu.memory_space<vmem>> -> memref<1x128xi32, #tpu.memory_space<vmem>>
      %dma_wait3A_1362 = tpu.memref_squeeze %dma_wait3A_1361 : memref<1x128xi32, #tpu.memory_space<vmem>> -> memref<128xi32, #tpu.memory_space<vmem>>
      %dma_wait3A_1363 = arith.constant 0 : i32
      %dma_wait3A_1364 = tpu.memref_slice %arg14[%dma_wait3A_1363] : memref<1048576xf32, #tpu.memory_space<vmem_shared>> -> memref<1048576xf32, #tpu.memory_space<vmem_shared>>
      tpu.wait_indirect_dma semaphore(%arg15 : memref<!tpu.dma_semaphore, #tpu.memory_space<semaphore_mem>>) src(%arg11 : memref<128xf32, #tpu.memory_space<vmem>>) dst(%dma_wait3A_1364 : memref<1048576xf32, #tpu.memory_space<vmem_shared>>)
      %dma_wait3A_1365 = arith.constant 34 : i32
      %dma_wait3A_1366 = arith.constant 34 : i32
      %dma_wait3A_1367 = arith.constant 0 : i32
      %dma_wait3A_1368 = tpu.memref_slice %arg10[%dma_wait3A_1365, %dma_wait3A_1367] : memref<64x128xf32, #tpu.memory_space<vmem>> -> memref<1x128xf32, #tpu.memory_space<vmem>>
      %dma_wait3A_1369 = tpu.memref_squeeze %dma_wait3A_1368 : memref<1x128xf32, #tpu.memory_space<vmem>> -> memref<128xf32, #tpu.memory_space<vmem>>
      %dma_wait3A_1370 = arith.constant 0 : i32
      %dma_wait3A_1371 = tpu.memref_slice %arg9[%dma_wait3A_1366, %dma_wait3A_1370] : memref<64x128xi32, #tpu.memory_space<vmem>> -> memref<1x128xi32, #tpu.memory_space<vmem>>
      %dma_wait3A_1372 = tpu.memref_squeeze %dma_wait3A_1371 : memref<1x128xi32, #tpu.memory_space<vmem>> -> memref<128xi32, #tpu.memory_space<vmem>>
      %dma_wait3A_1373 = arith.constant 0 : i32
      %dma_wait3A_1374 = tpu.memref_slice %arg14[%dma_wait3A_1373] : memref<1048576xf32, #tpu.memory_space<vmem_shared>> -> memref<1048576xf32, #tpu.memory_space<vmem_shared>>
      tpu.wait_indirect_dma semaphore(%arg15 : memref<!tpu.dma_semaphore, #tpu.memory_space<semaphore_mem>>) src(%dma_wait3A_1369 : memref<128xf32, #tpu.memory_space<vmem>>) dst(%dma_wait3A_1374 : memref<1048576xf32, #tpu.memory_space<vmem_shared>>)
      %dma_wait3A_1375 = arith.constant 35 : i32
      %dma_wait3A_1376 = arith.constant 0 : i32
      %dma_wait3A_1377 = tpu.memref_slice %arg8[%dma_wait3A_1375, %dma_wait3A_1376] : memref<64x128xi32, #tpu.memory_space<vmem>> -> memref<1x128xi32, #tpu.memory_space<vmem>>
      %dma_wait3A_1378 = tpu.memref_squeeze %dma_wait3A_1377 : memref<1x128xi32, #tpu.memory_space<vmem>> -> memref<128xi32, #tpu.memory_space<vmem>>
      %dma_wait3A_1379 = arith.constant 0 : i32
      %dma_wait3A_1380 = tpu.memref_slice %arg14[%dma_wait3A_1379] : memref<1048576xf32, #tpu.memory_space<vmem_shared>> -> memref<1048576xf32, #tpu.memory_space<vmem_shared>>
      tpu.wait_indirect_dma semaphore(%arg15 : memref<!tpu.dma_semaphore, #tpu.memory_space<semaphore_mem>>) src(%arg11 : memref<128xf32, #tpu.memory_space<vmem>>) dst(%dma_wait3A_1380 : memref<1048576xf32, #tpu.memory_space<vmem_shared>>)
      %dma_wait3A_1381 = arith.constant 35 : i32
      %dma_wait3A_1382 = arith.constant 35 : i32
      %dma_wait3A_1383 = arith.constant 0 : i32
      %dma_wait3A_1384 = tpu.memref_slice %arg10[%dma_wait3A_1381, %dma_wait3A_1383] : memref<64x128xf32, #tpu.memory_space<vmem>> -> memref<1x128xf32, #tpu.memory_space<vmem>>
      %dma_wait3A_1385 = tpu.memref_squeeze %dma_wait3A_1384 : memref<1x128xf32, #tpu.memory_space<vmem>> -> memref<128xf32, #tpu.memory_space<vmem>>
      %dma_wait3A_1386 = arith.constant 0 : i32
      %dma_wait3A_1387 = tpu.memref_slice %arg9[%dma_wait3A_1382, %dma_wait3A_1386] : memref<64x128xi32, #tpu.memory_space<vmem>> -> memref<1x128xi32, #tpu.memory_space<vmem>>
      %dma_wait3A_1388 = tpu.memref_squeeze %dma_wait3A_1387 : memref<1x128xi32, #tpu.memory_space<vmem>> -> memref<128xi32, #tpu.memory_space<vmem>>
      %dma_wait3A_1389 = arith.constant 0 : i32
      %dma_wait3A_1390 = tpu.memref_slice %arg14[%dma_wait3A_1389] : memref<1048576xf32, #tpu.memory_space<vmem_shared>> -> memref<1048576xf32, #tpu.memory_space<vmem_shared>>
      tpu.wait_indirect_dma semaphore(%arg15 : memref<!tpu.dma_semaphore, #tpu.memory_space<semaphore_mem>>) src(%dma_wait3A_1385 : memref<128xf32, #tpu.memory_space<vmem>>) dst(%dma_wait3A_1390 : memref<1048576xf32, #tpu.memory_space<vmem_shared>>)
      %dma_wait3A_1391 = arith.constant 36 : i32
      %dma_wait3A_1392 = arith.constant 0 : i32
      %dma_wait3A_1393 = tpu.memref_slice %arg8[%dma_wait3A_1391, %dma_wait3A_1392] : memref<64x128xi32, #tpu.memory_space<vmem>> -> memref<1x128xi32, #tpu.memory_space<vmem>>
      %dma_wait3A_1394 = tpu.memref_squeeze %dma_wait3A_1393 : memref<1x128xi32, #tpu.memory_space<vmem>> -> memref<128xi32, #tpu.memory_space<vmem>>
      %dma_wait3A_1395 = arith.constant 0 : i32
      %dma_wait3A_1396 = tpu.memref_slice %arg14[%dma_wait3A_1395] : memref<1048576xf32, #tpu.memory_space<vmem_shared>> -> memref<1048576xf32, #tpu.memory_space<vmem_shared>>
      tpu.wait_indirect_dma semaphore(%arg15 : memref<!tpu.dma_semaphore, #tpu.memory_space<semaphore_mem>>) src(%arg11 : memref<128xf32, #tpu.memory_space<vmem>>) dst(%dma_wait3A_1396 : memref<1048576xf32, #tpu.memory_space<vmem_shared>>)
      %dma_wait3A_1397 = arith.constant 36 : i32
      %dma_wait3A_1398 = arith.constant 36 : i32
      %dma_wait3A_1399 = arith.constant 0 : i32
      %dma_wait3A_1400 = tpu.memref_slice %arg10[%dma_wait3A_1397, %dma_wait3A_1399] : memref<64x128xf32, #tpu.memory_space<vmem>> -> memref<1x128xf32, #tpu.memory_space<vmem>>
      %dma_wait3A_1401 = tpu.memref_squeeze %dma_wait3A_1400 : memref<1x128xf32, #tpu.memory_space<vmem>> -> memref<128xf32, #tpu.memory_space<vmem>>
      %dma_wait3A_1402 = arith.constant 0 : i32
      %dma_wait3A_1403 = tpu.memref_slice %arg9[%dma_wait3A_1398, %dma_wait3A_1402] : memref<64x128xi32, #tpu.memory_space<vmem>> -> memref<1x128xi32, #tpu.memory_space<vmem>>
      %dma_wait3A_1404 = tpu.memref_squeeze %dma_wait3A_1403 : memref<1x128xi32, #tpu.memory_space<vmem>> -> memref<128xi32, #tpu.memory_space<vmem>>
      %dma_wait3A_1405 = arith.constant 0 : i32
      %dma_wait3A_1406 = tpu.memref_slice %arg14[%dma_wait3A_1405] : memref<1048576xf32, #tpu.memory_space<vmem_shared>> -> memref<1048576xf32, #tpu.memory_space<vmem_shared>>
      tpu.wait_indirect_dma semaphore(%arg15 : memref<!tpu.dma_semaphore, #tpu.memory_space<semaphore_mem>>) src(%dma_wait3A_1401 : memref<128xf32, #tpu.memory_space<vmem>>) dst(%dma_wait3A_1406 : memref<1048576xf32, #tpu.memory_space<vmem_shared>>)
      %dma_wait3A_1407 = arith.constant 37 : i32
      %dma_wait3A_1408 = arith.constant 0 : i32
      %dma_wait3A_1409 = tpu.memref_slice %arg8[%dma_wait3A_1407, %dma_wait3A_1408] : memref<64x128xi32, #tpu.memory_space<vmem>> -> memref<1x128xi32, #tpu.memory_space<vmem>>
      %dma_wait3A_1410 = tpu.memref_squeeze %dma_wait3A_1409 : memref<1x128xi32, #tpu.memory_space<vmem>> -> memref<128xi32, #tpu.memory_space<vmem>>
      %dma_wait3A_1411 = arith.constant 0 : i32
      %dma_wait3A_1412 = tpu.memref_slice %arg14[%dma_wait3A_1411] : memref<1048576xf32, #tpu.memory_space<vmem_shared>> -> memref<1048576xf32, #tpu.memory_space<vmem_shared>>
      tpu.wait_indirect_dma semaphore(%arg15 : memref<!tpu.dma_semaphore, #tpu.memory_space<semaphore_mem>>) src(%arg11 : memref<128xf32, #tpu.memory_space<vmem>>) dst(%dma_wait3A_1412 : memref<1048576xf32, #tpu.memory_space<vmem_shared>>)
      %dma_wait3A_1413 = arith.constant 37 : i32
      %dma_wait3A_1414 = arith.constant 37 : i32
      %dma_wait3A_1415 = arith.constant 0 : i32
      %dma_wait3A_1416 = tpu.memref_slice %arg10[%dma_wait3A_1413, %dma_wait3A_1415] : memref<64x128xf32, #tpu.memory_space<vmem>> -> memref<1x128xf32, #tpu.memory_space<vmem>>
      %dma_wait3A_1417 = tpu.memref_squeeze %dma_wait3A_1416 : memref<1x128xf32, #tpu.memory_space<vmem>> -> memref<128xf32, #tpu.memory_space<vmem>>
      %dma_wait3A_1418 = arith.constant 0 : i32
      %dma_wait3A_1419 = tpu.memref_slice %arg9[%dma_wait3A_1414, %dma_wait3A_1418] : memref<64x128xi32, #tpu.memory_space<vmem>> -> memref<1x128xi32, #tpu.memory_space<vmem>>
      %dma_wait3A_1420 = tpu.memref_squeeze %dma_wait3A_1419 : memref<1x128xi32, #tpu.memory_space<vmem>> -> memref<128xi32, #tpu.memory_space<vmem>>
      %dma_wait3A_1421 = arith.constant 0 : i32
      %dma_wait3A_1422 = tpu.memref_slice %arg14[%dma_wait3A_1421] : memref<1048576xf32, #tpu.memory_space<vmem_shared>> -> memref<1048576xf32, #tpu.memory_space<vmem_shared>>
      tpu.wait_indirect_dma semaphore(%arg15 : memref<!tpu.dma_semaphore, #tpu.memory_space<semaphore_mem>>) src(%dma_wait3A_1417 : memref<128xf32, #tpu.memory_space<vmem>>) dst(%dma_wait3A_1422 : memref<1048576xf32, #tpu.memory_space<vmem_shared>>)
      %dma_wait3A_1423 = arith.constant 38 : i32
      %dma_wait3A_1424 = arith.constant 0 : i32
      %dma_wait3A_1425 = tpu.memref_slice %arg8[%dma_wait3A_1423, %dma_wait3A_1424] : memref<64x128xi32, #tpu.memory_space<vmem>> -> memref<1x128xi32, #tpu.memory_space<vmem>>
      %dma_wait3A_1426 = tpu.memref_squeeze %dma_wait3A_1425 : memref<1x128xi32, #tpu.memory_space<vmem>> -> memref<128xi32, #tpu.memory_space<vmem>>
      %dma_wait3A_1427 = arith.constant 0 : i32
      %dma_wait3A_1428 = tpu.memref_slice %arg14[%dma_wait3A_1427] : memref<1048576xf32, #tpu.memory_space<vmem_shared>> -> memref<1048576xf32, #tpu.memory_space<vmem_shared>>
      tpu.wait_indirect_dma semaphore(%arg15 : memref<!tpu.dma_semaphore, #tpu.memory_space<semaphore_mem>>) src(%arg11 : memref<128xf32, #tpu.memory_space<vmem>>) dst(%dma_wait3A_1428 : memref<1048576xf32, #tpu.memory_space<vmem_shared>>)
      %dma_wait3A_1429 = arith.constant 38 : i32
      %dma_wait3A_1430 = arith.constant 38 : i32
      %dma_wait3A_1431 = arith.constant 0 : i32
      %dma_wait3A_1432 = tpu.memref_slice %arg10[%dma_wait3A_1429, %dma_wait3A_1431] : memref<64x128xf32, #tpu.memory_space<vmem>> -> memref<1x128xf32, #tpu.memory_space<vmem>>
      %dma_wait3A_1433 = tpu.memref_squeeze %dma_wait3A_1432 : memref<1x128xf32, #tpu.memory_space<vmem>> -> memref<128xf32, #tpu.memory_space<vmem>>
      %dma_wait3A_1434 = arith.constant 0 : i32
      %dma_wait3A_1435 = tpu.memref_slice %arg9[%dma_wait3A_1430, %dma_wait3A_1434] : memref<64x128xi32, #tpu.memory_space<vmem>> -> memref<1x128xi32, #tpu.memory_space<vmem>>
      %dma_wait3A_1436 = tpu.memref_squeeze %dma_wait3A_1435 : memref<1x128xi32, #tpu.memory_space<vmem>> -> memref<128xi32, #tpu.memory_space<vmem>>
      %dma_wait3A_1437 = arith.constant 0 : i32
      %dma_wait3A_1438 = tpu.memref_slice %arg14[%dma_wait3A_1437] : memref<1048576xf32, #tpu.memory_space<vmem_shared>> -> memref<1048576xf32, #tpu.memory_space<vmem_shared>>
      tpu.wait_indirect_dma semaphore(%arg15 : memref<!tpu.dma_semaphore, #tpu.memory_space<semaphore_mem>>) src(%dma_wait3A_1433 : memref<128xf32, #tpu.memory_space<vmem>>) dst(%dma_wait3A_1438 : memref<1048576xf32, #tpu.memory_space<vmem_shared>>)
      %dma_wait3A_1439 = arith.constant 39 : i32
      %dma_wait3A_1440 = arith.constant 0 : i32
      %dma_wait3A_1441 = tpu.memref_slice %arg8[%dma_wait3A_1439, %dma_wait3A_1440] : memref<64x128xi32, #tpu.memory_space<vmem>> -> memref<1x128xi32, #tpu.memory_space<vmem>>
      %dma_wait3A_1442 = tpu.memref_squeeze %dma_wait3A_1441 : memref<1x128xi32, #tpu.memory_space<vmem>> -> memref<128xi32, #tpu.memory_space<vmem>>
      %dma_wait3A_1443 = arith.constant 0 : i32
      %dma_wait3A_1444 = tpu.memref_slice %arg14[%dma_wait3A_1443] : memref<1048576xf32, #tpu.memory_space<vmem_shared>> -> memref<1048576xf32, #tpu.memory_space<vmem_shared>>
      tpu.wait_indirect_dma semaphore(%arg15 : memref<!tpu.dma_semaphore, #tpu.memory_space<semaphore_mem>>) src(%arg11 : memref<128xf32, #tpu.memory_space<vmem>>) dst(%dma_wait3A_1444 : memref<1048576xf32, #tpu.memory_space<vmem_shared>>)
      %dma_wait3A_1445 = arith.constant 39 : i32
      %dma_wait3A_1446 = arith.constant 39 : i32
      %dma_wait3A_1447 = arith.constant 0 : i32
      %dma_wait3A_1448 = tpu.memref_slice %arg10[%dma_wait3A_1445, %dma_wait3A_1447] : memref<64x128xf32, #tpu.memory_space<vmem>> -> memref<1x128xf32, #tpu.memory_space<vmem>>
      %dma_wait3A_1449 = tpu.memref_squeeze %dma_wait3A_1448 : memref<1x128xf32, #tpu.memory_space<vmem>> -> memref<128xf32, #tpu.memory_space<vmem>>
      %dma_wait3A_1450 = arith.constant 0 : i32
      %dma_wait3A_1451 = tpu.memref_slice %arg9[%dma_wait3A_1446, %dma_wait3A_1450] : memref<64x128xi32, #tpu.memory_space<vmem>> -> memref<1x128xi32, #tpu.memory_space<vmem>>
      %dma_wait3A_1452 = tpu.memref_squeeze %dma_wait3A_1451 : memref<1x128xi32, #tpu.memory_space<vmem>> -> memref<128xi32, #tpu.memory_space<vmem>>
      %dma_wait3A_1453 = arith.constant 0 : i32
      %dma_wait3A_1454 = tpu.memref_slice %arg14[%dma_wait3A_1453] : memref<1048576xf32, #tpu.memory_space<vmem_shared>> -> memref<1048576xf32, #tpu.memory_space<vmem_shared>>
      tpu.wait_indirect_dma semaphore(%arg15 : memref<!tpu.dma_semaphore, #tpu.memory_space<semaphore_mem>>) src(%dma_wait3A_1449 : memref<128xf32, #tpu.memory_space<vmem>>) dst(%dma_wait3A_1454 : memref<1048576xf32, #tpu.memory_space<vmem_shared>>)
      %dma_wait3A_1455 = arith.constant 40 : i32
      %dma_wait3A_1456 = arith.constant 0 : i32
      %dma_wait3A_1457 = tpu.memref_slice %arg8[%dma_wait3A_1455, %dma_wait3A_1456] : memref<64x128xi32, #tpu.memory_space<vmem>> -> memref<1x128xi32, #tpu.memory_space<vmem>>
      %dma_wait3A_1458 = tpu.memref_squeeze %dma_wait3A_1457 : memref<1x128xi32, #tpu.memory_space<vmem>> -> memref<128xi32, #tpu.memory_space<vmem>>
      %dma_wait3A_1459 = arith.constant 0 : i32
      %dma_wait3A_1460 = tpu.memref_slice %arg14[%dma_wait3A_1459] : memref<1048576xf32, #tpu.memory_space<vmem_shared>> -> memref<1048576xf32, #tpu.memory_space<vmem_shared>>
      tpu.wait_indirect_dma semaphore(%arg15 : memref<!tpu.dma_semaphore, #tpu.memory_space<semaphore_mem>>) src(%arg11 : memref<128xf32, #tpu.memory_space<vmem>>) dst(%dma_wait3A_1460 : memref<1048576xf32, #tpu.memory_space<vmem_shared>>)
      %dma_wait3A_1461 = arith.constant 40 : i32
      %dma_wait3A_1462 = arith.constant 40 : i32
      %dma_wait3A_1463 = arith.constant 0 : i32
      %dma_wait3A_1464 = tpu.memref_slice %arg10[%dma_wait3A_1461, %dma_wait3A_1463] : memref<64x128xf32, #tpu.memory_space<vmem>> -> memref<1x128xf32, #tpu.memory_space<vmem>>
      %dma_wait3A_1465 = tpu.memref_squeeze %dma_wait3A_1464 : memref<1x128xf32, #tpu.memory_space<vmem>> -> memref<128xf32, #tpu.memory_space<vmem>>
      %dma_wait3A_1466 = arith.constant 0 : i32
      %dma_wait3A_1467 = tpu.memref_slice %arg9[%dma_wait3A_1462, %dma_wait3A_1466] : memref<64x128xi32, #tpu.memory_space<vmem>> -> memref<1x128xi32, #tpu.memory_space<vmem>>
      %dma_wait3A_1468 = tpu.memref_squeeze %dma_wait3A_1467 : memref<1x128xi32, #tpu.memory_space<vmem>> -> memref<128xi32, #tpu.memory_space<vmem>>
      %dma_wait3A_1469 = arith.constant 0 : i32
      %dma_wait3A_1470 = tpu.memref_slice %arg14[%dma_wait3A_1469] : memref<1048576xf32, #tpu.memory_space<vmem_shared>> -> memref<1048576xf32, #tpu.memory_space<vmem_shared>>
      tpu.wait_indirect_dma semaphore(%arg15 : memref<!tpu.dma_semaphore, #tpu.memory_space<semaphore_mem>>) src(%dma_wait3A_1465 : memref<128xf32, #tpu.memory_space<vmem>>) dst(%dma_wait3A_1470 : memref<1048576xf32, #tpu.memory_space<vmem_shared>>)
      %dma_wait3A_1471 = arith.constant 41 : i32
      %dma_wait3A_1472 = arith.constant 0 : i32
      %dma_wait3A_1473 = tpu.memref_slice %arg8[%dma_wait3A_1471, %dma_wait3A_1472] : memref<64x128xi32, #tpu.memory_space<vmem>> -> memref<1x128xi32, #tpu.memory_space<vmem>>
      %dma_wait3A_1474 = tpu.memref_squeeze %dma_wait3A_1473 : memref<1x128xi32, #tpu.memory_space<vmem>> -> memref<128xi32, #tpu.memory_space<vmem>>
      %dma_wait3A_1475 = arith.constant 0 : i32
      %dma_wait3A_1476 = tpu.memref_slice %arg14[%dma_wait3A_1475] : memref<1048576xf32, #tpu.memory_space<vmem_shared>> -> memref<1048576xf32, #tpu.memory_space<vmem_shared>>
      tpu.wait_indirect_dma semaphore(%arg15 : memref<!tpu.dma_semaphore, #tpu.memory_space<semaphore_mem>>) src(%arg11 : memref<128xf32, #tpu.memory_space<vmem>>) dst(%dma_wait3A_1476 : memref<1048576xf32, #tpu.memory_space<vmem_shared>>)
      %dma_wait3A_1477 = arith.constant 41 : i32
      %dma_wait3A_1478 = arith.constant 41 : i32
      %dma_wait3A_1479 = arith.constant 0 : i32
      %dma_wait3A_1480 = tpu.memref_slice %arg10[%dma_wait3A_1477, %dma_wait3A_1479] : memref<64x128xf32, #tpu.memory_space<vmem>> -> memref<1x128xf32, #tpu.memory_space<vmem>>
      %dma_wait3A_1481 = tpu.memref_squeeze %dma_wait3A_1480 : memref<1x128xf32, #tpu.memory_space<vmem>> -> memref<128xf32, #tpu.memory_space<vmem>>
      %dma_wait3A_1482 = arith.constant 0 : i32
      %dma_wait3A_1483 = tpu.memref_slice %arg9[%dma_wait3A_1478, %dma_wait3A_1482] : memref<64x128xi32, #tpu.memory_space<vmem>> -> memref<1x128xi32, #tpu.memory_space<vmem>>
      %dma_wait3A_1484 = tpu.memref_squeeze %dma_wait3A_1483 : memref<1x128xi32, #tpu.memory_space<vmem>> -> memref<128xi32, #tpu.memory_space<vmem>>
      %dma_wait3A_1485 = arith.constant 0 : i32
      %dma_wait3A_1486 = tpu.memref_slice %arg14[%dma_wait3A_1485] : memref<1048576xf32, #tpu.memory_space<vmem_shared>> -> memref<1048576xf32, #tpu.memory_space<vmem_shared>>
      tpu.wait_indirect_dma semaphore(%arg15 : memref<!tpu.dma_semaphore, #tpu.memory_space<semaphore_mem>>) src(%dma_wait3A_1481 : memref<128xf32, #tpu.memory_space<vmem>>) dst(%dma_wait3A_1486 : memref<1048576xf32, #tpu.memory_space<vmem_shared>>)
      %dma_wait3A_1487 = arith.constant 42 : i32
      %dma_wait3A_1488 = arith.constant 0 : i32
      %dma_wait3A_1489 = tpu.memref_slice %arg8[%dma_wait3A_1487, %dma_wait3A_1488] : memref<64x128xi32, #tpu.memory_space<vmem>> -> memref<1x128xi32, #tpu.memory_space<vmem>>
      %dma_wait3A_1490 = tpu.memref_squeeze %dma_wait3A_1489 : memref<1x128xi32, #tpu.memory_space<vmem>> -> memref<128xi32, #tpu.memory_space<vmem>>
      %dma_wait3A_1491 = arith.constant 0 : i32
      %dma_wait3A_1492 = tpu.memref_slice %arg14[%dma_wait3A_1491] : memref<1048576xf32, #tpu.memory_space<vmem_shared>> -> memref<1048576xf32, #tpu.memory_space<vmem_shared>>
      tpu.wait_indirect_dma semaphore(%arg15 : memref<!tpu.dma_semaphore, #tpu.memory_space<semaphore_mem>>) src(%arg11 : memref<128xf32, #tpu.memory_space<vmem>>) dst(%dma_wait3A_1492 : memref<1048576xf32, #tpu.memory_space<vmem_shared>>)
      %dma_wait3A_1493 = arith.constant 42 : i32
      %dma_wait3A_1494 = arith.constant 42 : i32
      %dma_wait3A_1495 = arith.constant 0 : i32
      %dma_wait3A_1496 = tpu.memref_slice %arg10[%dma_wait3A_1493, %dma_wait3A_1495] : memref<64x128xf32, #tpu.memory_space<vmem>> -> memref<1x128xf32, #tpu.memory_space<vmem>>
      %dma_wait3A_1497 = tpu.memref_squeeze %dma_wait3A_1496 : memref<1x128xf32, #tpu.memory_space<vmem>> -> memref<128xf32, #tpu.memory_space<vmem>>
      %dma_wait3A_1498 = arith.constant 0 : i32
      %dma_wait3A_1499 = tpu.memref_slice %arg9[%dma_wait3A_1494, %dma_wait3A_1498] : memref<64x128xi32, #tpu.memory_space<vmem>> -> memref<1x128xi32, #tpu.memory_space<vmem>>
      %dma_wait3A_1500 = tpu.memref_squeeze %dma_wait3A_1499 : memref<1x128xi32, #tpu.memory_space<vmem>> -> memref<128xi32, #tpu.memory_space<vmem>>
      %dma_wait3A_1501 = arith.constant 0 : i32
      %dma_wait3A_1502 = tpu.memref_slice %arg14[%dma_wait3A_1501] : memref<1048576xf32, #tpu.memory_space<vmem_shared>> -> memref<1048576xf32, #tpu.memory_space<vmem_shared>>
      tpu.wait_indirect_dma semaphore(%arg15 : memref<!tpu.dma_semaphore, #tpu.memory_space<semaphore_mem>>) src(%dma_wait3A_1497 : memref<128xf32, #tpu.memory_space<vmem>>) dst(%dma_wait3A_1502 : memref<1048576xf32, #tpu.memory_space<vmem_shared>>)
      %dma_wait3A_1503 = arith.constant 43 : i32
      %dma_wait3A_1504 = arith.constant 0 : i32
      %dma_wait3A_1505 = tpu.memref_slice %arg8[%dma_wait3A_1503, %dma_wait3A_1504] : memref<64x128xi32, #tpu.memory_space<vmem>> -> memref<1x128xi32, #tpu.memory_space<vmem>>
      %dma_wait3A_1506 = tpu.memref_squeeze %dma_wait3A_1505 : memref<1x128xi32, #tpu.memory_space<vmem>> -> memref<128xi32, #tpu.memory_space<vmem>>
      %dma_wait3A_1507 = arith.constant 0 : i32
      %dma_wait3A_1508 = tpu.memref_slice %arg14[%dma_wait3A_1507] : memref<1048576xf32, #tpu.memory_space<vmem_shared>> -> memref<1048576xf32, #tpu.memory_space<vmem_shared>>
      tpu.wait_indirect_dma semaphore(%arg15 : memref<!tpu.dma_semaphore, #tpu.memory_space<semaphore_mem>>) src(%arg11 : memref<128xf32, #tpu.memory_space<vmem>>) dst(%dma_wait3A_1508 : memref<1048576xf32, #tpu.memory_space<vmem_shared>>)
      %dma_wait3A_1509 = arith.constant 43 : i32
      %dma_wait3A_1510 = arith.constant 43 : i32
      %dma_wait3A_1511 = arith.constant 0 : i32
      %dma_wait3A_1512 = tpu.memref_slice %arg10[%dma_wait3A_1509, %dma_wait3A_1511] : memref<64x128xf32, #tpu.memory_space<vmem>> -> memref<1x128xf32, #tpu.memory_space<vmem>>
      %dma_wait3A_1513 = tpu.memref_squeeze %dma_wait3A_1512 : memref<1x128xf32, #tpu.memory_space<vmem>> -> memref<128xf32, #tpu.memory_space<vmem>>
      %dma_wait3A_1514 = arith.constant 0 : i32
      %dma_wait3A_1515 = tpu.memref_slice %arg9[%dma_wait3A_1510, %dma_wait3A_1514] : memref<64x128xi32, #tpu.memory_space<vmem>> -> memref<1x128xi32, #tpu.memory_space<vmem>>
      %dma_wait3A_1516 = tpu.memref_squeeze %dma_wait3A_1515 : memref<1x128xi32, #tpu.memory_space<vmem>> -> memref<128xi32, #tpu.memory_space<vmem>>
      %dma_wait3A_1517 = arith.constant 0 : i32
      %dma_wait3A_1518 = tpu.memref_slice %arg14[%dma_wait3A_1517] : memref<1048576xf32, #tpu.memory_space<vmem_shared>> -> memref<1048576xf32, #tpu.memory_space<vmem_shared>>
      tpu.wait_indirect_dma semaphore(%arg15 : memref<!tpu.dma_semaphore, #tpu.memory_space<semaphore_mem>>) src(%dma_wait3A_1513 : memref<128xf32, #tpu.memory_space<vmem>>) dst(%dma_wait3A_1518 : memref<1048576xf32, #tpu.memory_space<vmem_shared>>)
      %dma_wait3A_1519 = arith.constant 44 : i32
      %dma_wait3A_1520 = arith.constant 0 : i32
      %dma_wait3A_1521 = tpu.memref_slice %arg8[%dma_wait3A_1519, %dma_wait3A_1520] : memref<64x128xi32, #tpu.memory_space<vmem>> -> memref<1x128xi32, #tpu.memory_space<vmem>>
      %dma_wait3A_1522 = tpu.memref_squeeze %dma_wait3A_1521 : memref<1x128xi32, #tpu.memory_space<vmem>> -> memref<128xi32, #tpu.memory_space<vmem>>
      %dma_wait3A_1523 = arith.constant 0 : i32
      %dma_wait3A_1524 = tpu.memref_slice %arg14[%dma_wait3A_1523] : memref<1048576xf32, #tpu.memory_space<vmem_shared>> -> memref<1048576xf32, #tpu.memory_space<vmem_shared>>
      tpu.wait_indirect_dma semaphore(%arg15 : memref<!tpu.dma_semaphore, #tpu.memory_space<semaphore_mem>>) src(%arg11 : memref<128xf32, #tpu.memory_space<vmem>>) dst(%dma_wait3A_1524 : memref<1048576xf32, #tpu.memory_space<vmem_shared>>)
      %dma_wait3A_1525 = arith.constant 44 : i32
      %dma_wait3A_1526 = arith.constant 44 : i32
      %dma_wait3A_1527 = arith.constant 0 : i32
      %dma_wait3A_1528 = tpu.memref_slice %arg10[%dma_wait3A_1525, %dma_wait3A_1527] : memref<64x128xf32, #tpu.memory_space<vmem>> -> memref<1x128xf32, #tpu.memory_space<vmem>>
      %dma_wait3A_1529 = tpu.memref_squeeze %dma_wait3A_1528 : memref<1x128xf32, #tpu.memory_space<vmem>> -> memref<128xf32, #tpu.memory_space<vmem>>
      %dma_wait3A_1530 = arith.constant 0 : i32
      %dma_wait3A_1531 = tpu.memref_slice %arg9[%dma_wait3A_1526, %dma_wait3A_1530] : memref<64x128xi32, #tpu.memory_space<vmem>> -> memref<1x128xi32, #tpu.memory_space<vmem>>
      %dma_wait3A_1532 = tpu.memref_squeeze %dma_wait3A_1531 : memref<1x128xi32, #tpu.memory_space<vmem>> -> memref<128xi32, #tpu.memory_space<vmem>>
      %dma_wait3A_1533 = arith.constant 0 : i32
      %dma_wait3A_1534 = tpu.memref_slice %arg14[%dma_wait3A_1533] : memref<1048576xf32, #tpu.memory_space<vmem_shared>> -> memref<1048576xf32, #tpu.memory_space<vmem_shared>>
      tpu.wait_indirect_dma semaphore(%arg15 : memref<!tpu.dma_semaphore, #tpu.memory_space<semaphore_mem>>) src(%dma_wait3A_1529 : memref<128xf32, #tpu.memory_space<vmem>>) dst(%dma_wait3A_1534 : memref<1048576xf32, #tpu.memory_space<vmem_shared>>)
      %dma_wait3A_1535 = arith.constant 45 : i32
      %dma_wait3A_1536 = arith.constant 0 : i32
      %dma_wait3A_1537 = tpu.memref_slice %arg8[%dma_wait3A_1535, %dma_wait3A_1536] : memref<64x128xi32, #tpu.memory_space<vmem>> -> memref<1x128xi32, #tpu.memory_space<vmem>>
      %dma_wait3A_1538 = tpu.memref_squeeze %dma_wait3A_1537 : memref<1x128xi32, #tpu.memory_space<vmem>> -> memref<128xi32, #tpu.memory_space<vmem>>
      %dma_wait3A_1539 = arith.constant 0 : i32
      %dma_wait3A_1540 = tpu.memref_slice %arg14[%dma_wait3A_1539] : memref<1048576xf32, #tpu.memory_space<vmem_shared>> -> memref<1048576xf32, #tpu.memory_space<vmem_shared>>
      tpu.wait_indirect_dma semaphore(%arg15 : memref<!tpu.dma_semaphore, #tpu.memory_space<semaphore_mem>>) src(%arg11 : memref<128xf32, #tpu.memory_space<vmem>>) dst(%dma_wait3A_1540 : memref<1048576xf32, #tpu.memory_space<vmem_shared>>)
      %dma_wait3A_1541 = arith.constant 45 : i32
      %dma_wait3A_1542 = arith.constant 45 : i32
      %dma_wait3A_1543 = arith.constant 0 : i32
      %dma_wait3A_1544 = tpu.memref_slice %arg10[%dma_wait3A_1541, %dma_wait3A_1543] : memref<64x128xf32, #tpu.memory_space<vmem>> -> memref<1x128xf32, #tpu.memory_space<vmem>>
      %dma_wait3A_1545 = tpu.memref_squeeze %dma_wait3A_1544 : memref<1x128xf32, #tpu.memory_space<vmem>> -> memref<128xf32, #tpu.memory_space<vmem>>
      %dma_wait3A_1546 = arith.constant 0 : i32
      %dma_wait3A_1547 = tpu.memref_slice %arg9[%dma_wait3A_1542, %dma_wait3A_1546] : memref<64x128xi32, #tpu.memory_space<vmem>> -> memref<1x128xi32, #tpu.memory_space<vmem>>
      %dma_wait3A_1548 = tpu.memref_squeeze %dma_wait3A_1547 : memref<1x128xi32, #tpu.memory_space<vmem>> -> memref<128xi32, #tpu.memory_space<vmem>>
      %dma_wait3A_1549 = arith.constant 0 : i32
      %dma_wait3A_1550 = tpu.memref_slice %arg14[%dma_wait3A_1549] : memref<1048576xf32, #tpu.memory_space<vmem_shared>> -> memref<1048576xf32, #tpu.memory_space<vmem_shared>>
      tpu.wait_indirect_dma semaphore(%arg15 : memref<!tpu.dma_semaphore, #tpu.memory_space<semaphore_mem>>) src(%dma_wait3A_1545 : memref<128xf32, #tpu.memory_space<vmem>>) dst(%dma_wait3A_1550 : memref<1048576xf32, #tpu.memory_space<vmem_shared>>)
      %dma_wait3A_1551 = arith.constant 46 : i32
      %dma_wait3A_1552 = arith.constant 0 : i32
      %dma_wait3A_1553 = tpu.memref_slice %arg8[%dma_wait3A_1551, %dma_wait3A_1552] : memref<64x128xi32, #tpu.memory_space<vmem>> -> memref<1x128xi32, #tpu.memory_space<vmem>>
      %dma_wait3A_1554 = tpu.memref_squeeze %dma_wait3A_1553 : memref<1x128xi32, #tpu.memory_space<vmem>> -> memref<128xi32, #tpu.memory_space<vmem>>
      %dma_wait3A_1555 = arith.constant 0 : i32
      %dma_wait3A_1556 = tpu.memref_slice %arg14[%dma_wait3A_1555] : memref<1048576xf32, #tpu.memory_space<vmem_shared>> -> memref<1048576xf32, #tpu.memory_space<vmem_shared>>
      tpu.wait_indirect_dma semaphore(%arg15 : memref<!tpu.dma_semaphore, #tpu.memory_space<semaphore_mem>>) src(%arg11 : memref<128xf32, #tpu.memory_space<vmem>>) dst(%dma_wait3A_1556 : memref<1048576xf32, #tpu.memory_space<vmem_shared>>)
      %dma_wait3A_1557 = arith.constant 46 : i32
      %dma_wait3A_1558 = arith.constant 46 : i32
      %dma_wait3A_1559 = arith.constant 0 : i32
      %dma_wait3A_1560 = tpu.memref_slice %arg10[%dma_wait3A_1557, %dma_wait3A_1559] : memref<64x128xf32, #tpu.memory_space<vmem>> -> memref<1x128xf32, #tpu.memory_space<vmem>>
      %dma_wait3A_1561 = tpu.memref_squeeze %dma_wait3A_1560 : memref<1x128xf32, #tpu.memory_space<vmem>> -> memref<128xf32, #tpu.memory_space<vmem>>
      %dma_wait3A_1562 = arith.constant 0 : i32
      %dma_wait3A_1563 = tpu.memref_slice %arg9[%dma_wait3A_1558, %dma_wait3A_1562] : memref<64x128xi32, #tpu.memory_space<vmem>> -> memref<1x128xi32, #tpu.memory_space<vmem>>
      %dma_wait3A_1564 = tpu.memref_squeeze %dma_wait3A_1563 : memref<1x128xi32, #tpu.memory_space<vmem>> -> memref<128xi32, #tpu.memory_space<vmem>>
      %dma_wait3A_1565 = arith.constant 0 : i32
      %dma_wait3A_1566 = tpu.memref_slice %arg14[%dma_wait3A_1565] : memref<1048576xf32, #tpu.memory_space<vmem_shared>> -> memref<1048576xf32, #tpu.memory_space<vmem_shared>>
      tpu.wait_indirect_dma semaphore(%arg15 : memref<!tpu.dma_semaphore, #tpu.memory_space<semaphore_mem>>) src(%dma_wait3A_1561 : memref<128xf32, #tpu.memory_space<vmem>>) dst(%dma_wait3A_1566 : memref<1048576xf32, #tpu.memory_space<vmem_shared>>)
      %dma_wait3A_1567 = arith.constant 47 : i32
      %dma_wait3A_1568 = arith.constant 0 : i32
      %dma_wait3A_1569 = tpu.memref_slice %arg8[%dma_wait3A_1567, %dma_wait3A_1568] : memref<64x128xi32, #tpu.memory_space<vmem>> -> memref<1x128xi32, #tpu.memory_space<vmem>>
      %dma_wait3A_1570 = tpu.memref_squeeze %dma_wait3A_1569 : memref<1x128xi32, #tpu.memory_space<vmem>> -> memref<128xi32, #tpu.memory_space<vmem>>
      %dma_wait3A_1571 = arith.constant 0 : i32
      %dma_wait3A_1572 = tpu.memref_slice %arg14[%dma_wait3A_1571] : memref<1048576xf32, #tpu.memory_space<vmem_shared>> -> memref<1048576xf32, #tpu.memory_space<vmem_shared>>
      tpu.wait_indirect_dma semaphore(%arg15 : memref<!tpu.dma_semaphore, #tpu.memory_space<semaphore_mem>>) src(%arg11 : memref<128xf32, #tpu.memory_space<vmem>>) dst(%dma_wait3A_1572 : memref<1048576xf32, #tpu.memory_space<vmem_shared>>)
      %dma_wait3A_1573 = arith.constant 47 : i32
      %dma_wait3A_1574 = arith.constant 47 : i32
      %dma_wait3A_1575 = arith.constant 0 : i32
      %dma_wait3A_1576 = tpu.memref_slice %arg10[%dma_wait3A_1573, %dma_wait3A_1575] : memref<64x128xf32, #tpu.memory_space<vmem>> -> memref<1x128xf32, #tpu.memory_space<vmem>>
      %dma_wait3A_1577 = tpu.memref_squeeze %dma_wait3A_1576 : memref<1x128xf32, #tpu.memory_space<vmem>> -> memref<128xf32, #tpu.memory_space<vmem>>
      %dma_wait3A_1578 = arith.constant 0 : i32
      %dma_wait3A_1579 = tpu.memref_slice %arg9[%dma_wait3A_1574, %dma_wait3A_1578] : memref<64x128xi32, #tpu.memory_space<vmem>> -> memref<1x128xi32, #tpu.memory_space<vmem>>
      %dma_wait3A_1580 = tpu.memref_squeeze %dma_wait3A_1579 : memref<1x128xi32, #tpu.memory_space<vmem>> -> memref<128xi32, #tpu.memory_space<vmem>>
      %dma_wait3A_1581 = arith.constant 0 : i32
      %dma_wait3A_1582 = tpu.memref_slice %arg14[%dma_wait3A_1581] : memref<1048576xf32, #tpu.memory_space<vmem_shared>> -> memref<1048576xf32, #tpu.memory_space<vmem_shared>>
      tpu.wait_indirect_dma semaphore(%arg15 : memref<!tpu.dma_semaphore, #tpu.memory_space<semaphore_mem>>) src(%dma_wait3A_1577 : memref<128xf32, #tpu.memory_space<vmem>>) dst(%dma_wait3A_1582 : memref<1048576xf32, #tpu.memory_space<vmem_shared>>)
      %dma_start3A_1583 = arith.constant 48 : i32
      %dma_start3A_1584 = arith.constant 0 : i32
      %dma_start3A_1585 = tpu.memref_slice %arg8[%dma_start3A_1583, %dma_start3A_1584] : memref<64x128xi32, #tpu.memory_space<vmem>> -> memref<1x128xi32, #tpu.memory_space<vmem>>
      %dma_start3A_1586 = tpu.memref_squeeze %dma_start3A_1585 : memref<1x128xi32, #tpu.memory_space<vmem>> -> memref<128xi32, #tpu.memory_space<vmem>>
      %dma_start3A_1587 = arith.constant 0 : i32
      %dma_start3A_1588 = tpu.memref_slice %arg14[%dma_start3A_1587] : memref<1048576xf32, #tpu.memory_space<vmem_shared>> -> memref<1048576xf32, #tpu.memory_space<vmem_shared>>
      tpu.enqueue_indirect_dma source(%arg11 : memref<128xf32, #tpu.memory_space<vmem>>) target(%dma_start3A_1588 : memref<1048576xf32, #tpu.memory_space<vmem_shared>>) offsets(%dma_start3A_1586 : memref<128xi32, #tpu.memory_space<vmem>>) semaphore(%arg15 : memref<!tpu.dma_semaphore, #tpu.memory_space<semaphore_mem>>) {add = true}
      %dma_start3A_1589 = arith.constant 48 : i32
      %dma_start3A_1590 = arith.constant 48 : i32
      %dma_start3A_1591 = arith.constant 0 : i32
      %dma_start3A_1592 = tpu.memref_slice %arg10[%dma_start3A_1589, %dma_start3A_1591] : memref<64x128xf32, #tpu.memory_space<vmem>> -> memref<1x128xf32, #tpu.memory_space<vmem>>
      %dma_start3A_1593 = tpu.memref_squeeze %dma_start3A_1592 : memref<1x128xf32, #tpu.memory_space<vmem>> -> memref<128xf32, #tpu.memory_space<vmem>>
      %dma_start3A_1594 = arith.constant 0 : i32
      %dma_start3A_1595 = tpu.memref_slice %arg9[%dma_start3A_1590, %dma_start3A_1594] : memref<64x128xi32, #tpu.memory_space<vmem>> -> memref<1x128xi32, #tpu.memory_space<vmem>>
      %dma_start3A_1596 = tpu.memref_squeeze %dma_start3A_1595 : memref<1x128xi32, #tpu.memory_space<vmem>> -> memref<128xi32, #tpu.memory_space<vmem>>
      %dma_start3A_1597 = arith.constant 0 : i32
      %dma_start3A_1598 = tpu.memref_slice %arg14[%dma_start3A_1597] : memref<1048576xf32, #tpu.memory_space<vmem_shared>> -> memref<1048576xf32, #tpu.memory_space<vmem_shared>>
      tpu.enqueue_indirect_dma source(%dma_start3A_1593 : memref<128xf32, #tpu.memory_space<vmem>>) target(%dma_start3A_1598 : memref<1048576xf32, #tpu.memory_space<vmem_shared>>) offsets(%dma_start3A_1596 : memref<128xi32, #tpu.memory_space<vmem>>) semaphore(%arg15 : memref<!tpu.dma_semaphore, #tpu.memory_space<semaphore_mem>>) {add = true}
      %dma_start3A_1599 = arith.constant 49 : i32
      %dma_start3A_1600 = arith.constant 0 : i32
      %dma_start3A_1601 = tpu.memref_slice %arg8[%dma_start3A_1599, %dma_start3A_1600] : memref<64x128xi32, #tpu.memory_space<vmem>> -> memref<1x128xi32, #tpu.memory_space<vmem>>
      %dma_start3A_1602 = tpu.memref_squeeze %dma_start3A_1601 : memref<1x128xi32, #tpu.memory_space<vmem>> -> memref<128xi32, #tpu.memory_space<vmem>>
      %dma_start3A_1603 = arith.constant 0 : i32
      %dma_start3A_1604 = tpu.memref_slice %arg14[%dma_start3A_1603] : memref<1048576xf32, #tpu.memory_space<vmem_shared>> -> memref<1048576xf32, #tpu.memory_space<vmem_shared>>
      tpu.enqueue_indirect_dma source(%arg11 : memref<128xf32, #tpu.memory_space<vmem>>) target(%dma_start3A_1604 : memref<1048576xf32, #tpu.memory_space<vmem_shared>>) offsets(%dma_start3A_1602 : memref<128xi32, #tpu.memory_space<vmem>>) semaphore(%arg15 : memref<!tpu.dma_semaphore, #tpu.memory_space<semaphore_mem>>) {add = true}
      %dma_start3A_1605 = arith.constant 49 : i32
      %dma_start3A_1606 = arith.constant 49 : i32
      %dma_start3A_1607 = arith.constant 0 : i32
      %dma_start3A_1608 = tpu.memref_slice %arg10[%dma_start3A_1605, %dma_start3A_1607] : memref<64x128xf32, #tpu.memory_space<vmem>> -> memref<1x128xf32, #tpu.memory_space<vmem>>
      %dma_start3A_1609 = tpu.memref_squeeze %dma_start3A_1608 : memref<1x128xf32, #tpu.memory_space<vmem>> -> memref<128xf32, #tpu.memory_space<vmem>>
      %dma_start3A_1610 = arith.constant 0 : i32
      %dma_start3A_1611 = tpu.memref_slice %arg9[%dma_start3A_1606, %dma_start3A_1610] : memref<64x128xi32, #tpu.memory_space<vmem>> -> memref<1x128xi32, #tpu.memory_space<vmem>>
      %dma_start3A_1612 = tpu.memref_squeeze %dma_start3A_1611 : memref<1x128xi32, #tpu.memory_space<vmem>> -> memref<128xi32, #tpu.memory_space<vmem>>
      %dma_start3A_1613 = arith.constant 0 : i32
      %dma_start3A_1614 = tpu.memref_slice %arg14[%dma_start3A_1613] : memref<1048576xf32, #tpu.memory_space<vmem_shared>> -> memref<1048576xf32, #tpu.memory_space<vmem_shared>>
      tpu.enqueue_indirect_dma source(%dma_start3A_1609 : memref<128xf32, #tpu.memory_space<vmem>>) target(%dma_start3A_1614 : memref<1048576xf32, #tpu.memory_space<vmem_shared>>) offsets(%dma_start3A_1612 : memref<128xi32, #tpu.memory_space<vmem>>) semaphore(%arg15 : memref<!tpu.dma_semaphore, #tpu.memory_space<semaphore_mem>>) {add = true}
      %dma_start3A_1615 = arith.constant 50 : i32
      %dma_start3A_1616 = arith.constant 0 : i32
      %dma_start3A_1617 = tpu.memref_slice %arg8[%dma_start3A_1615, %dma_start3A_1616] : memref<64x128xi32, #tpu.memory_space<vmem>> -> memref<1x128xi32, #tpu.memory_space<vmem>>
      %dma_start3A_1618 = tpu.memref_squeeze %dma_start3A_1617 : memref<1x128xi32, #tpu.memory_space<vmem>> -> memref<128xi32, #tpu.memory_space<vmem>>
      %dma_start3A_1619 = arith.constant 0 : i32
      %dma_start3A_1620 = tpu.memref_slice %arg14[%dma_start3A_1619] : memref<1048576xf32, #tpu.memory_space<vmem_shared>> -> memref<1048576xf32, #tpu.memory_space<vmem_shared>>
      tpu.enqueue_indirect_dma source(%arg11 : memref<128xf32, #tpu.memory_space<vmem>>) target(%dma_start3A_1620 : memref<1048576xf32, #tpu.memory_space<vmem_shared>>) offsets(%dma_start3A_1618 : memref<128xi32, #tpu.memory_space<vmem>>) semaphore(%arg15 : memref<!tpu.dma_semaphore, #tpu.memory_space<semaphore_mem>>) {add = true}
      %dma_start3A_1621 = arith.constant 50 : i32
      %dma_start3A_1622 = arith.constant 50 : i32
      %dma_start3A_1623 = arith.constant 0 : i32
      %dma_start3A_1624 = tpu.memref_slice %arg10[%dma_start3A_1621, %dma_start3A_1623] : memref<64x128xf32, #tpu.memory_space<vmem>> -> memref<1x128xf32, #tpu.memory_space<vmem>>
      %dma_start3A_1625 = tpu.memref_squeeze %dma_start3A_1624 : memref<1x128xf32, #tpu.memory_space<vmem>> -> memref<128xf32, #tpu.memory_space<vmem>>
      %dma_start3A_1626 = arith.constant 0 : i32
      %dma_start3A_1627 = tpu.memref_slice %arg9[%dma_start3A_1622, %dma_start3A_1626] : memref<64x128xi32, #tpu.memory_space<vmem>> -> memref<1x128xi32, #tpu.memory_space<vmem>>
      %dma_start3A_1628 = tpu.memref_squeeze %dma_start3A_1627 : memref<1x128xi32, #tpu.memory_space<vmem>> -> memref<128xi32, #tpu.memory_space<vmem>>
      %dma_start3A_1629 = arith.constant 0 : i32
      %dma_start3A_1630 = tpu.memref_slice %arg14[%dma_start3A_1629] : memref<1048576xf32, #tpu.memory_space<vmem_shared>> -> memref<1048576xf32, #tpu.memory_space<vmem_shared>>
      tpu.enqueue_indirect_dma source(%dma_start3A_1625 : memref<128xf32, #tpu.memory_space<vmem>>) target(%dma_start3A_1630 : memref<1048576xf32, #tpu.memory_space<vmem_shared>>) offsets(%dma_start3A_1628 : memref<128xi32, #tpu.memory_space<vmem>>) semaphore(%arg15 : memref<!tpu.dma_semaphore, #tpu.memory_space<semaphore_mem>>) {add = true}
      %dma_start3A_1631 = arith.constant 51 : i32
      %dma_start3A_1632 = arith.constant 0 : i32
      %dma_start3A_1633 = tpu.memref_slice %arg8[%dma_start3A_1631, %dma_start3A_1632] : memref<64x128xi32, #tpu.memory_space<vmem>> -> memref<1x128xi32, #tpu.memory_space<vmem>>
      %dma_start3A_1634 = tpu.memref_squeeze %dma_start3A_1633 : memref<1x128xi32, #tpu.memory_space<vmem>> -> memref<128xi32, #tpu.memory_space<vmem>>
      %dma_start3A_1635 = arith.constant 0 : i32
      %dma_start3A_1636 = tpu.memref_slice %arg14[%dma_start3A_1635] : memref<1048576xf32, #tpu.memory_space<vmem_shared>> -> memref<1048576xf32, #tpu.memory_space<vmem_shared>>
      tpu.enqueue_indirect_dma source(%arg11 : memref<128xf32, #tpu.memory_space<vmem>>) target(%dma_start3A_1636 : memref<1048576xf32, #tpu.memory_space<vmem_shared>>) offsets(%dma_start3A_1634 : memref<128xi32, #tpu.memory_space<vmem>>) semaphore(%arg15 : memref<!tpu.dma_semaphore, #tpu.memory_space<semaphore_mem>>) {add = true}
      %dma_start3A_1637 = arith.constant 51 : i32
      %dma_start3A_1638 = arith.constant 51 : i32
      %dma_start3A_1639 = arith.constant 0 : i32
      %dma_start3A_1640 = tpu.memref_slice %arg10[%dma_start3A_1637, %dma_start3A_1639] : memref<64x128xf32, #tpu.memory_space<vmem>> -> memref<1x128xf32, #tpu.memory_space<vmem>>
      %dma_start3A_1641 = tpu.memref_squeeze %dma_start3A_1640 : memref<1x128xf32, #tpu.memory_space<vmem>> -> memref<128xf32, #tpu.memory_space<vmem>>
      %dma_start3A_1642 = arith.constant 0 : i32
      %dma_start3A_1643 = tpu.memref_slice %arg9[%dma_start3A_1638, %dma_start3A_1642] : memref<64x128xi32, #tpu.memory_space<vmem>> -> memref<1x128xi32, #tpu.memory_space<vmem>>
      %dma_start3A_1644 = tpu.memref_squeeze %dma_start3A_1643 : memref<1x128xi32, #tpu.memory_space<vmem>> -> memref<128xi32, #tpu.memory_space<vmem>>
      %dma_start3A_1645 = arith.constant 0 : i32
      %dma_start3A_1646 = tpu.memref_slice %arg14[%dma_start3A_1645] : memref<1048576xf32, #tpu.memory_space<vmem_shared>> -> memref<1048576xf32, #tpu.memory_space<vmem_shared>>
      tpu.enqueue_indirect_dma source(%dma_start3A_1641 : memref<128xf32, #tpu.memory_space<vmem>>) target(%dma_start3A_1646 : memref<1048576xf32, #tpu.memory_space<vmem_shared>>) offsets(%dma_start3A_1644 : memref<128xi32, #tpu.memory_space<vmem>>) semaphore(%arg15 : memref<!tpu.dma_semaphore, #tpu.memory_space<semaphore_mem>>) {add = true}
      %dma_start3A_1647 = arith.constant 52 : i32
      %dma_start3A_1648 = arith.constant 0 : i32
      %dma_start3A_1649 = tpu.memref_slice %arg8[%dma_start3A_1647, %dma_start3A_1648] : memref<64x128xi32, #tpu.memory_space<vmem>> -> memref<1x128xi32, #tpu.memory_space<vmem>>
      %dma_start3A_1650 = tpu.memref_squeeze %dma_start3A_1649 : memref<1x128xi32, #tpu.memory_space<vmem>> -> memref<128xi32, #tpu.memory_space<vmem>>
      %dma_start3A_1651 = arith.constant 0 : i32
      %dma_start3A_1652 = tpu.memref_slice %arg14[%dma_start3A_1651] : memref<1048576xf32, #tpu.memory_space<vmem_shared>> -> memref<1048576xf32, #tpu.memory_space<vmem_shared>>
      tpu.enqueue_indirect_dma source(%arg11 : memref<128xf32, #tpu.memory_space<vmem>>) target(%dma_start3A_1652 : memref<1048576xf32, #tpu.memory_space<vmem_shared>>) offsets(%dma_start3A_1650 : memref<128xi32, #tpu.memory_space<vmem>>) semaphore(%arg15 : memref<!tpu.dma_semaphore, #tpu.memory_space<semaphore_mem>>) {add = true}
      %dma_start3A_1653 = arith.constant 52 : i32
      %dma_start3A_1654 = arith.constant 52 : i32
      %dma_start3A_1655 = arith.constant 0 : i32
      %dma_start3A_1656 = tpu.memref_slice %arg10[%dma_start3A_1653, %dma_start3A_1655] : memref<64x128xf32, #tpu.memory_space<vmem>> -> memref<1x128xf32, #tpu.memory_space<vmem>>
      %dma_start3A_1657 = tpu.memref_squeeze %dma_start3A_1656 : memref<1x128xf32, #tpu.memory_space<vmem>> -> memref<128xf32, #tpu.memory_space<vmem>>
      %dma_start3A_1658 = arith.constant 0 : i32
      %dma_start3A_1659 = tpu.memref_slice %arg9[%dma_start3A_1654, %dma_start3A_1658] : memref<64x128xi32, #tpu.memory_space<vmem>> -> memref<1x128xi32, #tpu.memory_space<vmem>>
      %dma_start3A_1660 = tpu.memref_squeeze %dma_start3A_1659 : memref<1x128xi32, #tpu.memory_space<vmem>> -> memref<128xi32, #tpu.memory_space<vmem>>
      %dma_start3A_1661 = arith.constant 0 : i32
      %dma_start3A_1662 = tpu.memref_slice %arg14[%dma_start3A_1661] : memref<1048576xf32, #tpu.memory_space<vmem_shared>> -> memref<1048576xf32, #tpu.memory_space<vmem_shared>>
      tpu.enqueue_indirect_dma source(%dma_start3A_1657 : memref<128xf32, #tpu.memory_space<vmem>>) target(%dma_start3A_1662 : memref<1048576xf32, #tpu.memory_space<vmem_shared>>) offsets(%dma_start3A_1660 : memref<128xi32, #tpu.memory_space<vmem>>) semaphore(%arg15 : memref<!tpu.dma_semaphore, #tpu.memory_space<semaphore_mem>>) {add = true}
      %dma_start3A_1663 = arith.constant 53 : i32
      %dma_start3A_1664 = arith.constant 0 : i32
      %dma_start3A_1665 = tpu.memref_slice %arg8[%dma_start3A_1663, %dma_start3A_1664] : memref<64x128xi32, #tpu.memory_space<vmem>> -> memref<1x128xi32, #tpu.memory_space<vmem>>
      %dma_start3A_1666 = tpu.memref_squeeze %dma_start3A_1665 : memref<1x128xi32, #tpu.memory_space<vmem>> -> memref<128xi32, #tpu.memory_space<vmem>>
      %dma_start3A_1667 = arith.constant 0 : i32
      %dma_start3A_1668 = tpu.memref_slice %arg14[%dma_start3A_1667] : memref<1048576xf32, #tpu.memory_space<vmem_shared>> -> memref<1048576xf32, #tpu.memory_space<vmem_shared>>
      tpu.enqueue_indirect_dma source(%arg11 : memref<128xf32, #tpu.memory_space<vmem>>) target(%dma_start3A_1668 : memref<1048576xf32, #tpu.memory_space<vmem_shared>>) offsets(%dma_start3A_1666 : memref<128xi32, #tpu.memory_space<vmem>>) semaphore(%arg15 : memref<!tpu.dma_semaphore, #tpu.memory_space<semaphore_mem>>) {add = true}
      %dma_start3A_1669 = arith.constant 53 : i32
      %dma_start3A_1670 = arith.constant 53 : i32
      %dma_start3A_1671 = arith.constant 0 : i32
      %dma_start3A_1672 = tpu.memref_slice %arg10[%dma_start3A_1669, %dma_start3A_1671] : memref<64x128xf32, #tpu.memory_space<vmem>> -> memref<1x128xf32, #tpu.memory_space<vmem>>
      %dma_start3A_1673 = tpu.memref_squeeze %dma_start3A_1672 : memref<1x128xf32, #tpu.memory_space<vmem>> -> memref<128xf32, #tpu.memory_space<vmem>>
      %dma_start3A_1674 = arith.constant 0 : i32
      %dma_start3A_1675 = tpu.memref_slice %arg9[%dma_start3A_1670, %dma_start3A_1674] : memref<64x128xi32, #tpu.memory_space<vmem>> -> memref<1x128xi32, #tpu.memory_space<vmem>>
      %dma_start3A_1676 = tpu.memref_squeeze %dma_start3A_1675 : memref<1x128xi32, #tpu.memory_space<vmem>> -> memref<128xi32, #tpu.memory_space<vmem>>
      %dma_start3A_1677 = arith.constant 0 : i32
      %dma_start3A_1678 = tpu.memref_slice %arg14[%dma_start3A_1677] : memref<1048576xf32, #tpu.memory_space<vmem_shared>> -> memref<1048576xf32, #tpu.memory_space<vmem_shared>>
      tpu.enqueue_indirect_dma source(%dma_start3A_1673 : memref<128xf32, #tpu.memory_space<vmem>>) target(%dma_start3A_1678 : memref<1048576xf32, #tpu.memory_space<vmem_shared>>) offsets(%dma_start3A_1676 : memref<128xi32, #tpu.memory_space<vmem>>) semaphore(%arg15 : memref<!tpu.dma_semaphore, #tpu.memory_space<semaphore_mem>>) {add = true}
      %dma_start3A_1679 = arith.constant 54 : i32
      %dma_start3A_1680 = arith.constant 0 : i32
      %dma_start3A_1681 = tpu.memref_slice %arg8[%dma_start3A_1679, %dma_start3A_1680] : memref<64x128xi32, #tpu.memory_space<vmem>> -> memref<1x128xi32, #tpu.memory_space<vmem>>
      %dma_start3A_1682 = tpu.memref_squeeze %dma_start3A_1681 : memref<1x128xi32, #tpu.memory_space<vmem>> -> memref<128xi32, #tpu.memory_space<vmem>>
      %dma_start3A_1683 = arith.constant 0 : i32
      %dma_start3A_1684 = tpu.memref_slice %arg14[%dma_start3A_1683] : memref<1048576xf32, #tpu.memory_space<vmem_shared>> -> memref<1048576xf32, #tpu.memory_space<vmem_shared>>
      tpu.enqueue_indirect_dma source(%arg11 : memref<128xf32, #tpu.memory_space<vmem>>) target(%dma_start3A_1684 : memref<1048576xf32, #tpu.memory_space<vmem_shared>>) offsets(%dma_start3A_1682 : memref<128xi32, #tpu.memory_space<vmem>>) semaphore(%arg15 : memref<!tpu.dma_semaphore, #tpu.memory_space<semaphore_mem>>) {add = true}
      %dma_start3A_1685 = arith.constant 54 : i32
      %dma_start3A_1686 = arith.constant 54 : i32
      %dma_start3A_1687 = arith.constant 0 : i32
      %dma_start3A_1688 = tpu.memref_slice %arg10[%dma_start3A_1685, %dma_start3A_1687] : memref<64x128xf32, #tpu.memory_space<vmem>> -> memref<1x128xf32, #tpu.memory_space<vmem>>
      %dma_start3A_1689 = tpu.memref_squeeze %dma_start3A_1688 : memref<1x128xf32, #tpu.memory_space<vmem>> -> memref<128xf32, #tpu.memory_space<vmem>>
      %dma_start3A_1690 = arith.constant 0 : i32
      %dma_start3A_1691 = tpu.memref_slice %arg9[%dma_start3A_1686, %dma_start3A_1690] : memref<64x128xi32, #tpu.memory_space<vmem>> -> memref<1x128xi32, #tpu.memory_space<vmem>>
      %dma_start3A_1692 = tpu.memref_squeeze %dma_start3A_1691 : memref<1x128xi32, #tpu.memory_space<vmem>> -> memref<128xi32, #tpu.memory_space<vmem>>
      %dma_start3A_1693 = arith.constant 0 : i32
      %dma_start3A_1694 = tpu.memref_slice %arg14[%dma_start3A_1693] : memref<1048576xf32, #tpu.memory_space<vmem_shared>> -> memref<1048576xf32, #tpu.memory_space<vmem_shared>>
      tpu.enqueue_indirect_dma source(%dma_start3A_1689 : memref<128xf32, #tpu.memory_space<vmem>>) target(%dma_start3A_1694 : memref<1048576xf32, #tpu.memory_space<vmem_shared>>) offsets(%dma_start3A_1692 : memref<128xi32, #tpu.memory_space<vmem>>) semaphore(%arg15 : memref<!tpu.dma_semaphore, #tpu.memory_space<semaphore_mem>>) {add = true}
      %dma_start3A_1695 = arith.constant 55 : i32
      %dma_start3A_1696 = arith.constant 0 : i32
      %dma_start3A_1697 = tpu.memref_slice %arg8[%dma_start3A_1695, %dma_start3A_1696] : memref<64x128xi32, #tpu.memory_space<vmem>> -> memref<1x128xi32, #tpu.memory_space<vmem>>
      %dma_start3A_1698 = tpu.memref_squeeze %dma_start3A_1697 : memref<1x128xi32, #tpu.memory_space<vmem>> -> memref<128xi32, #tpu.memory_space<vmem>>
      %dma_start3A_1699 = arith.constant 0 : i32
      %dma_start3A_1700 = tpu.memref_slice %arg14[%dma_start3A_1699] : memref<1048576xf32, #tpu.memory_space<vmem_shared>> -> memref<1048576xf32, #tpu.memory_space<vmem_shared>>
      tpu.enqueue_indirect_dma source(%arg11 : memref<128xf32, #tpu.memory_space<vmem>>) target(%dma_start3A_1700 : memref<1048576xf32, #tpu.memory_space<vmem_shared>>) offsets(%dma_start3A_1698 : memref<128xi32, #tpu.memory_space<vmem>>) semaphore(%arg15 : memref<!tpu.dma_semaphore, #tpu.memory_space<semaphore_mem>>) {add = true}
      %dma_start3A_1701 = arith.constant 55 : i32
      %dma_start3A_1702 = arith.constant 55 : i32
      %dma_start3A_1703 = arith.constant 0 : i32
      %dma_start3A_1704 = tpu.memref_slice %arg10[%dma_start3A_1701, %dma_start3A_1703] : memref<64x128xf32, #tpu.memory_space<vmem>> -> memref<1x128xf32, #tpu.memory_space<vmem>>
      %dma_start3A_1705 = tpu.memref_squeeze %dma_start3A_1704 : memref<1x128xf32, #tpu.memory_space<vmem>> -> memref<128xf32, #tpu.memory_space<vmem>>
      %dma_start3A_1706 = arith.constant 0 : i32
      %dma_start3A_1707 = tpu.memref_slice %arg9[%dma_start3A_1702, %dma_start3A_1706] : memref<64x128xi32, #tpu.memory_space<vmem>> -> memref<1x128xi32, #tpu.memory_space<vmem>>
      %dma_start3A_1708 = tpu.memref_squeeze %dma_start3A_1707 : memref<1x128xi32, #tpu.memory_space<vmem>> -> memref<128xi32, #tpu.memory_space<vmem>>
      %dma_start3A_1709 = arith.constant 0 : i32
      %dma_start3A_1710 = tpu.memref_slice %arg14[%dma_start3A_1709] : memref<1048576xf32, #tpu.memory_space<vmem_shared>> -> memref<1048576xf32, #tpu.memory_space<vmem_shared>>
      tpu.enqueue_indirect_dma source(%dma_start3A_1705 : memref<128xf32, #tpu.memory_space<vmem>>) target(%dma_start3A_1710 : memref<1048576xf32, #tpu.memory_space<vmem_shared>>) offsets(%dma_start3A_1708 : memref<128xi32, #tpu.memory_space<vmem>>) semaphore(%arg15 : memref<!tpu.dma_semaphore, #tpu.memory_space<semaphore_mem>>) {add = true}
      %dma_start3A_1711 = arith.constant 56 : i32
      %dma_start3A_1712 = arith.constant 0 : i32
      %dma_start3A_1713 = tpu.memref_slice %arg8[%dma_start3A_1711, %dma_start3A_1712] : memref<64x128xi32, #tpu.memory_space<vmem>> -> memref<1x128xi32, #tpu.memory_space<vmem>>
      %dma_start3A_1714 = tpu.memref_squeeze %dma_start3A_1713 : memref<1x128xi32, #tpu.memory_space<vmem>> -> memref<128xi32, #tpu.memory_space<vmem>>
      %dma_start3A_1715 = arith.constant 0 : i32
      %dma_start3A_1716 = tpu.memref_slice %arg14[%dma_start3A_1715] : memref<1048576xf32, #tpu.memory_space<vmem_shared>> -> memref<1048576xf32, #tpu.memory_space<vmem_shared>>
      tpu.enqueue_indirect_dma source(%arg11 : memref<128xf32, #tpu.memory_space<vmem>>) target(%dma_start3A_1716 : memref<1048576xf32, #tpu.memory_space<vmem_shared>>) offsets(%dma_start3A_1714 : memref<128xi32, #tpu.memory_space<vmem>>) semaphore(%arg15 : memref<!tpu.dma_semaphore, #tpu.memory_space<semaphore_mem>>) {add = true}
      %dma_start3A_1717 = arith.constant 56 : i32
      %dma_start3A_1718 = arith.constant 56 : i32
      %dma_start3A_1719 = arith.constant 0 : i32
      %dma_start3A_1720 = tpu.memref_slice %arg10[%dma_start3A_1717, %dma_start3A_1719] : memref<64x128xf32, #tpu.memory_space<vmem>> -> memref<1x128xf32, #tpu.memory_space<vmem>>
      %dma_start3A_1721 = tpu.memref_squeeze %dma_start3A_1720 : memref<1x128xf32, #tpu.memory_space<vmem>> -> memref<128xf32, #tpu.memory_space<vmem>>
      %dma_start3A_1722 = arith.constant 0 : i32
      %dma_start3A_1723 = tpu.memref_slice %arg9[%dma_start3A_1718, %dma_start3A_1722] : memref<64x128xi32, #tpu.memory_space<vmem>> -> memref<1x128xi32, #tpu.memory_space<vmem>>
      %dma_start3A_1724 = tpu.memref_squeeze %dma_start3A_1723 : memref<1x128xi32, #tpu.memory_space<vmem>> -> memref<128xi32, #tpu.memory_space<vmem>>
      %dma_start3A_1725 = arith.constant 0 : i32
      %dma_start3A_1726 = tpu.memref_slice %arg14[%dma_start3A_1725] : memref<1048576xf32, #tpu.memory_space<vmem_shared>> -> memref<1048576xf32, #tpu.memory_space<vmem_shared>>
      tpu.enqueue_indirect_dma source(%dma_start3A_1721 : memref<128xf32, #tpu.memory_space<vmem>>) target(%dma_start3A_1726 : memref<1048576xf32, #tpu.memory_space<vmem_shared>>) offsets(%dma_start3A_1724 : memref<128xi32, #tpu.memory_space<vmem>>) semaphore(%arg15 : memref<!tpu.dma_semaphore, #tpu.memory_space<semaphore_mem>>) {add = true}
      %dma_start3A_1727 = arith.constant 57 : i32
      %dma_start3A_1728 = arith.constant 0 : i32
      %dma_start3A_1729 = tpu.memref_slice %arg8[%dma_start3A_1727, %dma_start3A_1728] : memref<64x128xi32, #tpu.memory_space<vmem>> -> memref<1x128xi32, #tpu.memory_space<vmem>>
      %dma_start3A_1730 = tpu.memref_squeeze %dma_start3A_1729 : memref<1x128xi32, #tpu.memory_space<vmem>> -> memref<128xi32, #tpu.memory_space<vmem>>
      %dma_start3A_1731 = arith.constant 0 : i32
      %dma_start3A_1732 = tpu.memref_slice %arg14[%dma_start3A_1731] : memref<1048576xf32, #tpu.memory_space<vmem_shared>> -> memref<1048576xf32, #tpu.memory_space<vmem_shared>>
      tpu.enqueue_indirect_dma source(%arg11 : memref<128xf32, #tpu.memory_space<vmem>>) target(%dma_start3A_1732 : memref<1048576xf32, #tpu.memory_space<vmem_shared>>) offsets(%dma_start3A_1730 : memref<128xi32, #tpu.memory_space<vmem>>) semaphore(%arg15 : memref<!tpu.dma_semaphore, #tpu.memory_space<semaphore_mem>>) {add = true}
      %dma_start3A_1733 = arith.constant 57 : i32
      %dma_start3A_1734 = arith.constant 57 : i32
      %dma_start3A_1735 = arith.constant 0 : i32
      %dma_start3A_1736 = tpu.memref_slice %arg10[%dma_start3A_1733, %dma_start3A_1735] : memref<64x128xf32, #tpu.memory_space<vmem>> -> memref<1x128xf32, #tpu.memory_space<vmem>>
      %dma_start3A_1737 = tpu.memref_squeeze %dma_start3A_1736 : memref<1x128xf32, #tpu.memory_space<vmem>> -> memref<128xf32, #tpu.memory_space<vmem>>
      %dma_start3A_1738 = arith.constant 0 : i32
      %dma_start3A_1739 = tpu.memref_slice %arg9[%dma_start3A_1734, %dma_start3A_1738] : memref<64x128xi32, #tpu.memory_space<vmem>> -> memref<1x128xi32, #tpu.memory_space<vmem>>
      %dma_start3A_1740 = tpu.memref_squeeze %dma_start3A_1739 : memref<1x128xi32, #tpu.memory_space<vmem>> -> memref<128xi32, #tpu.memory_space<vmem>>
      %dma_start3A_1741 = arith.constant 0 : i32
      %dma_start3A_1742 = tpu.memref_slice %arg14[%dma_start3A_1741] : memref<1048576xf32, #tpu.memory_space<vmem_shared>> -> memref<1048576xf32, #tpu.memory_space<vmem_shared>>
      tpu.enqueue_indirect_dma source(%dma_start3A_1737 : memref<128xf32, #tpu.memory_space<vmem>>) target(%dma_start3A_1742 : memref<1048576xf32, #tpu.memory_space<vmem_shared>>) offsets(%dma_start3A_1740 : memref<128xi32, #tpu.memory_space<vmem>>) semaphore(%arg15 : memref<!tpu.dma_semaphore, #tpu.memory_space<semaphore_mem>>) {add = true}
      %dma_start3A_1743 = arith.constant 58 : i32
      %dma_start3A_1744 = arith.constant 0 : i32
      %dma_start3A_1745 = tpu.memref_slice %arg8[%dma_start3A_1743, %dma_start3A_1744] : memref<64x128xi32, #tpu.memory_space<vmem>> -> memref<1x128xi32, #tpu.memory_space<vmem>>
      %dma_start3A_1746 = tpu.memref_squeeze %dma_start3A_1745 : memref<1x128xi32, #tpu.memory_space<vmem>> -> memref<128xi32, #tpu.memory_space<vmem>>
      %dma_start3A_1747 = arith.constant 0 : i32
      %dma_start3A_1748 = tpu.memref_slice %arg14[%dma_start3A_1747] : memref<1048576xf32, #tpu.memory_space<vmem_shared>> -> memref<1048576xf32, #tpu.memory_space<vmem_shared>>
      tpu.enqueue_indirect_dma source(%arg11 : memref<128xf32, #tpu.memory_space<vmem>>) target(%dma_start3A_1748 : memref<1048576xf32, #tpu.memory_space<vmem_shared>>) offsets(%dma_start3A_1746 : memref<128xi32, #tpu.memory_space<vmem>>) semaphore(%arg15 : memref<!tpu.dma_semaphore, #tpu.memory_space<semaphore_mem>>) {add = true}
      %dma_start3A_1749 = arith.constant 58 : i32
      %dma_start3A_1750 = arith.constant 58 : i32
      %dma_start3A_1751 = arith.constant 0 : i32
      %dma_start3A_1752 = tpu.memref_slice %arg10[%dma_start3A_1749, %dma_start3A_1751] : memref<64x128xf32, #tpu.memory_space<vmem>> -> memref<1x128xf32, #tpu.memory_space<vmem>>
      %dma_start3A_1753 = tpu.memref_squeeze %dma_start3A_1752 : memref<1x128xf32, #tpu.memory_space<vmem>> -> memref<128xf32, #tpu.memory_space<vmem>>
      %dma_start3A_1754 = arith.constant 0 : i32
      %dma_start3A_1755 = tpu.memref_slice %arg9[%dma_start3A_1750, %dma_start3A_1754] : memref<64x128xi32, #tpu.memory_space<vmem>> -> memref<1x128xi32, #tpu.memory_space<vmem>>
      %dma_start3A_1756 = tpu.memref_squeeze %dma_start3A_1755 : memref<1x128xi32, #tpu.memory_space<vmem>> -> memref<128xi32, #tpu.memory_space<vmem>>
      %dma_start3A_1757 = arith.constant 0 : i32
      %dma_start3A_1758 = tpu.memref_slice %arg14[%dma_start3A_1757] : memref<1048576xf32, #tpu.memory_space<vmem_shared>> -> memref<1048576xf32, #tpu.memory_space<vmem_shared>>
      tpu.enqueue_indirect_dma source(%dma_start3A_1753 : memref<128xf32, #tpu.memory_space<vmem>>) target(%dma_start3A_1758 : memref<1048576xf32, #tpu.memory_space<vmem_shared>>) offsets(%dma_start3A_1756 : memref<128xi32, #tpu.memory_space<vmem>>) semaphore(%arg15 : memref<!tpu.dma_semaphore, #tpu.memory_space<semaphore_mem>>) {add = true}
      %dma_start3A_1759 = arith.constant 59 : i32
      %dma_start3A_1760 = arith.constant 0 : i32
      %dma_start3A_1761 = tpu.memref_slice %arg8[%dma_start3A_1759, %dma_start3A_1760] : memref<64x128xi32, #tpu.memory_space<vmem>> -> memref<1x128xi32, #tpu.memory_space<vmem>>
      %dma_start3A_1762 = tpu.memref_squeeze %dma_start3A_1761 : memref<1x128xi32, #tpu.memory_space<vmem>> -> memref<128xi32, #tpu.memory_space<vmem>>
      %dma_start3A_1763 = arith.constant 0 : i32
      %dma_start3A_1764 = tpu.memref_slice %arg14[%dma_start3A_1763] : memref<1048576xf32, #tpu.memory_space<vmem_shared>> -> memref<1048576xf32, #tpu.memory_space<vmem_shared>>
      tpu.enqueue_indirect_dma source(%arg11 : memref<128xf32, #tpu.memory_space<vmem>>) target(%dma_start3A_1764 : memref<1048576xf32, #tpu.memory_space<vmem_shared>>) offsets(%dma_start3A_1762 : memref<128xi32, #tpu.memory_space<vmem>>) semaphore(%arg15 : memref<!tpu.dma_semaphore, #tpu.memory_space<semaphore_mem>>) {add = true}
      %dma_start3A_1765 = arith.constant 59 : i32
      %dma_start3A_1766 = arith.constant 59 : i32
      %dma_start3A_1767 = arith.constant 0 : i32
      %dma_start3A_1768 = tpu.memref_slice %arg10[%dma_start3A_1765, %dma_start3A_1767] : memref<64x128xf32, #tpu.memory_space<vmem>> -> memref<1x128xf32, #tpu.memory_space<vmem>>
      %dma_start3A_1769 = tpu.memref_squeeze %dma_start3A_1768 : memref<1x128xf32, #tpu.memory_space<vmem>> -> memref<128xf32, #tpu.memory_space<vmem>>
      %dma_start3A_1770 = arith.constant 0 : i32
      %dma_start3A_1771 = tpu.memref_slice %arg9[%dma_start3A_1766, %dma_start3A_1770] : memref<64x128xi32, #tpu.memory_space<vmem>> -> memref<1x128xi32, #tpu.memory_space<vmem>>
      %dma_start3A_1772 = tpu.memref_squeeze %dma_start3A_1771 : memref<1x128xi32, #tpu.memory_space<vmem>> -> memref<128xi32, #tpu.memory_space<vmem>>
      %dma_start3A_1773 = arith.constant 0 : i32
      %dma_start3A_1774 = tpu.memref_slice %arg14[%dma_start3A_1773] : memref<1048576xf32, #tpu.memory_space<vmem_shared>> -> memref<1048576xf32, #tpu.memory_space<vmem_shared>>
      tpu.enqueue_indirect_dma source(%dma_start3A_1769 : memref<128xf32, #tpu.memory_space<vmem>>) target(%dma_start3A_1774 : memref<1048576xf32, #tpu.memory_space<vmem_shared>>) offsets(%dma_start3A_1772 : memref<128xi32, #tpu.memory_space<vmem>>) semaphore(%arg15 : memref<!tpu.dma_semaphore, #tpu.memory_space<semaphore_mem>>) {add = true}
      %dma_start3A_1775 = arith.constant 60 : i32
      %dma_start3A_1776 = arith.constant 0 : i32
      %dma_start3A_1777 = tpu.memref_slice %arg8[%dma_start3A_1775, %dma_start3A_1776] : memref<64x128xi32, #tpu.memory_space<vmem>> -> memref<1x128xi32, #tpu.memory_space<vmem>>
      %dma_start3A_1778 = tpu.memref_squeeze %dma_start3A_1777 : memref<1x128xi32, #tpu.memory_space<vmem>> -> memref<128xi32, #tpu.memory_space<vmem>>
      %dma_start3A_1779 = arith.constant 0 : i32
      %dma_start3A_1780 = tpu.memref_slice %arg14[%dma_start3A_1779] : memref<1048576xf32, #tpu.memory_space<vmem_shared>> -> memref<1048576xf32, #tpu.memory_space<vmem_shared>>
      tpu.enqueue_indirect_dma source(%arg11 : memref<128xf32, #tpu.memory_space<vmem>>) target(%dma_start3A_1780 : memref<1048576xf32, #tpu.memory_space<vmem_shared>>) offsets(%dma_start3A_1778 : memref<128xi32, #tpu.memory_space<vmem>>) semaphore(%arg15 : memref<!tpu.dma_semaphore, #tpu.memory_space<semaphore_mem>>) {add = true}
      %dma_start3A_1781 = arith.constant 60 : i32
      %dma_start3A_1782 = arith.constant 60 : i32
      %dma_start3A_1783 = arith.constant 0 : i32
      %dma_start3A_1784 = tpu.memref_slice %arg10[%dma_start3A_1781, %dma_start3A_1783] : memref<64x128xf32, #tpu.memory_space<vmem>> -> memref<1x128xf32, #tpu.memory_space<vmem>>
      %dma_start3A_1785 = tpu.memref_squeeze %dma_start3A_1784 : memref<1x128xf32, #tpu.memory_space<vmem>> -> memref<128xf32, #tpu.memory_space<vmem>>
      %dma_start3A_1786 = arith.constant 0 : i32
      %dma_start3A_1787 = tpu.memref_slice %arg9[%dma_start3A_1782, %dma_start3A_1786] : memref<64x128xi32, #tpu.memory_space<vmem>> -> memref<1x128xi32, #tpu.memory_space<vmem>>
      %dma_start3A_1788 = tpu.memref_squeeze %dma_start3A_1787 : memref<1x128xi32, #tpu.memory_space<vmem>> -> memref<128xi32, #tpu.memory_space<vmem>>
      %dma_start3A_1789 = arith.constant 0 : i32
      %dma_start3A_1790 = tpu.memref_slice %arg14[%dma_start3A_1789] : memref<1048576xf32, #tpu.memory_space<vmem_shared>> -> memref<1048576xf32, #tpu.memory_space<vmem_shared>>
      tpu.enqueue_indirect_dma source(%dma_start3A_1785 : memref<128xf32, #tpu.memory_space<vmem>>) target(%dma_start3A_1790 : memref<1048576xf32, #tpu.memory_space<vmem_shared>>) offsets(%dma_start3A_1788 : memref<128xi32, #tpu.memory_space<vmem>>) semaphore(%arg15 : memref<!tpu.dma_semaphore, #tpu.memory_space<semaphore_mem>>) {add = true}
      %dma_start3A_1791 = arith.constant 61 : i32
      %dma_start3A_1792 = arith.constant 0 : i32
      %dma_start3A_1793 = tpu.memref_slice %arg8[%dma_start3A_1791, %dma_start3A_1792] : memref<64x128xi32, #tpu.memory_space<vmem>> -> memref<1x128xi32, #tpu.memory_space<vmem>>
      %dma_start3A_1794 = tpu.memref_squeeze %dma_start3A_1793 : memref<1x128xi32, #tpu.memory_space<vmem>> -> memref<128xi32, #tpu.memory_space<vmem>>
      %dma_start3A_1795 = arith.constant 0 : i32
      %dma_start3A_1796 = tpu.memref_slice %arg14[%dma_start3A_1795] : memref<1048576xf32, #tpu.memory_space<vmem_shared>> -> memref<1048576xf32, #tpu.memory_space<vmem_shared>>
      tpu.enqueue_indirect_dma source(%arg11 : memref<128xf32, #tpu.memory_space<vmem>>) target(%dma_start3A_1796 : memref<1048576xf32, #tpu.memory_space<vmem_shared>>) offsets(%dma_start3A_1794 : memref<128xi32, #tpu.memory_space<vmem>>) semaphore(%arg15 : memref<!tpu.dma_semaphore, #tpu.memory_space<semaphore_mem>>) {add = true}
      %dma_start3A_1797 = arith.constant 61 : i32
      %dma_start3A_1798 = arith.constant 61 : i32
      %dma_start3A_1799 = arith.constant 0 : i32
      %dma_start3A_1800 = tpu.memref_slice %arg10[%dma_start3A_1797, %dma_start3A_1799] : memref<64x128xf32, #tpu.memory_space<vmem>> -> memref<1x128xf32, #tpu.memory_space<vmem>>
      %dma_start3A_1801 = tpu.memref_squeeze %dma_start3A_1800 : memref<1x128xf32, #tpu.memory_space<vmem>> -> memref<128xf32, #tpu.memory_space<vmem>>
      %dma_start3A_1802 = arith.constant 0 : i32
      %dma_start3A_1803 = tpu.memref_slice %arg9[%dma_start3A_1798, %dma_start3A_1802] : memref<64x128xi32, #tpu.memory_space<vmem>> -> memref<1x128xi32, #tpu.memory_space<vmem>>
      %dma_start3A_1804 = tpu.memref_squeeze %dma_start3A_1803 : memref<1x128xi32, #tpu.memory_space<vmem>> -> memref<128xi32, #tpu.memory_space<vmem>>
      %dma_start3A_1805 = arith.constant 0 : i32
      %dma_start3A_1806 = tpu.memref_slice %arg14[%dma_start3A_1805] : memref<1048576xf32, #tpu.memory_space<vmem_shared>> -> memref<1048576xf32, #tpu.memory_space<vmem_shared>>
      tpu.enqueue_indirect_dma source(%dma_start3A_1801 : memref<128xf32, #tpu.memory_space<vmem>>) target(%dma_start3A_1806 : memref<1048576xf32, #tpu.memory_space<vmem_shared>>) offsets(%dma_start3A_1804 : memref<128xi32, #tpu.memory_space<vmem>>) semaphore(%arg15 : memref<!tpu.dma_semaphore, #tpu.memory_space<semaphore_mem>>) {add = true}
      %dma_start3A_1807 = arith.constant 62 : i32
      %dma_start3A_1808 = arith.constant 0 : i32
      %dma_start3A_1809 = tpu.memref_slice %arg8[%dma_start3A_1807, %dma_start3A_1808] : memref<64x128xi32, #tpu.memory_space<vmem>> -> memref<1x128xi32, #tpu.memory_space<vmem>>
      %dma_start3A_1810 = tpu.memref_squeeze %dma_start3A_1809 : memref<1x128xi32, #tpu.memory_space<vmem>> -> memref<128xi32, #tpu.memory_space<vmem>>
      %dma_start3A_1811 = arith.constant 0 : i32
      %dma_start3A_1812 = tpu.memref_slice %arg14[%dma_start3A_1811] : memref<1048576xf32, #tpu.memory_space<vmem_shared>> -> memref<1048576xf32, #tpu.memory_space<vmem_shared>>
      tpu.enqueue_indirect_dma source(%arg11 : memref<128xf32, #tpu.memory_space<vmem>>) target(%dma_start3A_1812 : memref<1048576xf32, #tpu.memory_space<vmem_shared>>) offsets(%dma_start3A_1810 : memref<128xi32, #tpu.memory_space<vmem>>) semaphore(%arg15 : memref<!tpu.dma_semaphore, #tpu.memory_space<semaphore_mem>>) {add = true}
      %dma_start3A_1813 = arith.constant 62 : i32
      %dma_start3A_1814 = arith.constant 62 : i32
      %dma_start3A_1815 = arith.constant 0 : i32
      %dma_start3A_1816 = tpu.memref_slice %arg10[%dma_start3A_1813, %dma_start3A_1815] : memref<64x128xf32, #tpu.memory_space<vmem>> -> memref<1x128xf32, #tpu.memory_space<vmem>>
      %dma_start3A_1817 = tpu.memref_squeeze %dma_start3A_1816 : memref<1x128xf32, #tpu.memory_space<vmem>> -> memref<128xf32, #tpu.memory_space<vmem>>
      %dma_start3A_1818 = arith.constant 0 : i32
      %dma_start3A_1819 = tpu.memref_slice %arg9[%dma_start3A_1814, %dma_start3A_1818] : memref<64x128xi32, #tpu.memory_space<vmem>> -> memref<1x128xi32, #tpu.memory_space<vmem>>
      %dma_start3A_1820 = tpu.memref_squeeze %dma_start3A_1819 : memref<1x128xi32, #tpu.memory_space<vmem>> -> memref<128xi32, #tpu.memory_space<vmem>>
      %dma_start3A_1821 = arith.constant 0 : i32
      %dma_start3A_1822 = tpu.memref_slice %arg14[%dma_start3A_1821] : memref<1048576xf32, #tpu.memory_space<vmem_shared>> -> memref<1048576xf32, #tpu.memory_space<vmem_shared>>
      tpu.enqueue_indirect_dma source(%dma_start3A_1817 : memref<128xf32, #tpu.memory_space<vmem>>) target(%dma_start3A_1822 : memref<1048576xf32, #tpu.memory_space<vmem_shared>>) offsets(%dma_start3A_1820 : memref<128xi32, #tpu.memory_space<vmem>>) semaphore(%arg15 : memref<!tpu.dma_semaphore, #tpu.memory_space<semaphore_mem>>) {add = true}
      %dma_start3A_1823 = arith.constant 63 : i32
      %dma_start3A_1824 = arith.constant 0 : i32
      %dma_start3A_1825 = tpu.memref_slice %arg8[%dma_start3A_1823, %dma_start3A_1824] : memref<64x128xi32, #tpu.memory_space<vmem>> -> memref<1x128xi32, #tpu.memory_space<vmem>>
      %dma_start3A_1826 = tpu.memref_squeeze %dma_start3A_1825 : memref<1x128xi32, #tpu.memory_space<vmem>> -> memref<128xi32, #tpu.memory_space<vmem>>
      %dma_start3A_1827 = arith.constant 0 : i32
      %dma_start3A_1828 = tpu.memref_slice %arg14[%dma_start3A_1827] : memref<1048576xf32, #tpu.memory_space<vmem_shared>> -> memref<1048576xf32, #tpu.memory_space<vmem_shared>>
      tpu.enqueue_indirect_dma source(%arg11 : memref<128xf32, #tpu.memory_space<vmem>>) target(%dma_start3A_1828 : memref<1048576xf32, #tpu.memory_space<vmem_shared>>) offsets(%dma_start3A_1826 : memref<128xi32, #tpu.memory_space<vmem>>) semaphore(%arg15 : memref<!tpu.dma_semaphore, #tpu.memory_space<semaphore_mem>>) {add = true}
      %dma_start3A_1829 = arith.constant 63 : i32
      %dma_start3A_1830 = arith.constant 63 : i32
      %dma_start3A_1831 = arith.constant 0 : i32
      %dma_start3A_1832 = tpu.memref_slice %arg10[%dma_start3A_1829, %dma_start3A_1831] : memref<64x128xf32, #tpu.memory_space<vmem>> -> memref<1x128xf32, #tpu.memory_space<vmem>>
      %dma_start3A_1833 = tpu.memref_squeeze %dma_start3A_1832 : memref<1x128xf32, #tpu.memory_space<vmem>> -> memref<128xf32, #tpu.memory_space<vmem>>
      %dma_start3A_1834 = arith.constant 0 : i32
      %dma_start3A_1835 = tpu.memref_slice %arg9[%dma_start3A_1830, %dma_start3A_1834] : memref<64x128xi32, #tpu.memory_space<vmem>> -> memref<1x128xi32, #tpu.memory_space<vmem>>
      %dma_start3A_1836 = tpu.memref_squeeze %dma_start3A_1835 : memref<1x128xi32, #tpu.memory_space<vmem>> -> memref<128xi32, #tpu.memory_space<vmem>>
      %dma_start3A_1837 = arith.constant 0 : i32
      %dma_start3A_1838 = tpu.memref_slice %arg14[%dma_start3A_1837] : memref<1048576xf32, #tpu.memory_space<vmem_shared>> -> memref<1048576xf32, #tpu.memory_space<vmem_shared>>
      tpu.enqueue_indirect_dma source(%dma_start3A_1833 : memref<128xf32, #tpu.memory_space<vmem>>) target(%dma_start3A_1838 : memref<1048576xf32, #tpu.memory_space<vmem_shared>>) offsets(%dma_start3A_1836 : memref<128xi32, #tpu.memory_space<vmem>>) semaphore(%arg15 : memref<!tpu.dma_semaphore, #tpu.memory_space<semaphore_mem>>) {add = true}
      %dma_wait3A_1839 = arith.constant 48 : i32
      %dma_wait3A_1840 = arith.constant 0 : i32
      %dma_wait3A_1841 = tpu.memref_slice %arg8[%dma_wait3A_1839, %dma_wait3A_1840] : memref<64x128xi32, #tpu.memory_space<vmem>> -> memref<1x128xi32, #tpu.memory_space<vmem>>
      %dma_wait3A_1842 = tpu.memref_squeeze %dma_wait3A_1841 : memref<1x128xi32, #tpu.memory_space<vmem>> -> memref<128xi32, #tpu.memory_space<vmem>>
      %dma_wait3A_1843 = arith.constant 0 : i32
      %dma_wait3A_1844 = tpu.memref_slice %arg14[%dma_wait3A_1843] : memref<1048576xf32, #tpu.memory_space<vmem_shared>> -> memref<1048576xf32, #tpu.memory_space<vmem_shared>>
      tpu.wait_indirect_dma semaphore(%arg15 : memref<!tpu.dma_semaphore, #tpu.memory_space<semaphore_mem>>) src(%arg11 : memref<128xf32, #tpu.memory_space<vmem>>) dst(%dma_wait3A_1844 : memref<1048576xf32, #tpu.memory_space<vmem_shared>>)
      %dma_wait3A_1845 = arith.constant 48 : i32
      %dma_wait3A_1846 = arith.constant 48 : i32
      %dma_wait3A_1847 = arith.constant 0 : i32
      %dma_wait3A_1848 = tpu.memref_slice %arg10[%dma_wait3A_1845, %dma_wait3A_1847] : memref<64x128xf32, #tpu.memory_space<vmem>> -> memref<1x128xf32, #tpu.memory_space<vmem>>
      %dma_wait3A_1849 = tpu.memref_squeeze %dma_wait3A_1848 : memref<1x128xf32, #tpu.memory_space<vmem>> -> memref<128xf32, #tpu.memory_space<vmem>>
      %dma_wait3A_1850 = arith.constant 0 : i32
      %dma_wait3A_1851 = tpu.memref_slice %arg9[%dma_wait3A_1846, %dma_wait3A_1850] : memref<64x128xi32, #tpu.memory_space<vmem>> -> memref<1x128xi32, #tpu.memory_space<vmem>>
      %dma_wait3A_1852 = tpu.memref_squeeze %dma_wait3A_1851 : memref<1x128xi32, #tpu.memory_space<vmem>> -> memref<128xi32, #tpu.memory_space<vmem>>
      %dma_wait3A_1853 = arith.constant 0 : i32
      %dma_wait3A_1854 = tpu.memref_slice %arg14[%dma_wait3A_1853] : memref<1048576xf32, #tpu.memory_space<vmem_shared>> -> memref<1048576xf32, #tpu.memory_space<vmem_shared>>
      tpu.wait_indirect_dma semaphore(%arg15 : memref<!tpu.dma_semaphore, #tpu.memory_space<semaphore_mem>>) src(%dma_wait3A_1849 : memref<128xf32, #tpu.memory_space<vmem>>) dst(%dma_wait3A_1854 : memref<1048576xf32, #tpu.memory_space<vmem_shared>>)
      %dma_wait3A_1855 = arith.constant 49 : i32
      %dma_wait3A_1856 = arith.constant 0 : i32
      %dma_wait3A_1857 = tpu.memref_slice %arg8[%dma_wait3A_1855, %dma_wait3A_1856] : memref<64x128xi32, #tpu.memory_space<vmem>> -> memref<1x128xi32, #tpu.memory_space<vmem>>
      %dma_wait3A_1858 = tpu.memref_squeeze %dma_wait3A_1857 : memref<1x128xi32, #tpu.memory_space<vmem>> -> memref<128xi32, #tpu.memory_space<vmem>>
      %dma_wait3A_1859 = arith.constant 0 : i32
      %dma_wait3A_1860 = tpu.memref_slice %arg14[%dma_wait3A_1859] : memref<1048576xf32, #tpu.memory_space<vmem_shared>> -> memref<1048576xf32, #tpu.memory_space<vmem_shared>>
      tpu.wait_indirect_dma semaphore(%arg15 : memref<!tpu.dma_semaphore, #tpu.memory_space<semaphore_mem>>) src(%arg11 : memref<128xf32, #tpu.memory_space<vmem>>) dst(%dma_wait3A_1860 : memref<1048576xf32, #tpu.memory_space<vmem_shared>>)
      %dma_wait3A_1861 = arith.constant 49 : i32
      %dma_wait3A_1862 = arith.constant 49 : i32
      %dma_wait3A_1863 = arith.constant 0 : i32
      %dma_wait3A_1864 = tpu.memref_slice %arg10[%dma_wait3A_1861, %dma_wait3A_1863] : memref<64x128xf32, #tpu.memory_space<vmem>> -> memref<1x128xf32, #tpu.memory_space<vmem>>
      %dma_wait3A_1865 = tpu.memref_squeeze %dma_wait3A_1864 : memref<1x128xf32, #tpu.memory_space<vmem>> -> memref<128xf32, #tpu.memory_space<vmem>>
      %dma_wait3A_1866 = arith.constant 0 : i32
      %dma_wait3A_1867 = tpu.memref_slice %arg9[%dma_wait3A_1862, %dma_wait3A_1866] : memref<64x128xi32, #tpu.memory_space<vmem>> -> memref<1x128xi32, #tpu.memory_space<vmem>>
      %dma_wait3A_1868 = tpu.memref_squeeze %dma_wait3A_1867 : memref<1x128xi32, #tpu.memory_space<vmem>> -> memref<128xi32, #tpu.memory_space<vmem>>
      %dma_wait3A_1869 = arith.constant 0 : i32
      %dma_wait3A_1870 = tpu.memref_slice %arg14[%dma_wait3A_1869] : memref<1048576xf32, #tpu.memory_space<vmem_shared>> -> memref<1048576xf32, #tpu.memory_space<vmem_shared>>
      tpu.wait_indirect_dma semaphore(%arg15 : memref<!tpu.dma_semaphore, #tpu.memory_space<semaphore_mem>>) src(%dma_wait3A_1865 : memref<128xf32, #tpu.memory_space<vmem>>) dst(%dma_wait3A_1870 : memref<1048576xf32, #tpu.memory_space<vmem_shared>>)
      %dma_wait3A_1871 = arith.constant 50 : i32
      %dma_wait3A_1872 = arith.constant 0 : i32
      %dma_wait3A_1873 = tpu.memref_slice %arg8[%dma_wait3A_1871, %dma_wait3A_1872] : memref<64x128xi32, #tpu.memory_space<vmem>> -> memref<1x128xi32, #tpu.memory_space<vmem>>
      %dma_wait3A_1874 = tpu.memref_squeeze %dma_wait3A_1873 : memref<1x128xi32, #tpu.memory_space<vmem>> -> memref<128xi32, #tpu.memory_space<vmem>>
      %dma_wait3A_1875 = arith.constant 0 : i32
      %dma_wait3A_1876 = tpu.memref_slice %arg14[%dma_wait3A_1875] : memref<1048576xf32, #tpu.memory_space<vmem_shared>> -> memref<1048576xf32, #tpu.memory_space<vmem_shared>>
      tpu.wait_indirect_dma semaphore(%arg15 : memref<!tpu.dma_semaphore, #tpu.memory_space<semaphore_mem>>) src(%arg11 : memref<128xf32, #tpu.memory_space<vmem>>) dst(%dma_wait3A_1876 : memref<1048576xf32, #tpu.memory_space<vmem_shared>>)
      %dma_wait3A_1877 = arith.constant 50 : i32
      %dma_wait3A_1878 = arith.constant 50 : i32
      %dma_wait3A_1879 = arith.constant 0 : i32
      %dma_wait3A_1880 = tpu.memref_slice %arg10[%dma_wait3A_1877, %dma_wait3A_1879] : memref<64x128xf32, #tpu.memory_space<vmem>> -> memref<1x128xf32, #tpu.memory_space<vmem>>
      %dma_wait3A_1881 = tpu.memref_squeeze %dma_wait3A_1880 : memref<1x128xf32, #tpu.memory_space<vmem>> -> memref<128xf32, #tpu.memory_space<vmem>>
      %dma_wait3A_1882 = arith.constant 0 : i32
      %dma_wait3A_1883 = tpu.memref_slice %arg9[%dma_wait3A_1878, %dma_wait3A_1882] : memref<64x128xi32, #tpu.memory_space<vmem>> -> memref<1x128xi32, #tpu.memory_space<vmem>>
      %dma_wait3A_1884 = tpu.memref_squeeze %dma_wait3A_1883 : memref<1x128xi32, #tpu.memory_space<vmem>> -> memref<128xi32, #tpu.memory_space<vmem>>
      %dma_wait3A_1885 = arith.constant 0 : i32
      %dma_wait3A_1886 = tpu.memref_slice %arg14[%dma_wait3A_1885] : memref<1048576xf32, #tpu.memory_space<vmem_shared>> -> memref<1048576xf32, #tpu.memory_space<vmem_shared>>
      tpu.wait_indirect_dma semaphore(%arg15 : memref<!tpu.dma_semaphore, #tpu.memory_space<semaphore_mem>>) src(%dma_wait3A_1881 : memref<128xf32, #tpu.memory_space<vmem>>) dst(%dma_wait3A_1886 : memref<1048576xf32, #tpu.memory_space<vmem_shared>>)
      %dma_wait3A_1887 = arith.constant 51 : i32
      %dma_wait3A_1888 = arith.constant 0 : i32
      %dma_wait3A_1889 = tpu.memref_slice %arg8[%dma_wait3A_1887, %dma_wait3A_1888] : memref<64x128xi32, #tpu.memory_space<vmem>> -> memref<1x128xi32, #tpu.memory_space<vmem>>
      %dma_wait3A_1890 = tpu.memref_squeeze %dma_wait3A_1889 : memref<1x128xi32, #tpu.memory_space<vmem>> -> memref<128xi32, #tpu.memory_space<vmem>>
      %dma_wait3A_1891 = arith.constant 0 : i32
      %dma_wait3A_1892 = tpu.memref_slice %arg14[%dma_wait3A_1891] : memref<1048576xf32, #tpu.memory_space<vmem_shared>> -> memref<1048576xf32, #tpu.memory_space<vmem_shared>>
      tpu.wait_indirect_dma semaphore(%arg15 : memref<!tpu.dma_semaphore, #tpu.memory_space<semaphore_mem>>) src(%arg11 : memref<128xf32, #tpu.memory_space<vmem>>) dst(%dma_wait3A_1892 : memref<1048576xf32, #tpu.memory_space<vmem_shared>>)
      %dma_wait3A_1893 = arith.constant 51 : i32
      %dma_wait3A_1894 = arith.constant 51 : i32
      %dma_wait3A_1895 = arith.constant 0 : i32
      %dma_wait3A_1896 = tpu.memref_slice %arg10[%dma_wait3A_1893, %dma_wait3A_1895] : memref<64x128xf32, #tpu.memory_space<vmem>> -> memref<1x128xf32, #tpu.memory_space<vmem>>
      %dma_wait3A_1897 = tpu.memref_squeeze %dma_wait3A_1896 : memref<1x128xf32, #tpu.memory_space<vmem>> -> memref<128xf32, #tpu.memory_space<vmem>>
      %dma_wait3A_1898 = arith.constant 0 : i32
      %dma_wait3A_1899 = tpu.memref_slice %arg9[%dma_wait3A_1894, %dma_wait3A_1898] : memref<64x128xi32, #tpu.memory_space<vmem>> -> memref<1x128xi32, #tpu.memory_space<vmem>>
      %dma_wait3A_1900 = tpu.memref_squeeze %dma_wait3A_1899 : memref<1x128xi32, #tpu.memory_space<vmem>> -> memref<128xi32, #tpu.memory_space<vmem>>
      %dma_wait3A_1901 = arith.constant 0 : i32
      %dma_wait3A_1902 = tpu.memref_slice %arg14[%dma_wait3A_1901] : memref<1048576xf32, #tpu.memory_space<vmem_shared>> -> memref<1048576xf32, #tpu.memory_space<vmem_shared>>
      tpu.wait_indirect_dma semaphore(%arg15 : memref<!tpu.dma_semaphore, #tpu.memory_space<semaphore_mem>>) src(%dma_wait3A_1897 : memref<128xf32, #tpu.memory_space<vmem>>) dst(%dma_wait3A_1902 : memref<1048576xf32, #tpu.memory_space<vmem_shared>>)
      %dma_wait3A_1903 = arith.constant 52 : i32
      %dma_wait3A_1904 = arith.constant 0 : i32
      %dma_wait3A_1905 = tpu.memref_slice %arg8[%dma_wait3A_1903, %dma_wait3A_1904] : memref<64x128xi32, #tpu.memory_space<vmem>> -> memref<1x128xi32, #tpu.memory_space<vmem>>
      %dma_wait3A_1906 = tpu.memref_squeeze %dma_wait3A_1905 : memref<1x128xi32, #tpu.memory_space<vmem>> -> memref<128xi32, #tpu.memory_space<vmem>>
      %dma_wait3A_1907 = arith.constant 0 : i32
      %dma_wait3A_1908 = tpu.memref_slice %arg14[%dma_wait3A_1907] : memref<1048576xf32, #tpu.memory_space<vmem_shared>> -> memref<1048576xf32, #tpu.memory_space<vmem_shared>>
      tpu.wait_indirect_dma semaphore(%arg15 : memref<!tpu.dma_semaphore, #tpu.memory_space<semaphore_mem>>) src(%arg11 : memref<128xf32, #tpu.memory_space<vmem>>) dst(%dma_wait3A_1908 : memref<1048576xf32, #tpu.memory_space<vmem_shared>>)
      %dma_wait3A_1909 = arith.constant 52 : i32
      %dma_wait3A_1910 = arith.constant 52 : i32
      %dma_wait3A_1911 = arith.constant 0 : i32
      %dma_wait3A_1912 = tpu.memref_slice %arg10[%dma_wait3A_1909, %dma_wait3A_1911] : memref<64x128xf32, #tpu.memory_space<vmem>> -> memref<1x128xf32, #tpu.memory_space<vmem>>
      %dma_wait3A_1913 = tpu.memref_squeeze %dma_wait3A_1912 : memref<1x128xf32, #tpu.memory_space<vmem>> -> memref<128xf32, #tpu.memory_space<vmem>>
      %dma_wait3A_1914 = arith.constant 0 : i32
      %dma_wait3A_1915 = tpu.memref_slice %arg9[%dma_wait3A_1910, %dma_wait3A_1914] : memref<64x128xi32, #tpu.memory_space<vmem>> -> memref<1x128xi32, #tpu.memory_space<vmem>>
      %dma_wait3A_1916 = tpu.memref_squeeze %dma_wait3A_1915 : memref<1x128xi32, #tpu.memory_space<vmem>> -> memref<128xi32, #tpu.memory_space<vmem>>
      %dma_wait3A_1917 = arith.constant 0 : i32
      %dma_wait3A_1918 = tpu.memref_slice %arg14[%dma_wait3A_1917] : memref<1048576xf32, #tpu.memory_space<vmem_shared>> -> memref<1048576xf32, #tpu.memory_space<vmem_shared>>
      tpu.wait_indirect_dma semaphore(%arg15 : memref<!tpu.dma_semaphore, #tpu.memory_space<semaphore_mem>>) src(%dma_wait3A_1913 : memref<128xf32, #tpu.memory_space<vmem>>) dst(%dma_wait3A_1918 : memref<1048576xf32, #tpu.memory_space<vmem_shared>>)
      %dma_wait3A_1919 = arith.constant 53 : i32
      %dma_wait3A_1920 = arith.constant 0 : i32
      %dma_wait3A_1921 = tpu.memref_slice %arg8[%dma_wait3A_1919, %dma_wait3A_1920] : memref<64x128xi32, #tpu.memory_space<vmem>> -> memref<1x128xi32, #tpu.memory_space<vmem>>
      %dma_wait3A_1922 = tpu.memref_squeeze %dma_wait3A_1921 : memref<1x128xi32, #tpu.memory_space<vmem>> -> memref<128xi32, #tpu.memory_space<vmem>>
      %dma_wait3A_1923 = arith.constant 0 : i32
      %dma_wait3A_1924 = tpu.memref_slice %arg14[%dma_wait3A_1923] : memref<1048576xf32, #tpu.memory_space<vmem_shared>> -> memref<1048576xf32, #tpu.memory_space<vmem_shared>>
      tpu.wait_indirect_dma semaphore(%arg15 : memref<!tpu.dma_semaphore, #tpu.memory_space<semaphore_mem>>) src(%arg11 : memref<128xf32, #tpu.memory_space<vmem>>) dst(%dma_wait3A_1924 : memref<1048576xf32, #tpu.memory_space<vmem_shared>>)
      %dma_wait3A_1925 = arith.constant 53 : i32
      %dma_wait3A_1926 = arith.constant 53 : i32
      %dma_wait3A_1927 = arith.constant 0 : i32
      %dma_wait3A_1928 = tpu.memref_slice %arg10[%dma_wait3A_1925, %dma_wait3A_1927] : memref<64x128xf32, #tpu.memory_space<vmem>> -> memref<1x128xf32, #tpu.memory_space<vmem>>
      %dma_wait3A_1929 = tpu.memref_squeeze %dma_wait3A_1928 : memref<1x128xf32, #tpu.memory_space<vmem>> -> memref<128xf32, #tpu.memory_space<vmem>>
      %dma_wait3A_1930 = arith.constant 0 : i32
      %dma_wait3A_1931 = tpu.memref_slice %arg9[%dma_wait3A_1926, %dma_wait3A_1930] : memref<64x128xi32, #tpu.memory_space<vmem>> -> memref<1x128xi32, #tpu.memory_space<vmem>>
      %dma_wait3A_1932 = tpu.memref_squeeze %dma_wait3A_1931 : memref<1x128xi32, #tpu.memory_space<vmem>> -> memref<128xi32, #tpu.memory_space<vmem>>
      %dma_wait3A_1933 = arith.constant 0 : i32
      %dma_wait3A_1934 = tpu.memref_slice %arg14[%dma_wait3A_1933] : memref<1048576xf32, #tpu.memory_space<vmem_shared>> -> memref<1048576xf32, #tpu.memory_space<vmem_shared>>
      tpu.wait_indirect_dma semaphore(%arg15 : memref<!tpu.dma_semaphore, #tpu.memory_space<semaphore_mem>>) src(%dma_wait3A_1929 : memref<128xf32, #tpu.memory_space<vmem>>) dst(%dma_wait3A_1934 : memref<1048576xf32, #tpu.memory_space<vmem_shared>>)
      %dma_wait3A_1935 = arith.constant 54 : i32
      %dma_wait3A_1936 = arith.constant 0 : i32
      %dma_wait3A_1937 = tpu.memref_slice %arg8[%dma_wait3A_1935, %dma_wait3A_1936] : memref<64x128xi32, #tpu.memory_space<vmem>> -> memref<1x128xi32, #tpu.memory_space<vmem>>
      %dma_wait3A_1938 = tpu.memref_squeeze %dma_wait3A_1937 : memref<1x128xi32, #tpu.memory_space<vmem>> -> memref<128xi32, #tpu.memory_space<vmem>>
      %dma_wait3A_1939 = arith.constant 0 : i32
      %dma_wait3A_1940 = tpu.memref_slice %arg14[%dma_wait3A_1939] : memref<1048576xf32, #tpu.memory_space<vmem_shared>> -> memref<1048576xf32, #tpu.memory_space<vmem_shared>>
      tpu.wait_indirect_dma semaphore(%arg15 : memref<!tpu.dma_semaphore, #tpu.memory_space<semaphore_mem>>) src(%arg11 : memref<128xf32, #tpu.memory_space<vmem>>) dst(%dma_wait3A_1940 : memref<1048576xf32, #tpu.memory_space<vmem_shared>>)
      %dma_wait3A_1941 = arith.constant 54 : i32
      %dma_wait3A_1942 = arith.constant 54 : i32
      %dma_wait3A_1943 = arith.constant 0 : i32
      %dma_wait3A_1944 = tpu.memref_slice %arg10[%dma_wait3A_1941, %dma_wait3A_1943] : memref<64x128xf32, #tpu.memory_space<vmem>> -> memref<1x128xf32, #tpu.memory_space<vmem>>
      %dma_wait3A_1945 = tpu.memref_squeeze %dma_wait3A_1944 : memref<1x128xf32, #tpu.memory_space<vmem>> -> memref<128xf32, #tpu.memory_space<vmem>>
      %dma_wait3A_1946 = arith.constant 0 : i32
      %dma_wait3A_1947 = tpu.memref_slice %arg9[%dma_wait3A_1942, %dma_wait3A_1946] : memref<64x128xi32, #tpu.memory_space<vmem>> -> memref<1x128xi32, #tpu.memory_space<vmem>>
      %dma_wait3A_1948 = tpu.memref_squeeze %dma_wait3A_1947 : memref<1x128xi32, #tpu.memory_space<vmem>> -> memref<128xi32, #tpu.memory_space<vmem>>
      %dma_wait3A_1949 = arith.constant 0 : i32
      %dma_wait3A_1950 = tpu.memref_slice %arg14[%dma_wait3A_1949] : memref<1048576xf32, #tpu.memory_space<vmem_shared>> -> memref<1048576xf32, #tpu.memory_space<vmem_shared>>
      tpu.wait_indirect_dma semaphore(%arg15 : memref<!tpu.dma_semaphore, #tpu.memory_space<semaphore_mem>>) src(%dma_wait3A_1945 : memref<128xf32, #tpu.memory_space<vmem>>) dst(%dma_wait3A_1950 : memref<1048576xf32, #tpu.memory_space<vmem_shared>>)
      %dma_wait3A_1951 = arith.constant 55 : i32
      %dma_wait3A_1952 = arith.constant 0 : i32
      %dma_wait3A_1953 = tpu.memref_slice %arg8[%dma_wait3A_1951, %dma_wait3A_1952] : memref<64x128xi32, #tpu.memory_space<vmem>> -> memref<1x128xi32, #tpu.memory_space<vmem>>
      %dma_wait3A_1954 = tpu.memref_squeeze %dma_wait3A_1953 : memref<1x128xi32, #tpu.memory_space<vmem>> -> memref<128xi32, #tpu.memory_space<vmem>>
      %dma_wait3A_1955 = arith.constant 0 : i32
      %dma_wait3A_1956 = tpu.memref_slice %arg14[%dma_wait3A_1955] : memref<1048576xf32, #tpu.memory_space<vmem_shared>> -> memref<1048576xf32, #tpu.memory_space<vmem_shared>>
      tpu.wait_indirect_dma semaphore(%arg15 : memref<!tpu.dma_semaphore, #tpu.memory_space<semaphore_mem>>) src(%arg11 : memref<128xf32, #tpu.memory_space<vmem>>) dst(%dma_wait3A_1956 : memref<1048576xf32, #tpu.memory_space<vmem_shared>>)
      %dma_wait3A_1957 = arith.constant 55 : i32
      %dma_wait3A_1958 = arith.constant 55 : i32
      %dma_wait3A_1959 = arith.constant 0 : i32
      %dma_wait3A_1960 = tpu.memref_slice %arg10[%dma_wait3A_1957, %dma_wait3A_1959] : memref<64x128xf32, #tpu.memory_space<vmem>> -> memref<1x128xf32, #tpu.memory_space<vmem>>
      %dma_wait3A_1961 = tpu.memref_squeeze %dma_wait3A_1960 : memref<1x128xf32, #tpu.memory_space<vmem>> -> memref<128xf32, #tpu.memory_space<vmem>>
      %dma_wait3A_1962 = arith.constant 0 : i32
      %dma_wait3A_1963 = tpu.memref_slice %arg9[%dma_wait3A_1958, %dma_wait3A_1962] : memref<64x128xi32, #tpu.memory_space<vmem>> -> memref<1x128xi32, #tpu.memory_space<vmem>>
      %dma_wait3A_1964 = tpu.memref_squeeze %dma_wait3A_1963 : memref<1x128xi32, #tpu.memory_space<vmem>> -> memref<128xi32, #tpu.memory_space<vmem>>
      %dma_wait3A_1965 = arith.constant 0 : i32
      %dma_wait3A_1966 = tpu.memref_slice %arg14[%dma_wait3A_1965] : memref<1048576xf32, #tpu.memory_space<vmem_shared>> -> memref<1048576xf32, #tpu.memory_space<vmem_shared>>
      tpu.wait_indirect_dma semaphore(%arg15 : memref<!tpu.dma_semaphore, #tpu.memory_space<semaphore_mem>>) src(%dma_wait3A_1961 : memref<128xf32, #tpu.memory_space<vmem>>) dst(%dma_wait3A_1966 : memref<1048576xf32, #tpu.memory_space<vmem_shared>>)
      %dma_wait3A_1967 = arith.constant 56 : i32
      %dma_wait3A_1968 = arith.constant 0 : i32
      %dma_wait3A_1969 = tpu.memref_slice %arg8[%dma_wait3A_1967, %dma_wait3A_1968] : memref<64x128xi32, #tpu.memory_space<vmem>> -> memref<1x128xi32, #tpu.memory_space<vmem>>
      %dma_wait3A_1970 = tpu.memref_squeeze %dma_wait3A_1969 : memref<1x128xi32, #tpu.memory_space<vmem>> -> memref<128xi32, #tpu.memory_space<vmem>>
      %dma_wait3A_1971 = arith.constant 0 : i32
      %dma_wait3A_1972 = tpu.memref_slice %arg14[%dma_wait3A_1971] : memref<1048576xf32, #tpu.memory_space<vmem_shared>> -> memref<1048576xf32, #tpu.memory_space<vmem_shared>>
      tpu.wait_indirect_dma semaphore(%arg15 : memref<!tpu.dma_semaphore, #tpu.memory_space<semaphore_mem>>) src(%arg11 : memref<128xf32, #tpu.memory_space<vmem>>) dst(%dma_wait3A_1972 : memref<1048576xf32, #tpu.memory_space<vmem_shared>>)
      %dma_wait3A_1973 = arith.constant 56 : i32
      %dma_wait3A_1974 = arith.constant 56 : i32
      %dma_wait3A_1975 = arith.constant 0 : i32
      %dma_wait3A_1976 = tpu.memref_slice %arg10[%dma_wait3A_1973, %dma_wait3A_1975] : memref<64x128xf32, #tpu.memory_space<vmem>> -> memref<1x128xf32, #tpu.memory_space<vmem>>
      %dma_wait3A_1977 = tpu.memref_squeeze %dma_wait3A_1976 : memref<1x128xf32, #tpu.memory_space<vmem>> -> memref<128xf32, #tpu.memory_space<vmem>>
      %dma_wait3A_1978 = arith.constant 0 : i32
      %dma_wait3A_1979 = tpu.memref_slice %arg9[%dma_wait3A_1974, %dma_wait3A_1978] : memref<64x128xi32, #tpu.memory_space<vmem>> -> memref<1x128xi32, #tpu.memory_space<vmem>>
      %dma_wait3A_1980 = tpu.memref_squeeze %dma_wait3A_1979 : memref<1x128xi32, #tpu.memory_space<vmem>> -> memref<128xi32, #tpu.memory_space<vmem>>
      %dma_wait3A_1981 = arith.constant 0 : i32
      %dma_wait3A_1982 = tpu.memref_slice %arg14[%dma_wait3A_1981] : memref<1048576xf32, #tpu.memory_space<vmem_shared>> -> memref<1048576xf32, #tpu.memory_space<vmem_shared>>
      tpu.wait_indirect_dma semaphore(%arg15 : memref<!tpu.dma_semaphore, #tpu.memory_space<semaphore_mem>>) src(%dma_wait3A_1977 : memref<128xf32, #tpu.memory_space<vmem>>) dst(%dma_wait3A_1982 : memref<1048576xf32, #tpu.memory_space<vmem_shared>>)
      %dma_wait3A_1983 = arith.constant 57 : i32
      %dma_wait3A_1984 = arith.constant 0 : i32
      %dma_wait3A_1985 = tpu.memref_slice %arg8[%dma_wait3A_1983, %dma_wait3A_1984] : memref<64x128xi32, #tpu.memory_space<vmem>> -> memref<1x128xi32, #tpu.memory_space<vmem>>
      %dma_wait3A_1986 = tpu.memref_squeeze %dma_wait3A_1985 : memref<1x128xi32, #tpu.memory_space<vmem>> -> memref<128xi32, #tpu.memory_space<vmem>>
      %dma_wait3A_1987 = arith.constant 0 : i32
      %dma_wait3A_1988 = tpu.memref_slice %arg14[%dma_wait3A_1987] : memref<1048576xf32, #tpu.memory_space<vmem_shared>> -> memref<1048576xf32, #tpu.memory_space<vmem_shared>>
      tpu.wait_indirect_dma semaphore(%arg15 : memref<!tpu.dma_semaphore, #tpu.memory_space<semaphore_mem>>) src(%arg11 : memref<128xf32, #tpu.memory_space<vmem>>) dst(%dma_wait3A_1988 : memref<1048576xf32, #tpu.memory_space<vmem_shared>>)
      %dma_wait3A_1989 = arith.constant 57 : i32
      %dma_wait3A_1990 = arith.constant 57 : i32
      %dma_wait3A_1991 = arith.constant 0 : i32
      %dma_wait3A_1992 = tpu.memref_slice %arg10[%dma_wait3A_1989, %dma_wait3A_1991] : memref<64x128xf32, #tpu.memory_space<vmem>> -> memref<1x128xf32, #tpu.memory_space<vmem>>
      %dma_wait3A_1993 = tpu.memref_squeeze %dma_wait3A_1992 : memref<1x128xf32, #tpu.memory_space<vmem>> -> memref<128xf32, #tpu.memory_space<vmem>>
      %dma_wait3A_1994 = arith.constant 0 : i32
      %dma_wait3A_1995 = tpu.memref_slice %arg9[%dma_wait3A_1990, %dma_wait3A_1994] : memref<64x128xi32, #tpu.memory_space<vmem>> -> memref<1x128xi32, #tpu.memory_space<vmem>>
      %dma_wait3A_1996 = tpu.memref_squeeze %dma_wait3A_1995 : memref<1x128xi32, #tpu.memory_space<vmem>> -> memref<128xi32, #tpu.memory_space<vmem>>
      %dma_wait3A_1997 = arith.constant 0 : i32
      %dma_wait3A_1998 = tpu.memref_slice %arg14[%dma_wait3A_1997] : memref<1048576xf32, #tpu.memory_space<vmem_shared>> -> memref<1048576xf32, #tpu.memory_space<vmem_shared>>
      tpu.wait_indirect_dma semaphore(%arg15 : memref<!tpu.dma_semaphore, #tpu.memory_space<semaphore_mem>>) src(%dma_wait3A_1993 : memref<128xf32, #tpu.memory_space<vmem>>) dst(%dma_wait3A_1998 : memref<1048576xf32, #tpu.memory_space<vmem_shared>>)
      %dma_wait3A_1999 = arith.constant 58 : i32
      %dma_wait3A_2000 = arith.constant 0 : i32
      %dma_wait3A_2001 = tpu.memref_slice %arg8[%dma_wait3A_1999, %dma_wait3A_2000] : memref<64x128xi32, #tpu.memory_space<vmem>> -> memref<1x128xi32, #tpu.memory_space<vmem>>
      %dma_wait3A_2002 = tpu.memref_squeeze %dma_wait3A_2001 : memref<1x128xi32, #tpu.memory_space<vmem>> -> memref<128xi32, #tpu.memory_space<vmem>>
      %dma_wait3A_2003 = arith.constant 0 : i32
      %dma_wait3A_2004 = tpu.memref_slice %arg14[%dma_wait3A_2003] : memref<1048576xf32, #tpu.memory_space<vmem_shared>> -> memref<1048576xf32, #tpu.memory_space<vmem_shared>>
      tpu.wait_indirect_dma semaphore(%arg15 : memref<!tpu.dma_semaphore, #tpu.memory_space<semaphore_mem>>) src(%arg11 : memref<128xf32, #tpu.memory_space<vmem>>) dst(%dma_wait3A_2004 : memref<1048576xf32, #tpu.memory_space<vmem_shared>>)
      %dma_wait3A_2005 = arith.constant 58 : i32
      %dma_wait3A_2006 = arith.constant 58 : i32
      %dma_wait3A_2007 = arith.constant 0 : i32
      %dma_wait3A_2008 = tpu.memref_slice %arg10[%dma_wait3A_2005, %dma_wait3A_2007] : memref<64x128xf32, #tpu.memory_space<vmem>> -> memref<1x128xf32, #tpu.memory_space<vmem>>
      %dma_wait3A_2009 = tpu.memref_squeeze %dma_wait3A_2008 : memref<1x128xf32, #tpu.memory_space<vmem>> -> memref<128xf32, #tpu.memory_space<vmem>>
      %dma_wait3A_2010 = arith.constant 0 : i32
      %dma_wait3A_2011 = tpu.memref_slice %arg9[%dma_wait3A_2006, %dma_wait3A_2010] : memref<64x128xi32, #tpu.memory_space<vmem>> -> memref<1x128xi32, #tpu.memory_space<vmem>>
      %dma_wait3A_2012 = tpu.memref_squeeze %dma_wait3A_2011 : memref<1x128xi32, #tpu.memory_space<vmem>> -> memref<128xi32, #tpu.memory_space<vmem>>
      %dma_wait3A_2013 = arith.constant 0 : i32
      %dma_wait3A_2014 = tpu.memref_slice %arg14[%dma_wait3A_2013] : memref<1048576xf32, #tpu.memory_space<vmem_shared>> -> memref<1048576xf32, #tpu.memory_space<vmem_shared>>
      tpu.wait_indirect_dma semaphore(%arg15 : memref<!tpu.dma_semaphore, #tpu.memory_space<semaphore_mem>>) src(%dma_wait3A_2009 : memref<128xf32, #tpu.memory_space<vmem>>) dst(%dma_wait3A_2014 : memref<1048576xf32, #tpu.memory_space<vmem_shared>>)
      %dma_wait3A_2015 = arith.constant 59 : i32
      %dma_wait3A_2016 = arith.constant 0 : i32
      %dma_wait3A_2017 = tpu.memref_slice %arg8[%dma_wait3A_2015, %dma_wait3A_2016] : memref<64x128xi32, #tpu.memory_space<vmem>> -> memref<1x128xi32, #tpu.memory_space<vmem>>
      %dma_wait3A_2018 = tpu.memref_squeeze %dma_wait3A_2017 : memref<1x128xi32, #tpu.memory_space<vmem>> -> memref<128xi32, #tpu.memory_space<vmem>>
      %dma_wait3A_2019 = arith.constant 0 : i32
      %dma_wait3A_2020 = tpu.memref_slice %arg14[%dma_wait3A_2019] : memref<1048576xf32, #tpu.memory_space<vmem_shared>> -> memref<1048576xf32, #tpu.memory_space<vmem_shared>>
      tpu.wait_indirect_dma semaphore(%arg15 : memref<!tpu.dma_semaphore, #tpu.memory_space<semaphore_mem>>) src(%arg11 : memref<128xf32, #tpu.memory_space<vmem>>) dst(%dma_wait3A_2020 : memref<1048576xf32, #tpu.memory_space<vmem_shared>>)
      %dma_wait3A_2021 = arith.constant 59 : i32
      %dma_wait3A_2022 = arith.constant 59 : i32
      %dma_wait3A_2023 = arith.constant 0 : i32
      %dma_wait3A_2024 = tpu.memref_slice %arg10[%dma_wait3A_2021, %dma_wait3A_2023] : memref<64x128xf32, #tpu.memory_space<vmem>> -> memref<1x128xf32, #tpu.memory_space<vmem>>
      %dma_wait3A_2025 = tpu.memref_squeeze %dma_wait3A_2024 : memref<1x128xf32, #tpu.memory_space<vmem>> -> memref<128xf32, #tpu.memory_space<vmem>>
      %dma_wait3A_2026 = arith.constant 0 : i32
      %dma_wait3A_2027 = tpu.memref_slice %arg9[%dma_wait3A_2022, %dma_wait3A_2026] : memref<64x128xi32, #tpu.memory_space<vmem>> -> memref<1x128xi32, #tpu.memory_space<vmem>>
      %dma_wait3A_2028 = tpu.memref_squeeze %dma_wait3A_2027 : memref<1x128xi32, #tpu.memory_space<vmem>> -> memref<128xi32, #tpu.memory_space<vmem>>
      %dma_wait3A_2029 = arith.constant 0 : i32
      %dma_wait3A_2030 = tpu.memref_slice %arg14[%dma_wait3A_2029] : memref<1048576xf32, #tpu.memory_space<vmem_shared>> -> memref<1048576xf32, #tpu.memory_space<vmem_shared>>
      tpu.wait_indirect_dma semaphore(%arg15 : memref<!tpu.dma_semaphore, #tpu.memory_space<semaphore_mem>>) src(%dma_wait3A_2025 : memref<128xf32, #tpu.memory_space<vmem>>) dst(%dma_wait3A_2030 : memref<1048576xf32, #tpu.memory_space<vmem_shared>>)
      %dma_wait3A_2031 = arith.constant 60 : i32
      %dma_wait3A_2032 = arith.constant 0 : i32
      %dma_wait3A_2033 = tpu.memref_slice %arg8[%dma_wait3A_2031, %dma_wait3A_2032] : memref<64x128xi32, #tpu.memory_space<vmem>> -> memref<1x128xi32, #tpu.memory_space<vmem>>
      %dma_wait3A_2034 = tpu.memref_squeeze %dma_wait3A_2033 : memref<1x128xi32, #tpu.memory_space<vmem>> -> memref<128xi32, #tpu.memory_space<vmem>>
      %dma_wait3A_2035 = arith.constant 0 : i32
      %dma_wait3A_2036 = tpu.memref_slice %arg14[%dma_wait3A_2035] : memref<1048576xf32, #tpu.memory_space<vmem_shared>> -> memref<1048576xf32, #tpu.memory_space<vmem_shared>>
      tpu.wait_indirect_dma semaphore(%arg15 : memref<!tpu.dma_semaphore, #tpu.memory_space<semaphore_mem>>) src(%arg11 : memref<128xf32, #tpu.memory_space<vmem>>) dst(%dma_wait3A_2036 : memref<1048576xf32, #tpu.memory_space<vmem_shared>>)
      %dma_wait3A_2037 = arith.constant 60 : i32
      %dma_wait3A_2038 = arith.constant 60 : i32
      %dma_wait3A_2039 = arith.constant 0 : i32
      %dma_wait3A_2040 = tpu.memref_slice %arg10[%dma_wait3A_2037, %dma_wait3A_2039] : memref<64x128xf32, #tpu.memory_space<vmem>> -> memref<1x128xf32, #tpu.memory_space<vmem>>
      %dma_wait3A_2041 = tpu.memref_squeeze %dma_wait3A_2040 : memref<1x128xf32, #tpu.memory_space<vmem>> -> memref<128xf32, #tpu.memory_space<vmem>>
      %dma_wait3A_2042 = arith.constant 0 : i32
      %dma_wait3A_2043 = tpu.memref_slice %arg9[%dma_wait3A_2038, %dma_wait3A_2042] : memref<64x128xi32, #tpu.memory_space<vmem>> -> memref<1x128xi32, #tpu.memory_space<vmem>>
      %dma_wait3A_2044 = tpu.memref_squeeze %dma_wait3A_2043 : memref<1x128xi32, #tpu.memory_space<vmem>> -> memref<128xi32, #tpu.memory_space<vmem>>
      %dma_wait3A_2045 = arith.constant 0 : i32
      %dma_wait3A_2046 = tpu.memref_slice %arg14[%dma_wait3A_2045] : memref<1048576xf32, #tpu.memory_space<vmem_shared>> -> memref<1048576xf32, #tpu.memory_space<vmem_shared>>
      tpu.wait_indirect_dma semaphore(%arg15 : memref<!tpu.dma_semaphore, #tpu.memory_space<semaphore_mem>>) src(%dma_wait3A_2041 : memref<128xf32, #tpu.memory_space<vmem>>) dst(%dma_wait3A_2046 : memref<1048576xf32, #tpu.memory_space<vmem_shared>>)
      %dma_wait3A_2047 = arith.constant 61 : i32
      %dma_wait3A_2048 = arith.constant 0 : i32
      %dma_wait3A_2049 = tpu.memref_slice %arg8[%dma_wait3A_2047, %dma_wait3A_2048] : memref<64x128xi32, #tpu.memory_space<vmem>> -> memref<1x128xi32, #tpu.memory_space<vmem>>
      %dma_wait3A_2050 = tpu.memref_squeeze %dma_wait3A_2049 : memref<1x128xi32, #tpu.memory_space<vmem>> -> memref<128xi32, #tpu.memory_space<vmem>>
      %dma_wait3A_2051 = arith.constant 0 : i32
      %dma_wait3A_2052 = tpu.memref_slice %arg14[%dma_wait3A_2051] : memref<1048576xf32, #tpu.memory_space<vmem_shared>> -> memref<1048576xf32, #tpu.memory_space<vmem_shared>>
      tpu.wait_indirect_dma semaphore(%arg15 : memref<!tpu.dma_semaphore, #tpu.memory_space<semaphore_mem>>) src(%arg11 : memref<128xf32, #tpu.memory_space<vmem>>) dst(%dma_wait3A_2052 : memref<1048576xf32, #tpu.memory_space<vmem_shared>>)
      %dma_wait3A_2053 = arith.constant 61 : i32
      %dma_wait3A_2054 = arith.constant 61 : i32
      %dma_wait3A_2055 = arith.constant 0 : i32
      %dma_wait3A_2056 = tpu.memref_slice %arg10[%dma_wait3A_2053, %dma_wait3A_2055] : memref<64x128xf32, #tpu.memory_space<vmem>> -> memref<1x128xf32, #tpu.memory_space<vmem>>
      %dma_wait3A_2057 = tpu.memref_squeeze %dma_wait3A_2056 : memref<1x128xf32, #tpu.memory_space<vmem>> -> memref<128xf32, #tpu.memory_space<vmem>>
      %dma_wait3A_2058 = arith.constant 0 : i32
      %dma_wait3A_2059 = tpu.memref_slice %arg9[%dma_wait3A_2054, %dma_wait3A_2058] : memref<64x128xi32, #tpu.memory_space<vmem>> -> memref<1x128xi32, #tpu.memory_space<vmem>>
      %dma_wait3A_2060 = tpu.memref_squeeze %dma_wait3A_2059 : memref<1x128xi32, #tpu.memory_space<vmem>> -> memref<128xi32, #tpu.memory_space<vmem>>
      %dma_wait3A_2061 = arith.constant 0 : i32
      %dma_wait3A_2062 = tpu.memref_slice %arg14[%dma_wait3A_2061] : memref<1048576xf32, #tpu.memory_space<vmem_shared>> -> memref<1048576xf32, #tpu.memory_space<vmem_shared>>
      tpu.wait_indirect_dma semaphore(%arg15 : memref<!tpu.dma_semaphore, #tpu.memory_space<semaphore_mem>>) src(%dma_wait3A_2057 : memref<128xf32, #tpu.memory_space<vmem>>) dst(%dma_wait3A_2062 : memref<1048576xf32, #tpu.memory_space<vmem_shared>>)
      %dma_wait3A_2063 = arith.constant 62 : i32
      %dma_wait3A_2064 = arith.constant 0 : i32
      %dma_wait3A_2065 = tpu.memref_slice %arg8[%dma_wait3A_2063, %dma_wait3A_2064] : memref<64x128xi32, #tpu.memory_space<vmem>> -> memref<1x128xi32, #tpu.memory_space<vmem>>
      %dma_wait3A_2066 = tpu.memref_squeeze %dma_wait3A_2065 : memref<1x128xi32, #tpu.memory_space<vmem>> -> memref<128xi32, #tpu.memory_space<vmem>>
      %dma_wait3A_2067 = arith.constant 0 : i32
      %dma_wait3A_2068 = tpu.memref_slice %arg14[%dma_wait3A_2067] : memref<1048576xf32, #tpu.memory_space<vmem_shared>> -> memref<1048576xf32, #tpu.memory_space<vmem_shared>>
      tpu.wait_indirect_dma semaphore(%arg15 : memref<!tpu.dma_semaphore, #tpu.memory_space<semaphore_mem>>) src(%arg11 : memref<128xf32, #tpu.memory_space<vmem>>) dst(%dma_wait3A_2068 : memref<1048576xf32, #tpu.memory_space<vmem_shared>>)
      %dma_wait3A_2069 = arith.constant 62 : i32
      %dma_wait3A_2070 = arith.constant 62 : i32
      %dma_wait3A_2071 = arith.constant 0 : i32
      %dma_wait3A_2072 = tpu.memref_slice %arg10[%dma_wait3A_2069, %dma_wait3A_2071] : memref<64x128xf32, #tpu.memory_space<vmem>> -> memref<1x128xf32, #tpu.memory_space<vmem>>
      %dma_wait3A_2073 = tpu.memref_squeeze %dma_wait3A_2072 : memref<1x128xf32, #tpu.memory_space<vmem>> -> memref<128xf32, #tpu.memory_space<vmem>>
      %dma_wait3A_2074 = arith.constant 0 : i32
      %dma_wait3A_2075 = tpu.memref_slice %arg9[%dma_wait3A_2070, %dma_wait3A_2074] : memref<64x128xi32, #tpu.memory_space<vmem>> -> memref<1x128xi32, #tpu.memory_space<vmem>>
      %dma_wait3A_2076 = tpu.memref_squeeze %dma_wait3A_2075 : memref<1x128xi32, #tpu.memory_space<vmem>> -> memref<128xi32, #tpu.memory_space<vmem>>
      %dma_wait3A_2077 = arith.constant 0 : i32
      %dma_wait3A_2078 = tpu.memref_slice %arg14[%dma_wait3A_2077] : memref<1048576xf32, #tpu.memory_space<vmem_shared>> -> memref<1048576xf32, #tpu.memory_space<vmem_shared>>
      tpu.wait_indirect_dma semaphore(%arg15 : memref<!tpu.dma_semaphore, #tpu.memory_space<semaphore_mem>>) src(%dma_wait3A_2073 : memref<128xf32, #tpu.memory_space<vmem>>) dst(%dma_wait3A_2078 : memref<1048576xf32, #tpu.memory_space<vmem_shared>>)
      %dma_wait3A_2079 = arith.constant 63 : i32
      %dma_wait3A_2080 = arith.constant 0 : i32
      %dma_wait3A_2081 = tpu.memref_slice %arg8[%dma_wait3A_2079, %dma_wait3A_2080] : memref<64x128xi32, #tpu.memory_space<vmem>> -> memref<1x128xi32, #tpu.memory_space<vmem>>
      %dma_wait3A_2082 = tpu.memref_squeeze %dma_wait3A_2081 : memref<1x128xi32, #tpu.memory_space<vmem>> -> memref<128xi32, #tpu.memory_space<vmem>>
      %dma_wait3A_2083 = arith.constant 0 : i32
      %dma_wait3A_2084 = tpu.memref_slice %arg14[%dma_wait3A_2083] : memref<1048576xf32, #tpu.memory_space<vmem_shared>> -> memref<1048576xf32, #tpu.memory_space<vmem_shared>>
      tpu.wait_indirect_dma semaphore(%arg15 : memref<!tpu.dma_semaphore, #tpu.memory_space<semaphore_mem>>) src(%arg11 : memref<128xf32, #tpu.memory_space<vmem>>) dst(%dma_wait3A_2084 : memref<1048576xf32, #tpu.memory_space<vmem_shared>>)
      %dma_wait3A_2085 = arith.constant 63 : i32
      %dma_wait3A_2086 = arith.constant 63 : i32
      %dma_wait3A_2087 = arith.constant 0 : i32
      %dma_wait3A_2088 = tpu.memref_slice %arg10[%dma_wait3A_2085, %dma_wait3A_2087] : memref<64x128xf32, #tpu.memory_space<vmem>> -> memref<1x128xf32, #tpu.memory_space<vmem>>
      %dma_wait3A_2089 = tpu.memref_squeeze %dma_wait3A_2088 : memref<1x128xf32, #tpu.memory_space<vmem>> -> memref<128xf32, #tpu.memory_space<vmem>>
      %dma_wait3A_2090 = arith.constant 0 : i32
      %dma_wait3A_2091 = tpu.memref_slice %arg9[%dma_wait3A_2086, %dma_wait3A_2090] : memref<64x128xi32, #tpu.memory_space<vmem>> -> memref<1x128xi32, #tpu.memory_space<vmem>>
      %dma_wait3A_2092 = tpu.memref_squeeze %dma_wait3A_2091 : memref<1x128xi32, #tpu.memory_space<vmem>> -> memref<128xi32, #tpu.memory_space<vmem>>
      %dma_wait3A_2093 = arith.constant 0 : i32
      %dma_wait3A_2094 = tpu.memref_slice %arg14[%dma_wait3A_2093] : memref<1048576xf32, #tpu.memory_space<vmem_shared>> -> memref<1048576xf32, #tpu.memory_space<vmem_shared>>
      tpu.wait_indirect_dma semaphore(%arg15 : memref<!tpu.dma_semaphore, #tpu.memory_space<semaphore_mem>>) src(%dma_wait3A_2089 : memref<128xf32, #tpu.memory_space<vmem>>) dst(%dma_wait3A_2094 : memref<1048576xf32, #tpu.memory_space<vmem_shared>>)
      scf.yield %scan3A_47 : vector<16xf32>
    }
    %scan3A_27 = arith.constant 16 : i32
    %swap3A = arith.constant 0 : index
    %swap3A_28 = tpu.vector_load %arg13[%swap3A] {strides = array<i32>} : memref<16xf32, #tpu.memory_space<vmem>>, vector<16xf32>,
    %swap3A_29 = vector.shape_cast %swap3A_28 : vector<16xf32> to vector<16xf32>
    %swap3A_30 = vector.shape_cast %scan3A_26 : vector<16xf32> to vector<16xf32>
    tpu.vector_store %arg13[%swap3A], %swap3A_30 {strides = array<i32>} : memref<16xf32, #tpu.memory_space<vmem>>, vector<16xf32>,
    "tpu.region"() ({
      %run_scoped3A = tpu.sem_alloc : memref<!tpu.dma_semaphore, #tpu.memory_space<semaphore_mem>>
      %dma_start3A = arith.constant 0 : i32
      %dma_start3A_36 = tpu.memref_slice %arg5[%add3A, %dma_start3A] : memref<32x16xf32, #tpu.memory_space<hbm>> -> memref<1x16xf32, #tpu.memory_space<hbm>>
      %dma_start3A_37 = tpu.memref_squeeze %dma_start3A_36 : memref<1x16xf32, #tpu.memory_space<hbm>> -> memref<16xf32, #tpu.memory_space<hbm>>
      %dma_start3A_38 = arith.constant 0 : i32
      %dma_start3A_39 = tpu.memref_slice %arg5[%add3A, %dma_start3A_38] : memref<32x16xf32, #tpu.memory_space<hbm>> -> memref<1x16xf32, #tpu.memory_space<hbm>>
      %dma_start3A_40 = tpu.memref_squeeze %dma_start3A_39 : memref<1x16xf32, #tpu.memory_space<hbm>> -> memref<16xf32, #tpu.memory_space<hbm>>
      tpu.enqueue_dma source(%arg13 : memref<16xf32, #tpu.memory_space<vmem>>) target(%dma_start3A_40 : memref<16xf32, #tpu.memory_space<hbm>>) target_semaphore(%run_scoped3A : memref<!tpu.dma_semaphore, #tpu.memory_space<semaphore_mem>>)
      %dma_wait3A = arith.constant 0 : i32
      %dma_wait3A_41 = tpu.memref_slice %arg5[%add3A, %dma_wait3A] : memref<32x16xf32, #tpu.memory_space<hbm>> -> memref<1x16xf32, #tpu.memory_space<hbm>>
      %dma_wait3A_42 = tpu.memref_squeeze %dma_wait3A_41 : memref<1x16xf32, #tpu.memory_space<hbm>> -> memref<16xf32, #tpu.memory_space<hbm>>
      %dma_wait3A_43 = arith.constant 0 : i32
      %dma_wait3A_44 = tpu.memref_slice %arg5[%add3A, %dma_wait3A_43] : memref<32x16xf32, #tpu.memory_space<hbm>> -> memref<1x16xf32, #tpu.memory_space<hbm>>
      %dma_wait3A_45 = tpu.memref_squeeze %dma_wait3A_44 : memref<1x16xf32, #tpu.memory_space<hbm>> -> memref<16xf32, #tpu.memory_space<hbm>>
      tpu.wait_dma2 semaphore(%run_scoped3A : memref<!tpu.dma_semaphore, #tpu.memory_space<semaphore_mem>>) src(%arg13 : memref<16xf32, #tpu.memory_space<vmem>>) dst(%dma_wait3A_45 : memref<16xf32, #tpu.memory_space<hbm>>)
      tpu.yield
    }) : () -> ()
    %barrier3A_31 = arith.constant 0 : index
    tpu.barrier barrier_id(%barrier3A_31)
    %mul3A_32 = arith.constant 65536 : i32
    %mul3A_33 = arith.muli %arg1, %mul3A_32 : i32
    %mul3A_34 = arith.constant 65536 : i32
    %mul3A_35 = arith.muli %arg1, %mul3A_34 : i32
    "tpu.region"() ({
      %run_scoped3A = tpu.sem_alloc : memref<!tpu.dma_semaphore, #tpu.memory_space<semaphore_mem>>
      %dma_start3A = tpu.memref_slice %arg4[%arg0, %mul3A_35] : memref<2x1048576xf32, #tpu.memory_space<hbm>> -> memref<1x65536xf32, #tpu.memory_space<hbm>>
      %dma_start3A_36 = tpu.memref_squeeze %dma_start3A : memref<1x65536xf32, #tpu.memory_space<hbm>> -> memref<65536xf32, #tpu.memory_space<hbm>>
      %dma_start3A_37 = tpu.memref_slice %arg14[%mul3A_33] : memref<1048576xf32, #tpu.memory_space<vmem_shared>> -> memref<65536xf32, #tpu.memory_space<vmem_shared>>
      tpu.enqueue_dma source(%dma_start3A_37 : memref<65536xf32, #tpu.memory_space<vmem_shared>>) target(%dma_start3A_36 : memref<65536xf32, #tpu.memory_space<hbm>>) target_semaphore(%run_scoped3A : memref<!tpu.dma_semaphore, #tpu.memory_space<semaphore_mem>>)
      %dma_wait3A = tpu.memref_slice %arg4[%arg0, %mul3A_35] : memref<2x1048576xf32, #tpu.memory_space<hbm>> -> memref<1x65536xf32, #tpu.memory_space<hbm>>
      %dma_wait3A_38 = tpu.memref_squeeze %dma_wait3A : memref<1x65536xf32, #tpu.memory_space<hbm>> -> memref<65536xf32, #tpu.memory_space<hbm>>
      %dma_wait3A_39 = tpu.memref_slice %arg14[%mul3A_33] : memref<1048576xf32, #tpu.memory_space<vmem_shared>> -> memref<65536xf32, #tpu.memory_space<vmem_shared>>
      tpu.wait_dma2 semaphore(%run_scoped3A : memref<!tpu.dma_semaphore, #tpu.memory_space<semaphore_mem>>) src(%dma_wait3A_39 : memref<65536xf32, #tpu.memory_space<vmem_shared>>) dst(%dma_wait3A_38 : memref<65536xf32, #tpu.memory_space<hbm>>)
      tpu.yield
    }) : () -> ()
    return
  }
}

module attributes {stable_mosaic.version = 14 : i64} {
  func.func @_tc_reduce_kernel(%arg0: memref<2x4x2048x128xf32, #tpu.memory_space<vmem>>, %arg1: memref<32x16xf32, #tpu.memory_space<vmem>>, %arg2: memref<1x1xf32, #tpu.memory_space<vmem>>) attributes {dimension_semantics = [], scalar_prefetch = 0 : i64, scratch_operands = 0 : i64, tpu.core_type = #tpu.core_type<tc>} {
    %get3A = arith.constant 0 : index
    %get3A_0 = arith.constant 0 : index
    %get3A_1 = arith.constant 0 : index
    %get3A_2 = arith.constant 0 : index
    %get3A_3 = vector.load %arg0[%get3A, %get3A_0, %get3A_1, %get3A_2] : memref<2x4x2048x128xf32, #tpu.memory_space<vmem>>, vector<2x4x2048x128xf32>
    %slice3A = vector.extract_strided_slice %get3A_3 {offsets = [0, 0, 0, 0], sizes = [1, 1, 2048, 128], strides = [1, 1, 1, 1]} : vector<2x4x2048x128xf32> to vector<1x1x2048x128xf32>
    %squeeze3A = vector.shape_cast %slice3A : vector<1x1x2048x128xf32> to vector<2048x128xf32>
    %slice3A_4 = vector.extract_strided_slice %get3A_3 {offsets = [1, 0, 0, 0], sizes = [1, 1, 2048, 128], strides = [1, 1, 1, 1]} : vector<2x4x2048x128xf32> to vector<1x1x2048x128xf32>
    %squeeze3A_5 = vector.shape_cast %slice3A_4 : vector<1x1x2048x128xf32> to vector<2048x128xf32>
    %add3A = arith.addf %squeeze3A, %squeeze3A_5 : vector<2048x128xf32>
    %slice3A_6 = vector.extract_strided_slice %get3A_3 {offsets = [0, 1, 0, 0], sizes = [1, 1, 2048, 128], strides = [1, 1, 1, 1]} : vector<2x4x2048x128xf32> to vector<1x1x2048x128xf32>
    %squeeze3A_7 = vector.shape_cast %slice3A_6 : vector<1x1x2048x128xf32> to vector<2048x128xf32>
    %slice3A_8 = vector.extract_strided_slice %get3A_3 {offsets = [1, 1, 0, 0], sizes = [1, 1, 2048, 128], strides = [1, 1, 1, 1]} : vector<2x4x2048x128xf32> to vector<1x1x2048x128xf32>
    %squeeze3A_9 = vector.shape_cast %slice3A_8 : vector<1x1x2048x128xf32> to vector<2048x128xf32>
    %add3A_10 = arith.addf %squeeze3A_7, %squeeze3A_9 : vector<2048x128xf32>
    %slice3A_11 = vector.extract_strided_slice %get3A_3 {offsets = [0, 2, 0, 0], sizes = [1, 1, 2048, 128], strides = [1, 1, 1, 1]} : vector<2x4x2048x128xf32> to vector<1x1x2048x128xf32>
    %squeeze3A_12 = vector.shape_cast %slice3A_11 : vector<1x1x2048x128xf32> to vector<2048x128xf32>
    %slice3A_13 = vector.extract_strided_slice %get3A_3 {offsets = [1, 2, 0, 0], sizes = [1, 1, 2048, 128], strides = [1, 1, 1, 1]} : vector<2x4x2048x128xf32> to vector<1x1x2048x128xf32>
    %squeeze3A_14 = vector.shape_cast %slice3A_13 : vector<1x1x2048x128xf32> to vector<2048x128xf32>
    %add3A_15 = arith.addf %squeeze3A_12, %squeeze3A_14 : vector<2048x128xf32>
    %slice3A_16 = vector.extract_strided_slice %get3A_3 {offsets = [0, 3, 0, 0], sizes = [1, 1, 2048, 128], strides = [1, 1, 1, 1]} : vector<2x4x2048x128xf32> to vector<1x1x2048x128xf32>
    %squeeze3A_17 = vector.shape_cast %slice3A_16 : vector<1x1x2048x128xf32> to vector<2048x128xf32>
    %slice3A_18 = vector.extract_strided_slice %get3A_3 {offsets = [1, 3, 0, 0], sizes = [1, 1, 2048, 128], strides = [1, 1, 1, 1]} : vector<2x4x2048x128xf32> to vector<1x1x2048x128xf32>
    %squeeze3A_19 = vector.shape_cast %slice3A_18 : vector<1x1x2048x128xf32> to vector<2048x128xf32>
    %add3A_20 = arith.addf %squeeze3A_17, %squeeze3A_19 : vector<2048x128xf32>
    %reduce_sum3A = vector.shape_cast %add3A_10 : vector<2048x128xf32> to vector<1x2048x128xf32>
    %reduce_sum3A_21 = arith.constant dense<0.000000e+00> : vector<1xf32>
    %reduce_sum3A_22 = vector.multi_reduction <add>, %reduce_sum3A, %reduce_sum3A_21 [1, 2] : vector<1x2048x128xf32> to vector<1xf32>
    %reduce_sum3A_23 = vector.shape_cast %reduce_sum3A_22 : vector<1xf32> to vector<1x1x1xf32>
    %reduce_sum3A_24 = vector.extract %reduce_sum3A_23[0, 0, 0] : f32 from vector<1x1x1xf32>
    %iota3A = tpu.iota {dimensions = array<i32: 0>} : vector<128x128xi32>
    %iota3A_25 = tpu.iota {dimensions = array<i32: 1>} : vector<128x128xi32>
    %gt3A = arith.cmpi sgt, %iota3A, %iota3A_25 : vector<128x128xi32>
    %convert_element_type3A = arith.extui %gt3A : vector<128x128xi1> to vector<128x128xi32>
    %convert_element_type3A_26 = arith.sitofp %convert_element_type3A : vector<128x128xi32> to vector<128x128xf32>
    %lt3A = arith.cmpi slt, %iota3A, %iota3A_25 : vector<128x128xi32>
    %convert_element_type3A_27 = arith.extui %lt3A : vector<128x128xi1> to vector<128x128xi32>
    %convert_element_type3A_28 = arith.sitofp %convert_element_type3A_27 : vector<128x128xi32> to vector<128x128xf32>
    %slice3A_29 = vector.extract_strided_slice %add3A {offsets = [0, 0], sizes = [128, 128], strides = [1, 1]} : vector<2048x128xf32> to vector<128x128xf32>
    %dot_general3A = arith.constant dense<0.000000e+00> : vector<128x128xf32>
    %dot_general3A_30 = tpu.matmul %slice3A_29, %convert_element_type3A_26, %dot_general3A {dimension_numbers = #tpu.dot_dimension_numbers<[1], [0], [0], [1], [0, 0, 1, 1], [], []>, transpose_lhs_hint = false} : vector<128x128xf32>, vector<128x128xf32>, vector<128x128xf32> -> vector<128x128xf32>
    %reduce_sum3A_31 = arith.constant dense<0.000000e+00> : vector<128xf32>
    %reduce_sum3A_32 = vector.multi_reduction <add>, %slice3A_29, %reduce_sum3A_31 [1] : vector<128x128xf32> to vector<128xf32>
    %broadcast_in_dim3A = vector.shape_cast %reduce_sum3A_32 : vector<128xf32> to vector<128x1xf32>
    %dot_general3A_33 = arith.constant dense<0.000000e+00> : vector<128x1xf32>
    %dot_general3A_34 = tpu.matmul %convert_element_type3A_28, %broadcast_in_dim3A, %dot_general3A_33 {dimension_numbers = #tpu.dot_dimension_numbers<[1], [0], [0], [1], [0, 0, 1, 1], [], []>, transpose_lhs_hint = false} : vector<128x128xf32>, vector<128x1xf32>, vector<128x1xf32> -> vector<128x1xf32>
    %add3A_35 = vector.broadcast %dot_general3A_34 : vector<128x1xf32> to vector<128x128xf32>
    %add3A_36 = arith.addf %dot_general3A_30, %add3A_35 : vector<128x128xf32>
    %slice3A_37 = vector.extract_strided_slice %add3A_10 {offsets = [0, 0], sizes = [128, 128], strides = [1, 1]} : vector<2048x128xf32> to vector<128x128xf32>
    %dot_general3A_38 = arith.constant dense<0.000000e+00> : vector<128x128xf32>
    %dot_general3A_39 = tpu.matmul %slice3A_37, %convert_element_type3A_26, %dot_general3A_38 {dimension_numbers = #tpu.dot_dimension_numbers<[1], [0], [0], [1], [0, 0, 1, 1], [], []>, transpose_lhs_hint = false} : vector<128x128xf32>, vector<128x128xf32>, vector<128x128xf32> -> vector<128x128xf32>
    %reduce_sum3A_40 = arith.constant dense<0.000000e+00> : vector<128xf32>
    %reduce_sum3A_41 = vector.multi_reduction <add>, %slice3A_37, %reduce_sum3A_40 [1] : vector<128x128xf32> to vector<128xf32>
    %broadcast_in_dim3A_42 = vector.shape_cast %reduce_sum3A_41 : vector<128xf32> to vector<128x1xf32>
    %dot_general3A_43 = arith.constant dense<0.000000e+00> : vector<128x1xf32>
    %dot_general3A_44 = tpu.matmul %convert_element_type3A_28, %broadcast_in_dim3A_42, %dot_general3A_43 {dimension_numbers = #tpu.dot_dimension_numbers<[1], [0], [0], [1], [0, 0, 1, 1], [], []>, transpose_lhs_hint = false} : vector<128x128xf32>, vector<128x1xf32>, vector<128x1xf32> -> vector<128x1xf32>
    %add3A_45 = vector.broadcast %dot_general3A_44 : vector<128x1xf32> to vector<128x128xf32>
    %add3A_46 = arith.addf %dot_general3A_39, %add3A_45 : vector<128x128xf32>
    %slice3A_47 = vector.extract_strided_slice %add3A {offsets = [128, 0], sizes = [128, 128], strides = [1, 1]} : vector<2048x128xf32> to vector<128x128xf32>
    %dot_general3A_48 = arith.constant dense<0.000000e+00> : vector<128x128xf32>
    %dot_general3A_49 = tpu.matmul %slice3A_47, %convert_element_type3A_26, %dot_general3A_48 {dimension_numbers = #tpu.dot_dimension_numbers<[1], [0], [0], [1], [0, 0, 1, 1], [], []>, transpose_lhs_hint = false} : vector<128x128xf32>, vector<128x128xf32>, vector<128x128xf32> -> vector<128x128xf32>
    %reduce_sum3A_50 = arith.constant dense<0.000000e+00> : vector<128xf32>
    %reduce_sum3A_51 = vector.multi_reduction <add>, %slice3A_47, %reduce_sum3A_50 [1] : vector<128x128xf32> to vector<128xf32>
    %broadcast_in_dim3A_52 = vector.shape_cast %reduce_sum3A_51 : vector<128xf32> to vector<128x1xf32>
    %dot_general3A_53 = arith.constant dense<0.000000e+00> : vector<128x1xf32>
    %dot_general3A_54 = tpu.matmul %convert_element_type3A_28, %broadcast_in_dim3A_52, %dot_general3A_53 {dimension_numbers = #tpu.dot_dimension_numbers<[1], [0], [0], [1], [0, 0, 1, 1], [], []>, transpose_lhs_hint = false} : vector<128x128xf32>, vector<128x1xf32>, vector<128x1xf32> -> vector<128x1xf32>
    %add3A_55 = vector.broadcast %dot_general3A_54 : vector<128x1xf32> to vector<128x128xf32>
    %add3A_56 = arith.addf %dot_general3A_49, %add3A_55 : vector<128x128xf32>
    %reduce_sum3A_57 = vector.shape_cast %broadcast_in_dim3A_52 : vector<128x1xf32> to vector<1x128x1xf32>
    %reduce_sum3A_58 = arith.constant dense<0.000000e+00> : vector<1xf32>
    %reduce_sum3A_59 = vector.multi_reduction <add>, %reduce_sum3A_57, %reduce_sum3A_58 [1, 2] : vector<1x128x1xf32> to vector<1xf32>
    %reduce_sum3A_60 = vector.shape_cast %reduce_sum3A_59 : vector<1xf32> to vector<1x1x1xf32>
    %reduce_sum3A_61 = vector.extract %reduce_sum3A_60[0, 0, 0] : f32 from vector<1x1x1xf32>
    %slice3A_62 = vector.extract_strided_slice %add3A_10 {offsets = [128, 0], sizes = [128, 128], strides = [1, 1]} : vector<2048x128xf32> to vector<128x128xf32>
    %dot_general3A_63 = arith.constant dense<0.000000e+00> : vector<128x128xf32>
    %dot_general3A_64 = tpu.matmul %slice3A_62, %convert_element_type3A_26, %dot_general3A_63 {dimension_numbers = #tpu.dot_dimension_numbers<[1], [0], [0], [1], [0, 0, 1, 1], [], []>, transpose_lhs_hint = false} : vector<128x128xf32>, vector<128x128xf32>, vector<128x128xf32> -> vector<128x128xf32>
    %reduce_sum3A_65 = arith.constant dense<0.000000e+00> : vector<128xf32>
    %reduce_sum3A_66 = vector.multi_reduction <add>, %slice3A_62, %reduce_sum3A_65 [1] : vector<128x128xf32> to vector<128xf32>
    %broadcast_in_dim3A_67 = vector.shape_cast %reduce_sum3A_66 : vector<128xf32> to vector<128x1xf32>
    %dot_general3A_68 = arith.constant dense<0.000000e+00> : vector<128x1xf32>
    %dot_general3A_69 = tpu.matmul %convert_element_type3A_28, %broadcast_in_dim3A_67, %dot_general3A_68 {dimension_numbers = #tpu.dot_dimension_numbers<[1], [0], [0], [1], [0, 0, 1, 1], [], []>, transpose_lhs_hint = false} : vector<128x128xf32>, vector<128x1xf32>, vector<128x1xf32> -> vector<128x1xf32>
    %add3A_70 = vector.broadcast %dot_general3A_69 : vector<128x1xf32> to vector<128x128xf32>
    %add3A_71 = arith.addf %dot_general3A_64, %add3A_70 : vector<128x128xf32>
    %reduce_sum3A_72 = vector.shape_cast %broadcast_in_dim3A_67 : vector<128x1xf32> to vector<1x128x1xf32>
    %reduce_sum3A_73 = arith.constant dense<0.000000e+00> : vector<1xf32>
    %reduce_sum3A_74 = vector.multi_reduction <add>, %reduce_sum3A_72, %reduce_sum3A_73 [1, 2] : vector<1x128x1xf32> to vector<1xf32>
    %reduce_sum3A_75 = vector.shape_cast %reduce_sum3A_74 : vector<1xf32> to vector<1x1x1xf32>
    %reduce_sum3A_76 = vector.extract %reduce_sum3A_75[0, 0, 0] : f32 from vector<1x1x1xf32>
    %slice3A_77 = vector.extract_strided_slice %add3A {offsets = [256, 0], sizes = [128, 128], strides = [1, 1]} : vector<2048x128xf32> to vector<128x128xf32>
    %dot_general3A_78 = arith.constant dense<0.000000e+00> : vector<128x128xf32>
    %dot_general3A_79 = tpu.matmul %slice3A_77, %convert_element_type3A_26, %dot_general3A_78 {dimension_numbers = #tpu.dot_dimension_numbers<[1], [0], [0], [1], [0, 0, 1, 1], [], []>, transpose_lhs_hint = false} : vector<128x128xf32>, vector<128x128xf32>, vector<128x128xf32> -> vector<128x128xf32>
    %reduce_sum3A_80 = arith.constant dense<0.000000e+00> : vector<128xf32>
    %reduce_sum3A_81 = vector.multi_reduction <add>, %slice3A_77, %reduce_sum3A_80 [1] : vector<128x128xf32> to vector<128xf32>
    %broadcast_in_dim3A_82 = vector.shape_cast %reduce_sum3A_81 : vector<128xf32> to vector<128x1xf32>
    %dot_general3A_83 = arith.constant dense<0.000000e+00> : vector<128x1xf32>
    %dot_general3A_84 = tpu.matmul %convert_element_type3A_28, %broadcast_in_dim3A_82, %dot_general3A_83 {dimension_numbers = #tpu.dot_dimension_numbers<[1], [0], [0], [1], [0, 0, 1, 1], [], []>, transpose_lhs_hint = false} : vector<128x128xf32>, vector<128x1xf32>, vector<128x1xf32> -> vector<128x1xf32>
    %add3A_85 = vector.broadcast %dot_general3A_84 : vector<128x1xf32> to vector<128x128xf32>
    %add3A_86 = arith.addf %dot_general3A_79, %add3A_85 : vector<128x128xf32>
    %reduce_sum3A_87 = vector.shape_cast %broadcast_in_dim3A_82 : vector<128x1xf32> to vector<1x128x1xf32>
    %reduce_sum3A_88 = arith.constant dense<0.000000e+00> : vector<1xf32>
    %reduce_sum3A_89 = vector.multi_reduction <add>, %reduce_sum3A_87, %reduce_sum3A_88 [1, 2] : vector<1x128x1xf32> to vector<1xf32>
    %reduce_sum3A_90 = vector.shape_cast %reduce_sum3A_89 : vector<1xf32> to vector<1x1x1xf32>
    %reduce_sum3A_91 = vector.extract %reduce_sum3A_90[0, 0, 0] : f32 from vector<1x1x1xf32>
    %slice3A_92 = vector.extract_strided_slice %add3A_10 {offsets = [256, 0], sizes = [128, 128], strides = [1, 1]} : vector<2048x128xf32> to vector<128x128xf32>
    %dot_general3A_93 = arith.constant dense<0.000000e+00> : vector<128x128xf32>
    %dot_general3A_94 = tpu.matmul %slice3A_92, %convert_element_type3A_26, %dot_general3A_93 {dimension_numbers = #tpu.dot_dimension_numbers<[1], [0], [0], [1], [0, 0, 1, 1], [], []>, transpose_lhs_hint = false} : vector<128x128xf32>, vector<128x128xf32>, vector<128x128xf32> -> vector<128x128xf32>
    %reduce_sum3A_95 = arith.constant dense<0.000000e+00> : vector<128xf32>
    %reduce_sum3A_96 = vector.multi_reduction <add>, %slice3A_92, %reduce_sum3A_95 [1] : vector<128x128xf32> to vector<128xf32>
    %broadcast_in_dim3A_97 = vector.shape_cast %reduce_sum3A_96 : vector<128xf32> to vector<128x1xf32>
    %dot_general3A_98 = arith.constant dense<0.000000e+00> : vector<128x1xf32>
    %dot_general3A_99 = tpu.matmul %convert_element_type3A_28, %broadcast_in_dim3A_97, %dot_general3A_98 {dimension_numbers = #tpu.dot_dimension_numbers<[1], [0], [0], [1], [0, 0, 1, 1], [], []>, transpose_lhs_hint = false} : vector<128x128xf32>, vector<128x1xf32>, vector<128x1xf32> -> vector<128x1xf32>
    %add3A_100 = vector.broadcast %dot_general3A_99 : vector<128x1xf32> to vector<128x128xf32>
    %add3A_101 = arith.addf %dot_general3A_94, %add3A_100 : vector<128x128xf32>
    %reduce_sum3A_102 = vector.shape_cast %broadcast_in_dim3A_97 : vector<128x1xf32> to vector<1x128x1xf32>
    %reduce_sum3A_103 = arith.constant dense<0.000000e+00> : vector<1xf32>
    %reduce_sum3A_104 = vector.multi_reduction <add>, %reduce_sum3A_102, %reduce_sum3A_103 [1, 2] : vector<1x128x1xf32> to vector<1xf32>
    %reduce_sum3A_105 = vector.shape_cast %reduce_sum3A_104 : vector<1xf32> to vector<1x1x1xf32>
    %reduce_sum3A_106 = vector.extract %reduce_sum3A_105[0, 0, 0] : f32 from vector<1x1x1xf32>
    %slice3A_107 = vector.extract_strided_slice %add3A {offsets = [384, 0], sizes = [128, 128], strides = [1, 1]} : vector<2048x128xf32> to vector<128x128xf32>
    %dot_general3A_108 = arith.constant dense<0.000000e+00> : vector<128x128xf32>
    %dot_general3A_109 = tpu.matmul %slice3A_107, %convert_element_type3A_26, %dot_general3A_108 {dimension_numbers = #tpu.dot_dimension_numbers<[1], [0], [0], [1], [0, 0, 1, 1], [], []>, transpose_lhs_hint = false} : vector<128x128xf32>, vector<128x128xf32>, vector<128x128xf32> -> vector<128x128xf32>
    %reduce_sum3A_110 = arith.constant dense<0.000000e+00> : vector<128xf32>
    %reduce_sum3A_111 = vector.multi_reduction <add>, %slice3A_107, %reduce_sum3A_110 [1] : vector<128x128xf32> to vector<128xf32>
    %broadcast_in_dim3A_112 = vector.shape_cast %reduce_sum3A_111 : vector<128xf32> to vector<128x1xf32>
    %dot_general3A_113 = arith.constant dense<0.000000e+00> : vector<128x1xf32>
    %dot_general3A_114 = tpu.matmul %convert_element_type3A_28, %broadcast_in_dim3A_112, %dot_general3A_113 {dimension_numbers = #tpu.dot_dimension_numbers<[1], [0], [0], [1], [0, 0, 1, 1], [], []>, transpose_lhs_hint = false} : vector<128x128xf32>, vector<128x1xf32>, vector<128x1xf32> -> vector<128x1xf32>
    %add3A_115 = vector.broadcast %dot_general3A_114 : vector<128x1xf32> to vector<128x128xf32>
    %add3A_116 = arith.addf %dot_general3A_109, %add3A_115 : vector<128x128xf32>
    %reduce_sum3A_117 = vector.shape_cast %broadcast_in_dim3A_112 : vector<128x1xf32> to vector<1x128x1xf32>
    %reduce_sum3A_118 = arith.constant dense<0.000000e+00> : vector<1xf32>
    %reduce_sum3A_119 = vector.multi_reduction <add>, %reduce_sum3A_117, %reduce_sum3A_118 [1, 2] : vector<1x128x1xf32> to vector<1xf32>
    %reduce_sum3A_120 = vector.shape_cast %reduce_sum3A_119 : vector<1xf32> to vector<1x1x1xf32>
    %reduce_sum3A_121 = vector.extract %reduce_sum3A_120[0, 0, 0] : f32 from vector<1x1x1xf32>
    %slice3A_122 = vector.extract_strided_slice %add3A_10 {offsets = [384, 0], sizes = [128, 128], strides = [1, 1]} : vector<2048x128xf32> to vector<128x128xf32>
    %dot_general3A_123 = arith.constant dense<0.000000e+00> : vector<128x128xf32>
    %dot_general3A_124 = tpu.matmul %slice3A_122, %convert_element_type3A_26, %dot_general3A_123 {dimension_numbers = #tpu.dot_dimension_numbers<[1], [0], [0], [1], [0, 0, 1, 1], [], []>, transpose_lhs_hint = false} : vector<128x128xf32>, vector<128x128xf32>, vector<128x128xf32> -> vector<128x128xf32>
    %reduce_sum3A_125 = arith.constant dense<0.000000e+00> : vector<128xf32>
    %reduce_sum3A_126 = vector.multi_reduction <add>, %slice3A_122, %reduce_sum3A_125 [1] : vector<128x128xf32> to vector<128xf32>
    %broadcast_in_dim3A_127 = vector.shape_cast %reduce_sum3A_126 : vector<128xf32> to vector<128x1xf32>
    %dot_general3A_128 = arith.constant dense<0.000000e+00> : vector<128x1xf32>
    %dot_general3A_129 = tpu.matmul %convert_element_type3A_28, %broadcast_in_dim3A_127, %dot_general3A_128 {dimension_numbers = #tpu.dot_dimension_numbers<[1], [0], [0], [1], [0, 0, 1, 1], [], []>, transpose_lhs_hint = false} : vector<128x128xf32>, vector<128x1xf32>, vector<128x1xf32> -> vector<128x1xf32>
    %add3A_130 = vector.broadcast %dot_general3A_129 : vector<128x1xf32> to vector<128x128xf32>
    %add3A_131 = arith.addf %dot_general3A_124, %add3A_130 : vector<128x128xf32>
    %reduce_sum3A_132 = vector.shape_cast %broadcast_in_dim3A_127 : vector<128x1xf32> to vector<1x128x1xf32>
    %reduce_sum3A_133 = arith.constant dense<0.000000e+00> : vector<1xf32>
    %reduce_sum3A_134 = vector.multi_reduction <add>, %reduce_sum3A_132, %reduce_sum3A_133 [1, 2] : vector<1x128x1xf32> to vector<1xf32>
    %reduce_sum3A_135 = vector.shape_cast %reduce_sum3A_134 : vector<1xf32> to vector<1x1x1xf32>
    %reduce_sum3A_136 = vector.extract %reduce_sum3A_135[0, 0, 0] : f32 from vector<1x1x1xf32>
    %slice3A_137 = vector.extract_strided_slice %add3A {offsets = [512, 0], sizes = [128, 128], strides = [1, 1]} : vector<2048x128xf32> to vector<128x128xf32>
    %dot_general3A_138 = arith.constant dense<0.000000e+00> : vector<128x128xf32>
    %dot_general3A_139 = tpu.matmul %slice3A_137, %convert_element_type3A_26, %dot_general3A_138 {dimension_numbers = #tpu.dot_dimension_numbers<[1], [0], [0], [1], [0, 0, 1, 1], [], []>, transpose_lhs_hint = false} : vector<128x128xf32>, vector<128x128xf32>, vector<128x128xf32> -> vector<128x128xf32>
    %reduce_sum3A_140 = arith.constant dense<0.000000e+00> : vector<128xf32>
    %reduce_sum3A_141 = vector.multi_reduction <add>, %slice3A_137, %reduce_sum3A_140 [1] : vector<128x128xf32> to vector<128xf32>
    %broadcast_in_dim3A_142 = vector.shape_cast %reduce_sum3A_141 : vector<128xf32> to vector<128x1xf32>
    %dot_general3A_143 = arith.constant dense<0.000000e+00> : vector<128x1xf32>
    %dot_general3A_144 = tpu.matmul %convert_element_type3A_28, %broadcast_in_dim3A_142, %dot_general3A_143 {dimension_numbers = #tpu.dot_dimension_numbers<[1], [0], [0], [1], [0, 0, 1, 1], [], []>, transpose_lhs_hint = false} : vector<128x128xf32>, vector<128x1xf32>, vector<128x1xf32> -> vector<128x1xf32>
    %add3A_145 = vector.broadcast %dot_general3A_144 : vector<128x1xf32> to vector<128x128xf32>
    %add3A_146 = arith.addf %dot_general3A_139, %add3A_145 : vector<128x128xf32>
    %reduce_sum3A_147 = vector.shape_cast %broadcast_in_dim3A_142 : vector<128x1xf32> to vector<1x128x1xf32>
    %reduce_sum3A_148 = arith.constant dense<0.000000e+00> : vector<1xf32>
    %reduce_sum3A_149 = vector.multi_reduction <add>, %reduce_sum3A_147, %reduce_sum3A_148 [1, 2] : vector<1x128x1xf32> to vector<1xf32>
    %reduce_sum3A_150 = vector.shape_cast %reduce_sum3A_149 : vector<1xf32> to vector<1x1x1xf32>
    %reduce_sum3A_151 = vector.extract %reduce_sum3A_150[0, 0, 0] : f32 from vector<1x1x1xf32>
    %slice3A_152 = vector.extract_strided_slice %add3A_10 {offsets = [512, 0], sizes = [128, 128], strides = [1, 1]} : vector<2048x128xf32> to vector<128x128xf32>
    %dot_general3A_153 = arith.constant dense<0.000000e+00> : vector<128x128xf32>
    %dot_general3A_154 = tpu.matmul %slice3A_152, %convert_element_type3A_26, %dot_general3A_153 {dimension_numbers = #tpu.dot_dimension_numbers<[1], [0], [0], [1], [0, 0, 1, 1], [], []>, transpose_lhs_hint = false} : vector<128x128xf32>, vector<128x128xf32>, vector<128x128xf32> -> vector<128x128xf32>
    %reduce_sum3A_155 = arith.constant dense<0.000000e+00> : vector<128xf32>
    %reduce_sum3A_156 = vector.multi_reduction <add>, %slice3A_152, %reduce_sum3A_155 [1] : vector<128x128xf32> to vector<128xf32>
    %broadcast_in_dim3A_157 = vector.shape_cast %reduce_sum3A_156 : vector<128xf32> to vector<128x1xf32>
    %dot_general3A_158 = arith.constant dense<0.000000e+00> : vector<128x1xf32>
    %dot_general3A_159 = tpu.matmul %convert_element_type3A_28, %broadcast_in_dim3A_157, %dot_general3A_158 {dimension_numbers = #tpu.dot_dimension_numbers<[1], [0], [0], [1], [0, 0, 1, 1], [], []>, transpose_lhs_hint = false} : vector<128x128xf32>, vector<128x1xf32>, vector<128x1xf32> -> vector<128x1xf32>
    %add3A_160 = vector.broadcast %dot_general3A_159 : vector<128x1xf32> to vector<128x128xf32>
    %add3A_161 = arith.addf %dot_general3A_154, %add3A_160 : vector<128x128xf32>
    %reduce_sum3A_162 = vector.shape_cast %broadcast_in_dim3A_157 : vector<128x1xf32> to vector<1x128x1xf32>
    %reduce_sum3A_163 = arith.constant dense<0.000000e+00> : vector<1xf32>
    %reduce_sum3A_164 = vector.multi_reduction <add>, %reduce_sum3A_162, %reduce_sum3A_163 [1, 2] : vector<1x128x1xf32> to vector<1xf32>
    %reduce_sum3A_165 = vector.shape_cast %reduce_sum3A_164 : vector<1xf32> to vector<1x1x1xf32>
    %reduce_sum3A_166 = vector.extract %reduce_sum3A_165[0, 0, 0] : f32 from vector<1x1x1xf32>
    %slice3A_167 = vector.extract_strided_slice %add3A {offsets = [640, 0], sizes = [128, 128], strides = [1, 1]} : vector<2048x128xf32> to vector<128x128xf32>
    %dot_general3A_168 = arith.constant dense<0.000000e+00> : vector<128x128xf32>
    %dot_general3A_169 = tpu.matmul %slice3A_167, %convert_element_type3A_26, %dot_general3A_168 {dimension_numbers = #tpu.dot_dimension_numbers<[1], [0], [0], [1], [0, 0, 1, 1], [], []>, transpose_lhs_hint = false} : vector<128x128xf32>, vector<128x128xf32>, vector<128x128xf32> -> vector<128x128xf32>
    %reduce_sum3A_170 = arith.constant dense<0.000000e+00> : vector<128xf32>
    %reduce_sum3A_171 = vector.multi_reduction <add>, %slice3A_167, %reduce_sum3A_170 [1] : vector<128x128xf32> to vector<128xf32>
    %broadcast_in_dim3A_172 = vector.shape_cast %reduce_sum3A_171 : vector<128xf32> to vector<128x1xf32>
    %dot_general3A_173 = arith.constant dense<0.000000e+00> : vector<128x1xf32>
    %dot_general3A_174 = tpu.matmul %convert_element_type3A_28, %broadcast_in_dim3A_172, %dot_general3A_173 {dimension_numbers = #tpu.dot_dimension_numbers<[1], [0], [0], [1], [0, 0, 1, 1], [], []>, transpose_lhs_hint = false} : vector<128x128xf32>, vector<128x1xf32>, vector<128x1xf32> -> vector<128x1xf32>
    %add3A_175 = vector.broadcast %dot_general3A_174 : vector<128x1xf32> to vector<128x128xf32>
    %add3A_176 = arith.addf %dot_general3A_169, %add3A_175 : vector<128x128xf32>
    %reduce_sum3A_177 = vector.shape_cast %broadcast_in_dim3A_172 : vector<128x1xf32> to vector<1x128x1xf32>
    %reduce_sum3A_178 = arith.constant dense<0.000000e+00> : vector<1xf32>
    %reduce_sum3A_179 = vector.multi_reduction <add>, %reduce_sum3A_177, %reduce_sum3A_178 [1, 2] : vector<1x128x1xf32> to vector<1xf32>
    %reduce_sum3A_180 = vector.shape_cast %reduce_sum3A_179 : vector<1xf32> to vector<1x1x1xf32>
    %reduce_sum3A_181 = vector.extract %reduce_sum3A_180[0, 0, 0] : f32 from vector<1x1x1xf32>
    %slice3A_182 = vector.extract_strided_slice %add3A_10 {offsets = [640, 0], sizes = [128, 128], strides = [1, 1]} : vector<2048x128xf32> to vector<128x128xf32>
    %dot_general3A_183 = arith.constant dense<0.000000e+00> : vector<128x128xf32>
    %dot_general3A_184 = tpu.matmul %slice3A_182, %convert_element_type3A_26, %dot_general3A_183 {dimension_numbers = #tpu.dot_dimension_numbers<[1], [0], [0], [1], [0, 0, 1, 1], [], []>, transpose_lhs_hint = false} : vector<128x128xf32>, vector<128x128xf32>, vector<128x128xf32> -> vector<128x128xf32>
    %reduce_sum3A_185 = arith.constant dense<0.000000e+00> : vector<128xf32>
    %reduce_sum3A_186 = vector.multi_reduction <add>, %slice3A_182, %reduce_sum3A_185 [1] : vector<128x128xf32> to vector<128xf32>
    %broadcast_in_dim3A_187 = vector.shape_cast %reduce_sum3A_186 : vector<128xf32> to vector<128x1xf32>
    %dot_general3A_188 = arith.constant dense<0.000000e+00> : vector<128x1xf32>
    %dot_general3A_189 = tpu.matmul %convert_element_type3A_28, %broadcast_in_dim3A_187, %dot_general3A_188 {dimension_numbers = #tpu.dot_dimension_numbers<[1], [0], [0], [1], [0, 0, 1, 1], [], []>, transpose_lhs_hint = false} : vector<128x128xf32>, vector<128x1xf32>, vector<128x1xf32> -> vector<128x1xf32>
    %add3A_190 = vector.broadcast %dot_general3A_189 : vector<128x1xf32> to vector<128x128xf32>
    %add3A_191 = arith.addf %dot_general3A_184, %add3A_190 : vector<128x128xf32>
    %reduce_sum3A_192 = vector.shape_cast %broadcast_in_dim3A_187 : vector<128x1xf32> to vector<1x128x1xf32>
    %reduce_sum3A_193 = arith.constant dense<0.000000e+00> : vector<1xf32>
    %reduce_sum3A_194 = vector.multi_reduction <add>, %reduce_sum3A_192, %reduce_sum3A_193 [1, 2] : vector<1x128x1xf32> to vector<1xf32>
    %reduce_sum3A_195 = vector.shape_cast %reduce_sum3A_194 : vector<1xf32> to vector<1x1x1xf32>
    %reduce_sum3A_196 = vector.extract %reduce_sum3A_195[0, 0, 0] : f32 from vector<1x1x1xf32>
    %slice3A_197 = vector.extract_strided_slice %add3A {offsets = [768, 0], sizes = [128, 128], strides = [1, 1]} : vector<2048x128xf32> to vector<128x128xf32>
    %dot_general3A_198 = arith.constant dense<0.000000e+00> : vector<128x128xf32>
    %dot_general3A_199 = tpu.matmul %slice3A_197, %convert_element_type3A_26, %dot_general3A_198 {dimension_numbers = #tpu.dot_dimension_numbers<[1], [0], [0], [1], [0, 0, 1, 1], [], []>, transpose_lhs_hint = false} : vector<128x128xf32>, vector<128x128xf32>, vector<128x128xf32> -> vector<128x128xf32>
    %reduce_sum3A_200 = arith.constant dense<0.000000e+00> : vector<128xf32>
    %reduce_sum3A_201 = vector.multi_reduction <add>, %slice3A_197, %reduce_sum3A_200 [1] : vector<128x128xf32> to vector<128xf32>
    %broadcast_in_dim3A_202 = vector.shape_cast %reduce_sum3A_201 : vector<128xf32> to vector<128x1xf32>
    %dot_general3A_203 = arith.constant dense<0.000000e+00> : vector<128x1xf32>
    %dot_general3A_204 = tpu.matmul %convert_element_type3A_28, %broadcast_in_dim3A_202, %dot_general3A_203 {dimension_numbers = #tpu.dot_dimension_numbers<[1], [0], [0], [1], [0, 0, 1, 1], [], []>, transpose_lhs_hint = false} : vector<128x128xf32>, vector<128x1xf32>, vector<128x1xf32> -> vector<128x1xf32>
    %add3A_205 = vector.broadcast %dot_general3A_204 : vector<128x1xf32> to vector<128x128xf32>
    %add3A_206 = arith.addf %dot_general3A_199, %add3A_205 : vector<128x128xf32>
    %reduce_sum3A_207 = vector.shape_cast %broadcast_in_dim3A_202 : vector<128x1xf32> to vector<1x128x1xf32>
    %reduce_sum3A_208 = arith.constant dense<0.000000e+00> : vector<1xf32>
    %reduce_sum3A_209 = vector.multi_reduction <add>, %reduce_sum3A_207, %reduce_sum3A_208 [1, 2] : vector<1x128x1xf32> to vector<1xf32>
    %reduce_sum3A_210 = vector.shape_cast %reduce_sum3A_209 : vector<1xf32> to vector<1x1x1xf32>
    %reduce_sum3A_211 = vector.extract %reduce_sum3A_210[0, 0, 0] : f32 from vector<1x1x1xf32>
    %slice3A_212 = vector.extract_strided_slice %add3A_10 {offsets = [768, 0], sizes = [128, 128], strides = [1, 1]} : vector<2048x128xf32> to vector<128x128xf32>
    %dot_general3A_213 = arith.constant dense<0.000000e+00> : vector<128x128xf32>
    %dot_general3A_214 = tpu.matmul %slice3A_212, %convert_element_type3A_26, %dot_general3A_213 {dimension_numbers = #tpu.dot_dimension_numbers<[1], [0], [0], [1], [0, 0, 1, 1], [], []>, transpose_lhs_hint = false} : vector<128x128xf32>, vector<128x128xf32>, vector<128x128xf32> -> vector<128x128xf32>
    %reduce_sum3A_215 = arith.constant dense<0.000000e+00> : vector<128xf32>
    %reduce_sum3A_216 = vector.multi_reduction <add>, %slice3A_212, %reduce_sum3A_215 [1] : vector<128x128xf32> to vector<128xf32>
    %broadcast_in_dim3A_217 = vector.shape_cast %reduce_sum3A_216 : vector<128xf32> to vector<128x1xf32>
    %dot_general3A_218 = arith.constant dense<0.000000e+00> : vector<128x1xf32>
    %dot_general3A_219 = tpu.matmul %convert_element_type3A_28, %broadcast_in_dim3A_217, %dot_general3A_218 {dimension_numbers = #tpu.dot_dimension_numbers<[1], [0], [0], [1], [0, 0, 1, 1], [], []>, transpose_lhs_hint = false} : vector<128x128xf32>, vector<128x1xf32>, vector<128x1xf32> -> vector<128x1xf32>
    %add3A_220 = vector.broadcast %dot_general3A_219 : vector<128x1xf32> to vector<128x128xf32>
    %add3A_221 = arith.addf %dot_general3A_214, %add3A_220 : vector<128x128xf32>
    %reduce_sum3A_222 = vector.shape_cast %broadcast_in_dim3A_217 : vector<128x1xf32> to vector<1x128x1xf32>
    %reduce_sum3A_223 = arith.constant dense<0.000000e+00> : vector<1xf32>
    %reduce_sum3A_224 = vector.multi_reduction <add>, %reduce_sum3A_222, %reduce_sum3A_223 [1, 2] : vector<1x128x1xf32> to vector<1xf32>
    %reduce_sum3A_225 = vector.shape_cast %reduce_sum3A_224 : vector<1xf32> to vector<1x1x1xf32>
    %reduce_sum3A_226 = vector.extract %reduce_sum3A_225[0, 0, 0] : f32 from vector<1x1x1xf32>
    %slice3A_227 = vector.extract_strided_slice %add3A {offsets = [896, 0], sizes = [128, 128], strides = [1, 1]} : vector<2048x128xf32> to vector<128x128xf32>
    %dot_general3A_228 = arith.constant dense<0.000000e+00> : vector<128x128xf32>
    %dot_general3A_229 = tpu.matmul %slice3A_227, %convert_element_type3A_26, %dot_general3A_228 {dimension_numbers = #tpu.dot_dimension_numbers<[1], [0], [0], [1], [0, 0, 1, 1], [], []>, transpose_lhs_hint = false} : vector<128x128xf32>, vector<128x128xf32>, vector<128x128xf32> -> vector<128x128xf32>
    %reduce_sum3A_230 = arith.constant dense<0.000000e+00> : vector<128xf32>
    %reduce_sum3A_231 = vector.multi_reduction <add>, %slice3A_227, %reduce_sum3A_230 [1] : vector<128x128xf32> to vector<128xf32>
    %broadcast_in_dim3A_232 = vector.shape_cast %reduce_sum3A_231 : vector<128xf32> to vector<128x1xf32>
    %dot_general3A_233 = arith.constant dense<0.000000e+00> : vector<128x1xf32>
    %dot_general3A_234 = tpu.matmul %convert_element_type3A_28, %broadcast_in_dim3A_232, %dot_general3A_233 {dimension_numbers = #tpu.dot_dimension_numbers<[1], [0], [0], [1], [0, 0, 1, 1], [], []>, transpose_lhs_hint = false} : vector<128x128xf32>, vector<128x1xf32>, vector<128x1xf32> -> vector<128x1xf32>
    %add3A_235 = vector.broadcast %dot_general3A_234 : vector<128x1xf32> to vector<128x128xf32>
    %add3A_236 = arith.addf %dot_general3A_229, %add3A_235 : vector<128x128xf32>
    %reduce_sum3A_237 = vector.shape_cast %broadcast_in_dim3A_232 : vector<128x1xf32> to vector<1x128x1xf32>
    %reduce_sum3A_238 = arith.constant dense<0.000000e+00> : vector<1xf32>
    %reduce_sum3A_239 = vector.multi_reduction <add>, %reduce_sum3A_237, %reduce_sum3A_238 [1, 2] : vector<1x128x1xf32> to vector<1xf32>
    %reduce_sum3A_240 = vector.shape_cast %reduce_sum3A_239 : vector<1xf32> to vector<1x1x1xf32>
    %reduce_sum3A_241 = vector.extract %reduce_sum3A_240[0, 0, 0] : f32 from vector<1x1x1xf32>
    %slice3A_242 = vector.extract_strided_slice %add3A_10 {offsets = [896, 0], sizes = [128, 128], strides = [1, 1]} : vector<2048x128xf32> to vector<128x128xf32>
    %dot_general3A_243 = arith.constant dense<0.000000e+00> : vector<128x128xf32>
    %dot_general3A_244 = tpu.matmul %slice3A_242, %convert_element_type3A_26, %dot_general3A_243 {dimension_numbers = #tpu.dot_dimension_numbers<[1], [0], [0], [1], [0, 0, 1, 1], [], []>, transpose_lhs_hint = false} : vector<128x128xf32>, vector<128x128xf32>, vector<128x128xf32> -> vector<128x128xf32>
    %reduce_sum3A_245 = arith.constant dense<0.000000e+00> : vector<128xf32>
    %reduce_sum3A_246 = vector.multi_reduction <add>, %slice3A_242, %reduce_sum3A_245 [1] : vector<128x128xf32> to vector<128xf32>
    %broadcast_in_dim3A_247 = vector.shape_cast %reduce_sum3A_246 : vector<128xf32> to vector<128x1xf32>
    %dot_general3A_248 = arith.constant dense<0.000000e+00> : vector<128x1xf32>
    %dot_general3A_249 = tpu.matmul %convert_element_type3A_28, %broadcast_in_dim3A_247, %dot_general3A_248 {dimension_numbers = #tpu.dot_dimension_numbers<[1], [0], [0], [1], [0, 0, 1, 1], [], []>, transpose_lhs_hint = false} : vector<128x128xf32>, vector<128x1xf32>, vector<128x1xf32> -> vector<128x1xf32>
    %add3A_250 = vector.broadcast %dot_general3A_249 : vector<128x1xf32> to vector<128x128xf32>
    %add3A_251 = arith.addf %dot_general3A_244, %add3A_250 : vector<128x128xf32>
    %reduce_sum3A_252 = vector.shape_cast %broadcast_in_dim3A_247 : vector<128x1xf32> to vector<1x128x1xf32>
    %reduce_sum3A_253 = arith.constant dense<0.000000e+00> : vector<1xf32>
    %reduce_sum3A_254 = vector.multi_reduction <add>, %reduce_sum3A_252, %reduce_sum3A_253 [1, 2] : vector<1x128x1xf32> to vector<1xf32>
    %reduce_sum3A_255 = vector.shape_cast %reduce_sum3A_254 : vector<1xf32> to vector<1x1x1xf32>
    %reduce_sum3A_256 = vector.extract %reduce_sum3A_255[0, 0, 0] : f32 from vector<1x1x1xf32>
    %slice3A_257 = vector.extract_strided_slice %add3A {offsets = [1024, 0], sizes = [128, 128], strides = [1, 1]} : vector<2048x128xf32> to vector<128x128xf32>
    %dot_general3A_258 = arith.constant dense<0.000000e+00> : vector<128x128xf32>
    %dot_general3A_259 = tpu.matmul %slice3A_257, %convert_element_type3A_26, %dot_general3A_258 {dimension_numbers = #tpu.dot_dimension_numbers<[1], [0], [0], [1], [0, 0, 1, 1], [], []>, transpose_lhs_hint = false} : vector<128x128xf32>, vector<128x128xf32>, vector<128x128xf32> -> vector<128x128xf32>
    %reduce_sum3A_260 = arith.constant dense<0.000000e+00> : vector<128xf32>
    %reduce_sum3A_261 = vector.multi_reduction <add>, %slice3A_257, %reduce_sum3A_260 [1] : vector<128x128xf32> to vector<128xf32>
    %broadcast_in_dim3A_262 = vector.shape_cast %reduce_sum3A_261 : vector<128xf32> to vector<128x1xf32>
    %dot_general3A_263 = arith.constant dense<0.000000e+00> : vector<128x1xf32>
    %dot_general3A_264 = tpu.matmul %convert_element_type3A_28, %broadcast_in_dim3A_262, %dot_general3A_263 {dimension_numbers = #tpu.dot_dimension_numbers<[1], [0], [0], [1], [0, 0, 1, 1], [], []>, transpose_lhs_hint = false} : vector<128x128xf32>, vector<128x1xf32>, vector<128x1xf32> -> vector<128x1xf32>
    %add3A_265 = vector.broadcast %dot_general3A_264 : vector<128x1xf32> to vector<128x128xf32>
    %add3A_266 = arith.addf %dot_general3A_259, %add3A_265 : vector<128x128xf32>
    %reduce_sum3A_267 = vector.shape_cast %broadcast_in_dim3A_262 : vector<128x1xf32> to vector<1x128x1xf32>
    %reduce_sum3A_268 = arith.constant dense<0.000000e+00> : vector<1xf32>
    %reduce_sum3A_269 = vector.multi_reduction <add>, %reduce_sum3A_267, %reduce_sum3A_268 [1, 2] : vector<1x128x1xf32> to vector<1xf32>
    %reduce_sum3A_270 = vector.shape_cast %reduce_sum3A_269 : vector<1xf32> to vector<1x1x1xf32>
    %reduce_sum3A_271 = vector.extract %reduce_sum3A_270[0, 0, 0] : f32 from vector<1x1x1xf32>
    %slice3A_272 = vector.extract_strided_slice %add3A_10 {offsets = [1024, 0], sizes = [128, 128], strides = [1, 1]} : vector<2048x128xf32> to vector<128x128xf32>
    %dot_general3A_273 = arith.constant dense<0.000000e+00> : vector<128x128xf32>
    %dot_general3A_274 = tpu.matmul %slice3A_272, %convert_element_type3A_26, %dot_general3A_273 {dimension_numbers = #tpu.dot_dimension_numbers<[1], [0], [0], [1], [0, 0, 1, 1], [], []>, transpose_lhs_hint = false} : vector<128x128xf32>, vector<128x128xf32>, vector<128x128xf32> -> vector<128x128xf32>
    %reduce_sum3A_275 = arith.constant dense<0.000000e+00> : vector<128xf32>
    %reduce_sum3A_276 = vector.multi_reduction <add>, %slice3A_272, %reduce_sum3A_275 [1] : vector<128x128xf32> to vector<128xf32>
    %broadcast_in_dim3A_277 = vector.shape_cast %reduce_sum3A_276 : vector<128xf32> to vector<128x1xf32>
    %dot_general3A_278 = arith.constant dense<0.000000e+00> : vector<128x1xf32>
    %dot_general3A_279 = tpu.matmul %convert_element_type3A_28, %broadcast_in_dim3A_277, %dot_general3A_278 {dimension_numbers = #tpu.dot_dimension_numbers<[1], [0], [0], [1], [0, 0, 1, 1], [], []>, transpose_lhs_hint = false} : vector<128x128xf32>, vector<128x1xf32>, vector<128x1xf32> -> vector<128x1xf32>
    %add3A_280 = vector.broadcast %dot_general3A_279 : vector<128x1xf32> to vector<128x128xf32>
    %add3A_281 = arith.addf %dot_general3A_274, %add3A_280 : vector<128x128xf32>
    %reduce_sum3A_282 = vector.shape_cast %broadcast_in_dim3A_277 : vector<128x1xf32> to vector<1x128x1xf32>
    %reduce_sum3A_283 = arith.constant dense<0.000000e+00> : vector<1xf32>
    %reduce_sum3A_284 = vector.multi_reduction <add>, %reduce_sum3A_282, %reduce_sum3A_283 [1, 2] : vector<1x128x1xf32> to vector<1xf32>
    %reduce_sum3A_285 = vector.shape_cast %reduce_sum3A_284 : vector<1xf32> to vector<1x1x1xf32>
    %reduce_sum3A_286 = vector.extract %reduce_sum3A_285[0, 0, 0] : f32 from vector<1x1x1xf32>
    %slice3A_287 = vector.extract_strided_slice %add3A {offsets = [1152, 0], sizes = [128, 128], strides = [1, 1]} : vector<2048x128xf32> to vector<128x128xf32>
    %dot_general3A_288 = arith.constant dense<0.000000e+00> : vector<128x128xf32>
    %dot_general3A_289 = tpu.matmul %slice3A_287, %convert_element_type3A_26, %dot_general3A_288 {dimension_numbers = #tpu.dot_dimension_numbers<[1], [0], [0], [1], [0, 0, 1, 1], [], []>, transpose_lhs_hint = false} : vector<128x128xf32>, vector<128x128xf32>, vector<128x128xf32> -> vector<128x128xf32>
    %reduce_sum3A_290 = arith.constant dense<0.000000e+00> : vector<128xf32>
    %reduce_sum3A_291 = vector.multi_reduction <add>, %slice3A_287, %reduce_sum3A_290 [1] : vector<128x128xf32> to vector<128xf32>
    %broadcast_in_dim3A_292 = vector.shape_cast %reduce_sum3A_291 : vector<128xf32> to vector<128x1xf32>
    %dot_general3A_293 = arith.constant dense<0.000000e+00> : vector<128x1xf32>
    %dot_general3A_294 = tpu.matmul %convert_element_type3A_28, %broadcast_in_dim3A_292, %dot_general3A_293 {dimension_numbers = #tpu.dot_dimension_numbers<[1], [0], [0], [1], [0, 0, 1, 1], [], []>, transpose_lhs_hint = false} : vector<128x128xf32>, vector<128x1xf32>, vector<128x1xf32> -> vector<128x1xf32>
    %add3A_295 = vector.broadcast %dot_general3A_294 : vector<128x1xf32> to vector<128x128xf32>
    %add3A_296 = arith.addf %dot_general3A_289, %add3A_295 : vector<128x128xf32>
    %reduce_sum3A_297 = vector.shape_cast %broadcast_in_dim3A_292 : vector<128x1xf32> to vector<1x128x1xf32>
    %reduce_sum3A_298 = arith.constant dense<0.000000e+00> : vector<1xf32>
    %reduce_sum3A_299 = vector.multi_reduction <add>, %reduce_sum3A_297, %reduce_sum3A_298 [1, 2] : vector<1x128x1xf32> to vector<1xf32>
    %reduce_sum3A_300 = vector.shape_cast %reduce_sum3A_299 : vector<1xf32> to vector<1x1x1xf32>
    %reduce_sum3A_301 = vector.extract %reduce_sum3A_300[0, 0, 0] : f32 from vector<1x1x1xf32>
    %slice3A_302 = vector.extract_strided_slice %add3A_10 {offsets = [1152, 0], sizes = [128, 128], strides = [1, 1]} : vector<2048x128xf32> to vector<128x128xf32>
    %dot_general3A_303 = arith.constant dense<0.000000e+00> : vector<128x128xf32>
    %dot_general3A_304 = tpu.matmul %slice3A_302, %convert_element_type3A_26, %dot_general3A_303 {dimension_numbers = #tpu.dot_dimension_numbers<[1], [0], [0], [1], [0, 0, 1, 1], [], []>, transpose_lhs_hint = false} : vector<128x128xf32>, vector<128x128xf32>, vector<128x128xf32> -> vector<128x128xf32>
    %reduce_sum3A_305 = arith.constant dense<0.000000e+00> : vector<128xf32>
    %reduce_sum3A_306 = vector.multi_reduction <add>, %slice3A_302, %reduce_sum3A_305 [1] : vector<128x128xf32> to vector<128xf32>
    %broadcast_in_dim3A_307 = vector.shape_cast %reduce_sum3A_306 : vector<128xf32> to vector<128x1xf32>
    %dot_general3A_308 = arith.constant dense<0.000000e+00> : vector<128x1xf32>
    %dot_general3A_309 = tpu.matmul %convert_element_type3A_28, %broadcast_in_dim3A_307, %dot_general3A_308 {dimension_numbers = #tpu.dot_dimension_numbers<[1], [0], [0], [1], [0, 0, 1, 1], [], []>, transpose_lhs_hint = false} : vector<128x128xf32>, vector<128x1xf32>, vector<128x1xf32> -> vector<128x1xf32>
    %add3A_310 = vector.broadcast %dot_general3A_309 : vector<128x1xf32> to vector<128x128xf32>
    %add3A_311 = arith.addf %dot_general3A_304, %add3A_310 : vector<128x128xf32>
    %reduce_sum3A_312 = vector.shape_cast %broadcast_in_dim3A_307 : vector<128x1xf32> to vector<1x128x1xf32>
    %reduce_sum3A_313 = arith.constant dense<0.000000e+00> : vector<1xf32>
    %reduce_sum3A_314 = vector.multi_reduction <add>, %reduce_sum3A_312, %reduce_sum3A_313 [1, 2] : vector<1x128x1xf32> to vector<1xf32>
    %reduce_sum3A_315 = vector.shape_cast %reduce_sum3A_314 : vector<1xf32> to vector<1x1x1xf32>
    %reduce_sum3A_316 = vector.extract %reduce_sum3A_315[0, 0, 0] : f32 from vector<1x1x1xf32>
    %slice3A_317 = vector.extract_strided_slice %add3A {offsets = [1280, 0], sizes = [128, 128], strides = [1, 1]} : vector<2048x128xf32> to vector<128x128xf32>
    %dot_general3A_318 = arith.constant dense<0.000000e+00> : vector<128x128xf32>
    %dot_general3A_319 = tpu.matmul %slice3A_317, %convert_element_type3A_26, %dot_general3A_318 {dimension_numbers = #tpu.dot_dimension_numbers<[1], [0], [0], [1], [0, 0, 1, 1], [], []>, transpose_lhs_hint = false} : vector<128x128xf32>, vector<128x128xf32>, vector<128x128xf32> -> vector<128x128xf32>
    %reduce_sum3A_320 = arith.constant dense<0.000000e+00> : vector<128xf32>
    %reduce_sum3A_321 = vector.multi_reduction <add>, %slice3A_317, %reduce_sum3A_320 [1] : vector<128x128xf32> to vector<128xf32>
    %broadcast_in_dim3A_322 = vector.shape_cast %reduce_sum3A_321 : vector<128xf32> to vector<128x1xf32>
    %dot_general3A_323 = arith.constant dense<0.000000e+00> : vector<128x1xf32>
    %dot_general3A_324 = tpu.matmul %convert_element_type3A_28, %broadcast_in_dim3A_322, %dot_general3A_323 {dimension_numbers = #tpu.dot_dimension_numbers<[1], [0], [0], [1], [0, 0, 1, 1], [], []>, transpose_lhs_hint = false} : vector<128x128xf32>, vector<128x1xf32>, vector<128x1xf32> -> vector<128x1xf32>
    %add3A_325 = vector.broadcast %dot_general3A_324 : vector<128x1xf32> to vector<128x128xf32>
    %add3A_326 = arith.addf %dot_general3A_319, %add3A_325 : vector<128x128xf32>
    %reduce_sum3A_327 = vector.shape_cast %broadcast_in_dim3A_322 : vector<128x1xf32> to vector<1x128x1xf32>
    %reduce_sum3A_328 = arith.constant dense<0.000000e+00> : vector<1xf32>
    %reduce_sum3A_329 = vector.multi_reduction <add>, %reduce_sum3A_327, %reduce_sum3A_328 [1, 2] : vector<1x128x1xf32> to vector<1xf32>
    %reduce_sum3A_330 = vector.shape_cast %reduce_sum3A_329 : vector<1xf32> to vector<1x1x1xf32>
    %reduce_sum3A_331 = vector.extract %reduce_sum3A_330[0, 0, 0] : f32 from vector<1x1x1xf32>
    %slice3A_332 = vector.extract_strided_slice %add3A_10 {offsets = [1280, 0], sizes = [128, 128], strides = [1, 1]} : vector<2048x128xf32> to vector<128x128xf32>
    %dot_general3A_333 = arith.constant dense<0.000000e+00> : vector<128x128xf32>
    %dot_general3A_334 = tpu.matmul %slice3A_332, %convert_element_type3A_26, %dot_general3A_333 {dimension_numbers = #tpu.dot_dimension_numbers<[1], [0], [0], [1], [0, 0, 1, 1], [], []>, transpose_lhs_hint = false} : vector<128x128xf32>, vector<128x128xf32>, vector<128x128xf32> -> vector<128x128xf32>
    %reduce_sum3A_335 = arith.constant dense<0.000000e+00> : vector<128xf32>
    %reduce_sum3A_336 = vector.multi_reduction <add>, %slice3A_332, %reduce_sum3A_335 [1] : vector<128x128xf32> to vector<128xf32>
    %broadcast_in_dim3A_337 = vector.shape_cast %reduce_sum3A_336 : vector<128xf32> to vector<128x1xf32>
    %dot_general3A_338 = arith.constant dense<0.000000e+00> : vector<128x1xf32>
    %dot_general3A_339 = tpu.matmul %convert_element_type3A_28, %broadcast_in_dim3A_337, %dot_general3A_338 {dimension_numbers = #tpu.dot_dimension_numbers<[1], [0], [0], [1], [0, 0, 1, 1], [], []>, transpose_lhs_hint = false} : vector<128x128xf32>, vector<128x1xf32>, vector<128x1xf32> -> vector<128x1xf32>
    %add3A_340 = vector.broadcast %dot_general3A_339 : vector<128x1xf32> to vector<128x128xf32>
    %add3A_341 = arith.addf %dot_general3A_334, %add3A_340 : vector<128x128xf32>
    %reduce_sum3A_342 = vector.shape_cast %broadcast_in_dim3A_337 : vector<128x1xf32> to vector<1x128x1xf32>
    %reduce_sum3A_343 = arith.constant dense<0.000000e+00> : vector<1xf32>
    %reduce_sum3A_344 = vector.multi_reduction <add>, %reduce_sum3A_342, %reduce_sum3A_343 [1, 2] : vector<1x128x1xf32> to vector<1xf32>
    %reduce_sum3A_345 = vector.shape_cast %reduce_sum3A_344 : vector<1xf32> to vector<1x1x1xf32>
    %reduce_sum3A_346 = vector.extract %reduce_sum3A_345[0, 0, 0] : f32 from vector<1x1x1xf32>
    %slice3A_347 = vector.extract_strided_slice %add3A {offsets = [1408, 0], sizes = [128, 128], strides = [1, 1]} : vector<2048x128xf32> to vector<128x128xf32>
    %dot_general3A_348 = arith.constant dense<0.000000e+00> : vector<128x128xf32>
    %dot_general3A_349 = tpu.matmul %slice3A_347, %convert_element_type3A_26, %dot_general3A_348 {dimension_numbers = #tpu.dot_dimension_numbers<[1], [0], [0], [1], [0, 0, 1, 1], [], []>, transpose_lhs_hint = false} : vector<128x128xf32>, vector<128x128xf32>, vector<128x128xf32> -> vector<128x128xf32>
    %reduce_sum3A_350 = arith.constant dense<0.000000e+00> : vector<128xf32>
    %reduce_sum3A_351 = vector.multi_reduction <add>, %slice3A_347, %reduce_sum3A_350 [1] : vector<128x128xf32> to vector<128xf32>
    %broadcast_in_dim3A_352 = vector.shape_cast %reduce_sum3A_351 : vector<128xf32> to vector<128x1xf32>
    %dot_general3A_353 = arith.constant dense<0.000000e+00> : vector<128x1xf32>
    %dot_general3A_354 = tpu.matmul %convert_element_type3A_28, %broadcast_in_dim3A_352, %dot_general3A_353 {dimension_numbers = #tpu.dot_dimension_numbers<[1], [0], [0], [1], [0, 0, 1, 1], [], []>, transpose_lhs_hint = false} : vector<128x128xf32>, vector<128x1xf32>, vector<128x1xf32> -> vector<128x1xf32>
    %add3A_355 = vector.broadcast %dot_general3A_354 : vector<128x1xf32> to vector<128x128xf32>
    %add3A_356 = arith.addf %dot_general3A_349, %add3A_355 : vector<128x128xf32>
    %reduce_sum3A_357 = vector.shape_cast %broadcast_in_dim3A_352 : vector<128x1xf32> to vector<1x128x1xf32>
    %reduce_sum3A_358 = arith.constant dense<0.000000e+00> : vector<1xf32>
    %reduce_sum3A_359 = vector.multi_reduction <add>, %reduce_sum3A_357, %reduce_sum3A_358 [1, 2] : vector<1x128x1xf32> to vector<1xf32>
    %reduce_sum3A_360 = vector.shape_cast %reduce_sum3A_359 : vector<1xf32> to vector<1x1x1xf32>
    %reduce_sum3A_361 = vector.extract %reduce_sum3A_360[0, 0, 0] : f32 from vector<1x1x1xf32>
    %slice3A_362 = vector.extract_strided_slice %add3A_10 {offsets = [1408, 0], sizes = [128, 128], strides = [1, 1]} : vector<2048x128xf32> to vector<128x128xf32>
    %dot_general3A_363 = arith.constant dense<0.000000e+00> : vector<128x128xf32>
    %dot_general3A_364 = tpu.matmul %slice3A_362, %convert_element_type3A_26, %dot_general3A_363 {dimension_numbers = #tpu.dot_dimension_numbers<[1], [0], [0], [1], [0, 0, 1, 1], [], []>, transpose_lhs_hint = false} : vector<128x128xf32>, vector<128x128xf32>, vector<128x128xf32> -> vector<128x128xf32>
    %reduce_sum3A_365 = arith.constant dense<0.000000e+00> : vector<128xf32>
    %reduce_sum3A_366 = vector.multi_reduction <add>, %slice3A_362, %reduce_sum3A_365 [1] : vector<128x128xf32> to vector<128xf32>
    %broadcast_in_dim3A_367 = vector.shape_cast %reduce_sum3A_366 : vector<128xf32> to vector<128x1xf32>
    %dot_general3A_368 = arith.constant dense<0.000000e+00> : vector<128x1xf32>
    %dot_general3A_369 = tpu.matmul %convert_element_type3A_28, %broadcast_in_dim3A_367, %dot_general3A_368 {dimension_numbers = #tpu.dot_dimension_numbers<[1], [0], [0], [1], [0, 0, 1, 1], [], []>, transpose_lhs_hint = false} : vector<128x128xf32>, vector<128x1xf32>, vector<128x1xf32> -> vector<128x1xf32>
    %add3A_370 = vector.broadcast %dot_general3A_369 : vector<128x1xf32> to vector<128x128xf32>
    %add3A_371 = arith.addf %dot_general3A_364, %add3A_370 : vector<128x128xf32>
    %reduce_sum3A_372 = vector.shape_cast %broadcast_in_dim3A_367 : vector<128x1xf32> to vector<1x128x1xf32>
    %reduce_sum3A_373 = arith.constant dense<0.000000e+00> : vector<1xf32>
    %reduce_sum3A_374 = vector.multi_reduction <add>, %reduce_sum3A_372, %reduce_sum3A_373 [1, 2] : vector<1x128x1xf32> to vector<1xf32>
    %reduce_sum3A_375 = vector.shape_cast %reduce_sum3A_374 : vector<1xf32> to vector<1x1x1xf32>
    %reduce_sum3A_376 = vector.extract %reduce_sum3A_375[0, 0, 0] : f32 from vector<1x1x1xf32>
    %slice3A_377 = vector.extract_strided_slice %add3A {offsets = [1536, 0], sizes = [128, 128], strides = [1, 1]} : vector<2048x128xf32> to vector<128x128xf32>
    %dot_general3A_378 = arith.constant dense<0.000000e+00> : vector<128x128xf32>
    %dot_general3A_379 = tpu.matmul %slice3A_377, %convert_element_type3A_26, %dot_general3A_378 {dimension_numbers = #tpu.dot_dimension_numbers<[1], [0], [0], [1], [0, 0, 1, 1], [], []>, transpose_lhs_hint = false} : vector<128x128xf32>, vector<128x128xf32>, vector<128x128xf32> -> vector<128x128xf32>
    %reduce_sum3A_380 = arith.constant dense<0.000000e+00> : vector<128xf32>
    %reduce_sum3A_381 = vector.multi_reduction <add>, %slice3A_377, %reduce_sum3A_380 [1] : vector<128x128xf32> to vector<128xf32>
    %broadcast_in_dim3A_382 = vector.shape_cast %reduce_sum3A_381 : vector<128xf32> to vector<128x1xf32>
    %dot_general3A_383 = arith.constant dense<0.000000e+00> : vector<128x1xf32>
    %dot_general3A_384 = tpu.matmul %convert_element_type3A_28, %broadcast_in_dim3A_382, %dot_general3A_383 {dimension_numbers = #tpu.dot_dimension_numbers<[1], [0], [0], [1], [0, 0, 1, 1], [], []>, transpose_lhs_hint = false} : vector<128x128xf32>, vector<128x1xf32>, vector<128x1xf32> -> vector<128x1xf32>
    %add3A_385 = vector.broadcast %dot_general3A_384 : vector<128x1xf32> to vector<128x128xf32>
    %add3A_386 = arith.addf %dot_general3A_379, %add3A_385 : vector<128x128xf32>
    %reduce_sum3A_387 = vector.shape_cast %broadcast_in_dim3A_382 : vector<128x1xf32> to vector<1x128x1xf32>
    %reduce_sum3A_388 = arith.constant dense<0.000000e+00> : vector<1xf32>
    %reduce_sum3A_389 = vector.multi_reduction <add>, %reduce_sum3A_387, %reduce_sum3A_388 [1, 2] : vector<1x128x1xf32> to vector<1xf32>
    %reduce_sum3A_390 = vector.shape_cast %reduce_sum3A_389 : vector<1xf32> to vector<1x1x1xf32>
    %reduce_sum3A_391 = vector.extract %reduce_sum3A_390[0, 0, 0] : f32 from vector<1x1x1xf32>
    %slice3A_392 = vector.extract_strided_slice %add3A_10 {offsets = [1536, 0], sizes = [128, 128], strides = [1, 1]} : vector<2048x128xf32> to vector<128x128xf32>
    %dot_general3A_393 = arith.constant dense<0.000000e+00> : vector<128x128xf32>
    %dot_general3A_394 = tpu.matmul %slice3A_392, %convert_element_type3A_26, %dot_general3A_393 {dimension_numbers = #tpu.dot_dimension_numbers<[1], [0], [0], [1], [0, 0, 1, 1], [], []>, transpose_lhs_hint = false} : vector<128x128xf32>, vector<128x128xf32>, vector<128x128xf32> -> vector<128x128xf32>
    %reduce_sum3A_395 = arith.constant dense<0.000000e+00> : vector<128xf32>
    %reduce_sum3A_396 = vector.multi_reduction <add>, %slice3A_392, %reduce_sum3A_395 [1] : vector<128x128xf32> to vector<128xf32>
    %broadcast_in_dim3A_397 = vector.shape_cast %reduce_sum3A_396 : vector<128xf32> to vector<128x1xf32>
    %dot_general3A_398 = arith.constant dense<0.000000e+00> : vector<128x1xf32>
    %dot_general3A_399 = tpu.matmul %convert_element_type3A_28, %broadcast_in_dim3A_397, %dot_general3A_398 {dimension_numbers = #tpu.dot_dimension_numbers<[1], [0], [0], [1], [0, 0, 1, 1], [], []>, transpose_lhs_hint = false} : vector<128x128xf32>, vector<128x1xf32>, vector<128x1xf32> -> vector<128x1xf32>
    %add3A_400 = vector.broadcast %dot_general3A_399 : vector<128x1xf32> to vector<128x128xf32>
    %add3A_401 = arith.addf %dot_general3A_394, %add3A_400 : vector<128x128xf32>
    %reduce_sum3A_402 = vector.shape_cast %broadcast_in_dim3A_397 : vector<128x1xf32> to vector<1x128x1xf32>
    %reduce_sum3A_403 = arith.constant dense<0.000000e+00> : vector<1xf32>
    %reduce_sum3A_404 = vector.multi_reduction <add>, %reduce_sum3A_402, %reduce_sum3A_403 [1, 2] : vector<1x128x1xf32> to vector<1xf32>
    %reduce_sum3A_405 = vector.shape_cast %reduce_sum3A_404 : vector<1xf32> to vector<1x1x1xf32>
    %reduce_sum3A_406 = vector.extract %reduce_sum3A_405[0, 0, 0] : f32 from vector<1x1x1xf32>
    %slice3A_407 = vector.extract_strided_slice %add3A {offsets = [1664, 0], sizes = [128, 128], strides = [1, 1]} : vector<2048x128xf32> to vector<128x128xf32>
    %dot_general3A_408 = arith.constant dense<0.000000e+00> : vector<128x128xf32>
    %dot_general3A_409 = tpu.matmul %slice3A_407, %convert_element_type3A_26, %dot_general3A_408 {dimension_numbers = #tpu.dot_dimension_numbers<[1], [0], [0], [1], [0, 0, 1, 1], [], []>, transpose_lhs_hint = false} : vector<128x128xf32>, vector<128x128xf32>, vector<128x128xf32> -> vector<128x128xf32>
    %reduce_sum3A_410 = arith.constant dense<0.000000e+00> : vector<128xf32>
    %reduce_sum3A_411 = vector.multi_reduction <add>, %slice3A_407, %reduce_sum3A_410 [1] : vector<128x128xf32> to vector<128xf32>
    %broadcast_in_dim3A_412 = vector.shape_cast %reduce_sum3A_411 : vector<128xf32> to vector<128x1xf32>
    %dot_general3A_413 = arith.constant dense<0.000000e+00> : vector<128x1xf32>
    %dot_general3A_414 = tpu.matmul %convert_element_type3A_28, %broadcast_in_dim3A_412, %dot_general3A_413 {dimension_numbers = #tpu.dot_dimension_numbers<[1], [0], [0], [1], [0, 0, 1, 1], [], []>, transpose_lhs_hint = false} : vector<128x128xf32>, vector<128x1xf32>, vector<128x1xf32> -> vector<128x1xf32>
    %add3A_415 = vector.broadcast %dot_general3A_414 : vector<128x1xf32> to vector<128x128xf32>
    %add3A_416 = arith.addf %dot_general3A_409, %add3A_415 : vector<128x128xf32>
    %reduce_sum3A_417 = vector.shape_cast %broadcast_in_dim3A_412 : vector<128x1xf32> to vector<1x128x1xf32>
    %reduce_sum3A_418 = arith.constant dense<0.000000e+00> : vector<1xf32>
    %reduce_sum3A_419 = vector.multi_reduction <add>, %reduce_sum3A_417, %reduce_sum3A_418 [1, 2] : vector<1x128x1xf32> to vector<1xf32>
    %reduce_sum3A_420 = vector.shape_cast %reduce_sum3A_419 : vector<1xf32> to vector<1x1x1xf32>
    %reduce_sum3A_421 = vector.extract %reduce_sum3A_420[0, 0, 0] : f32 from vector<1x1x1xf32>
    %slice3A_422 = vector.extract_strided_slice %add3A_10 {offsets = [1664, 0], sizes = [128, 128], strides = [1, 1]} : vector<2048x128xf32> to vector<128x128xf32>
    %dot_general3A_423 = arith.constant dense<0.000000e+00> : vector<128x128xf32>
    %dot_general3A_424 = tpu.matmul %slice3A_422, %convert_element_type3A_26, %dot_general3A_423 {dimension_numbers = #tpu.dot_dimension_numbers<[1], [0], [0], [1], [0, 0, 1, 1], [], []>, transpose_lhs_hint = false} : vector<128x128xf32>, vector<128x128xf32>, vector<128x128xf32> -> vector<128x128xf32>
    %reduce_sum3A_425 = arith.constant dense<0.000000e+00> : vector<128xf32>
    %reduce_sum3A_426 = vector.multi_reduction <add>, %slice3A_422, %reduce_sum3A_425 [1] : vector<128x128xf32> to vector<128xf32>
    %broadcast_in_dim3A_427 = vector.shape_cast %reduce_sum3A_426 : vector<128xf32> to vector<128x1xf32>
    %dot_general3A_428 = arith.constant dense<0.000000e+00> : vector<128x1xf32>
    %dot_general3A_429 = tpu.matmul %convert_element_type3A_28, %broadcast_in_dim3A_427, %dot_general3A_428 {dimension_numbers = #tpu.dot_dimension_numbers<[1], [0], [0], [1], [0, 0, 1, 1], [], []>, transpose_lhs_hint = false} : vector<128x128xf32>, vector<128x1xf32>, vector<128x1xf32> -> vector<128x1xf32>
    %add3A_430 = vector.broadcast %dot_general3A_429 : vector<128x1xf32> to vector<128x128xf32>
    %add3A_431 = arith.addf %dot_general3A_424, %add3A_430 : vector<128x128xf32>
    %reduce_sum3A_432 = vector.shape_cast %broadcast_in_dim3A_427 : vector<128x1xf32> to vector<1x128x1xf32>
    %reduce_sum3A_433 = arith.constant dense<0.000000e+00> : vector<1xf32>
    %reduce_sum3A_434 = vector.multi_reduction <add>, %reduce_sum3A_432, %reduce_sum3A_433 [1, 2] : vector<1x128x1xf32> to vector<1xf32>
    %reduce_sum3A_435 = vector.shape_cast %reduce_sum3A_434 : vector<1xf32> to vector<1x1x1xf32>
    %reduce_sum3A_436 = vector.extract %reduce_sum3A_435[0, 0, 0] : f32 from vector<1x1x1xf32>
    %slice3A_437 = vector.extract_strided_slice %add3A {offsets = [1792, 0], sizes = [128, 128], strides = [1, 1]} : vector<2048x128xf32> to vector<128x128xf32>
    %dot_general3A_438 = arith.constant dense<0.000000e+00> : vector<128x128xf32>
    %dot_general3A_439 = tpu.matmul %slice3A_437, %convert_element_type3A_26, %dot_general3A_438 {dimension_numbers = #tpu.dot_dimension_numbers<[1], [0], [0], [1], [0, 0, 1, 1], [], []>, transpose_lhs_hint = false} : vector<128x128xf32>, vector<128x128xf32>, vector<128x128xf32> -> vector<128x128xf32>
    %reduce_sum3A_440 = arith.constant dense<0.000000e+00> : vector<128xf32>
    %reduce_sum3A_441 = vector.multi_reduction <add>, %slice3A_437, %reduce_sum3A_440 [1] : vector<128x128xf32> to vector<128xf32>
    %broadcast_in_dim3A_442 = vector.shape_cast %reduce_sum3A_441 : vector<128xf32> to vector<128x1xf32>
    %dot_general3A_443 = arith.constant dense<0.000000e+00> : vector<128x1xf32>
    %dot_general3A_444 = tpu.matmul %convert_element_type3A_28, %broadcast_in_dim3A_442, %dot_general3A_443 {dimension_numbers = #tpu.dot_dimension_numbers<[1], [0], [0], [1], [0, 0, 1, 1], [], []>, transpose_lhs_hint = false} : vector<128x128xf32>, vector<128x1xf32>, vector<128x1xf32> -> vector<128x1xf32>
    %add3A_445 = vector.broadcast %dot_general3A_444 : vector<128x1xf32> to vector<128x128xf32>
    %add3A_446 = arith.addf %dot_general3A_439, %add3A_445 : vector<128x128xf32>
    %reduce_sum3A_447 = vector.shape_cast %broadcast_in_dim3A_442 : vector<128x1xf32> to vector<1x128x1xf32>
    %reduce_sum3A_448 = arith.constant dense<0.000000e+00> : vector<1xf32>
    %reduce_sum3A_449 = vector.multi_reduction <add>, %reduce_sum3A_447, %reduce_sum3A_448 [1, 2] : vector<1x128x1xf32> to vector<1xf32>
    %reduce_sum3A_450 = vector.shape_cast %reduce_sum3A_449 : vector<1xf32> to vector<1x1x1xf32>
    %reduce_sum3A_451 = vector.extract %reduce_sum3A_450[0, 0, 0] : f32 from vector<1x1x1xf32>
    %slice3A_452 = vector.extract_strided_slice %add3A_10 {offsets = [1792, 0], sizes = [128, 128], strides = [1, 1]} : vector<2048x128xf32> to vector<128x128xf32>
    %dot_general3A_453 = arith.constant dense<0.000000e+00> : vector<128x128xf32>
    %dot_general3A_454 = tpu.matmul %slice3A_452, %convert_element_type3A_26, %dot_general3A_453 {dimension_numbers = #tpu.dot_dimension_numbers<[1], [0], [0], [1], [0, 0, 1, 1], [], []>, transpose_lhs_hint = false} : vector<128x128xf32>, vector<128x128xf32>, vector<128x128xf32> -> vector<128x128xf32>
    %reduce_sum3A_455 = arith.constant dense<0.000000e+00> : vector<128xf32>
    %reduce_sum3A_456 = vector.multi_reduction <add>, %slice3A_452, %reduce_sum3A_455 [1] : vector<128x128xf32> to vector<128xf32>
    %broadcast_in_dim3A_457 = vector.shape_cast %reduce_sum3A_456 : vector<128xf32> to vector<128x1xf32>
    %dot_general3A_458 = arith.constant dense<0.000000e+00> : vector<128x1xf32>
    %dot_general3A_459 = tpu.matmul %convert_element_type3A_28, %broadcast_in_dim3A_457, %dot_general3A_458 {dimension_numbers = #tpu.dot_dimension_numbers<[1], [0], [0], [1], [0, 0, 1, 1], [], []>, transpose_lhs_hint = false} : vector<128x128xf32>, vector<128x1xf32>, vector<128x1xf32> -> vector<128x1xf32>
    %add3A_460 = vector.broadcast %dot_general3A_459 : vector<128x1xf32> to vector<128x128xf32>
    %add3A_461 = arith.addf %dot_general3A_454, %add3A_460 : vector<128x128xf32>
    %reduce_sum3A_462 = vector.shape_cast %broadcast_in_dim3A_457 : vector<128x1xf32> to vector<1x128x1xf32>
    %reduce_sum3A_463 = arith.constant dense<0.000000e+00> : vector<1xf32>
    %reduce_sum3A_464 = vector.multi_reduction <add>, %reduce_sum3A_462, %reduce_sum3A_463 [1, 2] : vector<1x128x1xf32> to vector<1xf32>
    %reduce_sum3A_465 = vector.shape_cast %reduce_sum3A_464 : vector<1xf32> to vector<1x1x1xf32>
    %reduce_sum3A_466 = vector.extract %reduce_sum3A_465[0, 0, 0] : f32 from vector<1x1x1xf32>
    %slice3A_467 = vector.extract_strided_slice %add3A {offsets = [1920, 0], sizes = [128, 128], strides = [1, 1]} : vector<2048x128xf32> to vector<128x128xf32>
    %dot_general3A_468 = arith.constant dense<0.000000e+00> : vector<128x128xf32>
    %dot_general3A_469 = tpu.matmul %slice3A_467, %convert_element_type3A_26, %dot_general3A_468 {dimension_numbers = #tpu.dot_dimension_numbers<[1], [0], [0], [1], [0, 0, 1, 1], [], []>, transpose_lhs_hint = false} : vector<128x128xf32>, vector<128x128xf32>, vector<128x128xf32> -> vector<128x128xf32>
    %reduce_sum3A_470 = arith.constant dense<0.000000e+00> : vector<128xf32>
    %reduce_sum3A_471 = vector.multi_reduction <add>, %slice3A_467, %reduce_sum3A_470 [1] : vector<128x128xf32> to vector<128xf32>
    %broadcast_in_dim3A_472 = vector.shape_cast %reduce_sum3A_471 : vector<128xf32> to vector<128x1xf32>
    %dot_general3A_473 = arith.constant dense<0.000000e+00> : vector<128x1xf32>
    %dot_general3A_474 = tpu.matmul %convert_element_type3A_28, %broadcast_in_dim3A_472, %dot_general3A_473 {dimension_numbers = #tpu.dot_dimension_numbers<[1], [0], [0], [1], [0, 0, 1, 1], [], []>, transpose_lhs_hint = false} : vector<128x128xf32>, vector<128x1xf32>, vector<128x1xf32> -> vector<128x1xf32>
    %add3A_475 = vector.broadcast %dot_general3A_474 : vector<128x1xf32> to vector<128x128xf32>
    %add3A_476 = arith.addf %dot_general3A_469, %add3A_475 : vector<128x128xf32>
    %reduce_sum3A_477 = vector.shape_cast %broadcast_in_dim3A_472 : vector<128x1xf32> to vector<1x128x1xf32>
    %reduce_sum3A_478 = arith.constant dense<0.000000e+00> : vector<1xf32>
    %reduce_sum3A_479 = vector.multi_reduction <add>, %reduce_sum3A_477, %reduce_sum3A_478 [1, 2] : vector<1x128x1xf32> to vector<1xf32>
    %reduce_sum3A_480 = vector.shape_cast %reduce_sum3A_479 : vector<1xf32> to vector<1x1x1xf32>
    %reduce_sum3A_481 = vector.extract %reduce_sum3A_480[0, 0, 0] : f32 from vector<1x1x1xf32>
    %slice3A_482 = vector.extract_strided_slice %add3A_10 {offsets = [1920, 0], sizes = [128, 128], strides = [1, 1]} : vector<2048x128xf32> to vector<128x128xf32>
    %dot_general3A_483 = arith.constant dense<0.000000e+00> : vector<128x128xf32>
    %dot_general3A_484 = tpu.matmul %slice3A_482, %convert_element_type3A_26, %dot_general3A_483 {dimension_numbers = #tpu.dot_dimension_numbers<[1], [0], [0], [1], [0, 0, 1, 1], [], []>, transpose_lhs_hint = false} : vector<128x128xf32>, vector<128x128xf32>, vector<128x128xf32> -> vector<128x128xf32>
    %reduce_sum3A_485 = arith.constant dense<0.000000e+00> : vector<128xf32>
    %reduce_sum3A_486 = vector.multi_reduction <add>, %slice3A_482, %reduce_sum3A_485 [1] : vector<128x128xf32> to vector<128xf32>
    %broadcast_in_dim3A_487 = vector.shape_cast %reduce_sum3A_486 : vector<128xf32> to vector<128x1xf32>
    %dot_general3A_488 = arith.constant dense<0.000000e+00> : vector<128x1xf32>
    %dot_general3A_489 = tpu.matmul %convert_element_type3A_28, %broadcast_in_dim3A_487, %dot_general3A_488 {dimension_numbers = #tpu.dot_dimension_numbers<[1], [0], [0], [1], [0, 0, 1, 1], [], []>, transpose_lhs_hint = false} : vector<128x128xf32>, vector<128x1xf32>, vector<128x1xf32> -> vector<128x1xf32>
    %add3A_490 = vector.broadcast %dot_general3A_489 : vector<128x1xf32> to vector<128x128xf32>
    %add3A_491 = arith.addf %dot_general3A_484, %add3A_490 : vector<128x128xf32>
    %reduce_sum3A_492 = vector.shape_cast %broadcast_in_dim3A_487 : vector<128x1xf32> to vector<1x128x1xf32>
    %reduce_sum3A_493 = arith.constant dense<0.000000e+00> : vector<1xf32>
    %reduce_sum3A_494 = vector.multi_reduction <add>, %reduce_sum3A_492, %reduce_sum3A_493 [1, 2] : vector<1x128x1xf32> to vector<1xf32>
    %reduce_sum3A_495 = vector.shape_cast %reduce_sum3A_494 : vector<1xf32> to vector<1x1x1xf32>
    %reduce_sum3A_496 = vector.extract %reduce_sum3A_495[0, 0, 0] : f32 from vector<1x1x1xf32>
    %add3A_497 = arith.constant 0.000000e+00 : f32
    %add3A_498 = vector.broadcast %add3A_497 : f32 to vector<128x128xf32>
    %add3A_499 = arith.addf %add3A_476, %add3A_498 : vector<128x128xf32>
    %add3A_500 = arith.constant 0.000000e+00 : f32
    %add3A_501 = vector.broadcast %add3A_500 : f32 to vector<128x128xf32>
    %add3A_502 = arith.addf %add3A_491, %add3A_501 : vector<128x128xf32>
    %add3A_503 = vector.broadcast %reduce_sum3A_24 : f32 to vector<128x128xf32>
    %add3A_504 = arith.addf %add3A_503, %add3A_499 : vector<128x128xf32>
    %slice3A_505 = vector.extract_strided_slice %add3A_20 {offsets = [1920, 0], sizes = [128, 128], strides = [1, 1]} : vector<2048x128xf32> to vector<128x128xf32>
    %div3A = arith.divf %slice3A_505, %add3A_504 : vector<128x128xf32>
    %slice3A_506 = vector.extract_strided_slice %add3A_15 {offsets = [1920, 0], sizes = [128, 128], strides = [1, 1]} : vector<2048x128xf32> to vector<128x128xf32>
    %sub3A = vector.broadcast %reduce_sum3A_24 : f32 to vector<128x128xf32>
    %sub3A_507 = arith.subf %sub3A, %add3A_502 : vector<128x128xf32>
    %slice3A_508 = vector.extract_strided_slice %add3A_10 {offsets = [1920, 0], sizes = [128, 128], strides = [1, 1]} : vector<2048x128xf32> to vector<128x128xf32>
    %sub3A_509 = arith.subf %sub3A_507, %slice3A_508 : vector<128x128xf32>
    %mul3A = arith.mulf %slice3A_506, %sub3A_509 : vector<128x128xf32>
    %slice3A_510 = vector.extract_strided_slice %add3A {offsets = [1920, 0], sizes = [128, 128], strides = [1, 1]} : vector<2048x128xf32> to vector<128x128xf32>
    %add3A_511 = arith.addf %add3A_504, %slice3A_510 : vector<128x128xf32>
    %mul3A_512 = arith.mulf %add3A_504, %add3A_511 : vector<128x128xf32>
    %div3A_513 = arith.divf %mul3A, %mul3A_512 : vector<128x128xf32>
    %add3A_514 = arith.addf %div3A, %div3A_513 : vector<128x128xf32>
    %reduce_sum3A_515 = vector.shape_cast %add3A_514 : vector<128x128xf32> to vector<1x128x128xf32>
    %reduce_sum3A_516 = arith.constant dense<0.000000e+00> : vector<1xf32>
    %reduce_sum3A_517 = vector.multi_reduction <add>, %reduce_sum3A_515, %reduce_sum3A_516 [1, 2] : vector<1x128x128xf32> to vector<1xf32>
    %reduce_sum3A_518 = vector.shape_cast %reduce_sum3A_517 : vector<1xf32> to vector<1x1x1xf32>
    %reduce_sum3A_519 = vector.extract %reduce_sum3A_518[0, 0, 0] : f32 from vector<1x1x1xf32>
    %add3A_520 = arith.constant 0.000000e+00 : f32
    %add3A_521 = arith.addf %add3A_520, %reduce_sum3A_519 : f32
    %add3A_522 = arith.constant 0.000000e+00 : f32
    %add3A_523 = arith.addf %add3A_522, %reduce_sum3A_481 : f32
    %add3A_524 = arith.constant 0.000000e+00 : f32
    %add3A_525 = arith.addf %add3A_524, %reduce_sum3A_496 : f32
    %add3A_526 = vector.broadcast %add3A_523 : f32 to vector<128x128xf32>
    %add3A_527 = arith.addf %add3A_446, %add3A_526 : vector<128x128xf32>
    %add3A_528 = vector.broadcast %add3A_525 : f32 to vector<128x128xf32>
    %add3A_529 = arith.addf %add3A_461, %add3A_528 : vector<128x128xf32>
    %add3A_530 = vector.broadcast %reduce_sum3A_24 : f32 to vector<128x128xf32>
    %add3A_531 = arith.addf %add3A_530, %add3A_527 : vector<128x128xf32>
    %slice3A_532 = vector.extract_strided_slice %add3A_20 {offsets = [1792, 0], sizes = [128, 128], strides = [1, 1]} : vector<2048x128xf32> to vector<128x128xf32>
    %div3A_533 = arith.divf %slice3A_532, %add3A_531 : vector<128x128xf32>
    %slice3A_534 = vector.extract_strided_slice %add3A_15 {offsets = [1792, 0], sizes = [128, 128], strides = [1, 1]} : vector<2048x128xf32> to vector<128x128xf32>
    %sub3A_535 = vector.broadcast %reduce_sum3A_24 : f32 to vector<128x128xf32>
    %sub3A_536 = arith.subf %sub3A_535, %add3A_529 : vector<128x128xf32>
    %slice3A_537 = vector.extract_strided_slice %add3A_10 {offsets = [1792, 0], sizes = [128, 128], strides = [1, 1]} : vector<2048x128xf32> to vector<128x128xf32>
    %sub3A_538 = arith.subf %sub3A_536, %slice3A_537 : vector<128x128xf32>
    %mul3A_539 = arith.mulf %slice3A_534, %sub3A_538 : vector<128x128xf32>
    %slice3A_540 = vector.extract_strided_slice %add3A {offsets = [1792, 0], sizes = [128, 128], strides = [1, 1]} : vector<2048x128xf32> to vector<128x128xf32>
    %add3A_541 = arith.addf %add3A_531, %slice3A_540 : vector<128x128xf32>
    %mul3A_542 = arith.mulf %add3A_531, %add3A_541 : vector<128x128xf32>
    %div3A_543 = arith.divf %mul3A_539, %mul3A_542 : vector<128x128xf32>
    %add3A_544 = arith.addf %div3A_533, %div3A_543 : vector<128x128xf32>
    %reduce_sum3A_545 = vector.shape_cast %add3A_544 : vector<128x128xf32> to vector<1x128x128xf32>
    %reduce_sum3A_546 = arith.constant dense<0.000000e+00> : vector<1xf32>
    %reduce_sum3A_547 = vector.multi_reduction <add>, %reduce_sum3A_545, %reduce_sum3A_546 [1, 2] : vector<1x128x128xf32> to vector<1xf32>
    %reduce_sum3A_548 = vector.shape_cast %reduce_sum3A_547 : vector<1xf32> to vector<1x1x1xf32>
    %reduce_sum3A_549 = vector.extract %reduce_sum3A_548[0, 0, 0] : f32 from vector<1x1x1xf32>
    %add3A_550 = arith.addf %add3A_521, %reduce_sum3A_549 : f32
    %add3A_551 = arith.addf %add3A_523, %reduce_sum3A_451 : f32
    %add3A_552 = arith.addf %add3A_525, %reduce_sum3A_466 : f32
    %add3A_553 = vector.broadcast %add3A_551 : f32 to vector<128x128xf32>
    %add3A_554 = arith.addf %add3A_416, %add3A_553 : vector<128x128xf32>
    %add3A_555 = vector.broadcast %add3A_552 : f32 to vector<128x128xf32>
    %add3A_556 = arith.addf %add3A_431, %add3A_555 : vector<128x128xf32>
    %add3A_557 = vector.broadcast %reduce_sum3A_24 : f32 to vector<128x128xf32>
    %add3A_558 = arith.addf %add3A_557, %add3A_554 : vector<128x128xf32>
    %slice3A_559 = vector.extract_strided_slice %add3A_20 {offsets = [1664, 0], sizes = [128, 128], strides = [1, 1]} : vector<2048x128xf32> to vector<128x128xf32>
    %div3A_560 = arith.divf %slice3A_559, %add3A_558 : vector<128x128xf32>
    %slice3A_561 = vector.extract_strided_slice %add3A_15 {offsets = [1664, 0], sizes = [128, 128], strides = [1, 1]} : vector<2048x128xf32> to vector<128x128xf32>
    %sub3A_562 = vector.broadcast %reduce_sum3A_24 : f32 to vector<128x128xf32>
    %sub3A_563 = arith.subf %sub3A_562, %add3A_556 : vector<128x128xf32>
    %slice3A_564 = vector.extract_strided_slice %add3A_10 {offsets = [1664, 0], sizes = [128, 128], strides = [1, 1]} : vector<2048x128xf32> to vector<128x128xf32>
    %sub3A_565 = arith.subf %sub3A_563, %slice3A_564 : vector<128x128xf32>
    %mul3A_566 = arith.mulf %slice3A_561, %sub3A_565 : vector<128x128xf32>
    %slice3A_567 = vector.extract_strided_slice %add3A {offsets = [1664, 0], sizes = [128, 128], strides = [1, 1]} : vector<2048x128xf32> to vector<128x128xf32>
    %add3A_568 = arith.addf %add3A_558, %slice3A_567 : vector<128x128xf32>
    %mul3A_569 = arith.mulf %add3A_558, %add3A_568 : vector<128x128xf32>
    %div3A_570 = arith.divf %mul3A_566, %mul3A_569 : vector<128x128xf32>
    %add3A_571 = arith.addf %div3A_560, %div3A_570 : vector<128x128xf32>
    %reduce_sum3A_572 = vector.shape_cast %add3A_571 : vector<128x128xf32> to vector<1x128x128xf32>
    %reduce_sum3A_573 = arith.constant dense<0.000000e+00> : vector<1xf32>
    %reduce_sum3A_574 = vector.multi_reduction <add>, %reduce_sum3A_572, %reduce_sum3A_573 [1, 2] : vector<1x128x128xf32> to vector<1xf32>
    %reduce_sum3A_575 = vector.shape_cast %reduce_sum3A_574 : vector<1xf32> to vector<1x1x1xf32>
    %reduce_sum3A_576 = vector.extract %reduce_sum3A_575[0, 0, 0] : f32 from vector<1x1x1xf32>
    %add3A_577 = arith.addf %add3A_550, %reduce_sum3A_576 : f32
    %add3A_578 = arith.addf %add3A_551, %reduce_sum3A_421 : f32
    %add3A_579 = arith.addf %add3A_552, %reduce_sum3A_436 : f32
    %add3A_580 = vector.broadcast %add3A_578 : f32 to vector<128x128xf32>
    %add3A_581 = arith.addf %add3A_386, %add3A_580 : vector<128x128xf32>
    %add3A_582 = vector.broadcast %add3A_579 : f32 to vector<128x128xf32>
    %add3A_583 = arith.addf %add3A_401, %add3A_582 : vector<128x128xf32>
    %add3A_584 = vector.broadcast %reduce_sum3A_24 : f32 to vector<128x128xf32>
    %add3A_585 = arith.addf %add3A_584, %add3A_581 : vector<128x128xf32>
    %slice3A_586 = vector.extract_strided_slice %add3A_20 {offsets = [1536, 0], sizes = [128, 128], strides = [1, 1]} : vector<2048x128xf32> to vector<128x128xf32>
    %div3A_587 = arith.divf %slice3A_586, %add3A_585 : vector<128x128xf32>
    %slice3A_588 = vector.extract_strided_slice %add3A_15 {offsets = [1536, 0], sizes = [128, 128], strides = [1, 1]} : vector<2048x128xf32> to vector<128x128xf32>
    %sub3A_589 = vector.broadcast %reduce_sum3A_24 : f32 to vector<128x128xf32>
    %sub3A_590 = arith.subf %sub3A_589, %add3A_583 : vector<128x128xf32>
    %slice3A_591 = vector.extract_strided_slice %add3A_10 {offsets = [1536, 0], sizes = [128, 128], strides = [1, 1]} : vector<2048x128xf32> to vector<128x128xf32>
    %sub3A_592 = arith.subf %sub3A_590, %slice3A_591 : vector<128x128xf32>
    %mul3A_593 = arith.mulf %slice3A_588, %sub3A_592 : vector<128x128xf32>
    %slice3A_594 = vector.extract_strided_slice %add3A {offsets = [1536, 0], sizes = [128, 128], strides = [1, 1]} : vector<2048x128xf32> to vector<128x128xf32>
    %add3A_595 = arith.addf %add3A_585, %slice3A_594 : vector<128x128xf32>
    %mul3A_596 = arith.mulf %add3A_585, %add3A_595 : vector<128x128xf32>
    %div3A_597 = arith.divf %mul3A_593, %mul3A_596 : vector<128x128xf32>
    %add3A_598 = arith.addf %div3A_587, %div3A_597 : vector<128x128xf32>
    %reduce_sum3A_599 = vector.shape_cast %add3A_598 : vector<128x128xf32> to vector<1x128x128xf32>
    %reduce_sum3A_600 = arith.constant dense<0.000000e+00> : vector<1xf32>
    %reduce_sum3A_601 = vector.multi_reduction <add>, %reduce_sum3A_599, %reduce_sum3A_600 [1, 2] : vector<1x128x128xf32> to vector<1xf32>
    %reduce_sum3A_602 = vector.shape_cast %reduce_sum3A_601 : vector<1xf32> to vector<1x1x1xf32>
    %reduce_sum3A_603 = vector.extract %reduce_sum3A_602[0, 0, 0] : f32 from vector<1x1x1xf32>
    %add3A_604 = arith.addf %add3A_577, %reduce_sum3A_603 : f32
    %add3A_605 = arith.addf %add3A_578, %reduce_sum3A_391 : f32
    %add3A_606 = arith.addf %add3A_579, %reduce_sum3A_406 : f32
    %add3A_607 = vector.broadcast %add3A_605 : f32 to vector<128x128xf32>
    %add3A_608 = arith.addf %add3A_356, %add3A_607 : vector<128x128xf32>
    %add3A_609 = vector.broadcast %add3A_606 : f32 to vector<128x128xf32>
    %add3A_610 = arith.addf %add3A_371, %add3A_609 : vector<128x128xf32>
    %add3A_611 = vector.broadcast %reduce_sum3A_24 : f32 to vector<128x128xf32>
    %add3A_612 = arith.addf %add3A_611, %add3A_608 : vector<128x128xf32>
    %slice3A_613 = vector.extract_strided_slice %add3A_20 {offsets = [1408, 0], sizes = [128, 128], strides = [1, 1]} : vector<2048x128xf32> to vector<128x128xf32>
    %div3A_614 = arith.divf %slice3A_613, %add3A_612 : vector<128x128xf32>
    %slice3A_615 = vector.extract_strided_slice %add3A_15 {offsets = [1408, 0], sizes = [128, 128], strides = [1, 1]} : vector<2048x128xf32> to vector<128x128xf32>
    %sub3A_616 = vector.broadcast %reduce_sum3A_24 : f32 to vector<128x128xf32>
    %sub3A_617 = arith.subf %sub3A_616, %add3A_610 : vector<128x128xf32>
    %slice3A_618 = vector.extract_strided_slice %add3A_10 {offsets = [1408, 0], sizes = [128, 128], strides = [1, 1]} : vector<2048x128xf32> to vector<128x128xf32>
    %sub3A_619 = arith.subf %sub3A_617, %slice3A_618 : vector<128x128xf32>
    %mul3A_620 = arith.mulf %slice3A_615, %sub3A_619 : vector<128x128xf32>
    %slice3A_621 = vector.extract_strided_slice %add3A {offsets = [1408, 0], sizes = [128, 128], strides = [1, 1]} : vector<2048x128xf32> to vector<128x128xf32>
    %add3A_622 = arith.addf %add3A_612, %slice3A_621 : vector<128x128xf32>
    %mul3A_623 = arith.mulf %add3A_612, %add3A_622 : vector<128x128xf32>
    %div3A_624 = arith.divf %mul3A_620, %mul3A_623 : vector<128x128xf32>
    %add3A_625 = arith.addf %div3A_614, %div3A_624 : vector<128x128xf32>
    %reduce_sum3A_626 = vector.shape_cast %add3A_625 : vector<128x128xf32> to vector<1x128x128xf32>
    %reduce_sum3A_627 = arith.constant dense<0.000000e+00> : vector<1xf32>
    %reduce_sum3A_628 = vector.multi_reduction <add>, %reduce_sum3A_626, %reduce_sum3A_627 [1, 2] : vector<1x128x128xf32> to vector<1xf32>
    %reduce_sum3A_629 = vector.shape_cast %reduce_sum3A_628 : vector<1xf32> to vector<1x1x1xf32>
    %reduce_sum3A_630 = vector.extract %reduce_sum3A_629[0, 0, 0] : f32 from vector<1x1x1xf32>
    %add3A_631 = arith.addf %add3A_604, %reduce_sum3A_630 : f32
    %add3A_632 = arith.addf %add3A_605, %reduce_sum3A_361 : f32
    %add3A_633 = arith.addf %add3A_606, %reduce_sum3A_376 : f32
    %add3A_634 = vector.broadcast %add3A_632 : f32 to vector<128x128xf32>
    %add3A_635 = arith.addf %add3A_326, %add3A_634 : vector<128x128xf32>
    %add3A_636 = vector.broadcast %add3A_633 : f32 to vector<128x128xf32>
    %add3A_637 = arith.addf %add3A_341, %add3A_636 : vector<128x128xf32>
    %add3A_638 = vector.broadcast %reduce_sum3A_24 : f32 to vector<128x128xf32>
    %add3A_639 = arith.addf %add3A_638, %add3A_635 : vector<128x128xf32>
    %slice3A_640 = vector.extract_strided_slice %add3A_20 {offsets = [1280, 0], sizes = [128, 128], strides = [1, 1]} : vector<2048x128xf32> to vector<128x128xf32>
    %div3A_641 = arith.divf %slice3A_640, %add3A_639 : vector<128x128xf32>
    %slice3A_642 = vector.extract_strided_slice %add3A_15 {offsets = [1280, 0], sizes = [128, 128], strides = [1, 1]} : vector<2048x128xf32> to vector<128x128xf32>
    %sub3A_643 = vector.broadcast %reduce_sum3A_24 : f32 to vector<128x128xf32>
    %sub3A_644 = arith.subf %sub3A_643, %add3A_637 : vector<128x128xf32>
    %slice3A_645 = vector.extract_strided_slice %add3A_10 {offsets = [1280, 0], sizes = [128, 128], strides = [1, 1]} : vector<2048x128xf32> to vector<128x128xf32>
    %sub3A_646 = arith.subf %sub3A_644, %slice3A_645 : vector<128x128xf32>
    %mul3A_647 = arith.mulf %slice3A_642, %sub3A_646 : vector<128x128xf32>
    %slice3A_648 = vector.extract_strided_slice %add3A {offsets = [1280, 0], sizes = [128, 128], strides = [1, 1]} : vector<2048x128xf32> to vector<128x128xf32>
    %add3A_649 = arith.addf %add3A_639, %slice3A_648 : vector<128x128xf32>
    %mul3A_650 = arith.mulf %add3A_639, %add3A_649 : vector<128x128xf32>
    %div3A_651 = arith.divf %mul3A_647, %mul3A_650 : vector<128x128xf32>
    %add3A_652 = arith.addf %div3A_641, %div3A_651 : vector<128x128xf32>
    %reduce_sum3A_653 = vector.shape_cast %add3A_652 : vector<128x128xf32> to vector<1x128x128xf32>
    %reduce_sum3A_654 = arith.constant dense<0.000000e+00> : vector<1xf32>
    %reduce_sum3A_655 = vector.multi_reduction <add>, %reduce_sum3A_653, %reduce_sum3A_654 [1, 2] : vector<1x128x128xf32> to vector<1xf32>
    %reduce_sum3A_656 = vector.shape_cast %reduce_sum3A_655 : vector<1xf32> to vector<1x1x1xf32>
    %reduce_sum3A_657 = vector.extract %reduce_sum3A_656[0, 0, 0] : f32 from vector<1x1x1xf32>
    %add3A_658 = arith.addf %add3A_631, %reduce_sum3A_657 : f32
    %add3A_659 = arith.addf %add3A_632, %reduce_sum3A_331 : f32
    %add3A_660 = arith.addf %add3A_633, %reduce_sum3A_346 : f32
    %add3A_661 = vector.broadcast %add3A_659 : f32 to vector<128x128xf32>
    %add3A_662 = arith.addf %add3A_296, %add3A_661 : vector<128x128xf32>
    %add3A_663 = vector.broadcast %add3A_660 : f32 to vector<128x128xf32>
    %add3A_664 = arith.addf %add3A_311, %add3A_663 : vector<128x128xf32>
    %add3A_665 = vector.broadcast %reduce_sum3A_24 : f32 to vector<128x128xf32>
    %add3A_666 = arith.addf %add3A_665, %add3A_662 : vector<128x128xf32>
    %slice3A_667 = vector.extract_strided_slice %add3A_20 {offsets = [1152, 0], sizes = [128, 128], strides = [1, 1]} : vector<2048x128xf32> to vector<128x128xf32>
    %div3A_668 = arith.divf %slice3A_667, %add3A_666 : vector<128x128xf32>
    %slice3A_669 = vector.extract_strided_slice %add3A_15 {offsets = [1152, 0], sizes = [128, 128], strides = [1, 1]} : vector<2048x128xf32> to vector<128x128xf32>
    %sub3A_670 = vector.broadcast %reduce_sum3A_24 : f32 to vector<128x128xf32>
    %sub3A_671 = arith.subf %sub3A_670, %add3A_664 : vector<128x128xf32>
    %slice3A_672 = vector.extract_strided_slice %add3A_10 {offsets = [1152, 0], sizes = [128, 128], strides = [1, 1]} : vector<2048x128xf32> to vector<128x128xf32>
    %sub3A_673 = arith.subf %sub3A_671, %slice3A_672 : vector<128x128xf32>
    %mul3A_674 = arith.mulf %slice3A_669, %sub3A_673 : vector<128x128xf32>
    %slice3A_675 = vector.extract_strided_slice %add3A {offsets = [1152, 0], sizes = [128, 128], strides = [1, 1]} : vector<2048x128xf32> to vector<128x128xf32>
    %add3A_676 = arith.addf %add3A_666, %slice3A_675 : vector<128x128xf32>
    %mul3A_677 = arith.mulf %add3A_666, %add3A_676 : vector<128x128xf32>
    %div3A_678 = arith.divf %mul3A_674, %mul3A_677 : vector<128x128xf32>
    %add3A_679 = arith.addf %div3A_668, %div3A_678 : vector<128x128xf32>
    %reduce_sum3A_680 = vector.shape_cast %add3A_679 : vector<128x128xf32> to vector<1x128x128xf32>
    %reduce_sum3A_681 = arith.constant dense<0.000000e+00> : vector<1xf32>
    %reduce_sum3A_682 = vector.multi_reduction <add>, %reduce_sum3A_680, %reduce_sum3A_681 [1, 2] : vector<1x128x128xf32> to vector<1xf32>
    %reduce_sum3A_683 = vector.shape_cast %reduce_sum3A_682 : vector<1xf32> to vector<1x1x1xf32>
    %reduce_sum3A_684 = vector.extract %reduce_sum3A_683[0, 0, 0] : f32 from vector<1x1x1xf32>
    %add3A_685 = arith.addf %add3A_658, %reduce_sum3A_684 : f32
    %add3A_686 = arith.addf %add3A_659, %reduce_sum3A_301 : f32
    %add3A_687 = arith.addf %add3A_660, %reduce_sum3A_316 : f32
    %add3A_688 = vector.broadcast %add3A_686 : f32 to vector<128x128xf32>
    %add3A_689 = arith.addf %add3A_266, %add3A_688 : vector<128x128xf32>
    %add3A_690 = vector.broadcast %add3A_687 : f32 to vector<128x128xf32>
    %add3A_691 = arith.addf %add3A_281, %add3A_690 : vector<128x128xf32>
    %add3A_692 = vector.broadcast %reduce_sum3A_24 : f32 to vector<128x128xf32>
    %add3A_693 = arith.addf %add3A_692, %add3A_689 : vector<128x128xf32>
    %slice3A_694 = vector.extract_strided_slice %add3A_20 {offsets = [1024, 0], sizes = [128, 128], strides = [1, 1]} : vector<2048x128xf32> to vector<128x128xf32>
    %div3A_695 = arith.divf %slice3A_694, %add3A_693 : vector<128x128xf32>
    %slice3A_696 = vector.extract_strided_slice %add3A_15 {offsets = [1024, 0], sizes = [128, 128], strides = [1, 1]} : vector<2048x128xf32> to vector<128x128xf32>
    %sub3A_697 = vector.broadcast %reduce_sum3A_24 : f32 to vector<128x128xf32>
    %sub3A_698 = arith.subf %sub3A_697, %add3A_691 : vector<128x128xf32>
    %slice3A_699 = vector.extract_strided_slice %add3A_10 {offsets = [1024, 0], sizes = [128, 128], strides = [1, 1]} : vector<2048x128xf32> to vector<128x128xf32>
    %sub3A_700 = arith.subf %sub3A_698, %slice3A_699 : vector<128x128xf32>
    %mul3A_701 = arith.mulf %slice3A_696, %sub3A_700 : vector<128x128xf32>
    %slice3A_702 = vector.extract_strided_slice %add3A {offsets = [1024, 0], sizes = [128, 128], strides = [1, 1]} : vector<2048x128xf32> to vector<128x128xf32>
    %add3A_703 = arith.addf %add3A_693, %slice3A_702 : vector<128x128xf32>
    %mul3A_704 = arith.mulf %add3A_693, %add3A_703 : vector<128x128xf32>
    %div3A_705 = arith.divf %mul3A_701, %mul3A_704 : vector<128x128xf32>
    %add3A_706 = arith.addf %div3A_695, %div3A_705 : vector<128x128xf32>
    %reduce_sum3A_707 = vector.shape_cast %add3A_706 : vector<128x128xf32> to vector<1x128x128xf32>
    %reduce_sum3A_708 = arith.constant dense<0.000000e+00> : vector<1xf32>
    %reduce_sum3A_709 = vector.multi_reduction <add>, %reduce_sum3A_707, %reduce_sum3A_708 [1, 2] : vector<1x128x128xf32> to vector<1xf32>
    %reduce_sum3A_710 = vector.shape_cast %reduce_sum3A_709 : vector<1xf32> to vector<1x1x1xf32>
    %reduce_sum3A_711 = vector.extract %reduce_sum3A_710[0, 0, 0] : f32 from vector<1x1x1xf32>
    %add3A_712 = arith.addf %add3A_685, %reduce_sum3A_711 : f32
    %add3A_713 = arith.addf %add3A_686, %reduce_sum3A_271 : f32
    %add3A_714 = arith.addf %add3A_687, %reduce_sum3A_286 : f32
    %add3A_715 = vector.broadcast %add3A_713 : f32 to vector<128x128xf32>
    %add3A_716 = arith.addf %add3A_236, %add3A_715 : vector<128x128xf32>
    %add3A_717 = vector.broadcast %add3A_714 : f32 to vector<128x128xf32>
    %add3A_718 = arith.addf %add3A_251, %add3A_717 : vector<128x128xf32>
    %add3A_719 = vector.broadcast %reduce_sum3A_24 : f32 to vector<128x128xf32>
    %add3A_720 = arith.addf %add3A_719, %add3A_716 : vector<128x128xf32>
    %slice3A_721 = vector.extract_strided_slice %add3A_20 {offsets = [896, 0], sizes = [128, 128], strides = [1, 1]} : vector<2048x128xf32> to vector<128x128xf32>
    %div3A_722 = arith.divf %slice3A_721, %add3A_720 : vector<128x128xf32>
    %slice3A_723 = vector.extract_strided_slice %add3A_15 {offsets = [896, 0], sizes = [128, 128], strides = [1, 1]} : vector<2048x128xf32> to vector<128x128xf32>
    %sub3A_724 = vector.broadcast %reduce_sum3A_24 : f32 to vector<128x128xf32>
    %sub3A_725 = arith.subf %sub3A_724, %add3A_718 : vector<128x128xf32>
    %slice3A_726 = vector.extract_strided_slice %add3A_10 {offsets = [896, 0], sizes = [128, 128], strides = [1, 1]} : vector<2048x128xf32> to vector<128x128xf32>
    %sub3A_727 = arith.subf %sub3A_725, %slice3A_726 : vector<128x128xf32>
    %mul3A_728 = arith.mulf %slice3A_723, %sub3A_727 : vector<128x128xf32>
    %slice3A_729 = vector.extract_strided_slice %add3A {offsets = [896, 0], sizes = [128, 128], strides = [1, 1]} : vector<2048x128xf32> to vector<128x128xf32>
    %add3A_730 = arith.addf %add3A_720, %slice3A_729 : vector<128x128xf32>
    %mul3A_731 = arith.mulf %add3A_720, %add3A_730 : vector<128x128xf32>
    %div3A_732 = arith.divf %mul3A_728, %mul3A_731 : vector<128x128xf32>
    %add3A_733 = arith.addf %div3A_722, %div3A_732 : vector<128x128xf32>
    %reduce_sum3A_734 = vector.shape_cast %add3A_733 : vector<128x128xf32> to vector<1x128x128xf32>
    %reduce_sum3A_735 = arith.constant dense<0.000000e+00> : vector<1xf32>
    %reduce_sum3A_736 = vector.multi_reduction <add>, %reduce_sum3A_734, %reduce_sum3A_735 [1, 2] : vector<1x128x128xf32> to vector<1xf32>
    %reduce_sum3A_737 = vector.shape_cast %reduce_sum3A_736 : vector<1xf32> to vector<1x1x1xf32>
    %reduce_sum3A_738 = vector.extract %reduce_sum3A_737[0, 0, 0] : f32 from vector<1x1x1xf32>
    %add3A_739 = arith.addf %add3A_712, %reduce_sum3A_738 : f32
    %add3A_740 = arith.addf %add3A_713, %reduce_sum3A_241 : f32
    %add3A_741 = arith.addf %add3A_714, %reduce_sum3A_256 : f32
    %add3A_742 = vector.broadcast %add3A_740 : f32 to vector<128x128xf32>
    %add3A_743 = arith.addf %add3A_206, %add3A_742 : vector<128x128xf32>
    %add3A_744 = vector.broadcast %add3A_741 : f32 to vector<128x128xf32>
    %add3A_745 = arith.addf %add3A_221, %add3A_744 : vector<128x128xf32>
    %add3A_746 = vector.broadcast %reduce_sum3A_24 : f32 to vector<128x128xf32>
    %add3A_747 = arith.addf %add3A_746, %add3A_743 : vector<128x128xf32>
    %slice3A_748 = vector.extract_strided_slice %add3A_20 {offsets = [768, 0], sizes = [128, 128], strides = [1, 1]} : vector<2048x128xf32> to vector<128x128xf32>
    %div3A_749 = arith.divf %slice3A_748, %add3A_747 : vector<128x128xf32>
    %slice3A_750 = vector.extract_strided_slice %add3A_15 {offsets = [768, 0], sizes = [128, 128], strides = [1, 1]} : vector<2048x128xf32> to vector<128x128xf32>
    %sub3A_751 = vector.broadcast %reduce_sum3A_24 : f32 to vector<128x128xf32>
    %sub3A_752 = arith.subf %sub3A_751, %add3A_745 : vector<128x128xf32>
    %slice3A_753 = vector.extract_strided_slice %add3A_10 {offsets = [768, 0], sizes = [128, 128], strides = [1, 1]} : vector<2048x128xf32> to vector<128x128xf32>
    %sub3A_754 = arith.subf %sub3A_752, %slice3A_753 : vector<128x128xf32>
    %mul3A_755 = arith.mulf %slice3A_750, %sub3A_754 : vector<128x128xf32>
    %slice3A_756 = vector.extract_strided_slice %add3A {offsets = [768, 0], sizes = [128, 128], strides = [1, 1]} : vector<2048x128xf32> to vector<128x128xf32>
    %add3A_757 = arith.addf %add3A_747, %slice3A_756 : vector<128x128xf32>
    %mul3A_758 = arith.mulf %add3A_747, %add3A_757 : vector<128x128xf32>
    %div3A_759 = arith.divf %mul3A_755, %mul3A_758 : vector<128x128xf32>
    %add3A_760 = arith.addf %div3A_749, %div3A_759 : vector<128x128xf32>
    %reduce_sum3A_761 = vector.shape_cast %add3A_760 : vector<128x128xf32> to vector<1x128x128xf32>
    %reduce_sum3A_762 = arith.constant dense<0.000000e+00> : vector<1xf32>
    %reduce_sum3A_763 = vector.multi_reduction <add>, %reduce_sum3A_761, %reduce_sum3A_762 [1, 2] : vector<1x128x128xf32> to vector<1xf32>
    %reduce_sum3A_764 = vector.shape_cast %reduce_sum3A_763 : vector<1xf32> to vector<1x1x1xf32>
    %reduce_sum3A_765 = vector.extract %reduce_sum3A_764[0, 0, 0] : f32 from vector<1x1x1xf32>
    %add3A_766 = arith.addf %add3A_739, %reduce_sum3A_765 : f32
    %add3A_767 = arith.addf %add3A_740, %reduce_sum3A_211 : f32
    %add3A_768 = arith.addf %add3A_741, %reduce_sum3A_226 : f32
    %add3A_769 = vector.broadcast %add3A_767 : f32 to vector<128x128xf32>
    %add3A_770 = arith.addf %add3A_176, %add3A_769 : vector<128x128xf32>
    %add3A_771 = vector.broadcast %add3A_768 : f32 to vector<128x128xf32>
    %add3A_772 = arith.addf %add3A_191, %add3A_771 : vector<128x128xf32>
    %add3A_773 = vector.broadcast %reduce_sum3A_24 : f32 to vector<128x128xf32>
    %add3A_774 = arith.addf %add3A_773, %add3A_770 : vector<128x128xf32>
    %slice3A_775 = vector.extract_strided_slice %add3A_20 {offsets = [640, 0], sizes = [128, 128], strides = [1, 1]} : vector<2048x128xf32> to vector<128x128xf32>
    %div3A_776 = arith.divf %slice3A_775, %add3A_774 : vector<128x128xf32>
    %slice3A_777 = vector.extract_strided_slice %add3A_15 {offsets = [640, 0], sizes = [128, 128], strides = [1, 1]} : vector<2048x128xf32> to vector<128x128xf32>
    %sub3A_778 = vector.broadcast %reduce_sum3A_24 : f32 to vector<128x128xf32>
    %sub3A_779 = arith.subf %sub3A_778, %add3A_772 : vector<128x128xf32>
    %slice3A_780 = vector.extract_strided_slice %add3A_10 {offsets = [640, 0], sizes = [128, 128], strides = [1, 1]} : vector<2048x128xf32> to vector<128x128xf32>
    %sub3A_781 = arith.subf %sub3A_779, %slice3A_780 : vector<128x128xf32>
    %mul3A_782 = arith.mulf %slice3A_777, %sub3A_781 : vector<128x128xf32>
    %slice3A_783 = vector.extract_strided_slice %add3A {offsets = [640, 0], sizes = [128, 128], strides = [1, 1]} : vector<2048x128xf32> to vector<128x128xf32>
    %add3A_784 = arith.addf %add3A_774, %slice3A_783 : vector<128x128xf32>
    %mul3A_785 = arith.mulf %add3A_774, %add3A_784 : vector<128x128xf32>
    %div3A_786 = arith.divf %mul3A_782, %mul3A_785 : vector<128x128xf32>
    %add3A_787 = arith.addf %div3A_776, %div3A_786 : vector<128x128xf32>
    %reduce_sum3A_788 = vector.shape_cast %add3A_787 : vector<128x128xf32> to vector<1x128x128xf32>
    %reduce_sum3A_789 = arith.constant dense<0.000000e+00> : vector<1xf32>
    %reduce_sum3A_790 = vector.multi_reduction <add>, %reduce_sum3A_788, %reduce_sum3A_789 [1, 2] : vector<1x128x128xf32> to vector<1xf32>
    %reduce_sum3A_791 = vector.shape_cast %reduce_sum3A_790 : vector<1xf32> to vector<1x1x1xf32>
    %reduce_sum3A_792 = vector.extract %reduce_sum3A_791[0, 0, 0] : f32 from vector<1x1x1xf32>
    %add3A_793 = arith.addf %add3A_766, %reduce_sum3A_792 : f32
    %add3A_794 = arith.addf %add3A_767, %reduce_sum3A_181 : f32
    %add3A_795 = arith.addf %add3A_768, %reduce_sum3A_196 : f32
    %add3A_796 = vector.broadcast %add3A_794 : f32 to vector<128x128xf32>
    %add3A_797 = arith.addf %add3A_146, %add3A_796 : vector<128x128xf32>
    %add3A_798 = vector.broadcast %add3A_795 : f32 to vector<128x128xf32>
    %add3A_799 = arith.addf %add3A_161, %add3A_798 : vector<128x128xf32>
    %add3A_800 = vector.broadcast %reduce_sum3A_24 : f32 to vector<128x128xf32>
    %add3A_801 = arith.addf %add3A_800, %add3A_797 : vector<128x128xf32>
    %slice3A_802 = vector.extract_strided_slice %add3A_20 {offsets = [512, 0], sizes = [128, 128], strides = [1, 1]} : vector<2048x128xf32> to vector<128x128xf32>
    %div3A_803 = arith.divf %slice3A_802, %add3A_801 : vector<128x128xf32>
    %slice3A_804 = vector.extract_strided_slice %add3A_15 {offsets = [512, 0], sizes = [128, 128], strides = [1, 1]} : vector<2048x128xf32> to vector<128x128xf32>
    %sub3A_805 = vector.broadcast %reduce_sum3A_24 : f32 to vector<128x128xf32>
    %sub3A_806 = arith.subf %sub3A_805, %add3A_799 : vector<128x128xf32>
    %slice3A_807 = vector.extract_strided_slice %add3A_10 {offsets = [512, 0], sizes = [128, 128], strides = [1, 1]} : vector<2048x128xf32> to vector<128x128xf32>
    %sub3A_808 = arith.subf %sub3A_806, %slice3A_807 : vector<128x128xf32>
    %mul3A_809 = arith.mulf %slice3A_804, %sub3A_808 : vector<128x128xf32>
    %slice3A_810 = vector.extract_strided_slice %add3A {offsets = [512, 0], sizes = [128, 128], strides = [1, 1]} : vector<2048x128xf32> to vector<128x128xf32>
    %add3A_811 = arith.addf %add3A_801, %slice3A_810 : vector<128x128xf32>
    %mul3A_812 = arith.mulf %add3A_801, %add3A_811 : vector<128x128xf32>
    %div3A_813 = arith.divf %mul3A_809, %mul3A_812 : vector<128x128xf32>
    %add3A_814 = arith.addf %div3A_803, %div3A_813 : vector<128x128xf32>
    %reduce_sum3A_815 = vector.shape_cast %add3A_814 : vector<128x128xf32> to vector<1x128x128xf32>
    %reduce_sum3A_816 = arith.constant dense<0.000000e+00> : vector<1xf32>
    %reduce_sum3A_817 = vector.multi_reduction <add>, %reduce_sum3A_815, %reduce_sum3A_816 [1, 2] : vector<1x128x128xf32> to vector<1xf32>
    %reduce_sum3A_818 = vector.shape_cast %reduce_sum3A_817 : vector<1xf32> to vector<1x1x1xf32>
    %reduce_sum3A_819 = vector.extract %reduce_sum3A_818[0, 0, 0] : f32 from vector<1x1x1xf32>
    %add3A_820 = arith.addf %add3A_793, %reduce_sum3A_819 : f32
    %add3A_821 = arith.addf %add3A_794, %reduce_sum3A_151 : f32
    %add3A_822 = arith.addf %add3A_795, %reduce_sum3A_166 : f32
    %add3A_823 = vector.broadcast %add3A_821 : f32 to vector<128x128xf32>
    %add3A_824 = arith.addf %add3A_116, %add3A_823 : vector<128x128xf32>
    %add3A_825 = vector.broadcast %add3A_822 : f32 to vector<128x128xf32>
    %add3A_826 = arith.addf %add3A_131, %add3A_825 : vector<128x128xf32>
    %add3A_827 = vector.broadcast %reduce_sum3A_24 : f32 to vector<128x128xf32>
    %add3A_828 = arith.addf %add3A_827, %add3A_824 : vector<128x128xf32>
    %slice3A_829 = vector.extract_strided_slice %add3A_20 {offsets = [384, 0], sizes = [128, 128], strides = [1, 1]} : vector<2048x128xf32> to vector<128x128xf32>
    %div3A_830 = arith.divf %slice3A_829, %add3A_828 : vector<128x128xf32>
    %slice3A_831 = vector.extract_strided_slice %add3A_15 {offsets = [384, 0], sizes = [128, 128], strides = [1, 1]} : vector<2048x128xf32> to vector<128x128xf32>
    %sub3A_832 = vector.broadcast %reduce_sum3A_24 : f32 to vector<128x128xf32>
    %sub3A_833 = arith.subf %sub3A_832, %add3A_826 : vector<128x128xf32>
    %slice3A_834 = vector.extract_strided_slice %add3A_10 {offsets = [384, 0], sizes = [128, 128], strides = [1, 1]} : vector<2048x128xf32> to vector<128x128xf32>
    %sub3A_835 = arith.subf %sub3A_833, %slice3A_834 : vector<128x128xf32>
    %mul3A_836 = arith.mulf %slice3A_831, %sub3A_835 : vector<128x128xf32>
    %slice3A_837 = vector.extract_strided_slice %add3A {offsets = [384, 0], sizes = [128, 128], strides = [1, 1]} : vector<2048x128xf32> to vector<128x128xf32>
    %add3A_838 = arith.addf %add3A_828, %slice3A_837 : vector<128x128xf32>
    %mul3A_839 = arith.mulf %add3A_828, %add3A_838 : vector<128x128xf32>
    %div3A_840 = arith.divf %mul3A_836, %mul3A_839 : vector<128x128xf32>
    %add3A_841 = arith.addf %div3A_830, %div3A_840 : vector<128x128xf32>
    %reduce_sum3A_842 = vector.shape_cast %add3A_841 : vector<128x128xf32> to vector<1x128x128xf32>
    %reduce_sum3A_843 = arith.constant dense<0.000000e+00> : vector<1xf32>
    %reduce_sum3A_844 = vector.multi_reduction <add>, %reduce_sum3A_842, %reduce_sum3A_843 [1, 2] : vector<1x128x128xf32> to vector<1xf32>
    %reduce_sum3A_845 = vector.shape_cast %reduce_sum3A_844 : vector<1xf32> to vector<1x1x1xf32>
    %reduce_sum3A_846 = vector.extract %reduce_sum3A_845[0, 0, 0] : f32 from vector<1x1x1xf32>
    %add3A_847 = arith.addf %add3A_820, %reduce_sum3A_846 : f32
    %add3A_848 = arith.addf %add3A_821, %reduce_sum3A_121 : f32
    %add3A_849 = arith.addf %add3A_822, %reduce_sum3A_136 : f32
    %add3A_850 = vector.broadcast %add3A_848 : f32 to vector<128x128xf32>
    %add3A_851 = arith.addf %add3A_86, %add3A_850 : vector<128x128xf32>
    %add3A_852 = vector.broadcast %add3A_849 : f32 to vector<128x128xf32>
    %add3A_853 = arith.addf %add3A_101, %add3A_852 : vector<128x128xf32>
    %add3A_854 = vector.broadcast %reduce_sum3A_24 : f32 to vector<128x128xf32>
    %add3A_855 = arith.addf %add3A_854, %add3A_851 : vector<128x128xf32>
    %slice3A_856 = vector.extract_strided_slice %add3A_20 {offsets = [256, 0], sizes = [128, 128], strides = [1, 1]} : vector<2048x128xf32> to vector<128x128xf32>
    %div3A_857 = arith.divf %slice3A_856, %add3A_855 : vector<128x128xf32>
    %slice3A_858 = vector.extract_strided_slice %add3A_15 {offsets = [256, 0], sizes = [128, 128], strides = [1, 1]} : vector<2048x128xf32> to vector<128x128xf32>
    %sub3A_859 = vector.broadcast %reduce_sum3A_24 : f32 to vector<128x128xf32>
    %sub3A_860 = arith.subf %sub3A_859, %add3A_853 : vector<128x128xf32>
    %slice3A_861 = vector.extract_strided_slice %add3A_10 {offsets = [256, 0], sizes = [128, 128], strides = [1, 1]} : vector<2048x128xf32> to vector<128x128xf32>
    %sub3A_862 = arith.subf %sub3A_860, %slice3A_861 : vector<128x128xf32>
    %mul3A_863 = arith.mulf %slice3A_858, %sub3A_862 : vector<128x128xf32>
    %slice3A_864 = vector.extract_strided_slice %add3A {offsets = [256, 0], sizes = [128, 128], strides = [1, 1]} : vector<2048x128xf32> to vector<128x128xf32>
    %add3A_865 = arith.addf %add3A_855, %slice3A_864 : vector<128x128xf32>
    %mul3A_866 = arith.mulf %add3A_855, %add3A_865 : vector<128x128xf32>
    %div3A_867 = arith.divf %mul3A_863, %mul3A_866 : vector<128x128xf32>
    %add3A_868 = arith.addf %div3A_857, %div3A_867 : vector<128x128xf32>
    %reduce_sum3A_869 = vector.shape_cast %add3A_868 : vector<128x128xf32> to vector<1x128x128xf32>
    %reduce_sum3A_870 = arith.constant dense<0.000000e+00> : vector<1xf32>
    %reduce_sum3A_871 = vector.multi_reduction <add>, %reduce_sum3A_869, %reduce_sum3A_870 [1, 2] : vector<1x128x128xf32> to vector<1xf32>
    %reduce_sum3A_872 = vector.shape_cast %reduce_sum3A_871 : vector<1xf32> to vector<1x1x1xf32>
    %reduce_sum3A_873 = vector.extract %reduce_sum3A_872[0, 0, 0] : f32 from vector<1x1x1xf32>
    %add3A_874 = arith.addf %add3A_847, %reduce_sum3A_873 : f32
    %add3A_875 = arith.addf %add3A_848, %reduce_sum3A_91 : f32
    %add3A_876 = arith.addf %add3A_849, %reduce_sum3A_106 : f32
    %add3A_877 = vector.broadcast %add3A_875 : f32 to vector<128x128xf32>
    %add3A_878 = arith.addf %add3A_56, %add3A_877 : vector<128x128xf32>
    %add3A_879 = vector.broadcast %add3A_876 : f32 to vector<128x128xf32>
    %add3A_880 = arith.addf %add3A_71, %add3A_879 : vector<128x128xf32>
    %add3A_881 = vector.broadcast %reduce_sum3A_24 : f32 to vector<128x128xf32>
    %add3A_882 = arith.addf %add3A_881, %add3A_878 : vector<128x128xf32>
    %slice3A_883 = vector.extract_strided_slice %add3A_20 {offsets = [128, 0], sizes = [128, 128], strides = [1, 1]} : vector<2048x128xf32> to vector<128x128xf32>
    %div3A_884 = arith.divf %slice3A_883, %add3A_882 : vector<128x128xf32>
    %slice3A_885 = vector.extract_strided_slice %add3A_15 {offsets = [128, 0], sizes = [128, 128], strides = [1, 1]} : vector<2048x128xf32> to vector<128x128xf32>
    %sub3A_886 = vector.broadcast %reduce_sum3A_24 : f32 to vector<128x128xf32>
    %sub3A_887 = arith.subf %sub3A_886, %add3A_880 : vector<128x128xf32>
    %slice3A_888 = vector.extract_strided_slice %add3A_10 {offsets = [128, 0], sizes = [128, 128], strides = [1, 1]} : vector<2048x128xf32> to vector<128x128xf32>
    %sub3A_889 = arith.subf %sub3A_887, %slice3A_888 : vector<128x128xf32>
    %mul3A_890 = arith.mulf %slice3A_885, %sub3A_889 : vector<128x128xf32>
    %slice3A_891 = vector.extract_strided_slice %add3A {offsets = [128, 0], sizes = [128, 128], strides = [1, 1]} : vector<2048x128xf32> to vector<128x128xf32>
    %add3A_892 = arith.addf %add3A_882, %slice3A_891 : vector<128x128xf32>
    %mul3A_893 = arith.mulf %add3A_882, %add3A_892 : vector<128x128xf32>
    %div3A_894 = arith.divf %mul3A_890, %mul3A_893 : vector<128x128xf32>
    %add3A_895 = arith.addf %div3A_884, %div3A_894 : vector<128x128xf32>
    %reduce_sum3A_896 = vector.shape_cast %add3A_895 : vector<128x128xf32> to vector<1x128x128xf32>
    %reduce_sum3A_897 = arith.constant dense<0.000000e+00> : vector<1xf32>
    %reduce_sum3A_898 = vector.multi_reduction <add>, %reduce_sum3A_896, %reduce_sum3A_897 [1, 2] : vector<1x128x128xf32> to vector<1xf32>
    %reduce_sum3A_899 = vector.shape_cast %reduce_sum3A_898 : vector<1xf32> to vector<1x1x1xf32>
    %reduce_sum3A_900 = vector.extract %reduce_sum3A_899[0, 0, 0] : f32 from vector<1x1x1xf32>
    %add3A_901 = arith.addf %add3A_874, %reduce_sum3A_900 : f32
    %add3A_902 = arith.addf %add3A_875, %reduce_sum3A_61 : f32
    %add3A_903 = arith.addf %add3A_876, %reduce_sum3A_76 : f32
    %add3A_904 = vector.broadcast %add3A_902 : f32 to vector<128x128xf32>
    %add3A_905 = arith.addf %add3A_36, %add3A_904 : vector<128x128xf32>
    %add3A_906 = vector.broadcast %add3A_903 : f32 to vector<128x128xf32>
    %add3A_907 = arith.addf %add3A_46, %add3A_906 : vector<128x128xf32>
    %add3A_908 = vector.broadcast %reduce_sum3A_24 : f32 to vector<128x128xf32>
    %add3A_909 = arith.addf %add3A_908, %add3A_905 : vector<128x128xf32>
    %slice3A_910 = vector.extract_strided_slice %add3A_20 {offsets = [0, 0], sizes = [128, 128], strides = [1, 1]} : vector<2048x128xf32> to vector<128x128xf32>
    %div3A_911 = arith.divf %slice3A_910, %add3A_909 : vector<128x128xf32>
    %slice3A_912 = vector.extract_strided_slice %add3A_15 {offsets = [0, 0], sizes = [128, 128], strides = [1, 1]} : vector<2048x128xf32> to vector<128x128xf32>
    %sub3A_913 = vector.broadcast %reduce_sum3A_24 : f32 to vector<128x128xf32>
    %sub3A_914 = arith.subf %sub3A_913, %add3A_907 : vector<128x128xf32>
    %slice3A_915 = vector.extract_strided_slice %add3A_10 {offsets = [0, 0], sizes = [128, 128], strides = [1, 1]} : vector<2048x128xf32> to vector<128x128xf32>
    %sub3A_916 = arith.subf %sub3A_914, %slice3A_915 : vector<128x128xf32>
    %mul3A_917 = arith.mulf %slice3A_912, %sub3A_916 : vector<128x128xf32>
    %slice3A_918 = vector.extract_strided_slice %add3A {offsets = [0, 0], sizes = [128, 128], strides = [1, 1]} : vector<2048x128xf32> to vector<128x128xf32>
    %add3A_919 = arith.addf %add3A_909, %slice3A_918 : vector<128x128xf32>
    %mul3A_920 = arith.mulf %add3A_909, %add3A_919 : vector<128x128xf32>
    %div3A_921 = arith.divf %mul3A_917, %mul3A_920 : vector<128x128xf32>
    %add3A_922 = arith.addf %div3A_911, %div3A_921 : vector<128x128xf32>
    %reduce_sum3A_923 = vector.shape_cast %add3A_922 : vector<128x128xf32> to vector<1x128x128xf32>
    %reduce_sum3A_924 = arith.constant dense<0.000000e+00> : vector<1xf32>
    %reduce_sum3A_925 = vector.multi_reduction <add>, %reduce_sum3A_923, %reduce_sum3A_924 [1, 2] : vector<1x128x128xf32> to vector<1xf32>
    %reduce_sum3A_926 = vector.shape_cast %reduce_sum3A_925 : vector<1xf32> to vector<1x1x1xf32>
    %reduce_sum3A_927 = vector.extract %reduce_sum3A_926[0, 0, 0] : f32 from vector<1x1x1xf32>
    %add3A_928 = arith.addf %add3A_901, %reduce_sum3A_927 : f32
    %get3A_929 = arith.constant 0 : index
    %get3A_930 = arith.constant 0 : index
    %get3A_931 = vector.load %arg1[%get3A_929, %get3A_930] : memref<32x16xf32, #tpu.memory_space<vmem>>, vector<32x16xf32>
    %reduce_max3A = vector.shape_cast %get3A_931 : vector<32x16xf32> to vector<1x32x16xf32>
    %reduce_max3A_932 = arith.constant dense<0xFF800000> : vector<1xf32>
    %reduce_max3A_933 = vector.multi_reduction <maximumf>, %reduce_max3A, %reduce_max3A_932 [1, 2] : vector<1x32x16xf32> to vector<1xf32>
    %reduce_max3A_934 = vector.shape_cast %reduce_max3A_933 : vector<1xf32> to vector<1x1x1xf32>
    %reduce_max3A_935 = vector.extract %reduce_max3A_934[0, 0, 0] : f32 from vector<1x1x1xf32>
    %gt3A_936 = arith.constant 0.000000e+00 : f32
    %gt3A_937 = arith.cmpf ogt, %reduce_sum3A_24, %gt3A_936 : f32
    %select_n3A = arith.select %gt3A_937, %add3A_928, %reduce_max3A_935 : f32
    %broadcast_in_dim3A_938 = vector.broadcast %select_n3A : f32 to vector<1x1xf32>
    %swap3A = arith.constant 0 : index
    %swap3A_939 = arith.constant 0 : index
    %swap3A_940 = vector.load %arg2[%swap3A, %swap3A_939] : memref<1x1xf32, #tpu.memory_space<vmem>>, vector<1x1xf32>
    tpu.vector_store %arg2[%swap3A, %swap3A_939], %broadcast_in_dim3A_938 {strides = array<i32>} : memref<1x1xf32, #tpu.memory_space<vmem>>, vector<1x1xf32>,
    return
  }
}

</mosaic_0001>

<sc_bundles>
// kernel: kernel.4.cloned.1.call-start
scs
__scs_entry_jumppad:
0x0: {  	(pc) =	sbr.rel $0x88, $3  }
0x1: {  	(tag) =	ssettag $0x0;
	lr =	simm.s32 $0x1  }
0x2: {  	[smem:$0x3F9F] =	sst lr;
	_ =	strace $0xD0000000  }
0x3: {  	_ = 	snop  }
0x4: {  	_ = 	snop  }
0x5: {  	_ = 	snop  }
0x6: {  	_ = 	snop  }
0x7: {  	_ = 	snop  }
__scs_overlays_trampoline_lowered:
0x8: {  	[smem:$0x3FAE] =	sst s0  }
0x9: {  	[smem:$0x3FAF] =	sst s1  }
0xa: {  	[smem:$0x3FB0] =	sst s2  }
0xb: {  	[smem:$0x3FB1] =	sst s3  }
0xc: {  	[smem:$0x3FB2] =	sst s4  }
0xd: {  	[smem:$0x3FB3] =	sst s5  }
0xe: {  	[smem:$0x3FB4] =	sst s6  }
0xf: {  	[smem:$0x3FB5] =	sst s7  }
0x10: {  	[smem:$0x3FB6] =	sst s8  }
0x11: {  	[smem:$0x3FB7] =	sst s9;
	s0 =	simm.s32 @!p0 $0x0  }
0x12: {  	s1 =	sld [smem:$0x3F9D];
	s0 =	simm.s32 @p0 $0x1  }
0x13: {  	[smem:$0x3FB8] =	sst s0;
	s0 =	simm.s32 @!p1 $0x0  }
0x14: {  	s2 =	sld [smem:$0x3F9C];
	s0 =	simm.s32 @p1 $0x1  }
0x15: {  	[smem:$0x3FB9] =	sst s0;
	s0 =	simm.s32 @!p2 $0x0  }
0x16: {  	s3 =	sld [smem:$0x3FDB];
	s0 =	simm.s32 @p2 $0x1  }
0x17: {  	s4 =	simm.s32 $0x1BF5;
	[smem:$0x3FBB] =	sst s0  }
0x18: {  	s0 =	sld [smem:$0x3F9E];
	_ =	swait.ge [sflag:s4], $0x0  }
0x19: {  	s7 =	sld [smem:$0x3F9F]  }
0x1a: {  	s8 =	sadd.s32 $0xFFFFE003, lr  }
0x1b: {  	s9 =	sadd.s32 $0xFFFFFEF7, lr;
	s5 =	simm.s32 $0xFFFFFFFF;
	p2 =	slt.u32 s8, $0xFFFFF086  }
0x1c: {  	p1 =	slt.u32 s9, $0xF7A;
	s5 =	simm.s32 @!p2 $0x0  }
0x1d: {  	s5 =	simm.s32 @p1 $0x1;
	p0 =	seq.s32 s7, s2  }
0x1e: {  	s7 =	smul.u32 @!p0 $0xF7A, s2;
	p2 =	seq.s32 @!p0 s5, $0x0  }
0x1f: {  	s9 =	smul.u32 $0xF7A, s1;
	s8 =	simm.s32 @!p0 $0x1BF5;
	p2 =	por !p2, p0  }
0x20: {  	[sflag:s8] =	ssyncset.s32 @!p0 $0xFFFFF086;
	s6 =	sadd.s32 @!p0 s3, s7;
	s7 =	simm.s32 @!p0 $0x108  }
0x21: {  	s3 =	sadd.s32 s3, s9;
	s6 =	sadd.s32 @!p0 $0x88, s6;
	s7 =	simm.s32 @p2 $0x1082  }
0x22: {  	[simem:s7], [sflag:s8] =	dma.local @!p0 [hbm:s6], $0xF7A  }
0x23: {  	s9 =	sor.u32 $0xD0000000, s2;
	s6 =	simm.s32 $0x108;
	_ =	swait.ge @!p0 [sflag:s8], $0x0  }
0x24: {  	s3 =	sadd.s32 $0x88, s3;
	s6 =	simm.s32 @!p1 $0x1082;
	[sflag:s4] =	ssyncset.s32 $0xFFFFF086  }
0x25: {  	[simem:s6], [sflag:s4] =	dma.local [hbm:s3], $0xF7A  }
0x26: {  	[smem:$0x3F9F] =	sst s1;
	(tag) =	ssettag s2;
	_ =	strace s9  }
0x27: {  	s1 =	sld [smem:$0x3FAF]  }
0x28: {  	s2 =	sld [smem:$0x3FB0]  }
0x29: {  	s4 =	sld [smem:$0x3FB2]  }
0x2a: {  	p0 =	seq.s32 s5, $0x0;
	s5 =	sld [smem:$0x3FB3]  }
0x2b: {  	s6 =	sld [smem:$0x3FB4]  }
0x2c: {  	s7 =	sld [smem:$0x3FB5]  }
0x2d: {  	s3 =	simm.s32 $0x108;
	s8 =	sld [smem:$0x3FB6]  }
0x2e: {  	s3 =	simm.s32 @!p0 $0x1082;
	s9 =	sld [smem:$0x3FB7]  }
0x2f: {  	lr =	sadd.s32 s0, s3;
	s0 =	sld [smem:$0x3FAE]  }
0x30: {  	s3 =	sld [smem:$0x3FB1]  }
0x31: {  	[smem:$0x3FBA] =	sst s10  }
0x32: {  	s10 =	sld [smem:$0x3FB8];
	_ =	sdelay $0x3  }
0x33: {  	p0 =	seq.s32 s10, $0x1;
	s10 =	sld [smem:$0x3FBA];
	_ =	sdelay $0x3  }
0x34: {  	[smem:$0x3FBA] =	sst s10  }
0x35: {  	s10 =	sld [smem:$0x3FB9];
	_ =	sdelay $0x3  }
0x36: {  	p1 =	seq.s32 s10, $0x1;
	s10 =	sld [smem:$0x3FBA];
	_ =	sdelay $0x3  }
0x37: {  	[smem:$0x3FBA] =	sst s10  }
0x38: {  	s10 =	sld [smem:$0x3FBB]  }
0x39: {  	_ = 	snop;
	(pc) =	sbr.ind lr, $3  }
0x3a: {  	_ = 	snop  }
0x3b: {  	_ = 	snop  }
0x3c: {  	p2 =	seq.s32 s10, $0x1;
	s10 =	sld [smem:$0x3FBA]  }
0x3d: {  	_ =	shalt  }
0x3e: {  	_ =	shalt  }
0x3f: {  	_ =	shalt  }
0x40: {  	_ =	shalt  }
0x41: {  	_ =	shalt  }
0x42: {  	_ =	shalt  }
0x43: {  	_ =	shalt  }
0x44: {  	_ =	shalt  }
0x45: {  	_ =	shalt  }
0x46: {  	_ =	shalt  }
0x47: {  	_ =	shalt  }
0x48: {  	_ =	shalt  }
0x49: {  	_ =	shalt  }
0x4a: {  	_ =	shalt  }
0x4b: {  	_ =	shalt  }
0x4c: {  	_ =	shalt  }
0x4d: {  	_ =	shalt  }
0x4e: {  	_ =	shalt  }
0x4f: {  	_ =	shalt  }
0x50: {  	_ =	shalt  }
0x51: {  	_ =	shalt  }
0x52: {  	_ =	shalt  }
0x53: {  	_ =	shalt  }
0x54: {  	_ =	shalt  }
0x55: {  	_ =	shalt  }
0x56: {  	_ =	shalt  }
0x57: {  	_ =	shalt  }
0x58: {  	_ =	shalt  }
0x59: {  	_ =	shalt  }
0x5a: {  	_ =	shalt  }
0x5b: {  	_ =	shalt  }
0x5c: {  	_ =	shalt  }
0x5d: {  	_ =	shalt  }
0x5e: {  	_ =	shalt  }
0x5f: {  	_ =	shalt  }
0x60: {  	_ =	shalt  }
0x61: {  	_ =	shalt  }
0x62: {  	_ =	shalt  }
0x63: {  	_ =	shalt  }
0x64: {  	_ =	shalt  }
0x65: {  	_ =	shalt  }
0x66: {  	_ =	shalt  }
0x67: {  	_ =	shalt  }
0x68: {  	_ =	shalt  }
0x69: {  	_ =	shalt  }
0x6a: {  	_ =	shalt  }
0x6b: {  	_ =	shalt  }
0x6c: {  	_ =	shalt  }
0x6d: {  	_ =	shalt  }
0x6e: {  	_ =	shalt  }
0x6f: {  	_ =	shalt  }
0x70: {  	_ =	shalt  }
0x71: {  	_ =	shalt  }
0x72: {  	_ =	shalt  }
0x73: {  	_ =	shalt  }
0x74: {  	_ =	shalt  }
0x75: {  	_ =	shalt  }
0x76: {  	_ =	shalt  }
0x77: {  	_ =	shalt  }
0x78: {  	_ =	shalt  }
0x79: {  	_ =	shalt  }
0x7a: {  	_ =	shalt  }
0x7b: {  	_ =	shalt  }
0x7c: {  	_ =	shalt  }
0x7d: {  	_ =	shalt  }
0x7e: {  	_ =	shalt  }
0x7f: {  	_ =	shalt  }
0x80: {  	_ =	shalt  }
0x81: {  	_ =	shalt  }
0x82: {  	_ =	shalt  }
0x83: {  	_ =	shalt  }
0x84: {  	_ =	shalt  }
0x85: {  	_ =	shalt  }
0x86: {  	_ =	shalt  }
0x87: {  	_ =	shalt  }
.Lfunc_end0:
.L_simem_size_0:
called_computation_lowered:
.L_overlay_start_0:
0x88: {  	s2 =	sld [smem:$0x3FD9]  }
0x89: {  	s3 =	sld [smem:$0x3FFE];
	_ =	sdelay $0x1  }
0x8a: {  	s1 =	srdreg.scid  }
0x8b: {  	s0 =	sand.u32 $0x1, s1  }
0x8c: {  	s16 =	sshll.u32 s0, $0xA;
	s2 =	sadd.s32 s3, s2  }
0x8d: {  	s2 =	sadd.s32 s2, s16  }
0x8e: {  	[smem:$0x3FC6] =	sst s2  }
0x8f: {  	_ = 	snop  }
0x90: {  	(tm) =	ssettm $0x1  }
0x91: {  	s17 =	sld [smem:$0x3FFB];
	_ =	sdelay $0x3  }
0x92: {  	_ =	strace s17  }
0x93: {  	s2 =	sld [smem:$0x3FFC];
	_ =	sdelay $0x3  }
0x94: {  	_ =	strace s2  }
0x95: {  	s2 =	sld [smem:$0x3FFD];
	_ =	sdelay $0x3  }
0x96: {  	_ =	strace s2  }
0x97: {  	_ =	strace $0x8FFFFFFF  }
0x98: {  	s18 =	sld [smem:$0x3FDB];
	_ =	sdelay $0x1  }
0x99: {  	s19 =	simm.s32 $_scs_section_size  }
0x9a: {  	s4 =	simm.s32 $_size__tile_overlayer_lowered;
	s5 =	simm.s32 $_tile_overlayer_lowered  }
0x9b: {  	s22 =	simm.s32 $0x1BFF;
	s21 =	sshll.u32 s5, $0x1;
	s2 =	sadd.s32 s19, s18  }
0x9c: {  	s6 =	simm.s32 $0x0;
	s20 =	sshll.u32 s4, $0x1;
	s4 =	sadd.s32 s21, s2  }
0x9d: {  	[timem:s6], [sflag:s22] =	dma.local [hbm:s4], s20  }
0x9e: {  	_ =	swait.ge [sflag:s22], s20  }
0x9f: {  	s3 =	ssub.s32 $0x0, s20;
	[sflag:s22] =	ssyncset.done $0x0  }
0xa0: {  	[sflag:s22] =	ssyncadd.s32 s3;
	_ =	sdelay $0x1  }
0xa1: {  	s23 =	simm.s32 $0x1B8B  }
0xa2: {  	_ =	swait.ge [sflag:s23], $0x1  }
0xa3: {  	[sflag:s23] =	ssyncset.done $0x0  }
0xa4: {  	s25 =	simm.s32 $0x1B8E;
	s24 =	sld [smem:$0x3FFE];
	[sflag:s23] =	ssyncadd.s32 $0xFFFFFFFF  }
0xa5: {  	s26 =	simm.s32 $execute0_lowered;
	[smem:$0x3FD2] =	sst s25  }
0xa6: {  	s4 =	sshll.u32 s26, $0x1;
	_ =	strace $0x80000046;
	[dreg:$0x1] =	wrdreg $0xFFFFFFFF  }
0xa7: {  	s28 =	simm.s32 $_size_execute0_lowered;
	s2 =	sadd.s32 s2, s4;
	[dreg:$0x0] =	wrdreg $0x0  }
0xa8: {  	s4 =	sshll.u32 s28, $0x1;
	[dreg:$0x2] =	wrdreg s2  }
0xa9: {  	[dreg:$0x3] =	wrdreg s4  }
0xaa: {  	[dreg:$0x4] =	wrdreg $0xC0  }
0xab: {  	_ =	task [dreg:s6], $0x5FFFF  }
0xac: {  	[dreg:$0x1] =	wrdreg $0xFFFFFFFF  }
0xad: {  	[dreg:$0x0] =	wrdreg $0x60  }
0xae: {  	[dreg:$0x2] =	wrdreg s24  }
0xaf: {  	[dreg:$0x3] =	wrdreg $0xB1000  }
0xb0: {  	[dreg:$0x4] =	wrdreg $0x9  }
0xb1: {  	_ =	task.clear_ibuf [dreg:s6], $0x5FFFF;
	_ =	strace $0x90000046  }
0xb2: {  	s29 =	simm.s32 $0x9;
	_ =	strace $0x80000048  }
0xb3: {  	_ =	swait.ge [sflag:s29], $0x1  }
0xb4: {  	[sflag:s29] =	ssyncadd.s32 $0xFFFFFFFF  }
0xb5: {  	_ =	strace $0x90000048  }
0xb6: {  	_ =	sfence  }
0xb7: {  	s30 =	sld [smem:$0x0];
	_ =	sdelay $0x2  }
0xb8: {  	s31 =	sshll.u32 s1, $0xD;
	s1 =	sshrl.u32 s1, $0x2  }
0xb9: {  	s3 =	sand.u32 $0x4000, s31;
	s1 =	sadd.s32 s1, s30  }
0xba: {  	s0 =	sor.u32 s3, s0;
	s1 =	sshll.u32 s1, $0x11  }
0xbb: {  	s0 =	sor.u32 s1, s0  }
0xbc: {  	s0 =	sadd.s32 $0x8F2B, s0  }
0xbd: {  	[sflag:s0] =	ssyncadd.remote.s32 $0x1  }
0xbe: {  	_ =	sfence.sel $0xFFFF  }
0xbf: {  	[dreg:$0x0] =	wrdreg $0xFFFFFFFF;
	(pc) =	sbr.abs _section_cstart, $3  }
0xc0: {  	[dreg:$0x1] =	wrdreg $0xFFFFFFFF  }
0xc1: {  	_ =	task.clear_ibuf [dreg:s6], $0x2FFFF;
	_ =	strace $0x9FFFFFFF  }
0xc2: {  	(tm) =	ssettm $0x7FFFFFFF  }
0xc3: {  	_ =	shalt  }
tec
execute0_lowered:
.L_overlay_start_1:
0x0: {  	(tag) =	ssettag $0x1  }
0x1: {  	s0 =	rddreg [dreg:$0x0]  }
0x2: {  	s1 =	rddreg [dreg:$0x1]  }
0x3: {  	s2 =	simm.s32 $0x0;
	s23 =	srdreg.scid;
	s9 =	stileid.u32  }
0x4: {  	s28 =	simm.s32 $0x2;
	s30 =	simm.s32 $0x80;
	s31 =	simm.s32 $0x1  }
0x5: {  	s29 =	simm.s32 $0x9E80;
	[smem:$0x7FF] =	sst s2;
	s2 =	sand.u32 $0x1, s23  }
0x6: {  	s4 =	sadd.s32 $0xC00, s0;
	s5 =	sadd.s32 $0x80C00, s0;
	s25 =	sshll.u32 s9, $0x10  }
0x7: {  	s7 =	sshll.u32 s9, $0x4;
	s26 =	sshll.u32 s9, $0xE;
	s14 =	sadd.s32 s25, s1  }
0x8: {  	_ =	strace $0x80000047;
	s11 =	sadd.s32 $0x1000, s14;
	[dreg:$0x3] =	wrdreg s14  }
0x9: {  	s3 =	sshll.u32 s2, $0x4;
	s12 =	sadd.s32 $0x2000, s14;
	[dreg:$0x7] =	wrdreg s11  }
0xa: {  	s7 =	sand.u32 $0x70, s7;
	s13 =	sadd.s32 $0x3000, s14;
	[dreg:$0x8] =	wrdreg s12  }
0xb: {  	s2 =	ssub.s32 $0x2, s2;
	s15 =	sadd.s32 $0x4000, s14;
	[dreg:$0x9] =	wrdreg s13  }
0xc: {  	s6 =	sadd.s32 s3, s0;
	s16 =	sadd.s32 $0x5000, s14;
	[dreg:$0xa] =	wrdreg s15  }
0xd: {  	s3 =	sor.u32 s9, s3;
	s17 =	sadd.s32 $0x6000, s14;
	[dreg:$0xb] =	wrdreg s16  }
0xe: {  	s0 =	sadd.s32 s7, s0;
	s18 =	sadd.s32 $0x7000, s14;
	[dreg:$0xc] =	wrdreg s17  }
0xf: {  	s24 =	sshrl.u32 s2, $0x1;
	s19 =	sadd.s32 $0x8000, s14;
	[dreg:$0xd] =	wrdreg s18  }
0x10: {  	s20 =	sadd.s32 $0x9000, s14;
	s21 =	sadd.s32 $0xA000, s14;
	[dreg:$0xe] =	wrdreg s19  }
0x11: {  	s22 =	sadd.s32 $0xB000, s14;
	s23 =	sadd.s32 $0xC000, s14;
	[dreg:$0xf] =	wrdreg s20  }
0x12: {  	s25 =	sadd.s32 $0xE000, s14;
	s8 =	sshll.u32 s3, $0x4;
	[dreg:$0x10] =	wrdreg s21  }
0x13: {  	s2 =	ssub.s32 s2, s24;
	s7 =	sshll.u32 s3, $0xE;
	[dreg:$0x11] =	wrdreg s22  }
0x14: {  	s9 =	sadd.s32 s26, s6;
	[dreg:$0x12] =	wrdreg s23;
	s24 =	sadd.s32 $0xD000, s14  }
0x15: {  	[dreg:$0x14] =	wrdreg s25;
	s26 =	sadd.s32 $0xF000, s14;
	s18 =	simm.s32 $0x7D00  }
0x16: {  	s19 =	simm.s32 $0x9D00;
	s20 =	simm.s32 $0x5D80;
	s21 =	simm.s32 $0x7D80  }
0x17: {  	s22 =	simm.s32 $0x9D80;
	s23 =	simm.s32 $0x5E00;
	s25 =	simm.s32 $0x9E00  }
0x18: {  	s6 =	simm.s32 $0x5E80;
	s3 =	simm.s32 $0x7F00;
	s11 =	simm.s32 $0x9F80  }
0x19: {  	s13 =	simm.s32 $0x0;
	s8 =	sand.u32 $0x180, s8;
	[dreg:$0x13] =	wrdreg s24  }
0x1a: {  	s10 =	smax.u32 s2, $0x1;
	[dreg:$0x15] =	wrdreg s26;
	s24 =	simm.s32 $0x7E00  }
0x1b: {  	s26 =	simm.s32 $0x7E80;
	s2 =	simm.s32 $0x5F00;
	s0 =	sadd.s32 s8, s0  }
0x1c: {  	[dreg:$0x6] =	wrdreg s10;
	s8 =	simm.s32 $0x9F00;
	s0 =	sadd.s32 $0x140C00, s0  }
0x1d: {  	s10 =	simm.s32 $0x7F80;
	[dreg:$0x4] =	wrdreg s0;
	s0 =	sadd.s32 $0x100C00, s9  }
0x1e: {  	v0 =	vimm.f32 $1.000000000e+00;
	v1 =	vimm.f32 $0.0e+00;
	s9 =	simm.s32 $0x5F80;
	[dreg:$0x5] =	wrdreg s0;
	s0 =	simm.s32 $0xA000  }
.LBB2_1:
0x1f: {  	[tilespmem:$0xA000] =	vst v0  }
0x20: {  	[tilespmem:$0xA010] =	vst v0  }
0x21: {  	[tilespmem:$0xA020] =	vst v0  }
0x22: {  	[tilespmem:$0xA030] =	vst v0  }
0x23: {  	[tilespmem:$0xA040] =	vst v0  }
0x24: {  	[tilespmem:$0xA050] =	vst v0  }
0x25: {  	[tilespmem:$0xA060] =	vst v0  }
0x26: {  	[dreg:$0x16] =	wrdreg s13;
	[tilespmem:$0xA070] =	vst v0;
	s12 =	simm.s32 $0x40;
	s13 =	simm.s32 $0x0  }
.LBB2_2:
0x27: {  	p0 =	sne.s32 s12, $0x3FC0;
	[tilespmem:s13+$0xA080] =	vst v1;
	s13 =	smov.u32 s12;
	s12 =	sadd.s32 $0x40, s12  }
.Ltmp0:
0x28: {  	(pc) =	sbr.rel @p0 .LBB2_2-.Ltmp0, $2  }
0x29: {  	_ =	sdelay $0x2  }
0x2a: {  	s13 =	sshra.s32 s13, $0x2  }
0x2b: {  	[tilespmem:s13+$0xA080] =	vst v1;
	s13 =	simm.s32 $0xA080  }
0x2c: {  	[spmem:s14] =	stream.linear.scatter [tilespmem:s13], [sflag:$0x2], $0x1000, $0x38;
	[tilespmem:$0x1B100] =	vst v63  }
0x2d: {  	_ =	swait.ge [sflag:s28], $0x1000  }
0x2e: {  	[sflag:s28] =	ssyncset.done $0x0  }
0x2f: {  	s12 =	rddreg [dreg:$0x7];
	[sflag:s28] =	ssyncadd.s32 $0xFFFFF000  }
0x30: {  	[spmem:s12] =	stream.linear.scatter [tilespmem:s13], [sflag:$0x2], $0x1000, $0x38;
	[tilespmem:$0x1B100] =	vst v63  }
0x31: {  	_ =	swait.ge [sflag:s28], $0x1000  }
0x32: {  	[sflag:s28] =	ssyncset.done $0x0  }
0x33: {  	s16 =	rddreg [dreg:$0x8];
	[sflag:s28] =	ssyncadd.s32 $0xFFFFF000  }
0x34: {  	[spmem:s16] =	stream.linear.scatter [tilespmem:s13], [sflag:$0x2], $0x1000, $0x38;
	[tilespmem:$0x1B100] =	vst v63  }
0x35: {  	_ =	swait.ge [sflag:s28], $0x1000  }
0x36: {  	[sflag:s28] =	ssyncset.done $0x0  }
0x37: {  	s17 =	rddreg [dreg:$0x9];
	[sflag:s28] =	ssyncadd.s32 $0xFFFFF000  }
0x38: {  	[spmem:s17] =	stream.linear.scatter [tilespmem:s13], [sflag:$0x2], $0x1000, $0x38;
	[tilespmem:$0x1B100] =	vst v63  }
0x39: {  	_ =	swait.ge [sflag:s28], $0x1000  }
0x3a: {  	[sflag:s28] =	ssyncset.done $0x0  }
0x3b: {  	s14 =	rddreg [dreg:$0xa];
	[sflag:s28] =	ssyncadd.s32 $0xFFFFF000  }
0x3c: {  	[spmem:s14] =	stream.linear.scatter [tilespmem:s13], [sflag:$0x2], $0x1000, $0x38;
	[tilespmem:$0x1B100] =	vst v63  }
0x3d: {  	_ =	swait.ge [sflag:s28], $0x1000  }
0x3e: {  	[sflag:s28] =	ssyncset.done $0x0  }
0x3f: {  	s15 =	rddreg [dreg:$0xb];
	[sflag:s28] =	ssyncadd.s32 $0xFFFFF000  }
0x40: {  	[spmem:s15] =	stream.linear.scatter [tilespmem:s13], [sflag:$0x2], $0x1000, $0x38;
	[tilespmem:$0x1B100] =	vst v63  }
0x41: {  	_ =	swait.ge [sflag:s28], $0x1000  }
0x42: {  	[sflag:s28] =	ssyncset.done $0x0  }
0x43: {  	s16 =	rddreg [dreg:$0xc];
	[sflag:s28] =	ssyncadd.s32 $0xFFFFF000  }
0x44: {  	[spmem:s16] =	stream.linear.scatter [tilespmem:s13], [sflag:$0x2], $0x1000, $0x38;
	[tilespmem:$0x1B100] =	vst v63  }
0x45: {  	_ =	swait.ge [sflag:s28], $0x1000  }
0x46: {  	[sflag:s28] =	ssyncset.done $0x0  }
0x47: {  	s17 =	rddreg [dreg:$0xd];
	[sflag:s28] =	ssyncadd.s32 $0xFFFFF000  }
0x48: {  	[spmem:s17] =	stream.linear.scatter [tilespmem:s13], [sflag:$0x2], $0x1000, $0x38;
	[tilespmem:$0x1B100] =	vst v63  }
0x49: {  	_ =	swait.ge [sflag:s28], $0x1000  }
0x4a: {  	[sflag:s28] =	ssyncset.done $0x0  }
0x4b: {  	s14 =	rddreg [dreg:$0xe];
	[sflag:s28] =	ssyncadd.s32 $0xFFFFF000  }
0x4c: {  	[spmem:s14] =	stream.linear.scatter [tilespmem:s13], [sflag:$0x2], $0x1000, $0x38;
	[tilespmem:$0x1B100] =	vst v63  }
0x4d: {  	_ =	swait.ge [sflag:s28], $0x1000  }
0x4e: {  	[sflag:s28] =	ssyncset.done $0x0  }
0x4f: {  	s15 =	rddreg [dreg:$0xf];
	[sflag:s28] =	ssyncadd.s32 $0xFFFFF000  }
0x50: {  	[spmem:s15] =	stream.linear.scatter [tilespmem:s13], [sflag:$0x2], $0x1000, $0x38;
	[tilespmem:$0x1B100] =	vst v63  }
0x51: {  	_ =	swait.ge [sflag:s28], $0x1000  }
0x52: {  	[sflag:s28] =	ssyncset.done $0x0  }
0x53: {  	s16 =	rddreg [dreg:$0x10];
	[sflag:s28] =	ssyncadd.s32 $0xFFFFF000  }
0x54: {  	[spmem:s16] =	stream.linear.scatter [tilespmem:s13], [sflag:$0x2], $0x1000, $0x38;
	[tilespmem:$0x1B100] =	vst v63  }
0x55: {  	_ =	swait.ge [sflag:s28], $0x1000  }
0x56: {  	[sflag:s28] =	ssyncset.done $0x0  }
0x57: {  	s17 =	rddreg [dreg:$0x11];
	[sflag:s28] =	ssyncadd.s32 $0xFFFFF000  }
0x58: {  	[spmem:s17] =	stream.linear.scatter [tilespmem:s13], [sflag:$0x2], $0x1000, $0x38;
	[tilespmem:$0x1B100] =	vst v63  }
0x59: {  	_ =	swait.ge [sflag:s28], $0x1000  }
0x5a: {  	[sflag:s28] =	ssyncset.done $0x0  }
0x5b: {  	s14 =	rddreg [dreg:$0x12];
	[sflag:s28] =	ssyncadd.s32 $0xFFFFF000  }
0x5c: {  	[spmem:s14] =	stream.linear.scatter [tilespmem:s13], [sflag:$0x2], $0x1000, $0x38;
	[tilespmem:$0x1B100] =	vst v63  }
0x5d: {  	_ =	swait.ge [sflag:s28], $0x1000  }
0x5e: {  	[sflag:s28] =	ssyncset.done $0x0  }
0x5f: {  	s15 =	rddreg [dreg:$0x13];
	[sflag:s28] =	ssyncadd.s32 $0xFFFFF000  }
0x60: {  	[spmem:s15] =	stream.linear.scatter [tilespmem:s13], [sflag:$0x2], $0x1000, $0x38;
	[tilespmem:$0x1B100] =	vst v63  }
0x61: {  	_ =	swait.ge [sflag:s28], $0x1000  }
0x62: {  	[sflag:s28] =	ssyncset.done $0x0  }
0x63: {  	s16 =	rddreg [dreg:$0x14];
	[sflag:s28] =	ssyncadd.s32 $0xFFFFF000  }
0x64: {  	[spmem:s16] =	stream.linear.scatter [tilespmem:s13], [sflag:$0x2], $0x1000, $0x38;
	[tilespmem:$0x1B100] =	vst v63  }
0x65: {  	_ =	swait.ge [sflag:s28], $0x1000  }
0x66: {  	[sflag:s28] =	ssyncset.done $0x0  }
0x67: {  	s17 =	rddreg [dreg:$0x15];
	[sflag:s28] =	ssyncadd.s32 $0xFFFFF000  }
0x68: {  	[spmem:s17] =	stream.linear.scatter [tilespmem:s13], [sflag:$0x2], $0x1000, $0x38;
	[tilespmem:$0x1B100] =	vst v63  }
0x69: {  	_ =	swait.ge [sflag:s28], $0x1000  }
0x6a: {  	[sflag:s28] =	ssyncset.done $0x0  }
0x6b: {  	[sflag:s28] =	ssyncadd.s32 $0xFFFFF000  }
0x6c: {  	v2 =	vimm.f32 $0.0e+00;
	s12 =	simm.s32 $0x0;
	s13 =	simm.s32 $0x0;
	[bflag:$0x0] =	sbarrier.arrive $0xFFFF  }
.LBB2_4:
0x6d: {  	s14 =	sshll.u32 s13, $0xA  }
0x6e: {  	s14 =	sadd.s32 s7, s14  }
0x6f: {  	s15 =	sadd.s32 s4, s14  }
0x70: {  	[tilespmem:s12], [sflag:$0x2] =	stream.linear.gather [hbm4b:s15+s12], $0x2000, $0x38;
	[tilespmem:$0x1B100] =	vst v63  }
0x71: {  	_ =	swait.ge [sflag:s28], $0x2000  }
0x72: {  	[sflag:s28] =	ssyncset.done $0x0  }
0x73: {  	s17 =	simm.s32 $0x2000;
	s14 =	sadd.s32 s5, s14;
	[sflag:s28] =	ssyncadd.s32 $0xFFFFE000  }
0x74: {  	[tilespmem:s17], [sflag:$0x2] =	stream.linear.gather [hbm4b:s14+s12], $0x2000, $0x38;
	[tilespmem:$0x1B100] =	vst v63  }
0x75: {  	_ =	swait.ge [sflag:s28], $0x2000  }
0x76: {  	[sflag:s28] =	ssyncset.done $0x0  }
0x77: {  	s15 =	simm.s32 $0x0;
	[sflag:s28] =	ssyncadd.s32 $0xFFFFE000  }
0x78: {  	v6 =	vld [tilespmem:s15+$0x2000];
	_ =	sdelay $0x1  }
0x79: {  	v3 =	vld [tilespmem:s15+$0x0];
	_ =	sdelay $0x2  }
0x7a: {  	v4 =	vcvt.s32.f32 v6  }
0x7b: {  	s14 =	simm.s32 $0x10  }
0x7c: {  	v5 =	vsub.f32 v3, v4;
	v4 =	vld [tilespmem:s14+$0x2000];
	_ =	sdelay $0x1  }
0x7d: {  	v3 =	vld [tilespmem:s14+$0x0]  }
0x7e: {  	v7 =	vand.u32 $0x7FFFFFFF, v5  }
0x7f: {  	s16 =	simm.s32 $0x80;
	v6 =	vshll.u32 v6, $0x12;
	v5 =	vshrl.u32 v7, $0xD;
	[tilespmem:s15+$0x8000] =	vst v7;
	v2 =	vmax.f32 v2, v7  }
.LBB2_5:
0x80: {  	s17 =	sshra.s32 s16, $0x2;
	p0 =	sne.s32 s16, $0x7FC0;
	s16 =	sadd.s32 $0x40, s16;
	v7 =	vcvt.s32.f32 v4;
	v5 =	vor.u32 v6, v5;
	v6 =	vmov v4  }
.Ltmp1:
0x81: {  	v4 =	vld [tilespmem:s17+$0x2000];
	[tilespmem:s15+$0x4000] =	vst v5;
	v5 =	vadd.s32 $0x80000, v5;
	(pc) =	sbr.rel @p0 .LBB2_5-.Ltmp1, $4  }
0x82: {  	v7 =	vsub.f32 v3, v7;
	[tilespmem:s15+$0x6000] =	vst v5;
	s15 =	smov.u32 s14;
	s14 =	smov.u32 s17  }
0x83: {  	v3 =	vld [tilespmem:s14+$0x0]  }
0x84: {  	v7 =	vand.u32 $0x7FFFFFFF, v7  }
0x85: {  	v6 =	vshll.u32 v6, $0x12;
	v5 =	vshrl.u32 v7, $0xD;
	[tilespmem:s15+$0x8000] =	vst v7;
	v2 =	vmax.f32 v2, v7  }
0x86: {  	v7 =	vcvt.s32.f32 v4;
	_ =	sdelay $0x1  }
0x87: {  	v3 =	vsub.f32 v3, v7  }
0x88: {  	v5 =	vor.u32 v6, v5  }
0x89: {  	[tilespmem:s15+$0x4000] =	vst v5;
	v5 =	vadd.s32 $0x80000, v5;
	v3 =	vand.u32 $0x7FFFFFFF, v3  }
0x8a: {  	v63 =	vshll.u32 v4, $0x12;
	[tilespmem:s15+$0x6000] =	vst v5;
	v62 =	vshrl.u32 v3, $0xD  }
0x8b: {  	[tilespmem:s14+$0x8000] =	vst v3;
	v4 =	vor.u32 v63, v62  }
0x8c: {  	[tilespmem:s14+$0x4000] =	vst v4;
	v4 =	vadd.s32 $0x80000, v4  }
0x8d: {  	s17 =	simm.s32 $0x4000;
	[tilespmem:s14+$0x6000] =	vst v4  }
0x8e: {  	[spmem:s1] =	stream.indirect.scatter.add.f32 [tilespmem:s0], [sflag:$0x1], $0x1, s17, s30, $0xb8;
	[tilespmem:$0x1B100] =	vst v63  }
0x8f: {  	s16 =	simm.s32 $0x8000;
	s15 =	simm.s32 $0x6000  }
0x90: {  	[spmem:s1] =	stream.indirect.scatter.add.f32 [tilespmem:s16], [sflag:$0x1], $0x1, s15, s30, $0xb8;
	[tilespmem:$0x1B100] =	vst v63  }
0x91: {  	s17 =	simm.s32 $0x4080  }
0x92: {  	[spmem:s1] =	stream.indirect.scatter.add.f32 [tilespmem:s0], [sflag:$0x1], $0x1, s17, s30, $0xb8;
	[tilespmem:$0x1B100] =	vst v63  }
0x93: {  	s15 =	simm.s32 $0x6080;
	s16 =	simm.s32 $0x8080  }
0x94: {  	[spmem:s1] =	stream.indirect.scatter.add.f32 [tilespmem:s16], [sflag:$0x1], $0x1, s15, s30, $0xb8;
	[tilespmem:$0x1B100] =	vst v63  }
0x95: {  	s17 =	simm.s32 $0x4100  }
0x96: {  	[spmem:s1] =	stream.indirect.scatter.add.f32 [tilespmem:s0], [sflag:$0x1], $0x1, s17, s30, $0xb8;
	[tilespmem:$0x1B100] =	vst v63  }
0x97: {  	s15 =	simm.s32 $0x6100;
	s16 =	simm.s32 $0x8100  }
0x98: {  	[spmem:s1] =	stream.indirect.scatter.add.f32 [tilespmem:s16], [sflag:$0x1], $0x1, s15, s30, $0xb8;
	[tilespmem:$0x1B100] =	vst v63  }
0x99: {  	s17 =	simm.s32 $0x4180  }
0x9a: {  	[spmem:s1] =	stream.indirect.scatter.add.f32 [tilespmem:s0], [sflag:$0x1], $0x1, s17, s30, $0xb8;
	[tilespmem:$0x1B100] =	vst v63  }
0x9b: {  	s15 =	simm.s32 $0x6180;
	s16 =	simm.s32 $0x8180  }
0x9c: {  	[spmem:s1] =	stream.indirect.scatter.add.f32 [tilespmem:s16], [sflag:$0x1], $0x1, s15, s30, $0xb8;
	[tilespmem:$0x1B100] =	vst v63  }
0x9d: {  	s17 =	simm.s32 $0x4200  }
0x9e: {  	[spmem:s1] =	stream.indirect.scatter.add.f32 [tilespmem:s0], [sflag:$0x1], $0x1, s17, s30, $0xb8;
	[tilespmem:$0x1B100] =	vst v63  }
0x9f: {  	s15 =	simm.s32 $0x6200;
	s16 =	simm.s32 $0x8200  }
0xa0: {  	[spmem:s1] =	stream.indirect.scatter.add.f32 [tilespmem:s16], [sflag:$0x1], $0x1, s15, s30, $0xb8;
	[tilespmem:$0x1B100] =	vst v63  }
0xa1: {  	s17 =	simm.s32 $0x4280  }
0xa2: {  	[spmem:s1] =	stream.indirect.scatter.add.f32 [tilespmem:s0], [sflag:$0x1], $0x1, s17, s30, $0xb8;
	[tilespmem:$0x1B100] =	vst v63  }
0xa3: {  	s15 =	simm.s32 $0x6280;
	s16 =	simm.s32 $0x8280  }
0xa4: {  	[spmem:s1] =	stream.indirect.scatter.add.f32 [tilespmem:s16], [sflag:$0x1], $0x1, s15, s30, $0xb8;
	[tilespmem:$0x1B100] =	vst v63  }
0xa5: {  	s17 =	simm.s32 $0x4300  }
0xa6: {  	[spmem:s1] =	stream.indirect.scatter.add.f32 [tilespmem:s0], [sflag:$0x1], $0x1, s17, s30, $0xb8;
	[tilespmem:$0x1B100] =	vst v63  }
0xa7: {  	s15 =	simm.s32 $0x6300;
	s16 =	simm.s32 $0x8300  }
0xa8: {  	[spmem:s1] =	stream.indirect.scatter.add.f32 [tilespmem:s16], [sflag:$0x1], $0x1, s15, s30, $0xb8;
	[tilespmem:$0x1B100] =	vst v63  }
0xa9: {  	s17 =	simm.s32 $0x4380  }
0xaa: {  	[spmem:s1] =	stream.indirect.scatter.add.f32 [tilespmem:s0], [sflag:$0x1], $0x1, s17, s30, $0xb8;
	[tilespmem:$0x1B100] =	vst v63  }
0xab: {  	s15 =	simm.s32 $0x6380;
	s16 =	simm.s32 $0x8380  }
0xac: {  	[spmem:s1] =	stream.indirect.scatter.add.f32 [tilespmem:s16], [sflag:$0x1], $0x1, s15, s30, $0xb8;
	[tilespmem:$0x1B100] =	vst v63  }
0xad: {  	s17 =	simm.s32 $0x4400  }
0xae: {  	[spmem:s1] =	stream.indirect.scatter.add.f32 [tilespmem:s0], [sflag:$0x1], $0x1, s17, s30, $0xb8;
	[tilespmem:$0x1B100] =	vst v63  }
0xaf: {  	s15 =	simm.s32 $0x6400;
	s16 =	simm.s32 $0x8400  }
0xb0: {  	[spmem:s1] =	stream.indirect.scatter.add.f32 [tilespmem:s16], [sflag:$0x1], $0x1, s15, s30, $0xb8;
	[tilespmem:$0x1B100] =	vst v63  }
0xb1: {  	s17 =	simm.s32 $0x4480  }
0xb2: {  	[spmem:s1] =	stream.indirect.scatter.add.f32 [tilespmem:s0], [sflag:$0x1], $0x1, s17, s30, $0xb8;
	[tilespmem:$0x1B100] =	vst v63  }
0xb3: {  	s15 =	simm.s32 $0x6480;
	s16 =	simm.s32 $0x8480  }
0xb4: {  	[spmem:s1] =	stream.indirect.scatter.add.f32 [tilespmem:s16], [sflag:$0x1], $0x1, s15, s30, $0xb8;
	[tilespmem:$0x1B100] =	vst v63  }
0xb5: {  	s17 =	simm.s32 $0x4500  }
0xb6: {  	[spmem:s1] =	stream.indirect.scatter.add.f32 [tilespmem:s0], [sflag:$0x1], $0x1, s17, s30, $0xb8;
	[tilespmem:$0x1B100] =	vst v63  }
0xb7: {  	s15 =	simm.s32 $0x6500;
	s16 =	simm.s32 $0x8500  }
0xb8: {  	[spmem:s1] =	stream.indirect.scatter.add.f32 [tilespmem:s16], [sflag:$0x1], $0x1, s15, s30, $0xb8;
	[tilespmem:$0x1B100] =	vst v63  }
0xb9: {  	s17 =	simm.s32 $0x4580  }
0xba: {  	[spmem:s1] =	stream.indirect.scatter.add.f32 [tilespmem:s0], [sflag:$0x1], $0x1, s17, s30, $0xb8;
	[tilespmem:$0x1B100] =	vst v63  }
0xbb: {  	s15 =	simm.s32 $0x6580;
	s16 =	simm.s32 $0x8580  }
0xbc: {  	[spmem:s1] =	stream.indirect.scatter.add.f32 [tilespmem:s16], [sflag:$0x1], $0x1, s15, s30, $0xb8;
	[tilespmem:$0x1B100] =	vst v63  }
0xbd: {  	s17 =	simm.s32 $0x4600  }
0xbe: {  	[spmem:s1] =	stream.indirect.scatter.add.f32 [tilespmem:s0], [sflag:$0x1], $0x1, s17, s30, $0xb8;
	[tilespmem:$0x1B100] =	vst v63  }
0xbf: {  	s15 =	simm.s32 $0x6600;
	s16 =	simm.s32 $0x8600  }
0xc0: {  	[spmem:s1] =	stream.indirect.scatter.add.f32 [tilespmem:s16], [sflag:$0x1], $0x1, s15, s30, $0xb8;
	[tilespmem:$0x1B100] =	vst v63  }
0xc1: {  	s17 =	simm.s32 $0x4680  }
0xc2: {  	[spmem:s1] =	stream.indirect.scatter.add.f32 [tilespmem:s0], [sflag:$0x1], $0x1, s17, s30, $0xb8;
	[tilespmem:$0x1B100] =	vst v63  }
0xc3: {  	s15 =	simm.s32 $0x6680;
	s16 =	simm.s32 $0x8680  }
0xc4: {  	[spmem:s1] =	stream.indirect.scatter.add.f32 [tilespmem:s16], [sflag:$0x1], $0x1, s15, s30, $0xb8;
	[tilespmem:$0x1B100] =	vst v63  }
0xc5: {  	s17 =	simm.s32 $0x4700  }
0xc6: {  	[spmem:s1] =	stream.indirect.scatter.add.f32 [tilespmem:s0], [sflag:$0x1], $0x1, s17, s30, $0xb8;
	[tilespmem:$0x1B100] =	vst v63  }
0xc7: {  	s15 =	simm.s32 $0x6700;
	s16 =	simm.s32 $0x8700  }
0xc8: {  	[spmem:s1] =	stream.indirect.scatter.add.f32 [tilespmem:s16], [sflag:$0x1], $0x1, s15, s30, $0xb8;
	[tilespmem:$0x1B100] =	vst v63  }
0xc9: {  	s17 =	simm.s32 $0x4780  }
0xca: {  	[spmem:s1] =	stream.indirect.scatter.add.f32 [tilespmem:s0], [sflag:$0x1], $0x1, s17, s30, $0xb8;
	[tilespmem:$0x1B100] =	vst v63  }
0xcb: {  	s15 =	simm.s32 $0x6780;
	s16 =	simm.s32 $0x8780  }
0xcc: {  	[spmem:s1] =	stream.indirect.scatter.add.f32 [tilespmem:s16], [sflag:$0x1], $0x1, s15, s30, $0xb8;
	[tilespmem:$0x1B100] =	vst v63  }
0xcd: {  	_ =	swait.ge [sflag:s31], $0x80  }
0xce: {  	[sflag:s31] =	ssyncset.done $0x0  }
0xcf: {  	[sflag:s31] =	ssyncadd.s32 $0xFFFFFF80  }
0xd0: {  	_ =	swait.ge [sflag:s31], $0x80  }
0xd1: {  	[sflag:s31] =	ssyncset.done $0x0  }
0xd2: {  	[sflag:s31] =	ssyncadd.s32 $0xFFFFFF80  }
0xd3: {  	_ =	swait.ge [sflag:s31], $0x80  }
0xd4: {  	[sflag:s31] =	ssyncset.done $0x0  }
0xd5: {  	[sflag:s31] =	ssyncadd.s32 $0xFFFFFF80  }
0xd6: {  	_ =	swait.ge [sflag:s31], $0x80  }
0xd7: {  	[sflag:s31] =	ssyncset.done $0x0  }
0xd8: {  	[sflag:s31] =	ssyncadd.s32 $0xFFFFFF80  }
0xd9: {  	_ =	swait.ge [sflag:s31], $0x80  }
0xda: {  	[sflag:s31] =	ssyncset.done $0x0  }
0xdb: {  	[sflag:s31] =	ssyncadd.s32 $0xFFFFFF80  }
0xdc: {  	_ =	swait.ge [sflag:s31], $0x80  }
0xdd: {  	[sflag:s31] =	ssyncset.done $0x0  }
0xde: {  	[sflag:s31] =	ssyncadd.s32 $0xFFFFFF80  }
0xdf: {  	_ =	swait.ge [sflag:s31], $0x80  }
0xe0: {  	[sflag:s31] =	ssyncset.done $0x0  }
0xe1: {  	[sflag:s31] =	ssyncadd.s32 $0xFFFFFF80  }
0xe2: {  	_ =	swait.ge [sflag:s31], $0x80  }
0xe3: {  	[sflag:s31] =	ssyncset.done $0x0  }
0xe4: {  	[sflag:s31] =	ssyncadd.s32 $0xFFFFFF80  }
0xe5: {  	_ =	swait.ge [sflag:s31], $0x80  }
0xe6: {  	[sflag:s31] =	ssyncset.done $0x0  }
0xe7: {  	[sflag:s31] =	ssyncadd.s32 $0xFFFFFF80  }
0xe8: {  	_ =	swait.ge [sflag:s31], $0x80  }
0xe9: {  	[sflag:s31] =	ssyncset.done $0x0  }
0xea: {  	[sflag:s31] =	ssyncadd.s32 $0xFFFFFF80  }
0xeb: {  	_ =	swait.ge [sflag:s31], $0x80  }
0xec: {  	[sflag:s31] =	ssyncset.done $0x0  }
0xed: {  	[sflag:s31] =	ssyncadd.s32 $0xFFFFFF80  }
0xee: {  	_ =	swait.ge [sflag:s31], $0x80  }
0xef: {  	[sflag:s31] =	ssyncset.done $0x0  }
0xf0: {  	[sflag:s31] =	ssyncadd.s32 $0xFFFFFF80  }
0xf1: {  	_ =	swait.ge [sflag:s31], $0x80  }
0xf2: {  	[sflag:s31] =	ssyncset.done $0x0  }
0xf3: {  	[sflag:s31] =	ssyncadd.s32 $0xFFFFFF80  }
0xf4: {  	_ =	swait.ge [sflag:s31], $0x80  }
0xf5: {  	[sflag:s31] =	ssyncset.done $0x0  }
0xf6: {  	[sflag:s31] =	ssyncadd.s32 $0xFFFFFF80  }
0xf7: {  	_ =	swait.ge [sflag:s31], $0x80  }
0xf8: {  	[sflag:s31] =	ssyncset.done $0x0  }
0xf9: {  	[sflag:s31] =	ssyncadd.s32 $0xFFFFFF80  }
0xfa: {  	_ =	swait.ge [sflag:s31], $0x80  }
0xfb: {  	[sflag:s31] =	ssyncset.done $0x0  }
0xfc: {  	[sflag:s31] =	ssyncadd.s32 $0xFFFFFF80  }
0xfd: {  	_ =	swait.ge [sflag:s31], $0x80  }
0xfe: {  	[sflag:s31] =	ssyncset.done $0x0  }
0xff: {  	[sflag:s31] =	ssyncadd.s32 $0xFFFFFF80  }
0x100: {  	_ =	swait.ge [sflag:s31], $0x80  }
0x101: {  	[sflag:s31] =	ssyncset.done $0x0  }
0x102: {  	[sflag:s31] =	ssyncadd.s32 $0xFFFFFF80  }
0x103: {  	_ =	swait.ge [sflag:s31], $0x80  }
0x104: {  	[sflag:s31] =	ssyncset.done $0x0  }
0x105: {  	[sflag:s31] =	ssyncadd.s32 $0xFFFFFF80  }
0x106: {  	_ =	swait.ge [sflag:s31], $0x80  }
0x107: {  	[sflag:s31] =	ssyncset.done $0x0  }
0x108: {  	[sflag:s31] =	ssyncadd.s32 $0xFFFFFF80  }
0x109: {  	_ =	swait.ge [sflag:s31], $0x80  }
0x10a: {  	[sflag:s31] =	ssyncset.done $0x0  }
0x10b: {  	[sflag:s31] =	ssyncadd.s32 $0xFFFFFF80  }
0x10c: {  	_ =	swait.ge [sflag:s31], $0x80  }
0x10d: {  	[sflag:s31] =	ssyncset.done $0x0  }
0x10e: {  	[sflag:s31] =	ssyncadd.s32 $0xFFFFFF80  }
0x10f: {  	_ =	swait.ge [sflag:s31], $0x80  }
0x110: {  	[sflag:s31] =	ssyncset.done $0x0  }
0x111: {  	[sflag:s31] =	ssyncadd.s32 $0xFFFFFF80  }
0x112: {  	_ =	swait.ge [sflag:s31], $0x80  }
0x113: {  	[sflag:s31] =	ssyncset.done $0x0  }
0x114: {  	[sflag:s31] =	ssyncadd.s32 $0xFFFFFF80  }
0x115: {  	_ =	swait.ge [sflag:s31], $0x80  }
0x116: {  	[sflag:s31] =	ssyncset.done $0x0  }
0x117: {  	[sflag:s31] =	ssyncadd.s32 $0xFFFFFF80  }
0x118: {  	_ =	swait.ge [sflag:s31], $0x80  }
0x119: {  	[sflag:s31] =	ssyncset.done $0x0  }
0x11a: {  	[sflag:s31] =	ssyncadd.s32 $0xFFFFFF80  }
0x11b: {  	_ =	swait.ge [sflag:s31], $0x80  }
0x11c: {  	[sflag:s31] =	ssyncset.done $0x0  }
0x11d: {  	[sflag:s31] =	ssyncadd.s32 $0xFFFFFF80  }
0x11e: {  	_ =	swait.ge [sflag:s31], $0x80  }
0x11f: {  	[sflag:s31] =	ssyncset.done $0x0  }
0x120: {  	[sflag:s31] =	ssyncadd.s32 $0xFFFFFF80  }
0x121: {  	_ =	swait.ge [sflag:s31], $0x80  }
0x122: {  	[sflag:s31] =	ssyncset.done $0x0  }
0x123: {  	[sflag:s31] =	ssyncadd.s32 $0xFFFFFF80  }
0x124: {  	_ =	swait.ge [sflag:s31], $0x80  }
0x125: {  	[sflag:s31] =	ssyncset.done $0x0  }
0x126: {  	[sflag:s31] =	ssyncadd.s32 $0xFFFFFF80  }
0x127: {  	_ =	swait.ge [sflag:s31], $0x80  }
0x128: {  	[sflag:s31] =	ssyncset.done $0x0  }
0x129: {  	[sflag:s31] =	ssyncadd.s32 $0xFFFFFF80  }
0x12a: {  	_ =	swait.ge [sflag:s31], $0x80  }
0x12b: {  	[sflag:s31] =	ssyncset.done $0x0  }
0x12c: {  	s17 =	simm.s32 $0x4800;
	[sflag:s31] =	ssyncadd.s32 $0xFFFFFF80  }
0x12d: {  	[spmem:s1] =	stream.indirect.scatter.add.f32 [tilespmem:s0], [sflag:$0x1], $0x1, s17, s30, $0xb8;
	[tilespmem:$0x1B100] =	vst v63  }
0x12e: {  	s15 =	simm.s32 $0x6800;
	s16 =	simm.s32 $0x8800  }
0x12f: {  	[spmem:s1] =	stream.indirect.scatter.add.f32 [tilespmem:s16], [sflag:$0x1], $0x1, s15, s30, $0xb8;
	[tilespmem:$0x1B100] =	vst v63  }
0x130: {  	s17 =	simm.s32 $0x4880  }
0x131: {  	[spmem:s1] =	stream.indirect.scatter.add.f32 [tilespmem:s0], [sflag:$0x1], $0x1, s17, s30, $0xb8;
	[tilespmem:$0x1B100] =	vst v63  }
0x132: {  	s15 =	simm.s32 $0x6880;
	s16 =	simm.s32 $0x8880  }
0x133: {  	[spmem:s1] =	stream.indirect.scatter.add.f32 [tilespmem:s16], [sflag:$0x1], $0x1, s15, s30, $0xb8;
	[tilespmem:$0x1B100] =	vst v63  }
0x134: {  	s17 =	simm.s32 $0x4900  }
0x135: {  	[spmem:s1] =	stream.indirect.scatter.add.f32 [tilespmem:s0], [sflag:$0x1], $0x1, s17, s30, $0xb8;
	[tilespmem:$0x1B100] =	vst v63  }
0x136: {  	s15 =	simm.s32 $0x6900;
	s16 =	simm.s32 $0x8900  }
0x137: {  	[spmem:s1] =	stream.indirect.scatter.add.f32 [tilespmem:s16], [sflag:$0x1], $0x1, s15, s30, $0xb8;
	[tilespmem:$0x1B100] =	vst v63  }
0x138: {  	s17 =	simm.s32 $0x4980  }
0x139: {  	[spmem:s1] =	stream.indirect.scatter.add.f32 [tilespmem:s0], [sflag:$0x1], $0x1, s17, s30, $0xb8;
	[tilespmem:$0x1B100] =	vst v63  }
0x13a: {  	s15 =	simm.s32 $0x6980;
	s16 =	simm.s32 $0x8980  }
0x13b: {  	[spmem:s1] =	stream.indirect.scatter.add.f32 [tilespmem:s16], [sflag:$0x1], $0x1, s15, s30, $0xb8;
	[tilespmem:$0x1B100] =	vst v63  }
0x13c: {  	s17 =	simm.s32 $0x4A00  }
0x13d: {  	[spmem:s1] =	stream.indirect.scatter.add.f32 [tilespmem:s0], [sflag:$0x1], $0x1, s17, s30, $0xb8;
	[tilespmem:$0x1B100] =	vst v63  }
0x13e: {  	s15 =	simm.s32 $0x6A00;
	s16 =	simm.s32 $0x8A00  }
0x13f: {  	[spmem:s1] =	stream.indirect.scatter.add.f32 [tilespmem:s16], [sflag:$0x1], $0x1, s15, s30, $0xb8;
	[tilespmem:$0x1B100] =	vst v63  }
0x140: {  	s17 =	simm.s32 $0x4A80  }
0x141: {  	[spmem:s1] =	stream.indirect.scatter.add.f32 [tilespmem:s0], [sflag:$0x1], $0x1, s17, s30, $0xb8;
	[tilespmem:$0x1B100] =	vst v63  }
0x142: {  	s15 =	simm.s32 $0x6A80;
	s16 =	simm.s32 $0x8A80  }
0x143: {  	[spmem:s1] =	stream.indirect.scatter.add.f32 [tilespmem:s16], [sflag:$0x1], $0x1, s15, s30, $0xb8;
	[tilespmem:$0x1B100] =	vst v63  }
0x144: {  	s17 =	simm.s32 $0x4B00  }
0x145: {  	[spmem:s1] =	stream.indirect.scatter.add.f32 [tilespmem:s0], [sflag:$0x1], $0x1, s17, s30, $0xb8;
	[tilespmem:$0x1B100] =	vst v63  }
0x146: {  	s15 =	simm.s32 $0x6B00;
	s16 =	simm.s32 $0x8B00  }
0x147: {  	[spmem:s1] =	stream.indirect.scatter.add.f32 [tilespmem:s16], [sflag:$0x1], $0x1, s15, s30, $0xb8;
	[tilespmem:$0x1B100] =	vst v63  }
0x148: {  	s17 =	simm.s32 $0x4B80  }
0x149: {  	[spmem:s1] =	stream.indirect.scatter.add.f32 [tilespmem:s0], [sflag:$0x1], $0x1, s17, s30, $0xb8;
	[tilespmem:$0x1B100] =	vst v63  }
0x14a: {  	s15 =	simm.s32 $0x6B80;
	s16 =	simm.s32 $0x8B80  }
0x14b: {  	[spmem:s1] =	stream.indirect.scatter.add.f32 [tilespmem:s16], [sflag:$0x1], $0x1, s15, s30, $0xb8;
	[tilespmem:$0x1B100] =	vst v63  }
0x14c: {  	s17 =	simm.s32 $0x4C00  }
0x14d: {  	[spmem:s1] =	stream.indirect.scatter.add.f32 [tilespmem:s0], [sflag:$0x1], $0x1, s17, s30, $0xb8;
	[tilespmem:$0x1B100] =	vst v63  }
0x14e: {  	s15 =	simm.s32 $0x6C00;
	s16 =	simm.s32 $0x8C00  }
0x14f: {  	[spmem:s1] =	stream.indirect.scatter.add.f32 [tilespmem:s16], [sflag:$0x1], $0x1, s15, s30, $0xb8;
	[tilespmem:$0x1B100] =	vst v63  }
0x150: {  	s17 =	simm.s32 $0x4C80  }
0x151: {  	[spmem:s1] =	stream.indirect.scatter.add.f32 [tilespmem:s0], [sflag:$0x1], $0x1, s17, s30, $0xb8;
	[tilespmem:$0x1B100] =	vst v63  }
0x152: {  	s15 =	simm.s32 $0x6C80;
	s16 =	simm.s32 $0x8C80  }
0x153: {  	[spmem:s1] =	stream.indirect.scatter.add.f32 [tilespmem:s16], [sflag:$0x1], $0x1, s15, s30, $0xb8;
	[tilespmem:$0x1B100] =	vst v63  }
0x154: {  	s17 =	simm.s32 $0x4D00  }
0x155: {  	[spmem:s1] =	stream.indirect.scatter.add.f32 [tilespmem:s0], [sflag:$0x1], $0x1, s17, s30, $0xb8;
	[tilespmem:$0x1B100] =	vst v63  }
0x156: {  	s15 =	simm.s32 $0x6D00;
	s16 =	simm.s32 $0x8D00  }
0x157: {  	[spmem:s1] =	stream.indirect.scatter.add.f32 [tilespmem:s16], [sflag:$0x1], $0x1, s15, s30, $0xb8;
	[tilespmem:$0x1B100] =	vst v63  }
0x158: {  	s17 =	simm.s32 $0x4D80  }
0x159: {  	[spmem:s1] =	stream.indirect.scatter.add.f32 [tilespmem:s0], [sflag:$0x1], $0x1, s17, s30, $0xb8;
	[tilespmem:$0x1B100] =	vst v63  }
0x15a: {  	s15 =	simm.s32 $0x6D80;
	s16 =	simm.s32 $0x8D80  }
0x15b: {  	[spmem:s1] =	stream.indirect.scatter.add.f32 [tilespmem:s16], [sflag:$0x1], $0x1, s15, s30, $0xb8;
	[tilespmem:$0x1B100] =	vst v63  }
0x15c: {  	s17 =	simm.s32 $0x4E00  }
0x15d: {  	[spmem:s1] =	stream.indirect.scatter.add.f32 [tilespmem:s0], [sflag:$0x1], $0x1, s17, s30, $0xb8;
	[tilespmem:$0x1B100] =	vst v63  }
0x15e: {  	s15 =	simm.s32 $0x6E00;
	s16 =	simm.s32 $0x8E00  }
0x15f: {  	[spmem:s1] =	stream.indirect.scatter.add.f32 [tilespmem:s16], [sflag:$0x1], $0x1, s15, s30, $0xb8;
	[tilespmem:$0x1B100] =	vst v63  }
0x160: {  	s17 =	simm.s32 $0x4E80  }
0x161: {  	[spmem:s1] =	stream.indirect.scatter.add.f32 [tilespmem:s0], [sflag:$0x1], $0x1, s17, s30, $0xb8;
	[tilespmem:$0x1B100] =	vst v63  }
0x162: {  	s15 =	simm.s32 $0x6E80;
	s16 =	simm.s32 $0x8E80  }
0x163: {  	[spmem:s1] =	stream.indirect.scatter.add.f32 [tilespmem:s16], [sflag:$0x1], $0x1, s15, s30, $0xb8;
	[tilespmem:$0x1B100] =	vst v63  }
0x164: {  	s17 =	simm.s32 $0x4F00  }
0x165: {  	[spmem:s1] =	stream.indirect.scatter.add.f32 [tilespmem:s0], [sflag:$0x1], $0x1, s17, s30, $0xb8;
	[tilespmem:$0x1B100] =	vst v63  }
0x166: {  	s15 =	simm.s32 $0x6F00;
	s16 =	simm.s32 $0x8F00  }
0x167: {  	[spmem:s1] =	stream.indirect.scatter.add.f32 [tilespmem:s16], [sflag:$0x1], $0x1, s15, s30, $0xb8;
	[tilespmem:$0x1B100] =	vst v63  }
0x168: {  	s17 =	simm.s32 $0x4F80  }
0x169: {  	[spmem:s1] =	stream.indirect.scatter.add.f32 [tilespmem:s0], [sflag:$0x1], $0x1, s17, s30, $0xb8;
	[tilespmem:$0x1B100] =	vst v63  }
0x16a: {  	s15 =	simm.s32 $0x6F80;
	s16 =	simm.s32 $0x8F80  }
0x16b: {  	[spmem:s1] =	stream.indirect.scatter.add.f32 [tilespmem:s16], [sflag:$0x1], $0x1, s15, s30, $0xb8;
	[tilespmem:$0x1B100] =	vst v63  }
0x16c: {  	_ =	swait.ge [sflag:s31], $0x80  }
0x16d: {  	[sflag:s31] =	ssyncset.done $0x0  }
0x16e: {  	[sflag:s31] =	ssyncadd.s32 $0xFFFFFF80  }
0x16f: {  	_ =	swait.ge [sflag:s31], $0x80  }
0x170: {  	[sflag:s31] =	ssyncset.done $0x0  }
0x171: {  	[sflag:s31] =	ssyncadd.s32 $0xFFFFFF80  }
0x172: {  	_ =	swait.ge [sflag:s31], $0x80  }
0x173: {  	[sflag:s31] =	ssyncset.done $0x0  }
0x174: {  	[sflag:s31] =	ssyncadd.s32 $0xFFFFFF80  }
0x175: {  	_ =	swait.ge [sflag:s31], $0x80  }
0x176: {  	[sflag:s31] =	ssyncset.done $0x0  }
0x177: {  	[sflag:s31] =	ssyncadd.s32 $0xFFFFFF80  }
0x178: {  	_ =	swait.ge [sflag:s31], $0x80  }
0x179: {  	[sflag:s31] =	ssyncset.done $0x0  }
0x17a: {  	[sflag:s31] =	ssyncadd.s32 $0xFFFFFF80  }
0x17b: {  	_ =	swait.ge [sflag:s31], $0x80  }
0x17c: {  	[sflag:s31] =	ssyncset.done $0x0  }
0x17d: {  	[sflag:s31] =	ssyncadd.s32 $0xFFFFFF80  }
0x17e: {  	_ =	swait.ge [sflag:s31], $0x80  }
0x17f: {  	[sflag:s31] =	ssyncset.done $0x0  }
0x180: {  	[sflag:s31] =	ssyncadd.s32 $0xFFFFFF80  }
0x181: {  	_ =	swait.ge [sflag:s31], $0x80  }
0x182: {  	[sflag:s31] =	ssyncset.done $0x0  }
0x183: {  	[sflag:s31] =	ssyncadd.s32 $0xFFFFFF80  }
0x184: {  	_ =	swait.ge [sflag:s31], $0x80  }
0x185: {  	[sflag:s31] =	ssyncset.done $0x0  }
0x186: {  	[sflag:s31] =	ssyncadd.s32 $0xFFFFFF80  }
0x187: {  	_ =	swait.ge [sflag:s31], $0x80  }
0x188: {  	[sflag:s31] =	ssyncset.done $0x0  }
0x189: {  	[sflag:s31] =	ssyncadd.s32 $0xFFFFFF80  }
0x18a: {  	_ =	swait.ge [sflag:s31], $0x80  }
0x18b: {  	[sflag:s31] =	ssyncset.done $0x0  }
0x18c: {  	[sflag:s31] =	ssyncadd.s32 $0xFFFFFF80  }
0x18d: {  	_ =	swait.ge [sflag:s31], $0x80  }
0x18e: {  	[sflag:s31] =	ssyncset.done $0x0  }
0x18f: {  	[sflag:s31] =	ssyncadd.s32 $0xFFFFFF80  }
0x190: {  	_ =	swait.ge [sflag:s31], $0x80  }
0x191: {  	[sflag:s31] =	ssyncset.done $0x0  }
0x192: {  	[sflag:s31] =	ssyncadd.s32 $0xFFFFFF80  }
0x193: {  	_ =	swait.ge [sflag:s31], $0x80  }
0x194: {  	[sflag:s31] =	ssyncset.done $0x0  }
0x195: {  	[sflag:s31] =	ssyncadd.s32 $0xFFFFFF80  }
0x196: {  	_ =	swait.ge [sflag:s31], $0x80  }
0x197: {  	[sflag:s31] =	ssyncset.done $0x0  }
0x198: {  	[sflag:s31] =	ssyncadd.s32 $0xFFFFFF80  }
0x199: {  	_ =	swait.ge [sflag:s31], $0x80  }
0x19a: {  	[sflag:s31] =	ssyncset.done $0x0  }
0x19b: {  	[sflag:s31] =	ssyncadd.s32 $0xFFFFFF80  }
0x19c: {  	_ =	swait.ge [sflag:s31], $0x80  }
0x19d: {  	[sflag:s31] =	ssyncset.done $0x0  }
0x19e: {  	[sflag:s31] =	ssyncadd.s32 $0xFFFFFF80  }
0x19f: {  	_ =	swait.ge [sflag:s31], $0x80  }
0x1a0: {  	[sflag:s31] =	ssyncset.done $0x0  }
0x1a1: {  	[sflag:s31] =	ssyncadd.s32 $0xFFFFFF80  }
0x1a2: {  	_ =	swait.ge [sflag:s31], $0x80  }
0x1a3: {  	[sflag:s31] =	ssyncset.done $0x0  }
0x1a4: {  	[sflag:s31] =	ssyncadd.s32 $0xFFFFFF80  }
0x1a5: {  	_ =	swait.ge [sflag:s31], $0x80  }
0x1a6: {  	[sflag:s31] =	ssyncset.done $0x0  }
0x1a7: {  	[sflag:s31] =	ssyncadd.s32 $0xFFFFFF80  }
0x1a8: {  	_ =	swait.ge [sflag:s31], $0x80  }
0x1a9: {  	[sflag:s31] =	ssyncset.done $0x0  }
0x1aa: {  	[sflag:s31] =	ssyncadd.s32 $0xFFFFFF80  }
0x1ab: {  	_ =	swait.ge [sflag:s31], $0x80  }
0x1ac: {  	[sflag:s31] =	ssyncset.done $0x0  }
0x1ad: {  	[sflag:s31] =	ssyncadd.s32 $0xFFFFFF80  }
0x1ae: {  	_ =	swait.ge [sflag:s31], $0x80  }
0x1af: {  	[sflag:s31] =	ssyncset.done $0x0  }
0x1b0: {  	[sflag:s31] =	ssyncadd.s32 $0xFFFFFF80  }
0x1b1: {  	_ =	swait.ge [sflag:s31], $0x80  }
0x1b2: {  	[sflag:s31] =	ssyncset.done $0x0  }
0x1b3: {  	[sflag:s31] =	ssyncadd.s32 $0xFFFFFF80  }
0x1b4: {  	_ =	swait.ge [sflag:s31], $0x80  }
0x1b5: {  	[sflag:s31] =	ssyncset.done $0x0  }
0x1b6: {  	[sflag:s31] =	ssyncadd.s32 $0xFFFFFF80  }
0x1b7: {  	_ =	swait.ge [sflag:s31], $0x80  }
0x1b8: {  	[sflag:s31] =	ssyncset.done $0x0  }
0x1b9: {  	[sflag:s31] =	ssyncadd.s32 $0xFFFFFF80  }
0x1ba: {  	_ =	swait.ge [sflag:s31], $0x80  }
0x1bb: {  	[sflag:s31] =	ssyncset.done $0x0  }
0x1bc: {  	[sflag:s31] =	ssyncadd.s32 $0xFFFFFF80  }
0x1bd: {  	_ =	swait.ge [sflag:s31], $0x80  }
0x1be: {  	[sflag:s31] =	ssyncset.done $0x0  }
0x1bf: {  	[sflag:s31] =	ssyncadd.s32 $0xFFFFFF80  }
0x1c0: {  	_ =	swait.ge [sflag:s31], $0x80  }
0x1c1: {  	[sflag:s31] =	ssyncset.done $0x0  }
0x1c2: {  	[sflag:s31] =	ssyncadd.s32 $0xFFFFFF80  }
0x1c3: {  	_ =	swait.ge [sflag:s31], $0x80  }
0x1c4: {  	[sflag:s31] =	ssyncset.done $0x0  }
0x1c5: {  	[sflag:s31] =	ssyncadd.s32 $0xFFFFFF80  }
0x1c6: {  	_ =	swait.ge [sflag:s31], $0x80  }
0x1c7: {  	[sflag:s31] =	ssyncset.done $0x0  }
0x1c8: {  	[sflag:s31] =	ssyncadd.s32 $0xFFFFFF80  }
0x1c9: {  	_ =	swait.ge [sflag:s31], $0x80  }
0x1ca: {  	[sflag:s31] =	ssyncset.done $0x0  }
0x1cb: {  	s17 =	simm.s32 $0x5000;
	[sflag:s31] =	ssyncadd.s32 $0xFFFFFF80  }
0x1cc: {  	[spmem:s1] =	stream.indirect.scatter.add.f32 [tilespmem:s0], [sflag:$0x1], $0x1, s17, s30, $0xb8;
	[tilespmem:$0x1B100] =	vst v63  }
0x1cd: {  	s15 =	simm.s32 $0x7000;
	s16 =	simm.s32 $0x9000  }
0x1ce: {  	[spmem:s1] =	stream.indirect.scatter.add.f32 [tilespmem:s16], [sflag:$0x1], $0x1, s15, s30, $0xb8;
	[tilespmem:$0x1B100] =	vst v63  }
0x1cf: {  	s17 =	simm.s32 $0x5080  }
0x1d0: {  	[spmem:s1] =	stream.indirect.scatter.add.f32 [tilespmem:s0], [sflag:$0x1], $0x1, s17, s30, $0xb8;
	[tilespmem:$0x1B100] =	vst v63  }
0x1d1: {  	s15 =	simm.s32 $0x7080;
	s16 =	simm.s32 $0x9080  }
0x1d2: {  	[spmem:s1] =	stream.indirect.scatter.add.f32 [tilespmem:s16], [sflag:$0x1], $0x1, s15, s30, $0xb8;
	[tilespmem:$0x1B100] =	vst v63  }
0x1d3: {  	s17 =	simm.s32 $0x5100  }
0x1d4: {  	[spmem:s1] =	stream.indirect.scatter.add.f32 [tilespmem:s0], [sflag:$0x1], $0x1, s17, s30, $0xb8;
	[tilespmem:$0x1B100] =	vst v63  }
0x1d5: {  	s15 =	simm.s32 $0x7100;
	s16 =	simm.s32 $0x9100  }
0x1d6: {  	[spmem:s1] =	stream.indirect.scatter.add.f32 [tilespmem:s16], [sflag:$0x1], $0x1, s15, s30, $0xb8;
	[tilespmem:$0x1B100] =	vst v63  }
0x1d7: {  	s17 =	simm.s32 $0x5180  }
0x1d8: {  	[spmem:s1] =	stream.indirect.scatter.add.f32 [tilespmem:s0], [sflag:$0x1], $0x1, s17, s30, $0xb8;
	[tilespmem:$0x1B100] =	vst v63  }
0x1d9: {  	s15 =	simm.s32 $0x7180;
	s16 =	simm.s32 $0x9180  }
0x1da: {  	[spmem:s1] =	stream.indirect.scatter.add.f32 [tilespmem:s16], [sflag:$0x1], $0x1, s15, s30, $0xb8;
	[tilespmem:$0x1B100] =	vst v63  }
0x1db: {  	s17 =	simm.s32 $0x5200  }
0x1dc: {  	[spmem:s1] =	stream.indirect.scatter.add.f32 [tilespmem:s0], [sflag:$0x1], $0x1, s17, s30, $0xb8;
	[tilespmem:$0x1B100] =	vst v63  }
0x1dd: {  	s15 =	simm.s32 $0x7200;
	s16 =	simm.s32 $0x9200  }
0x1de: {  	[spmem:s1] =	stream.indirect.scatter.add.f32 [tilespmem:s16], [sflag:$0x1], $0x1, s15, s30, $0xb8;
	[tilespmem:$0x1B100] =	vst v63  }
0x1df: {  	s17 =	simm.s32 $0x5280  }
0x1e0: {  	[spmem:s1] =	stream.indirect.scatter.add.f32 [tilespmem:s0], [sflag:$0x1], $0x1, s17, s30, $0xb8;
	[tilespmem:$0x1B100] =	vst v63  }
0x1e1: {  	s15 =	simm.s32 $0x7280;
	s16 =	simm.s32 $0x9280  }
0x1e2: {  	[spmem:s1] =	stream.indirect.scatter.add.f32 [tilespmem:s16], [sflag:$0x1], $0x1, s15, s30, $0xb8;
	[tilespmem:$0x1B100] =	vst v63  }
0x1e3: {  	s17 =	simm.s32 $0x5300  }
0x1e4: {  	[spmem:s1] =	stream.indirect.scatter.add.f32 [tilespmem:s0], [sflag:$0x1], $0x1, s17, s30, $0xb8;
	[tilespmem:$0x1B100] =	vst v63  }
0x1e5: {  	s15 =	simm.s32 $0x7300;
	s16 =	simm.s32 $0x9300  }
0x1e6: {  	[spmem:s1] =	stream.indirect.scatter.add.f32 [tilespmem:s16], [sflag:$0x1], $0x1, s15, s30, $0xb8;
	[tilespmem:$0x1B100] =	vst v63  }
0x1e7: {  	s17 =	simm.s32 $0x5380  }
0x1e8: {  	[spmem:s1] =	stream.indirect.scatter.add.f32 [tilespmem:s0], [sflag:$0x1], $0x1, s17, s30, $0xb8;
	[tilespmem:$0x1B100] =	vst v63  }
0x1e9: {  	s15 =	simm.s32 $0x7380;
	s16 =	simm.s32 $0x9380  }
0x1ea: {  	[spmem:s1] =	stream.indirect.scatter.add.f32 [tilespmem:s16], [sflag:$0x1], $0x1, s15, s30, $0xb8;
	[tilespmem:$0x1B100] =	vst v63  }
0x1eb: {  	s17 =	simm.s32 $0x5400  }
0x1ec: {  	[spmem:s1] =	stream.indirect.scatter.add.f32 [tilespmem:s0], [sflag:$0x1], $0x1, s17, s30, $0xb8;
	[tilespmem:$0x1B100] =	vst v63  }
0x1ed: {  	s15 =	simm.s32 $0x7400;
	s16 =	simm.s32 $0x9400  }
0x1ee: {  	[spmem:s1] =	stream.indirect.scatter.add.f32 [tilespmem:s16], [sflag:$0x1], $0x1, s15, s30, $0xb8;
	[tilespmem:$0x1B100] =	vst v63  }
0x1ef: {  	s17 =	simm.s32 $0x5480  }
0x1f0: {  	[spmem:s1] =	stream.indirect.scatter.add.f32 [tilespmem:s0], [sflag:$0x1], $0x1, s17, s30, $0xb8;
	[tilespmem:$0x1B100] =	vst v63  }
0x1f1: {  	s15 =	simm.s32 $0x7480;
	s16 =	simm.s32 $0x9480  }
0x1f2: {  	[spmem:s1] =	stream.indirect.scatter.add.f32 [tilespmem:s16], [sflag:$0x1], $0x1, s15, s30, $0xb8;
	[tilespmem:$0x1B100] =	vst v63  }
0x1f3: {  	s17 =	simm.s32 $0x5500  }
0x1f4: {  	[spmem:s1] =	stream.indirect.scatter.add.f32 [tilespmem:s0], [sflag:$0x1], $0x1, s17, s30, $0xb8;
	[tilespmem:$0x1B100] =	vst v63  }
0x1f5: {  	s15 =	simm.s32 $0x7500;
	s16 =	simm.s32 $0x9500  }
0x1f6: {  	[spmem:s1] =	stream.indirect.scatter.add.f32 [tilespmem:s16], [sflag:$0x1], $0x1, s15, s30, $0xb8;
	[tilespmem:$0x1B100] =	vst v63  }
0x1f7: {  	s17 =	simm.s32 $0x5580  }
0x1f8: {  	[spmem:s1] =	stream.indirect.scatter.add.f32 [tilespmem:s0], [sflag:$0x1], $0x1, s17, s30, $0xb8;
	[tilespmem:$0x1B100] =	vst v63  }
0x1f9: {  	s15 =	simm.s32 $0x7580;
	s16 =	simm.s32 $0x9580  }
0x1fa: {  	[spmem:s1] =	stream.indirect.scatter.add.f32 [tilespmem:s16], [sflag:$0x1], $0x1, s15, s30, $0xb8;
	[tilespmem:$0x1B100] =	vst v63  }
0x1fb: {  	s17 =	simm.s32 $0x5600  }
0x1fc: {  	[spmem:s1] =	stream.indirect.scatter.add.f32 [tilespmem:s0], [sflag:$0x1], $0x1, s17, s30, $0xb8;
	[tilespmem:$0x1B100] =	vst v63  }
0x1fd: {  	s15 =	simm.s32 $0x7600;
	s16 =	simm.s32 $0x9600  }
0x1fe: {  	[spmem:s1] =	stream.indirect.scatter.add.f32 [tilespmem:s16], [sflag:$0x1], $0x1, s15, s30, $0xb8;
	[tilespmem:$0x1B100] =	vst v63  }
0x1ff: {  	s17 =	simm.s32 $0x5680  }
0x200: {  	[spmem:s1] =	stream.indirect.scatter.add.f32 [tilespmem:s0], [sflag:$0x1], $0x1, s17, s30, $0xb8;
	[tilespmem:$0x1B100] =	vst v63  }
0x201: {  	s15 =	simm.s32 $0x7680;
	s16 =	simm.s32 $0x9680  }
0x202: {  	[spmem:s1] =	stream.indirect.scatter.add.f32 [tilespmem:s16], [sflag:$0x1], $0x1, s15, s30, $0xb8;
	[tilespmem:$0x1B100] =	vst v63  }
0x203: {  	s17 =	simm.s32 $0x5700  }
0x204: {  	[spmem:s1] =	stream.indirect.scatter.add.f32 [tilespmem:s0], [sflag:$0x1], $0x1, s17, s30, $0xb8;
	[tilespmem:$0x1B100] =	vst v63  }
0x205: {  	s15 =	simm.s32 $0x7700;
	s16 =	simm.s32 $0x9700  }
0x206: {  	[spmem:s1] =	stream.indirect.scatter.add.f32 [tilespmem:s16], [sflag:$0x1], $0x1, s15, s30, $0xb8;
	[tilespmem:$0x1B100] =	vst v63  }
0x207: {  	s17 =	simm.s32 $0x5780  }
0x208: {  	[spmem:s1] =	stream.indirect.scatter.add.f32 [tilespmem:s0], [sflag:$0x1], $0x1, s17, s30, $0xb8;
	[tilespmem:$0x1B100] =	vst v63  }
0x209: {  	s15 =	simm.s32 $0x7780;
	s16 =	simm.s32 $0x9780  }
0x20a: {  	[spmem:s1] =	stream.indirect.scatter.add.f32 [tilespmem:s16], [sflag:$0x1], $0x1, s15, s30, $0xb8;
	[tilespmem:$0x1B100] =	vst v63  }
0x20b: {  	_ =	swait.ge [sflag:s31], $0x80  }
0x20c: {  	[sflag:s31] =	ssyncset.done $0x0  }
0x20d: {  	[sflag:s31] =	ssyncadd.s32 $0xFFFFFF80  }
0x20e: {  	_ =	swait.ge [sflag:s31], $0x80  }
0x20f: {  	[sflag:s31] =	ssyncset.done $0x0  }
0x210: {  	[sflag:s31] =	ssyncadd.s32 $0xFFFFFF80  }
0x211: {  	_ =	swait.ge [sflag:s31], $0x80  }
0x212: {  	[sflag:s31] =	ssyncset.done $0x0  }
0x213: {  	[sflag:s31] =	ssyncadd.s32 $0xFFFFFF80  }
0x214: {  	_ =	swait.ge [sflag:s31], $0x80  }
0x215: {  	[sflag:s31] =	ssyncset.done $0x0  }
0x216: {  	[sflag:s31] =	ssyncadd.s32 $0xFFFFFF80  }
0x217: {  	_ =	swait.ge [sflag:s31], $0x80  }
0x218: {  	[sflag:s31] =	ssyncset.done $0x0  }
0x219: {  	[sflag:s31] =	ssyncadd.s32 $0xFFFFFF80  }
0x21a: {  	_ =	swait.ge [sflag:s31], $0x80  }
0x21b: {  	[sflag:s31] =	ssyncset.done $0x0  }
0x21c: {  	[sflag:s31] =	ssyncadd.s32 $0xFFFFFF80  }
0x21d: {  	_ =	swait.ge [sflag:s31], $0x80  }
0x21e: {  	[sflag:s31] =	ssyncset.done $0x0  }
0x21f: {  	[sflag:s31] =	ssyncadd.s32 $0xFFFFFF80  }
0x220: {  	_ =	swait.ge [sflag:s31], $0x80  }
0x221: {  	[sflag:s31] =	ssyncset.done $0x0  }
0x222: {  	[sflag:s31] =	ssyncadd.s32 $0xFFFFFF80  }
0x223: {  	_ =	swait.ge [sflag:s31], $0x80  }
0x224: {  	[sflag:s31] =	ssyncset.done $0x0  }
0x225: {  	[sflag:s31] =	ssyncadd.s32 $0xFFFFFF80  }
0x226: {  	_ =	swait.ge [sflag:s31], $0x80  }
0x227: {  	[sflag:s31] =	ssyncset.done $0x0  }
0x228: {  	[sflag:s31] =	ssyncadd.s32 $0xFFFFFF80  }
0x229: {  	_ =	swait.ge [sflag:s31], $0x80  }
0x22a: {  	[sflag:s31] =	ssyncset.done $0x0  }
0x22b: {  	[sflag:s31] =	ssyncadd.s32 $0xFFFFFF80  }
0x22c: {  	_ =	swait.ge [sflag:s31], $0x80  }
0x22d: {  	[sflag:s31] =	ssyncset.done $0x0  }
0x22e: {  	[sflag:s31] =	ssyncadd.s32 $0xFFFFFF80  }
0x22f: {  	_ =	swait.ge [sflag:s31], $0x80  }
0x230: {  	[sflag:s31] =	ssyncset.done $0x0  }
0x231: {  	[sflag:s31] =	ssyncadd.s32 $0xFFFFFF80  }
0x232: {  	_ =	swait.ge [sflag:s31], $0x80  }
0x233: {  	[sflag:s31] =	ssyncset.done $0x0  }
0x234: {  	[sflag:s31] =	ssyncadd.s32 $0xFFFFFF80  }
0x235: {  	_ =	swait.ge [sflag:s31], $0x80  }
0x236: {  	[sflag:s31] =	ssyncset.done $0x0  }
0x237: {  	[sflag:s31] =	ssyncadd.s32 $0xFFFFFF80  }
0x238: {  	_ =	swait.ge [sflag:s31], $0x80  }
0x239: {  	[sflag:s31] =	ssyncset.done $0x0  }
0x23a: {  	[sflag:s31] =	ssyncadd.s32 $0xFFFFFF80  }
0x23b: {  	_ =	swait.ge [sflag:s31], $0x80  }
0x23c: {  	[sflag:s31] =	ssyncset.done $0x0  }
0x23d: {  	[sflag:s31] =	ssyncadd.s32 $0xFFFFFF80  }
0x23e: {  	_ =	swait.ge [sflag:s31], $0x80  }
0x23f: {  	[sflag:s31] =	ssyncset.done $0x0  }
0x240: {  	[sflag:s31] =	ssyncadd.s32 $0xFFFFFF80  }
0x241: {  	_ =	swait.ge [sflag:s31], $0x80  }
0x242: {  	[sflag:s31] =	ssyncset.done $0x0  }
0x243: {  	[sflag:s31] =	ssyncadd.s32 $0xFFFFFF80  }
0x244: {  	_ =	swait.ge [sflag:s31], $0x80  }
0x245: {  	[sflag:s31] =	ssyncset.done $0x0  }
0x246: {  	[sflag:s31] =	ssyncadd.s32 $0xFFFFFF80  }
0x247: {  	_ =	swait.ge [sflag:s31], $0x80  }
0x248: {  	[sflag:s31] =	ssyncset.done $0x0  }
0x249: {  	[sflag:s31] =	ssyncadd.s32 $0xFFFFFF80  }
0x24a: {  	_ =	swait.ge [sflag:s31], $0x80  }
0x24b: {  	[sflag:s31] =	ssyncset.done $0x0  }
0x24c: {  	[sflag:s31] =	ssyncadd.s32 $0xFFFFFF80  }
0x24d: {  	_ =	swait.ge [sflag:s31], $0x80  }
0x24e: {  	[sflag:s31] =	ssyncset.done $0x0  }
0x24f: {  	[sflag:s31] =	ssyncadd.s32 $0xFFFFFF80  }
0x250: {  	_ =	swait.ge [sflag:s31], $0x80  }
0x251: {  	[sflag:s31] =	ssyncset.done $0x0  }
0x252: {  	[sflag:s31] =	ssyncadd.s32 $0xFFFFFF80  }
0x253: {  	_ =	swait.ge [sflag:s31], $0x80  }
0x254: {  	[sflag:s31] =	ssyncset.done $0x0  }
0x255: {  	[sflag:s31] =	ssyncadd.s32 $0xFFFFFF80  }
0x256: {  	_ =	swait.ge [sflag:s31], $0x80  }
0x257: {  	[sflag:s31] =	ssyncset.done $0x0  }
0x258: {  	[sflag:s31] =	ssyncadd.s32 $0xFFFFFF80  }
0x259: {  	_ =	swait.ge [sflag:s31], $0x80  }
0x25a: {  	[sflag:s31] =	ssyncset.done $0x0  }
0x25b: {  	[sflag:s31] =	ssyncadd.s32 $0xFFFFFF80  }
0x25c: {  	_ =	swait.ge [sflag:s31], $0x80  }
0x25d: {  	[sflag:s31] =	ssyncset.done $0x0  }
0x25e: {  	[sflag:s31] =	ssyncadd.s32 $0xFFFFFF80  }
0x25f: {  	_ =	swait.ge [sflag:s31], $0x80  }
0x260: {  	[sflag:s31] =	ssyncset.done $0x0  }
0x261: {  	[sflag:s31] =	ssyncadd.s32 $0xFFFFFF80  }
0x262: {  	_ =	swait.ge [sflag:s31], $0x80  }
0x263: {  	[sflag:s31] =	ssyncset.done $0x0  }
0x264: {  	[sflag:s31] =	ssyncadd.s32 $0xFFFFFF80  }
0x265: {  	_ =	swait.ge [sflag:s31], $0x80  }
0x266: {  	[sflag:s31] =	ssyncset.done $0x0  }
0x267: {  	[sflag:s31] =	ssyncadd.s32 $0xFFFFFF80  }
0x268: {  	_ =	swait.ge [sflag:s31], $0x80  }
0x269: {  	[sflag:s31] =	ssyncset.done $0x0  }
0x26a: {  	s17 =	simm.s32 $0x5800;
	[sflag:s31] =	ssyncadd.s32 $0xFFFFFF80  }
0x26b: {  	[spmem:s1] =	stream.indirect.scatter.add.f32 [tilespmem:s0], [sflag:$0x1], $0x1, s17, s30, $0xb8;
	[tilespmem:$0x1B100] =	vst v63  }
0x26c: {  	s15 =	simm.s32 $0x7800;
	s16 =	simm.s32 $0x9800  }
0x26d: {  	[spmem:s1] =	stream.indirect.scatter.add.f32 [tilespmem:s16], [sflag:$0x1], $0x1, s15, s30, $0xb8;
	[tilespmem:$0x1B100] =	vst v63  }
0x26e: {  	s17 =	simm.s32 $0x5880  }
0x26f: {  	[spmem:s1] =	stream.indirect.scatter.add.f32 [tilespmem:s0], [sflag:$0x1], $0x1, s17, s30, $0xb8;
	[tilespmem:$0x1B100] =	vst v63  }
0x270: {  	s15 =	simm.s32 $0x7880;
	s16 =	simm.s32 $0x9880  }
0x271: {  	[spmem:s1] =	stream.indirect.scatter.add.f32 [tilespmem:s16], [sflag:$0x1], $0x1, s15, s30, $0xb8;
	[tilespmem:$0x1B100] =	vst v63  }
0x272: {  	s17 =	simm.s32 $0x5900  }
0x273: {  	[spmem:s1] =	stream.indirect.scatter.add.f32 [tilespmem:s0], [sflag:$0x1], $0x1, s17, s30, $0xb8;
	[tilespmem:$0x1B100] =	vst v63  }
0x274: {  	s15 =	simm.s32 $0x7900;
	s16 =	simm.s32 $0x9900  }
0x275: {  	[spmem:s1] =	stream.indirect.scatter.add.f32 [tilespmem:s16], [sflag:$0x1], $0x1, s15, s30, $0xb8;
	[tilespmem:$0x1B100] =	vst v63  }
0x276: {  	s17 =	simm.s32 $0x5980  }
0x277: {  	[spmem:s1] =	stream.indirect.scatter.add.f32 [tilespmem:s0], [sflag:$0x1], $0x1, s17, s30, $0xb8;
	[tilespmem:$0x1B100] =	vst v63  }
0x278: {  	s15 =	simm.s32 $0x7980;
	s16 =	simm.s32 $0x9980  }
0x279: {  	[spmem:s1] =	stream.indirect.scatter.add.f32 [tilespmem:s16], [sflag:$0x1], $0x1, s15, s30, $0xb8;
	[tilespmem:$0x1B100] =	vst v63  }
0x27a: {  	s17 =	simm.s32 $0x5A00  }
0x27b: {  	[spmem:s1] =	stream.indirect.scatter.add.f32 [tilespmem:s0], [sflag:$0x1], $0x1, s17, s30, $0xb8;
	[tilespmem:$0x1B100] =	vst v63  }
0x27c: {  	s15 =	simm.s32 $0x7A00;
	s16 =	simm.s32 $0x9A00  }
0x27d: {  	[spmem:s1] =	stream.indirect.scatter.add.f32 [tilespmem:s16], [sflag:$0x1], $0x1, s15, s30, $0xb8;
	[tilespmem:$0x1B100] =	vst v63  }
0x27e: {  	s17 =	simm.s32 $0x5A80  }
0x27f: {  	[spmem:s1] =	stream.indirect.scatter.add.f32 [tilespmem:s0], [sflag:$0x1], $0x1, s17, s30, $0xb8;
	[tilespmem:$0x1B100] =	vst v63  }
0x280: {  	s15 =	simm.s32 $0x7A80;
	s16 =	simm.s32 $0x9A80  }
0x281: {  	[spmem:s1] =	stream.indirect.scatter.add.f32 [tilespmem:s16], [sflag:$0x1], $0x1, s15, s30, $0xb8;
	[tilespmem:$0x1B100] =	vst v63  }
0x282: {  	s17 =	simm.s32 $0x5B00  }
0x283: {  	[spmem:s1] =	stream.indirect.scatter.add.f32 [tilespmem:s0], [sflag:$0x1], $0x1, s17, s30, $0xb8;
	[tilespmem:$0x1B100] =	vst v63  }
0x284: {  	s15 =	simm.s32 $0x7B00;
	s16 =	simm.s32 $0x9B00  }
0x285: {  	[spmem:s1] =	stream.indirect.scatter.add.f32 [tilespmem:s16], [sflag:$0x1], $0x1, s15, s30, $0xb8;
	[tilespmem:$0x1B100] =	vst v63  }
0x286: {  	s17 =	simm.s32 $0x5B80  }
0x287: {  	[spmem:s1] =	stream.indirect.scatter.add.f32 [tilespmem:s0], [sflag:$0x1], $0x1, s17, s30, $0xb8;
	[tilespmem:$0x1B100] =	vst v63  }
0x288: {  	s15 =	simm.s32 $0x7B80;
	s16 =	simm.s32 $0x9B80  }
0x289: {  	[spmem:s1] =	stream.indirect.scatter.add.f32 [tilespmem:s16], [sflag:$0x1], $0x1, s15, s30, $0xb8;
	[tilespmem:$0x1B100] =	vst v63  }
0x28a: {  	s17 =	simm.s32 $0x5C00  }
0x28b: {  	[spmem:s1] =	stream.indirect.scatter.add.f32 [tilespmem:s0], [sflag:$0x1], $0x1, s17, s30, $0xb8;
	[tilespmem:$0x1B100] =	vst v63  }
0x28c: {  	s15 =	simm.s32 $0x7C00;
	s16 =	simm.s32 $0x9C00  }
0x28d: {  	[spmem:s1] =	stream.indirect.scatter.add.f32 [tilespmem:s16], [sflag:$0x1], $0x1, s15, s30, $0xb8;
	[tilespmem:$0x1B100] =	vst v63  }
0x28e: {  	s17 =	simm.s32 $0x5C80  }
0x28f: {  	[spmem:s1] =	stream.indirect.scatter.add.f32 [tilespmem:s0], [sflag:$0x1], $0x1, s17, s30, $0xb8;
	[tilespmem:$0x1B100] =	vst v63  }
0x290: {  	s15 =	simm.s32 $0x7C80;
	s16 =	simm.s32 $0x9C80  }
0x291: {  	[spmem:s1] =	stream.indirect.scatter.add.f32 [tilespmem:s16], [sflag:$0x1], $0x1, s15, s30, $0xb8;
	[tilespmem:$0x1B100] =	vst v63  }
0x292: {  	s17 =	simm.s32 $0x5D00  }
0x293: {  	[spmem:s1] =	stream.indirect.scatter.add.f32 [tilespmem:s0], [sflag:$0x1], $0x1, s17, s30, $0xb8;
	[tilespmem:$0x1B100] =	vst v63  }
0x294: {  	_ = 	snop  }
0x295: {  	[spmem:s1] =	stream.indirect.scatter.add.f32 [tilespmem:s19], [sflag:$0x1], $0x1, s18, s30, $0xb8;
	[tilespmem:$0x1B100] =	vst v63  }
0x296: {  	_ = 	snop  }
0x297: {  	[spmem:s1] =	stream.indirect.scatter.add.f32 [tilespmem:s0], [sflag:$0x1], $0x1, s20, s30, $0xb8;
	[tilespmem:$0x1B100] =	vst v63  }
0x298: {  	_ = 	snop  }
0x299: {  	[spmem:s1] =	stream.indirect.scatter.add.f32 [tilespmem:s22], [sflag:$0x1], $0x1, s21, s30, $0xb8;
	[tilespmem:$0x1B100] =	vst v63  }
0x29a: {  	_ = 	snop  }
0x29b: {  	[spmem:s1] =	stream.indirect.scatter.add.f32 [tilespmem:s0], [sflag:$0x1], $0x1, s23, s30, $0xb8;
	[tilespmem:$0x1B100] =	vst v63  }
0x29c: {  	_ = 	snop  }
0x29d: {  	[spmem:s1] =	stream.indirect.scatter.add.f32 [tilespmem:s25], [sflag:$0x1], $0x1, s24, s30, $0xb8;
	[tilespmem:$0x1B100] =	vst v63  }
0x29e: {  	_ = 	snop  }
0x29f: {  	[spmem:s1] =	stream.indirect.scatter.add.f32 [tilespmem:s0], [sflag:$0x1], $0x1, s6, s30, $0xb8;
	[tilespmem:$0x1B100] =	vst v63  }
0x2a0: {  	_ = 	snop  }
0x2a1: {  	[spmem:s1] =	stream.indirect.scatter.add.f32 [tilespmem:s29], [sflag:$0x1], $0x1, s26, s30, $0xb8;
	[tilespmem:$0x1B100] =	vst v63  }
0x2a2: {  	_ = 	snop  }
0x2a3: {  	[spmem:s1] =	stream.indirect.scatter.add.f32 [tilespmem:s0], [sflag:$0x1], $0x1, s2, s30, $0xb8;
	[tilespmem:$0x1B100] =	vst v63  }
0x2a4: {  	_ = 	snop  }
0x2a5: {  	[spmem:s1] =	stream.indirect.scatter.add.f32 [tilespmem:s8], [sflag:$0x1], $0x1, s3, s30, $0xb8;
	[tilespmem:$0x1B100] =	vst v63  }
0x2a6: {  	_ = 	snop  }
0x2a7: {  	[spmem:s1] =	stream.indirect.scatter.add.f32 [tilespmem:s0], [sflag:$0x1], $0x1, s9, s30, $0xb8;
	[tilespmem:$0x1B100] =	vst v63  }
0x2a8: {  	_ = 	snop  }
0x2a9: {  	[spmem:s1] =	stream.indirect.scatter.add.f32 [tilespmem:s11], [sflag:$0x1], $0x1, s10, s30, $0xb8;
	[tilespmem:$0x1B100] =	vst v63  }
0x2aa: {  	_ =	swait.ge [sflag:s31], $0x80  }
0x2ab: {  	[sflag:s31] =	ssyncset.done $0x0  }
0x2ac: {  	[sflag:s31] =	ssyncadd.s32 $0xFFFFFF80  }
0x2ad: {  	_ =	swait.ge [sflag:s31], $0x80  }
0x2ae: {  	[sflag:s31] =	ssyncset.done $0x0  }
0x2af: {  	[sflag:s31] =	ssyncadd.s32 $0xFFFFFF80  }
0x2b0: {  	_ =	swait.ge [sflag:s31], $0x80  }
0x2b1: {  	[sflag:s31] =	ssyncset.done $0x0  }
0x2b2: {  	[sflag:s31] =	ssyncadd.s32 $0xFFFFFF80  }
0x2b3: {  	_ =	swait.ge [sflag:s31], $0x80  }
0x2b4: {  	[sflag:s31] =	ssyncset.done $0x0  }
0x2b5: {  	[sflag:s31] =	ssyncadd.s32 $0xFFFFFF80  }
0x2b6: {  	_ =	swait.ge [sflag:s31], $0x80  }
0x2b7: {  	[sflag:s31] =	ssyncset.done $0x0  }
0x2b8: {  	[sflag:s31] =	ssyncadd.s32 $0xFFFFFF80  }
0x2b9: {  	_ =	swait.ge [sflag:s31], $0x80  }
0x2ba: {  	[sflag:s31] =	ssyncset.done $0x0  }
0x2bb: {  	[sflag:s31] =	ssyncadd.s32 $0xFFFFFF80  }
0x2bc: {  	_ =	swait.ge [sflag:s31], $0x80  }
0x2bd: {  	[sflag:s31] =	ssyncset.done $0x0  }
0x2be: {  	[sflag:s31] =	ssyncadd.s32 $0xFFFFFF80  }
0x2bf: {  	_ =	swait.ge [sflag:s31], $0x80  }
0x2c0: {  	[sflag:s31] =	ssyncset.done $0x0  }
0x2c1: {  	[sflag:s31] =	ssyncadd.s32 $0xFFFFFF80  }
0x2c2: {  	_ =	swait.ge [sflag:s31], $0x80  }
0x2c3: {  	[sflag:s31] =	ssyncset.done $0x0  }
0x2c4: {  	[sflag:s31] =	ssyncadd.s32 $0xFFFFFF80  }
0x2c5: {  	_ =	swait.ge [sflag:s31], $0x80  }
0x2c6: {  	[sflag:s31] =	ssyncset.done $0x0  }
0x2c7: {  	[sflag:s31] =	ssyncadd.s32 $0xFFFFFF80  }
0x2c8: {  	_ =	swait.ge [sflag:s31], $0x80  }
0x2c9: {  	[sflag:s31] =	ssyncset.done $0x0  }
0x2ca: {  	[sflag:s31] =	ssyncadd.s32 $0xFFFFFF80  }
0x2cb: {  	_ =	swait.ge [sflag:s31], $0x80  }
0x2cc: {  	[sflag:s31] =	ssyncset.done $0x0  }
0x2cd: {  	[sflag:s31] =	ssyncadd.s32 $0xFFFFFF80  }
0x2ce: {  	_ =	swait.ge [sflag:s31], $0x80  }
0x2cf: {  	[sflag:s31] =	ssyncset.done $0x0  }
0x2d0: {  	[sflag:s31] =	ssyncadd.s32 $0xFFFFFF80  }
0x2d1: {  	_ =	swait.ge [sflag:s31], $0x80  }
0x2d2: {  	[sflag:s31] =	ssyncset.done $0x0  }
0x2d3: {  	[sflag:s31] =	ssyncadd.s32 $0xFFFFFF80  }
0x2d4: {  	_ =	swait.ge [sflag:s31], $0x80  }
0x2d5: {  	[sflag:s31] =	ssyncset.done $0x0  }
0x2d6: {  	[sflag:s31] =	ssyncadd.s32 $0xFFFFFF80  }
0x2d7: {  	_ =	swait.ge [sflag:s31], $0x80  }
0x2d8: {  	[sflag:s31] =	ssyncset.done $0x0  }
0x2d9: {  	[sflag:s31] =	ssyncadd.s32 $0xFFFFFF80  }
0x2da: {  	_ =	swait.ge [sflag:s31], $0x80  }
0x2db: {  	[sflag:s31] =	ssyncset.done $0x0  }
0x2dc: {  	[sflag:s31] =	ssyncadd.s32 $0xFFFFFF80  }
0x2dd: {  	_ =	swait.ge [sflag:s31], $0x80  }
0x2de: {  	[sflag:s31] =	ssyncset.done $0x0  }
0x2df: {  	[sflag:s31] =	ssyncadd.s32 $0xFFFFFF80  }
0x2e0: {  	_ =	swait.ge [sflag:s31], $0x80  }
0x2e1: {  	[sflag:s31] =	ssyncset.done $0x0  }
0x2e2: {  	[sflag:s31] =	ssyncadd.s32 $0xFFFFFF80  }
0x2e3: {  	_ =	swait.ge [sflag:s31], $0x80  }
0x2e4: {  	[sflag:s31] =	ssyncset.done $0x0  }
0x2e5: {  	[sflag:s31] =	ssyncadd.s32 $0xFFFFFF80  }
0x2e6: {  	_ =	swait.ge [sflag:s31], $0x80  }
0x2e7: {  	[sflag:s31] =	ssyncset.done $0x0  }
0x2e8: {  	[sflag:s31] =	ssyncadd.s32 $0xFFFFFF80  }
0x2e9: {  	_ =	swait.ge [sflag:s31], $0x80  }
0x2ea: {  	[sflag:s31] =	ssyncset.done $0x0  }
0x2eb: {  	[sflag:s31] =	ssyncadd.s32 $0xFFFFFF80  }
0x2ec: {  	_ =	swait.ge [sflag:s31], $0x80  }
0x2ed: {  	[sflag:s31] =	ssyncset.done $0x0  }
0x2ee: {  	[sflag:s31] =	ssyncadd.s32 $0xFFFFFF80  }
0x2ef: {  	_ =	swait.ge [sflag:s31], $0x80  }
0x2f0: {  	[sflag:s31] =	ssyncset.done $0x0  }
0x2f1: {  	[sflag:s31] =	ssyncadd.s32 $0xFFFFFF80  }
0x2f2: {  	_ =	swait.ge [sflag:s31], $0x80  }
0x2f3: {  	[sflag:s31] =	ssyncset.done $0x0  }
0x2f4: {  	[sflag:s31] =	ssyncadd.s32 $0xFFFFFF80  }
0x2f5: {  	_ =	swait.ge [sflag:s31], $0x80  }
0x2f6: {  	[sflag:s31] =	ssyncset.done $0x0  }
0x2f7: {  	[sflag:s31] =	ssyncadd.s32 $0xFFFFFF80  }
0x2f8: {  	_ =	swait.ge [sflag:s31], $0x80  }
0x2f9: {  	[sflag:s31] =	ssyncset.done $0x0  }
0x2fa: {  	[sflag:s31] =	ssyncadd.s32 $0xFFFFFF80  }
0x2fb: {  	_ =	swait.ge [sflag:s31], $0x80  }
0x2fc: {  	[sflag:s31] =	ssyncset.done $0x0  }
0x2fd: {  	[sflag:s31] =	ssyncadd.s32 $0xFFFFFF80  }
0x2fe: {  	_ =	swait.ge [sflag:s31], $0x80  }
0x2ff: {  	[sflag:s31] =	ssyncset.done $0x0  }
0x300: {  	[sflag:s31] =	ssyncadd.s32 $0xFFFFFF80  }
0x301: {  	_ =	swait.ge [sflag:s31], $0x80  }
0x302: {  	[sflag:s31] =	ssyncset.done $0x0  }
0x303: {  	s13 =	sadd.s32 $0x1, s13;
	[sflag:s31] =	ssyncadd.s32 $0xFFFFFF80  }
0x304: {  	p0 =	sne.s32 s13, $0x10;
	_ =	swait.ge [sflag:s31], $0x80  }
.Ltmp2:
0x305: {  	[sflag:s31] =	ssyncset.done $0x0;
	(pc) =	sbr.rel @p0 .LBB2_4-.Ltmp2, $4  }
0x306: {  	[sflag:s31] =	ssyncadd.s32 $0xFFFFFF80  }
0x307: {  	_ =	swait.ge [sflag:s31], $0x80  }
0x308: {  	[sflag:s31] =	ssyncset.done $0x0  }
0x309: {  	v2 =	vmax.f32 v2, v3;
	[sflag:s31] =	ssyncadd.s32 $0xFFFFFF80  }
0x30a: {  	[tilespmem:$0xB080] =	vst v2;
	s12 =	simm.s32 $0x0;
	s13 =	rddreg [dreg:$0x4];
	s14 =	simm.s32 $0xB080  }
0x30b: {  	[hbm4b:s13+s12] =	stream.linear.scatter [tilespmem:s14], [sflag:$0x2], $0x80, $0x38;
	[tilespmem:$0x1B100] =	vst v63  }
0x30c: {  	_ =	swait.ge [sflag:s28], $0x80  }
0x30d: {  	[sflag:s28] =	ssyncset.done $0x0  }
0x30e: {  	[sflag:s28] =	ssyncadd.s32 $0xFFFFFF80  }
0x30f: {  	s15 =	stileid.u32;
	s16 =	simm.s32 $0x20;
	[bflag:$0x0] =	sbarrier.arrive $0xFFFF  }
0x310: {  	s17 =	simm.s32 $0x10;
	s12 =	sshll.u32 s15, $0x6;
	s14 =	rddreg [dreg:$0x3]  }
0x311: {  	s12 =	sor.u32 $0x1C02, s12;
	s15 =	rddreg [dreg:$0x5];
	s13 =	sshrl.u32 s14, $0x3  }
0x312: {  	[hbm:s15@s16], [sflag:s12] =	dma.strided [spmem:s13@s17], $0x2000, s31, $0x10   }
0x313: {  	_ =	swait.ge [sflag:s28], $0x2000  }
0x314: {  	s16 =	rddreg [dreg:$0x16]  }
0x315: {  	s17 =	rddreg [dreg:$0x6];
	s13 =	sadd.s32 $0x1, s16  }
0x316: {  	p0 =	sne.s32 s13, s17  }
.Ltmp3:
0x317: {  	_ = 	snop;
	(pc) =	sbr.rel @p0 .LBB2_1-.Ltmp3, $3  }
0x318: {  	_ =	sdelay $0x1  }
0x319: {  	[sflag:s28] =	ssyncset.done $0x0  }
0x31a: {  	[sflag:s28] =	ssyncadd.s32 $0xFFFFE000  }
0x31b: {  	_ =	sfence.sel $0x180000  }
0x31c: {  	[bflag:$0x0] =	sbarrier.arrive $0xFFFF  }
0x31d: {  	_ =	strace $0x90000047  }
0x31e: {  	s0 =	stileid.u32;
	[bflag:$0x2] =	sbarrier.arrive $0xFFFF  }
0x31f: {  	p0 =	sne.s32 s0, $0x0;
	s0 =	rddreg [dreg:$0x2]  }
0x320: {  	s0 =	sadd.s32 @!p0 $0x100000, s0  }
0x321: {  	[sflag:s0] =	ssyncadd.tile.s32 @!p0 $0x1;
	_ =	shalt  }
.Lfunc_end2:
_tile_overlayer_lowered:
.L_overlay_start_2:
0x322: {  	(tag) =	ssettag $0x2  }
0x323: {  	s0 =	rddreg [dreg:$0x0];
	s2 =	stileid.u32  }
0x324: {  	s1 =	rddreg [dreg:$0x1];
	p0 =	sne.s32 s2, $0x0  }
0x325: {  	s3 =	rddreg [dreg:$0x2];
	[bflag:$0x3] =	sbarrier.arrive $0xFFFF;
	s2 =	simm.s32 @!p0 $0x1C02  }
0x326: {  	[timem:s3], [sflag:s2] =	dma.local @!p0 [hbm:s0], s1  }
0x327: {  	s0 =	simm.s32 @!p0 $0x2  }
0x328: {  	_ =	swait.ge @!p0 [sflag:s0], s1  }
0x329: {  	s1 =	ssub.s32 @!p0 $0x0, s1;
	[sflag:s0] =	ssyncset.done @!p0 $0x0  }
0x32a: {  	[sflag:s0] =	ssyncadd.s32 @!p0 s1  }
0x32b: {  	[bflag:$0x3] =	sbarrier.arrive $0xFFFF  }
0x32c: {  	_ =	shalt  }

</sc_bundles>
